<compile_context>
chip_gen: v7x
topology: tpu7x:2x2x1
jax: 0.10.2.dev20260603
libtpu: 0.0.44.dev20260713+nightly
codegen_flags: <defaults>
</compile_context>

<pallas_src>
import functools

import numpy as np
import jax
import jax.numpy as jnp
from jax import lax
from jax.experimental import pallas as pl
from jax.experimental.pallas import tpu as pltpu
from jax.experimental.pallas import tpu_sc as plsc

_DIM = 512
_VOCAB = 28
_MAX_CHARGE = 10
_B, _N, _L = 32, 16, 64
_ROWS = _B * _N * _L
_TROW = 32
_TSIZE = _TROW * (_B + 1)


def _terms(n):
    base = 0.001 / (2.0 * np.pi)
    scale = 10000.0 / 0.001
    return base * scale ** (np.arange(n, dtype=np.float64) / (n - 1))


_R64 = (1.0 / _terms(64).astype(np.float32)).astype(np.float32).reshape(1, 64)
_R128 = (1.0 / _terms(128).astype(np.float32)).astype(np.float32).reshape(1, 128)


_GW = 384


def _table_kernel(aa32_ref, idx2m32_ref, charge_ref, mass_col_ref,
                  charge_col_ref, r64_ref, r128_ref, tab_ref):
    targ = idx2m32_ref[...] * r64_ref[...]
    s = jnp.sin(targ)
    c = jnp.cos(targ)
    aa32 = aa32_ref[...]
    tab_ref[0:_TROW, 0:256] = aa32
    tab_ref[0:_TROW, 256:320] = s
    tab_ref[0:_TROW, 320:384] = c

    marg = mass_col_ref[...] * r128_ref[...]
    cidx = charge_col_ref[...].astype(jnp.int32) - 1
    coh = (lax.broadcasted_iota(jnp.int32, (_B, _MAX_CHARGE), 1)
           == cidx).astype(jnp.float32)
    crow = lax.dot_general(coh, charge_ref[...], (((1,), (0,)), ((), ())),
                           precision=lax.Precision.HIGHEST,
                           preferred_element_type=jnp.float32)
    prec256 = jnp.concatenate([jnp.sin(marg), jnp.cos(marg)], axis=1) + crow
    cp1 = c + 1.0
    for b in range(_B):
        r0 = _TROW * (b + 1)
        tab_ref[pl.ds(r0, _TROW), 0:256] = aa32 + prec256[b:b + 1, :]
        tab_ref[pl.ds(r0, _TROW), 256:320] = s
        tab_ref[pl.ds(r0, _TROW), 320:384] = cp1


def _build_table(aa32, idx2m32, charge_table, mass_col, charge_col):
    return pl.pallas_call(
        _table_kernel,
        grid=(1,),
        in_specs=[
            pl.BlockSpec((_TROW, 256), lambda i: (0, 0)),
            pl.BlockSpec((_TROW, 1), lambda i: (0, 0)),
            pl.BlockSpec((_MAX_CHARGE, 256), lambda i: (0, 0)),
            pl.BlockSpec((_B, 1), lambda i: (0, 0)),
            pl.BlockSpec((_B, 1), lambda i: (0, 0)),
            pl.BlockSpec((1, 64), lambda i: (0, 0)),
            pl.BlockSpec((1, 128), lambda i: (0, 0)),
        ],
        out_specs=pl.BlockSpec((_TSIZE, _GW), lambda i: (0, 0)),
        out_shape=jax.ShapeDtypeStruct((_TSIZE, _GW), jnp.float32),
    )(aa32, idx2m32, charge_table, mass_col, charge_col,
      jnp.asarray(_R64), jnp.asarray(_R128))


_INFO = plsc.get_sparse_core_info()
_NW = _INFO.num_cores * _INFO.num_subcores
_RPW = _ROWS // _NW
_CHUNK = 128
_NCH = _RPW // _CHUNK


@functools.partial(
    pl.kernel,
    mesh=plsc.VectorSubcoreMesh(core_axis_name="c", subcore_axis_name="s"),
    out_type=jax.ShapeDtypeStruct((_ROWS, _DIM), jnp.float32),
    scratch_types=[
        pltpu.VMEM((2, _CHUNK), jnp.int32),
        pltpu.VMEM((_CHUNK, _GW), jnp.float32),
        pltpu.VMEM((_CHUNK, _GW), jnp.float32),
        pltpu.SemaphoreType.DMA,
        pltpu.SemaphoreType.DMA,
        pltpu.SemaphoreType.DMA,
        pltpu.SemaphoreType.DMA,
    ],
)
def _sc_gather(tab_hbm, tok_hbm, out_hbm, idx_v, rows0, rows1, g0, g1, w0, w1):
    wid = lax.axis_index("s") * _INFO.num_cores + lax.axis_index("c")
    base = wid * _RPW
    kadd = _TROW * (wid + 1)
    lane = lax.broadcasted_iota(jnp.int32, (16,), 0)
    rows = (rows0, rows1)
    gsem = (g0, g1)
    wsem = (w0, w1)
    g_h = [None, None]
    w_h = [None, None]

    for c in range(_NCH):
        b = c & 1
        if c >= 2:
            w_h[b].wait()
        r0 = base + c * _CHUNK
        pltpu.sync_copy(tok_hbm.at[pl.ds(r0, _CHUNK)], idx_v.at[b])
        for p in range(0, _CHUNK, _L):
            v = idx_v[b, pl.ds(p, 16)]
            idx_v[b, pl.ds(p, 16)] = jnp.where(lane == 0, v + kadd, v)
        g_h[b] = pltpu.async_copy(tab_hbm.at[idx_v.at[b]], rows[b], gsem[b])
        if c >= 1:
            bb = (c - 1) & 1
            g_h[bb].wait()
            rp = base + (c - 1) * _CHUNK
            w_h[bb] = pltpu.async_copy(
                rows[bb], out_hbm.at[pl.ds(rp, _CHUNK), pl.ds(0, _GW)],
                wsem[bb])
    bl = (_NCH - 1) & 1
    g_h[bl].wait()
    w_h[bl] = pltpu.async_copy(
        rows[bl], out_hbm.at[pl.ds(base + (_NCH - 1) * _CHUNK, _CHUNK),
                             pl.ds(0, _GW)], wsem[bl])
    w_h[0].wait()
    w_h[1].wait()


def _suffix_kernel(out_in_ref, mass_cols_ref, tok_lf_ref, idx2m_s_ref,
                   r64_ref, out_ref, suf_scr, scan_scr):
    b = pl.program_id(0)

    @pl.when(b == 0)
    def _prologue():
        tok_lf = tok_lf_ref[...]
        pm_all = jnp.zeros((64, 512), jnp.float32)
        for v in range(_VOCAB):
            pm_all = jnp.where(tok_lf == v, idx2m_s_ref[v], pm_all)
        scan_scr[...] = pm_all

        def _scan_body(l, carry):
            scan_scr[pl.ds(l, 1), :] = (scan_scr[pl.ds(l, 1), :]
                                        + scan_scr[pl.ds(l - 1, 1), :])
            return carry

        lax.fori_loop(1, 64, _scan_body, 0, unroll=True)
        suf_all = mass_cols_ref[...] - scan_scr[...]
        suf_eo = suf_all.reshape(32, 2, 512).transpose(1, 0, 2).reshape(64, 512)
        suf_scr[...] = suf_eo.T

    sfp = suf_scr[pl.ds(b * 16, 16), :]
    r64 = r64_ref[...][None, :, :]
    arg_p = jnp.concatenate([sfp[:, 0:32, None] * r64,
                             sfp[:, 32:64, None] * r64], axis=2)
    sin_p, cos_p = jnp.sin(arg_p), jnp.cos(arg_p)
    enc_e = jnp.concatenate([sin_p[:, :, 0:64], cos_p[:, :, 0:64]], axis=2)
    enc_o = jnp.concatenate([sin_p[:, :, 64:128], cos_p[:, :, 64:128]], axis=2)
    lpos = lax.broadcasted_iota(jnp.int32, (16, 32, 128), 1)
    lane = lax.broadcasted_iota(jnp.int32, (16, 32, 128), 2)
    enc_e = enc_e + jnp.where((lpos == 0) & (lane >= 64), 1.0, 0.0)
    enc = jnp.stack([enc_e, enc_o], axis=2).reshape(16, 64, 128)
    out_ref[...] = enc.reshape(1024, 128)


def _suffix_pass(out_flat, mass_cols, tok_lf, idx_to_mass):
    return pl.pallas_call(
        _suffix_kernel,
        grid=(_B,),
        in_specs=[
            pl.BlockSpec(memory_space=pl.ANY),
            pl.BlockSpec((1, _B * _N), lambda b: (0, 0)),
            pl.BlockSpec((_L, _B * _N), lambda b: (0, 0)),
            pl.BlockSpec(memory_space=pltpu.SMEM),
            pl.BlockSpec((1, 64), lambda b: (0, 0)),
        ],
        out_specs=pl.BlockSpec((_N * _L, 128), lambda b: (b, 3)),
        out_shape=jax.ShapeDtypeStruct((_ROWS, _DIM), jnp.float32),
        scratch_shapes=[pltpu.VMEM((_B * _N, _L), jnp.float32),
                        pltpu.VMEM((_L, _B * _N), jnp.float32)],
        input_output_aliases={0: 0},
    )(out_flat, mass_cols, tok_lf, idx_to_mass, jnp.asarray(_R64))


def kernel(tokens, precursors, aa_table, charge_table, idx_to_mass):
    B, N, L = tokens.shape
    tok_lf = tokens.transpose(2, 0, 1).reshape(L, B * N)
    mass_cols = jnp.repeat(precursors[:, 0], N).reshape(1, B * N)
    mass_col = precursors[:, 0].reshape(B, 1)
    charge_col = precursors[:, 1].reshape(B, 1)
    aa32 = jnp.pad(aa_table, ((0, _TROW - _VOCAB), (0, 0)))
    idx2m32 = jnp.pad(idx_to_mass, (0, _TROW - _VOCAB)).reshape(_TROW, 1)

    tab = _build_table(aa32, idx2m32, charge_table, mass_col, charge_col)
    out_flat = _sc_gather(tab, tokens.reshape(_ROWS))
    out_flat = _suffix_pass(out_flat, mass_cols, tok_lf, idx_to_mass)
    return out_flat.reshape(B, N, L, _DIM)

# --- scband reference (transcript-rebuilt; emitter-appended) ---
"""Pipeline reference for scband-msapeptide-embedder-89902255440339 (READ-ONLY COPY).

The authoritative reference and input builder live on the scoring server;
editing this copy changes nothing except your own understanding.
"""

import jax, jax.numpy as jnp
import numpy as np

DIM_MODEL = 512
VOCAB = 28
MAX_CHARGE = 10
B, N, L = 32, 16, 64


def _mass_encode(X, dim_model, min_wavelength=0.001, max_wavelength=10000.0):
    # Sinusoidal mass encoder (depthcharge MassEncoder): X has trailing dim 1.
    n_sin = dim_model // 2
    n_cos = dim_model - n_sin
    base = min_wavelength / (2.0 * np.pi)
    scale = max_wavelength / min_wavelength
    sin_term = jnp.asarray(base * scale ** (np.arange(n_sin, dtype=np.float64) / (n_sin - 1)), dtype=jnp.float32)
    cos_term = jnp.asarray(base * scale ** (np.arange(n_cos, dtype=np.float64) / (n_cos - 1)), dtype=jnp.float32)
    sin_mz = jnp.sin(X / sin_term)
    cos_mz = jnp.cos(X / cos_term)
    return jnp.concatenate([sin_mz, cos_mz], axis=-1)


def setup_inputs(seed: int = 0):
    key = jax.random.key(seed)
    k1, k2, k3, k4, k5, k6 = jax.random.split(key, 6)
    tokens = jax.random.randint(k1, (B, N, L), 0, VOCAB, dtype=jnp.int32)
    mass = jax.random.uniform(k2, (B,), minval=500.0, maxval=3000.0, dtype=jnp.float32)
    charge = jax.random.randint(k3, (B,), 1, MAX_CHARGE + 1).astype(jnp.float32)
    precursors = jnp.stack([mass, charge], axis=1)
    aa_dim = DIM_MODEL - DIM_MODEL // 2
    aa_table = jax.random.normal(k4, (VOCAB, aa_dim), dtype=jnp.float32)
    aa_table = aa_table.at[0].set(0.0)  # padding_idx = 0
    charge_table = jax.random.normal(k5, (MAX_CHARGE, DIM_MODEL // 2), dtype=jnp.float32)
    idx_to_mass = jax.random.uniform(k6, (VOCAB,), minval=57.0, maxval=186.0, dtype=jnp.float32)
    idx_to_mass = idx_to_mass.at[0].set(0.0)  # padding token has zero residue mass
    return {"tokens": tokens, "precursors": precursors, "aa_table": aa_table,
            "charge_table": charge_table, "idx_to_mass": idx_to_mass}


def reference(tokens, precursors, aa_table, charge_table, idx_to_mass):
    Bb, Nn, Ll = tokens.shape
    tok = tokens.astype(jnp.int32)
    # deMass: per-token residue masses via lookup table gather
    preMasses = jnp.take(idx_to_mass, tok, axis=0)  # [B,N,L]
    # get_suffix_mass: premass - running prefix sum of residue masses
    suffixMasses = precursors[:, 0][:, None, None] - jnp.cumsum(preMasses, axis=-1)  # [B,N,L]
    # precursor mass + charge embedding
    masses = _mass_encode(precursors[:, None, 0:1], DIM_MODEL // 2)  # [B,1,dim/2]
    charge_idx = precursors[:, 1].astype(jnp.int32) - 1
    charges = jnp.take(charge_table, charge_idx, axis=0)  # [B,dim/2]
    prec = masses + charges[:, None, :]  # [B,1,dim/2]
    pas = _mass_encode(jnp.zeros((1, 1), dtype=jnp.float32), DIM_MODEL // 4)  # [1,dim/4]
    pas = jnp.tile(pas, (Bb, 1))[:, None, :]  # [B,1,dim/4]
    prec = jnp.concatenate([prec, pas, pas], axis=2)  # [B,1,dim]
    # amino-acid embedding gather
    tgt = jnp.take(aa_table, tok, axis=0)  # [B,N,L,aaDim]
    preM = _mass_encode(preMasses[..., None], DIM_MODEL // 4)  # [B,N,L,dim/4]
    sufM = _mass_encode(suffixMasses[..., None], DIM_MODEL // 4)  # [B,N,L,dim/4]
    allM = jnp.concatenate([preM, sufM], axis=-1)  # [B,N,L,dim/2]
    tgtTemp = jnp.concatenate([tgt, allM], axis=-1)  # [B,N,L,dim]
    precB = jnp.broadcast_to(prec, (Bb, Nn, tgtTemp.shape[-1]))
    tgtTemp = tgtTemp.at[:, :, 0, :].add(precB)
    return tgtTemp

if __name__ == "__main__":
    import jax
    _d = setup_inputs()
    print(jax.jit(kernel)(*tuple(_d.values())))

</pallas_src>

<mosaic_0001>
#map = affine_map<(d0, d1) -> (0, 0)>
#map1 = affine_map<(d0, d1) -> (0)>
module attributes {stable_mosaic.version = 14 : i64} {
  func.func @_sc_gather(%arg0: i32, %arg1: i32, %arg2: memref<1056x384xf32, #tpu.memory_space<hbm>>, %arg3: memref<32768xi32, #tpu.memory_space<hbm>>, %arg4: memref<32768x512xf32, #tpu.memory_space<hbm>>, %arg5: memref<2x128xi32, #tpu.memory_space<vmem>>, %arg6: memref<128x384xf32, #tpu.memory_space<vmem>>, %arg7: memref<128x384xf32, #tpu.memory_space<vmem>>, %arg8: memref<!tpu.dma_semaphore, #tpu.memory_space<semaphore_mem>>, %arg9: memref<!tpu.dma_semaphore, #tpu.memory_space<semaphore_mem>>, %arg10: memref<!tpu.dma_semaphore, #tpu.memory_space<semaphore_mem>>, %arg11: memref<!tpu.dma_semaphore, #tpu.memory_space<semaphore_mem>>) attributes {dimension_semantics = [#tpu.dimension_semantics<core_parallel>, #tpu.dimension_semantics<subcore_parallel>], iteration_bounds = array<i64: 2, 16>, scalar_prefetch = 0 : i64, scratch_operands = 7 : i64, tpu.core_type = #tpu.core_type<sc_vector_subcore>, window_params = [{transform_indices = #map}, {transform_indices = #map1}, {transform_indices = #map}]} {
    %mul3A = arith.constant 2 : i32
    %mul3A_0 = arith.muli %arg1, %mul3A : i32
    %add3A = arith.addi %mul3A_0, %arg0 : i32
    %mul3A_1 = arith.constant 1024 : i32
    %mul3A_2 = arith.muli %add3A, %mul3A_1 : i32
    %add3A_3 = arith.constant 1 : i32
    %add3A_4 = arith.addi %add3A, %add3A_3 : i32
    %mul3A_5 = arith.constant 32 : i32
    %mul3A_6 = arith.muli %mul3A_5, %add3A_4 : i32
    %iota3A = tpu.iota {dimensions = array<i32: 0>} : vector<16xi32>
    %add3A_7 = arith.constant 0 : i32
    %add3A_8 = arith.addi %mul3A_2, %add3A_7 : i32
    %run_scoped3A = arith.constant 0 : i32
    "tpu.region"() ({
      %run_scoped3A_488 = tpu.sem_alloc : memref<!tpu.dma_semaphore, #tpu.memory_space<semaphore_mem>>
      %dma_start3A_489 = arith.constant 0 : i32
      %dma_start3A_490 = tpu.memref_slice %arg5[%run_scoped3A, %dma_start3A_489] : memref<2x128xi32, #tpu.memory_space<vmem>> -> memref<1x128xi32, #tpu.memory_space<vmem>>
      %dma_start3A_491 = tpu.memref_squeeze %dma_start3A_490 : memref<1x128xi32, #tpu.memory_space<vmem>> -> memref<128xi32, #tpu.memory_space<vmem>>
      %dma_start3A_492 = tpu.memref_slice %arg3[%add3A_8] : memref<32768xi32, #tpu.memory_space<hbm>> -> memref<128xi32, #tpu.memory_space<hbm>>
      %dma_start3A_493 = arith.constant 0 : i32
      %dma_start3A_494 = tpu.memref_slice %arg5[%run_scoped3A, %dma_start3A_493] : memref<2x128xi32, #tpu.memory_space<vmem>> -> memref<1x128xi32, #tpu.memory_space<vmem>>
      %dma_start3A_495 = tpu.memref_squeeze %dma_start3A_494 : memref<1x128xi32, #tpu.memory_space<vmem>> -> memref<128xi32, #tpu.memory_space<vmem>>
      %dma_start3A_496 = tpu.memref_slice %arg3[%add3A_8] : memref<32768xi32, #tpu.memory_space<hbm>> -> memref<128xi32, #tpu.memory_space<hbm>>
      tpu.enqueue_dma source(%dma_start3A_496 : memref<128xi32, #tpu.memory_space<hbm>>) target(%dma_start3A_495 : memref<128xi32, #tpu.memory_space<vmem>>) target_semaphore(%run_scoped3A_488 : memref<!tpu.dma_semaphore, #tpu.memory_space<semaphore_mem>>)
      %dma_wait3A_497 = arith.constant 0 : i32
      %dma_wait3A_498 = tpu.memref_slice %arg5[%run_scoped3A, %dma_wait3A_497] : memref<2x128xi32, #tpu.memory_space<vmem>> -> memref<1x128xi32, #tpu.memory_space<vmem>>
      %dma_wait3A_499 = tpu.memref_squeeze %dma_wait3A_498 : memref<1x128xi32, #tpu.memory_space<vmem>> -> memref<128xi32, #tpu.memory_space<vmem>>
      %dma_wait3A_500 = tpu.memref_slice %arg3[%add3A_8] : memref<32768xi32, #tpu.memory_space<hbm>> -> memref<128xi32, #tpu.memory_space<hbm>>
      %dma_wait3A_501 = arith.constant 0 : i32
      %dma_wait3A_502 = tpu.memref_slice %arg5[%run_scoped3A, %dma_wait3A_501] : memref<2x128xi32, #tpu.memory_space<vmem>> -> memref<1x128xi32, #tpu.memory_space<vmem>>
      %dma_wait3A_503 = tpu.memref_squeeze %dma_wait3A_502 : memref<1x128xi32, #tpu.memory_space<vmem>> -> memref<128xi32, #tpu.memory_space<vmem>>
      %dma_wait3A_504 = tpu.memref_slice %arg3[%add3A_8] : memref<32768xi32, #tpu.memory_space<hbm>> -> memref<128xi32, #tpu.memory_space<hbm>>
      tpu.wait_dma2 semaphore(%run_scoped3A_488 : memref<!tpu.dma_semaphore, #tpu.memory_space<semaphore_mem>>) src(%dma_wait3A_504 : memref<128xi32, #tpu.memory_space<hbm>>) dst(%dma_wait3A_503 : memref<128xi32, #tpu.memory_space<vmem>>)
      tpu.yield
    }) : () -> ()
    %get3A = arith.constant 0 : i32
    %get3A_9 = arith.index_cast %get3A : i32 to index
    %get3A_10 = arith.constant 0 : index
    %get3A_11 = tpu.vector_load %arg5[%get3A_9, %get3A_10] {strides = array<i32>} : memref<2x128xi32, #tpu.memory_space<vmem>>, vector<1x16xi32>,
    %get3A_12 = vector.shape_cast %get3A_11 : vector<1x16xi32> to vector<16xi32>
    %eq3A = arith.constant 0 : i32
    %eq3A_13 = vector.broadcast %eq3A : i32 to vector<16xi32>
    %eq3A_14 = arith.cmpi eq, %iota3A, %eq3A_13 : vector<16xi32>
    %add3A_15 = vector.broadcast %mul3A_6 : i32 to vector<16xi32>
    %add3A_16 = arith.addi %get3A_12, %add3A_15 : vector<16xi32>
    %select_n3A = arith.select %eq3A_14, %add3A_16, %get3A_12 : vector<16xi1>, vector<16xi32>
    %swap3A = arith.constant 0 : i32
    %swap3A_17 = arith.index_cast %swap3A : i32 to index
    %swap3A_18 = arith.constant 0 : index
    %swap3A_19 = tpu.vector_load %arg5[%swap3A_17, %swap3A_18] {strides = array<i32>} : memref<2x128xi32, #tpu.memory_space<vmem>>, vector<1x16xi32>,
    %swap3A_20 = vector.shape_cast %swap3A_19 : vector<1x16xi32> to vector<16xi32>
    %swap3A_21 = vector.shape_cast %select_n3A : vector<16xi32> to vector<1x16xi32>
    tpu.vector_store %arg5[%swap3A_17, %swap3A_18], %swap3A_21 {strides = array<i32>} : memref<2x128xi32, #tpu.memory_space<vmem>>, vector<1x16xi32>,
    %get3A_22 = arith.constant 0 : i32
    %get3A_23 = arith.index_cast %get3A_22 : i32 to index
    %get3A_24 = arith.constant 64 : index
    %get3A_25 = tpu.vector_load %arg5[%get3A_23, %get3A_24] {strides = array<i32>} : memref<2x128xi32, #tpu.memory_space<vmem>>, vector<1x16xi32>,
    %get3A_26 = vector.shape_cast %get3A_25 : vector<1x16xi32> to vector<16xi32>
    %eq3A_27 = arith.constant 0 : i32
    %eq3A_28 = vector.broadcast %eq3A_27 : i32 to vector<16xi32>
    %eq3A_29 = arith.cmpi eq, %iota3A, %eq3A_28 : vector<16xi32>
    %add3A_30 = vector.broadcast %mul3A_6 : i32 to vector<16xi32>
    %add3A_31 = arith.addi %get3A_26, %add3A_30 : vector<16xi32>
    %select_n3A_32 = arith.select %eq3A_29, %add3A_31, %get3A_26 : vector<16xi1>, vector<16xi32>
    %swap3A_33 = arith.constant 0 : i32
    %swap3A_34 = arith.index_cast %swap3A_33 : i32 to index
    %swap3A_35 = arith.constant 64 : index
    %swap3A_36 = tpu.vector_load %arg5[%swap3A_34, %swap3A_35] {strides = array<i32>} : memref<2x128xi32, #tpu.memory_space<vmem>>, vector<1x16xi32>,
    %swap3A_37 = vector.shape_cast %swap3A_36 : vector<1x16xi32> to vector<16xi32>
    %swap3A_38 = vector.shape_cast %select_n3A_32 : vector<16xi32> to vector<1x16xi32>
    tpu.vector_store %arg5[%swap3A_34, %swap3A_35], %swap3A_38 {strides = array<i32>} : memref<2x128xi32, #tpu.memory_space<vmem>>, vector<1x16xi32>,
    %dma_start3A = arith.constant 0 : i32
    %dma_start3A_39 = arith.constant 0 : i32
    %dma_start3A_40 = tpu.memref_slice %arg5[%dma_start3A, %dma_start3A_39] : memref<2x128xi32, #tpu.memory_space<vmem>> -> memref<1x128xi32, #tpu.memory_space<vmem>>
    %dma_start3A_41 = tpu.memref_squeeze %dma_start3A_40 : memref<1x128xi32, #tpu.memory_space<vmem>> -> memref<128xi32, #tpu.memory_space<vmem>>
    %dma_start3A_42 = arith.constant 0 : i32
    %dma_start3A_43 = arith.constant 0 : i32
    %dma_start3A_44 = tpu.memref_slice %arg2[%dma_start3A_42, %dma_start3A_43] : memref<1056x384xf32, #tpu.memory_space<hbm>> -> memref<1056x384xf32, #tpu.memory_space<hbm>>
    tpu.enqueue_indirect_dma source(%dma_start3A_44 : memref<1056x384xf32, #tpu.memory_space<hbm>>) target(%arg6 : memref<128x384xf32, #tpu.memory_space<vmem>>) offsets(%dma_start3A_41 : memref<128xi32, #tpu.memory_space<vmem>>) semaphore(%arg8 : memref<!tpu.dma_semaphore, #tpu.memory_space<semaphore_mem>>)
    %add3A_45 = arith.constant 128 : i32
    %add3A_46 = arith.addi %mul3A_2, %add3A_45 : i32
    %run_scoped3A_47 = arith.constant 1 : i32
    "tpu.region"() ({
      %run_scoped3A_488 = tpu.sem_alloc : memref<!tpu.dma_semaphore, #tpu.memory_space<semaphore_mem>>
      %dma_start3A_489 = arith.constant 0 : i32
      %dma_start3A_490 = tpu.memref_slice %arg5[%run_scoped3A_47, %dma_start3A_489] : memref<2x128xi32, #tpu.memory_space<vmem>> -> memref<1x128xi32, #tpu.memory_space<vmem>>
      %dma_start3A_491 = tpu.memref_squeeze %dma_start3A_490 : memref<1x128xi32, #tpu.memory_space<vmem>> -> memref<128xi32, #tpu.memory_space<vmem>>
      %dma_start3A_492 = tpu.memref_slice %arg3[%add3A_46] : memref<32768xi32, #tpu.memory_space<hbm>> -> memref<128xi32, #tpu.memory_space<hbm>>
      %dma_start3A_493 = arith.constant 0 : i32
      %dma_start3A_494 = tpu.memref_slice %arg5[%run_scoped3A_47, %dma_start3A_493] : memref<2x128xi32, #tpu.memory_space<vmem>> -> memref<1x128xi32, #tpu.memory_space<vmem>>
      %dma_start3A_495 = tpu.memref_squeeze %dma_start3A_494 : memref<1x128xi32, #tpu.memory_space<vmem>> -> memref<128xi32, #tpu.memory_space<vmem>>
      %dma_start3A_496 = tpu.memref_slice %arg3[%add3A_46] : memref<32768xi32, #tpu.memory_space<hbm>> -> memref<128xi32, #tpu.memory_space<hbm>>
      tpu.enqueue_dma source(%dma_start3A_496 : memref<128xi32, #tpu.memory_space<hbm>>) target(%dma_start3A_495 : memref<128xi32, #tpu.memory_space<vmem>>) target_semaphore(%run_scoped3A_488 : memref<!tpu.dma_semaphore, #tpu.memory_space<semaphore_mem>>)
      %dma_wait3A_497 = arith.constant 0 : i32
      %dma_wait3A_498 = tpu.memref_slice %arg5[%run_scoped3A_47, %dma_wait3A_497] : memref<2x128xi32, #tpu.memory_space<vmem>> -> memref<1x128xi32, #tpu.memory_space<vmem>>
      %dma_wait3A_499 = tpu.memref_squeeze %dma_wait3A_498 : memref<1x128xi32, #tpu.memory_space<vmem>> -> memref<128xi32, #tpu.memory_space<vmem>>
      %dma_wait3A_500 = tpu.memref_slice %arg3[%add3A_46] : memref<32768xi32, #tpu.memory_space<hbm>> -> memref<128xi32, #tpu.memory_space<hbm>>
      %dma_wait3A_501 = arith.constant 0 : i32
      %dma_wait3A_502 = tpu.memref_slice %arg5[%run_scoped3A_47, %dma_wait3A_501] : memref<2x128xi32, #tpu.memory_space<vmem>> -> memref<1x128xi32, #tpu.memory_space<vmem>>
      %dma_wait3A_503 = tpu.memref_squeeze %dma_wait3A_502 : memref<1x128xi32, #tpu.memory_space<vmem>> -> memref<128xi32, #tpu.memory_space<vmem>>
      %dma_wait3A_504 = tpu.memref_slice %arg3[%add3A_46] : memref<32768xi32, #tpu.memory_space<hbm>> -> memref<128xi32, #tpu.memory_space<hbm>>
      tpu.wait_dma2 semaphore(%run_scoped3A_488 : memref<!tpu.dma_semaphore, #tpu.memory_space<semaphore_mem>>) src(%dma_wait3A_504 : memref<128xi32, #tpu.memory_space<hbm>>) dst(%dma_wait3A_503 : memref<128xi32, #tpu.memory_space<vmem>>)
      tpu.yield
    }) : () -> ()
    %get3A_48 = arith.constant 1 : i32
    %get3A_49 = arith.index_cast %get3A_48 : i32 to index
    %get3A_50 = arith.constant 0 : index
    %get3A_51 = tpu.vector_load %arg5[%get3A_49, %get3A_50] {strides = array<i32>} : memref<2x128xi32, #tpu.memory_space<vmem>>, vector<1x16xi32>,
    %get3A_52 = vector.shape_cast %get3A_51 : vector<1x16xi32> to vector<16xi32>
    %eq3A_53 = arith.constant 0 : i32
    %eq3A_54 = vector.broadcast %eq3A_53 : i32 to vector<16xi32>
    %eq3A_55 = arith.cmpi eq, %iota3A, %eq3A_54 : vector<16xi32>
    %add3A_56 = vector.broadcast %mul3A_6 : i32 to vector<16xi32>
    %add3A_57 = arith.addi %get3A_52, %add3A_56 : vector<16xi32>
    %select_n3A_58 = arith.select %eq3A_55, %add3A_57, %get3A_52 : vector<16xi1>, vector<16xi32>
    %swap3A_59 = arith.constant 1 : i32
    %swap3A_60 = arith.index_cast %swap3A_59 : i32 to index
    %swap3A_61 = arith.constant 0 : index
    %swap3A_62 = tpu.vector_load %arg5[%swap3A_60, %swap3A_61] {strides = array<i32>} : memref<2x128xi32, #tpu.memory_space<vmem>>, vector<1x16xi32>,
    %swap3A_63 = vector.shape_cast %swap3A_62 : vector<1x16xi32> to vector<16xi32>
    %swap3A_64 = vector.shape_cast %select_n3A_58 : vector<16xi32> to vector<1x16xi32>
    tpu.vector_store %arg5[%swap3A_60, %swap3A_61], %swap3A_64 {strides = array<i32>} : memref<2x128xi32, #tpu.memory_space<vmem>>, vector<1x16xi32>,
    %get3A_65 = arith.constant 1 : i32
    %get3A_66 = arith.index_cast %get3A_65 : i32 to index
    %get3A_67 = arith.constant 64 : index
    %get3A_68 = tpu.vector_load %arg5[%get3A_66, %get3A_67] {strides = array<i32>} : memref<2x128xi32, #tpu.memory_space<vmem>>, vector<1x16xi32>,
    %get3A_69 = vector.shape_cast %get3A_68 : vector<1x16xi32> to vector<16xi32>
    %eq3A_70 = arith.constant 0 : i32
    %eq3A_71 = vector.broadcast %eq3A_70 : i32 to vector<16xi32>
    %eq3A_72 = arith.cmpi eq, %iota3A, %eq3A_71 : vector<16xi32>
    %add3A_73 = vector.broadcast %mul3A_6 : i32 to vector<16xi32>
    %add3A_74 = arith.addi %get3A_69, %add3A_73 : vector<16xi32>
    %select_n3A_75 = arith.select %eq3A_72, %add3A_74, %get3A_69 : vector<16xi1>, vector<16xi32>
    %swap3A_76 = arith.constant 1 : i32
    %swap3A_77 = arith.index_cast %swap3A_76 : i32 to index
    %swap3A_78 = arith.constant 64 : index
    %swap3A_79 = tpu.vector_load %arg5[%swap3A_77, %swap3A_78] {strides = array<i32>} : memref<2x128xi32, #tpu.memory_space<vmem>>, vector<1x16xi32>,
    %swap3A_80 = vector.shape_cast %swap3A_79 : vector<1x16xi32> to vector<16xi32>
    %swap3A_81 = vector.shape_cast %select_n3A_75 : vector<16xi32> to vector<1x16xi32>
    tpu.vector_store %arg5[%swap3A_77, %swap3A_78], %swap3A_81 {strides = array<i32>} : memref<2x128xi32, #tpu.memory_space<vmem>>, vector<1x16xi32>,
    %dma_start3A_82 = arith.constant 1 : i32
    %dma_start3A_83 = arith.constant 0 : i32
    %dma_start3A_84 = tpu.memref_slice %arg5[%dma_start3A_82, %dma_start3A_83] : memref<2x128xi32, #tpu.memory_space<vmem>> -> memref<1x128xi32, #tpu.memory_space<vmem>>
    %dma_start3A_85 = tpu.memref_squeeze %dma_start3A_84 : memref<1x128xi32, #tpu.memory_space<vmem>> -> memref<128xi32, #tpu.memory_space<vmem>>
    %dma_start3A_86 = arith.constant 0 : i32
    %dma_start3A_87 = arith.constant 0 : i32
    %dma_start3A_88 = tpu.memref_slice %arg2[%dma_start3A_86, %dma_start3A_87] : memref<1056x384xf32, #tpu.memory_space<hbm>> -> memref<1056x384xf32, #tpu.memory_space<hbm>>
    tpu.enqueue_indirect_dma source(%dma_start3A_88 : memref<1056x384xf32, #tpu.memory_space<hbm>>) target(%arg7 : memref<128x384xf32, #tpu.memory_space<vmem>>) offsets(%dma_start3A_85 : memref<128xi32, #tpu.memory_space<vmem>>) semaphore(%arg9 : memref<!tpu.dma_semaphore, #tpu.memory_space<semaphore_mem>>)
    %dma_wait3A = arith.constant 0 : i32
    %dma_wait3A_89 = arith.constant 0 : i32
    %dma_wait3A_90 = tpu.memref_slice %arg5[%dma_wait3A, %dma_wait3A_89] : memref<2x128xi32, #tpu.memory_space<vmem>> -> memref<1x128xi32, #tpu.memory_space<vmem>>
    %dma_wait3A_91 = tpu.memref_squeeze %dma_wait3A_90 : memref<1x128xi32, #tpu.memory_space<vmem>> -> memref<128xi32, #tpu.memory_space<vmem>>
    %dma_wait3A_92 = arith.constant 0 : i32
    %dma_wait3A_93 = arith.constant 0 : i32
    %dma_wait3A_94 = tpu.memref_slice %arg2[%dma_wait3A_92, %dma_wait3A_93] : memref<1056x384xf32, #tpu.memory_space<hbm>> -> memref<1056x384xf32, #tpu.memory_space<hbm>>
    tpu.wait_indirect_dma semaphore(%arg8 : memref<!tpu.dma_semaphore, #tpu.memory_space<semaphore_mem>>) src(%dma_wait3A_94 : memref<1056x384xf32, #tpu.memory_space<hbm>>) dst(%arg6 : memref<128x384xf32, #tpu.memory_space<vmem>>)
    %add3A_95 = arith.constant 0 : i32
    %add3A_96 = arith.addi %mul3A_2, %add3A_95 : i32
    %dma_start3A_97 = arith.constant 0 : i32
    %dma_start3A_98 = tpu.memref_slice %arg4[%add3A_96, %dma_start3A_97] : memref<32768x512xf32, #tpu.memory_space<hbm>> -> memref<128x384xf32, #tpu.memory_space<hbm>>
    %dma_start3A_99 = arith.constant 0 : i32
    %dma_start3A_100 = tpu.memref_slice %arg4[%add3A_96, %dma_start3A_99] : memref<32768x512xf32, #tpu.memory_space<hbm>> -> memref<128x384xf32, #tpu.memory_space<hbm>>
    tpu.enqueue_dma source(%arg6 : memref<128x384xf32, #tpu.memory_space<vmem>>) target(%dma_start3A_100 : memref<128x384xf32, #tpu.memory_space<hbm>>) target_semaphore(%arg10 : memref<!tpu.dma_semaphore, #tpu.memory_space<semaphore_mem>>)
    %dma_wait3A_101 = arith.constant 0 : i32
    %dma_wait3A_102 = tpu.memref_slice %arg4[%add3A_96, %dma_wait3A_101] : memref<32768x512xf32, #tpu.memory_space<hbm>> -> memref<128x384xf32, #tpu.memory_space<hbm>>
    %dma_wait3A_103 = arith.constant 0 : i32
    %dma_wait3A_104 = tpu.memref_slice %arg4[%add3A_96, %dma_wait3A_103] : memref<32768x512xf32, #tpu.memory_space<hbm>> -> memref<128x384xf32, #tpu.memory_space<hbm>>
    tpu.wait_dma2 semaphore(%arg10 : memref<!tpu.dma_semaphore, #tpu.memory_space<semaphore_mem>>) src(%arg6 : memref<128x384xf32, #tpu.memory_space<vmem>>) dst(%dma_wait3A_104 : memref<128x384xf32, #tpu.memory_space<hbm>>)
    %add3A_105 = arith.constant 256 : i32
    %add3A_106 = arith.addi %mul3A_2, %add3A_105 : i32
    %run_scoped3A_107 = arith.constant 0 : i32
    "tpu.region"() ({
      %run_scoped3A_488 = tpu.sem_alloc : memref<!tpu.dma_semaphore, #tpu.memory_space<semaphore_mem>>
      %dma_start3A_489 = arith.constant 0 : i32
      %dma_start3A_490 = tpu.memref_slice %arg5[%run_scoped3A_107, %dma_start3A_489] : memref<2x128xi32, #tpu.memory_space<vmem>> -> memref<1x128xi32, #tpu.memory_space<vmem>>
      %dma_start3A_491 = tpu.memref_squeeze %dma_start3A_490 : memref<1x128xi32, #tpu.memory_space<vmem>> -> memref<128xi32, #tpu.memory_space<vmem>>
      %dma_start3A_492 = tpu.memref_slice %arg3[%add3A_106] : memref<32768xi32, #tpu.memory_space<hbm>> -> memref<128xi32, #tpu.memory_space<hbm>>
      %dma_start3A_493 = arith.constant 0 : i32
      %dma_start3A_494 = tpu.memref_slice %arg5[%run_scoped3A_107, %dma_start3A_493] : memref<2x128xi32, #tpu.memory_space<vmem>> -> memref<1x128xi32, #tpu.memory_space<vmem>>
      %dma_start3A_495 = tpu.memref_squeeze %dma_start3A_494 : memref<1x128xi32, #tpu.memory_space<vmem>> -> memref<128xi32, #tpu.memory_space<vmem>>
      %dma_start3A_496 = tpu.memref_slice %arg3[%add3A_106] : memref<32768xi32, #tpu.memory_space<hbm>> -> memref<128xi32, #tpu.memory_space<hbm>>
      tpu.enqueue_dma source(%dma_start3A_496 : memref<128xi32, #tpu.memory_space<hbm>>) target(%dma_start3A_495 : memref<128xi32, #tpu.memory_space<vmem>>) target_semaphore(%run_scoped3A_488 : memref<!tpu.dma_semaphore, #tpu.memory_space<semaphore_mem>>)
      %dma_wait3A_497 = arith.constant 0 : i32
      %dma_wait3A_498 = tpu.memref_slice %arg5[%run_scoped3A_107, %dma_wait3A_497] : memref<2x128xi32, #tpu.memory_space<vmem>> -> memref<1x128xi32, #tpu.memory_space<vmem>>
      %dma_wait3A_499 = tpu.memref_squeeze %dma_wait3A_498 : memref<1x128xi32, #tpu.memory_space<vmem>> -> memref<128xi32, #tpu.memory_space<vmem>>
      %dma_wait3A_500 = tpu.memref_slice %arg3[%add3A_106] : memref<32768xi32, #tpu.memory_space<hbm>> -> memref<128xi32, #tpu.memory_space<hbm>>
      %dma_wait3A_501 = arith.constant 0 : i32
      %dma_wait3A_502 = tpu.memref_slice %arg5[%run_scoped3A_107, %dma_wait3A_501] : memref<2x128xi32, #tpu.memory_space<vmem>> -> memref<1x128xi32, #tpu.memory_space<vmem>>
      %dma_wait3A_503 = tpu.memref_squeeze %dma_wait3A_502 : memref<1x128xi32, #tpu.memory_space<vmem>> -> memref<128xi32, #tpu.memory_space<vmem>>
      %dma_wait3A_504 = tpu.memref_slice %arg3[%add3A_106] : memref<32768xi32, #tpu.memory_space<hbm>> -> memref<128xi32, #tpu.memory_space<hbm>>
      tpu.wait_dma2 semaphore(%run_scoped3A_488 : memref<!tpu.dma_semaphore, #tpu.memory_space<semaphore_mem>>) src(%dma_wait3A_504 : memref<128xi32, #tpu.memory_space<hbm>>) dst(%dma_wait3A_503 : memref<128xi32, #tpu.memory_space<vmem>>)
      tpu.yield
    }) : () -> ()
    %get3A_108 = arith.constant 0 : i32
    %get3A_109 = arith.index_cast %get3A_108 : i32 to index
    %get3A_110 = arith.constant 0 : index
    %get3A_111 = tpu.vector_load %arg5[%get3A_109, %get3A_110] {strides = array<i32>} : memref<2x128xi32, #tpu.memory_space<vmem>>, vector<1x16xi32>,
    %get3A_112 = vector.shape_cast %get3A_111 : vector<1x16xi32> to vector<16xi32>
    %eq3A_113 = arith.constant 0 : i32
    %eq3A_114 = vector.broadcast %eq3A_113 : i32 to vector<16xi32>
    %eq3A_115 = arith.cmpi eq, %iota3A, %eq3A_114 : vector<16xi32>
    %add3A_116 = vector.broadcast %mul3A_6 : i32 to vector<16xi32>
    %add3A_117 = arith.addi %get3A_112, %add3A_116 : vector<16xi32>
    %select_n3A_118 = arith.select %eq3A_115, %add3A_117, %get3A_112 : vector<16xi1>, vector<16xi32>
    %swap3A_119 = arith.constant 0 : i32
    %swap3A_120 = arith.index_cast %swap3A_119 : i32 to index
    %swap3A_121 = arith.constant 0 : index
    %swap3A_122 = tpu.vector_load %arg5[%swap3A_120, %swap3A_121] {strides = array<i32>} : memref<2x128xi32, #tpu.memory_space<vmem>>, vector<1x16xi32>,
    %swap3A_123 = vector.shape_cast %swap3A_122 : vector<1x16xi32> to vector<16xi32>
    %swap3A_124 = vector.shape_cast %select_n3A_118 : vector<16xi32> to vector<1x16xi32>
    tpu.vector_store %arg5[%swap3A_120, %swap3A_121], %swap3A_124 {strides = array<i32>} : memref<2x128xi32, #tpu.memory_space<vmem>>, vector<1x16xi32>,
    %get3A_125 = arith.constant 0 : i32
    %get3A_126 = arith.index_cast %get3A_125 : i32 to index
    %get3A_127 = arith.constant 64 : index
    %get3A_128 = tpu.vector_load %arg5[%get3A_126, %get3A_127] {strides = array<i32>} : memref<2x128xi32, #tpu.memory_space<vmem>>, vector<1x16xi32>,
    %get3A_129 = vector.shape_cast %get3A_128 : vector<1x16xi32> to vector<16xi32>
    %eq3A_130 = arith.constant 0 : i32
    %eq3A_131 = vector.broadcast %eq3A_130 : i32 to vector<16xi32>
    %eq3A_132 = arith.cmpi eq, %iota3A, %eq3A_131 : vector<16xi32>
    %add3A_133 = vector.broadcast %mul3A_6 : i32 to vector<16xi32>
    %add3A_134 = arith.addi %get3A_129, %add3A_133 : vector<16xi32>
    %select_n3A_135 = arith.select %eq3A_132, %add3A_134, %get3A_129 : vector<16xi1>, vector<16xi32>
    %swap3A_136 = arith.constant 0 : i32
    %swap3A_137 = arith.index_cast %swap3A_136 : i32 to index
    %swap3A_138 = arith.constant 64 : index
    %swap3A_139 = tpu.vector_load %arg5[%swap3A_137, %swap3A_138] {strides = array<i32>} : memref<2x128xi32, #tpu.memory_space<vmem>>, vector<1x16xi32>,
    %swap3A_140 = vector.shape_cast %swap3A_139 : vector<1x16xi32> to vector<16xi32>
    %swap3A_141 = vector.shape_cast %select_n3A_135 : vector<16xi32> to vector<1x16xi32>
    tpu.vector_store %arg5[%swap3A_137, %swap3A_138], %swap3A_141 {strides = array<i32>} : memref<2x128xi32, #tpu.memory_space<vmem>>, vector<1x16xi32>,
    %dma_start3A_142 = arith.constant 0 : i32
    %dma_start3A_143 = arith.constant 0 : i32
    %dma_start3A_144 = tpu.memref_slice %arg5[%dma_start3A_142, %dma_start3A_143] : memref<2x128xi32, #tpu.memory_space<vmem>> -> memref<1x128xi32, #tpu.memory_space<vmem>>
    %dma_start3A_145 = tpu.memref_squeeze %dma_start3A_144 : memref<1x128xi32, #tpu.memory_space<vmem>> -> memref<128xi32, #tpu.memory_space<vmem>>
    %dma_start3A_146 = arith.constant 0 : i32
    %dma_start3A_147 = arith.constant 0 : i32
    %dma_start3A_148 = tpu.memref_slice %arg2[%dma_start3A_146, %dma_start3A_147] : memref<1056x384xf32, #tpu.memory_space<hbm>> -> memref<1056x384xf32, #tpu.memory_space<hbm>>
    tpu.enqueue_indirect_dma source(%dma_start3A_148 : memref<1056x384xf32, #tpu.memory_space<hbm>>) target(%arg6 : memref<128x384xf32, #tpu.memory_space<vmem>>) offsets(%dma_start3A_145 : memref<128xi32, #tpu.memory_space<vmem>>) semaphore(%arg8 : memref<!tpu.dma_semaphore, #tpu.memory_space<semaphore_mem>>)
    %dma_wait3A_149 = arith.constant 1 : i32
    %dma_wait3A_150 = arith.constant 0 : i32
    %dma_wait3A_151 = tpu.memref_slice %arg5[%dma_wait3A_149, %dma_wait3A_150] : memref<2x128xi32, #tpu.memory_space<vmem>> -> memref<1x128xi32, #tpu.memory_space<vmem>>
    %dma_wait3A_152 = tpu.memref_squeeze %dma_wait3A_151 : memref<1x128xi32, #tpu.memory_space<vmem>> -> memref<128xi32, #tpu.memory_space<vmem>>
    %dma_wait3A_153 = arith.constant 0 : i32
    %dma_wait3A_154 = arith.constant 0 : i32
    %dma_wait3A_155 = tpu.memref_slice %arg2[%dma_wait3A_153, %dma_wait3A_154] : memref<1056x384xf32, #tpu.memory_space<hbm>> -> memref<1056x384xf32, #tpu.memory_space<hbm>>
    tpu.wait_indirect_dma semaphore(%arg9 : memref<!tpu.dma_semaphore, #tpu.memory_space<semaphore_mem>>) src(%dma_wait3A_155 : memref<1056x384xf32, #tpu.memory_space<hbm>>) dst(%arg7 : memref<128x384xf32, #tpu.memory_space<vmem>>)
    %add3A_156 = arith.constant 128 : i32
    %add3A_157 = arith.addi %mul3A_2, %add3A_156 : i32
    %dma_start3A_158 = arith.constant 0 : i32
    %dma_start3A_159 = tpu.memref_slice %arg4[%add3A_157, %dma_start3A_158] : memref<32768x512xf32, #tpu.memory_space<hbm>> -> memref<128x384xf32, #tpu.memory_space<hbm>>
    %dma_start3A_160 = arith.constant 0 : i32
    %dma_start3A_161 = tpu.memref_slice %arg4[%add3A_157, %dma_start3A_160] : memref<32768x512xf32, #tpu.memory_space<hbm>> -> memref<128x384xf32, #tpu.memory_space<hbm>>
    tpu.enqueue_dma source(%arg7 : memref<128x384xf32, #tpu.memory_space<vmem>>) target(%dma_start3A_161 : memref<128x384xf32, #tpu.memory_space<hbm>>) target_semaphore(%arg11 : memref<!tpu.dma_semaphore, #tpu.memory_space<semaphore_mem>>)
    %dma_wait3A_162 = arith.constant 0 : i32
    %dma_wait3A_163 = tpu.memref_slice %arg4[%add3A_157, %dma_wait3A_162] : memref<32768x512xf32, #tpu.memory_space<hbm>> -> memref<128x384xf32, #tpu.memory_space<hbm>>
    %dma_wait3A_164 = arith.constant 0 : i32
    %dma_wait3A_165 = tpu.memref_slice %arg4[%add3A_157, %dma_wait3A_164] : memref<32768x512xf32, #tpu.memory_space<hbm>> -> memref<128x384xf32, #tpu.memory_space<hbm>>
    tpu.wait_dma2 semaphore(%arg11 : memref<!tpu.dma_semaphore, #tpu.memory_space<semaphore_mem>>) src(%arg7 : memref<128x384xf32, #tpu.memory_space<vmem>>) dst(%dma_wait3A_165 : memref<128x384xf32, #tpu.memory_space<hbm>>)
    %add3A_166 = arith.constant 384 : i32
    %add3A_167 = arith.addi %mul3A_2, %add3A_166 : i32
    %run_scoped3A_168 = arith.constant 1 : i32
    "tpu.region"() ({
      %run_scoped3A_488 = tpu.sem_alloc : memref<!tpu.dma_semaphore, #tpu.memory_space<semaphore_mem>>
      %dma_start3A_489 = arith.constant 0 : i32
      %dma_start3A_490 = tpu.memref_slice %arg5[%run_scoped3A_168, %dma_start3A_489] : memref<2x128xi32, #tpu.memory_space<vmem>> -> memref<1x128xi32, #tpu.memory_space<vmem>>
      %dma_start3A_491 = tpu.memref_squeeze %dma_start3A_490 : memref<1x128xi32, #tpu.memory_space<vmem>> -> memref<128xi32, #tpu.memory_space<vmem>>
      %dma_start3A_492 = tpu.memref_slice %arg3[%add3A_167] : memref<32768xi32, #tpu.memory_space<hbm>> -> memref<128xi32, #tpu.memory_space<hbm>>
      %dma_start3A_493 = arith.constant 0 : i32
      %dma_start3A_494 = tpu.memref_slice %arg5[%run_scoped3A_168, %dma_start3A_493] : memref<2x128xi32, #tpu.memory_space<vmem>> -> memref<1x128xi32, #tpu.memory_space<vmem>>
      %dma_start3A_495 = tpu.memref_squeeze %dma_start3A_494 : memref<1x128xi32, #tpu.memory_space<vmem>> -> memref<128xi32, #tpu.memory_space<vmem>>
      %dma_start3A_496 = tpu.memref_slice %arg3[%add3A_167] : memref<32768xi32, #tpu.memory_space<hbm>> -> memref<128xi32, #tpu.memory_space<hbm>>
      tpu.enqueue_dma source(%dma_start3A_496 : memref<128xi32, #tpu.memory_space<hbm>>) target(%dma_start3A_495 : memref<128xi32, #tpu.memory_space<vmem>>) target_semaphore(%run_scoped3A_488 : memref<!tpu.dma_semaphore, #tpu.memory_space<semaphore_mem>>)
      %dma_wait3A_497 = arith.constant 0 : i32
      %dma_wait3A_498 = tpu.memref_slice %arg5[%run_scoped3A_168, %dma_wait3A_497] : memref<2x128xi32, #tpu.memory_space<vmem>> -> memref<1x128xi32, #tpu.memory_space<vmem>>
      %dma_wait3A_499 = tpu.memref_squeeze %dma_wait3A_498 : memref<1x128xi32, #tpu.memory_space<vmem>> -> memref<128xi32, #tpu.memory_space<vmem>>
      %dma_wait3A_500 = tpu.memref_slice %arg3[%add3A_167] : memref<32768xi32, #tpu.memory_space<hbm>> -> memref<128xi32, #tpu.memory_space<hbm>>
      %dma_wait3A_501 = arith.constant 0 : i32
      %dma_wait3A_502 = tpu.memref_slice %arg5[%run_scoped3A_168, %dma_wait3A_501] : memref<2x128xi32, #tpu.memory_space<vmem>> -> memref<1x128xi32, #tpu.memory_space<vmem>>
      %dma_wait3A_503 = tpu.memref_squeeze %dma_wait3A_502 : memref<1x128xi32, #tpu.memory_space<vmem>> -> memref<128xi32, #tpu.memory_space<vmem>>
      %dma_wait3A_504 = tpu.memref_slice %arg3[%add3A_167] : memref<32768xi32, #tpu.memory_space<hbm>> -> memref<128xi32, #tpu.memory_space<hbm>>
      tpu.wait_dma2 semaphore(%run_scoped3A_488 : memref<!tpu.dma_semaphore, #tpu.memory_space<semaphore_mem>>) src(%dma_wait3A_504 : memref<128xi32, #tpu.memory_space<hbm>>) dst(%dma_wait3A_503 : memref<128xi32, #tpu.memory_space<vmem>>)
      tpu.yield
    }) : () -> ()
    %get3A_169 = arith.constant 1 : i32
    %get3A_170 = arith.index_cast %get3A_169 : i32 to index
    %get3A_171 = arith.constant 0 : index
    %get3A_172 = tpu.vector_load %arg5[%get3A_170, %get3A_171] {strides = array<i32>} : memref<2x128xi32, #tpu.memory_space<vmem>>, vector<1x16xi32>,
    %get3A_173 = vector.shape_cast %get3A_172 : vector<1x16xi32> to vector<16xi32>
    %eq3A_174 = arith.constant 0 : i32
    %eq3A_175 = vector.broadcast %eq3A_174 : i32 to vector<16xi32>
    %eq3A_176 = arith.cmpi eq, %iota3A, %eq3A_175 : vector<16xi32>
    %add3A_177 = vector.broadcast %mul3A_6 : i32 to vector<16xi32>
    %add3A_178 = arith.addi %get3A_173, %add3A_177 : vector<16xi32>
    %select_n3A_179 = arith.select %eq3A_176, %add3A_178, %get3A_173 : vector<16xi1>, vector<16xi32>
    %swap3A_180 = arith.constant 1 : i32
    %swap3A_181 = arith.index_cast %swap3A_180 : i32 to index
    %swap3A_182 = arith.constant 0 : index
    %swap3A_183 = tpu.vector_load %arg5[%swap3A_181, %swap3A_182] {strides = array<i32>} : memref<2x128xi32, #tpu.memory_space<vmem>>, vector<1x16xi32>,
    %swap3A_184 = vector.shape_cast %swap3A_183 : vector<1x16xi32> to vector<16xi32>
    %swap3A_185 = vector.shape_cast %select_n3A_179 : vector<16xi32> to vector<1x16xi32>
    tpu.vector_store %arg5[%swap3A_181, %swap3A_182], %swap3A_185 {strides = array<i32>} : memref<2x128xi32, #tpu.memory_space<vmem>>, vector<1x16xi32>,
    %get3A_186 = arith.constant 1 : i32
    %get3A_187 = arith.index_cast %get3A_186 : i32 to index
    %get3A_188 = arith.constant 64 : index
    %get3A_189 = tpu.vector_load %arg5[%get3A_187, %get3A_188] {strides = array<i32>} : memref<2x128xi32, #tpu.memory_space<vmem>>, vector<1x16xi32>,
    %get3A_190 = vector.shape_cast %get3A_189 : vector<1x16xi32> to vector<16xi32>
    %eq3A_191 = arith.constant 0 : i32
    %eq3A_192 = vector.broadcast %eq3A_191 : i32 to vector<16xi32>
    %eq3A_193 = arith.cmpi eq, %iota3A, %eq3A_192 : vector<16xi32>
    %add3A_194 = vector.broadcast %mul3A_6 : i32 to vector<16xi32>
    %add3A_195 = arith.addi %get3A_190, %add3A_194 : vector<16xi32>
    %select_n3A_196 = arith.select %eq3A_193, %add3A_195, %get3A_190 : vector<16xi1>, vector<16xi32>
    %swap3A_197 = arith.constant 1 : i32
    %swap3A_198 = arith.index_cast %swap3A_197 : i32 to index
    %swap3A_199 = arith.constant 64 : index
    %swap3A_200 = tpu.vector_load %arg5[%swap3A_198, %swap3A_199] {strides = array<i32>} : memref<2x128xi32, #tpu.memory_space<vmem>>, vector<1x16xi32>,
    %swap3A_201 = vector.shape_cast %swap3A_200 : vector<1x16xi32> to vector<16xi32>
    %swap3A_202 = vector.shape_cast %select_n3A_196 : vector<16xi32> to vector<1x16xi32>
    tpu.vector_store %arg5[%swap3A_198, %swap3A_199], %swap3A_202 {strides = array<i32>} : memref<2x128xi32, #tpu.memory_space<vmem>>, vector<1x16xi32>,
    %dma_start3A_203 = arith.constant 1 : i32
    %dma_start3A_204 = arith.constant 0 : i32
    %dma_start3A_205 = tpu.memref_slice %arg5[%dma_start3A_203, %dma_start3A_204] : memref<2x128xi32, #tpu.memory_space<vmem>> -> memref<1x128xi32, #tpu.memory_space<vmem>>
    %dma_start3A_206 = tpu.memref_squeeze %dma_start3A_205 : memref<1x128xi32, #tpu.memory_space<vmem>> -> memref<128xi32, #tpu.memory_space<vmem>>
    %dma_start3A_207 = arith.constant 0 : i32
    %dma_start3A_208 = arith.constant 0 : i32
    %dma_start3A_209 = tpu.memref_slice %arg2[%dma_start3A_207, %dma_start3A_208] : memref<1056x384xf32, #tpu.memory_space<hbm>> -> memref<1056x384xf32, #tpu.memory_space<hbm>>
    tpu.enqueue_indirect_dma source(%dma_start3A_209 : memref<1056x384xf32, #tpu.memory_space<hbm>>) target(%arg7 : memref<128x384xf32, #tpu.memory_space<vmem>>) offsets(%dma_start3A_206 : memref<128xi32, #tpu.memory_space<vmem>>) semaphore(%arg9 : memref<!tpu.dma_semaphore, #tpu.memory_space<semaphore_mem>>)
    %dma_wait3A_210 = arith.constant 0 : i32
    %dma_wait3A_211 = arith.constant 0 : i32
    %dma_wait3A_212 = tpu.memref_slice %arg5[%dma_wait3A_210, %dma_wait3A_211] : memref<2x128xi32, #tpu.memory_space<vmem>> -> memref<1x128xi32, #tpu.memory_space<vmem>>
    %dma_wait3A_213 = tpu.memref_squeeze %dma_wait3A_212 : memref<1x128xi32, #tpu.memory_space<vmem>> -> memref<128xi32, #tpu.memory_space<vmem>>
    %dma_wait3A_214 = arith.constant 0 : i32
    %dma_wait3A_215 = arith.constant 0 : i32
    %dma_wait3A_216 = tpu.memref_slice %arg2[%dma_wait3A_214, %dma_wait3A_215] : memref<1056x384xf32, #tpu.memory_space<hbm>> -> memref<1056x384xf32, #tpu.memory_space<hbm>>
    tpu.wait_indirect_dma semaphore(%arg8 : memref<!tpu.dma_semaphore, #tpu.memory_space<semaphore_mem>>) src(%dma_wait3A_216 : memref<1056x384xf32, #tpu.memory_space<hbm>>) dst(%arg6 : memref<128x384xf32, #tpu.memory_space<vmem>>)
    %add3A_217 = arith.constant 256 : i32
    %add3A_218 = arith.addi %mul3A_2, %add3A_217 : i32
    %dma_start3A_219 = arith.constant 0 : i32
    %dma_start3A_220 = tpu.memref_slice %arg4[%add3A_218, %dma_start3A_219] : memref<32768x512xf32, #tpu.memory_space<hbm>> -> memref<128x384xf32, #tpu.memory_space<hbm>>
    %dma_start3A_221 = arith.constant 0 : i32
    %dma_start3A_222 = tpu.memref_slice %arg4[%add3A_218, %dma_start3A_221] : memref<32768x512xf32, #tpu.memory_space<hbm>> -> memref<128x384xf32, #tpu.memory_space<hbm>>
    tpu.enqueue_dma source(%arg6 : memref<128x384xf32, #tpu.memory_space<vmem>>) target(%dma_start3A_222 : memref<128x384xf32, #tpu.memory_space<hbm>>) target_semaphore(%arg10 : memref<!tpu.dma_semaphore, #tpu.memory_space<semaphore_mem>>)
    %dma_wait3A_223 = arith.constant 0 : i32
    %dma_wait3A_224 = tpu.memref_slice %arg4[%add3A_218, %dma_wait3A_223] : memref<32768x512xf32, #tpu.memory_space<hbm>> -> memref<128x384xf32, #tpu.memory_space<hbm>>
    %dma_wait3A_225 = arith.constant 0 : i32
    %dma_wait3A_226 = tpu.memref_slice %arg4[%add3A_218, %dma_wait3A_225] : memref<32768x512xf32, #tpu.memory_space<hbm>> -> memref<128x384xf32, #tpu.memory_space<hbm>>
    tpu.wait_dma2 semaphore(%arg10 : memref<!tpu.dma_semaphore, #tpu.memory_space<semaphore_mem>>) src(%arg6 : memref<128x384xf32, #tpu.memory_space<vmem>>) dst(%dma_wait3A_226 : memref<128x384xf32, #tpu.memory_space<hbm>>)
    %add3A_227 = arith.constant 512 : i32
    %add3A_228 = arith.addi %mul3A_2, %add3A_227 : i32
    %run_scoped3A_229 = arith.constant 0 : i32
    "tpu.region"() ({
      %run_scoped3A_488 = tpu.sem_alloc : memref<!tpu.dma_semaphore, #tpu.memory_space<semaphore_mem>>
      %dma_start3A_489 = arith.constant 0 : i32
      %dma_start3A_490 = tpu.memref_slice %arg5[%run_scoped3A_229, %dma_start3A_489] : memref<2x128xi32, #tpu.memory_space<vmem>> -> memref<1x128xi32, #tpu.memory_space<vmem>>
      %dma_start3A_491 = tpu.memref_squeeze %dma_start3A_490 : memref<1x128xi32, #tpu.memory_space<vmem>> -> memref<128xi32, #tpu.memory_space<vmem>>
      %dma_start3A_492 = tpu.memref_slice %arg3[%add3A_228] : memref<32768xi32, #tpu.memory_space<hbm>> -> memref<128xi32, #tpu.memory_space<hbm>>
      %dma_start3A_493 = arith.constant 0 : i32
      %dma_start3A_494 = tpu.memref_slice %arg5[%run_scoped3A_229, %dma_start3A_493] : memref<2x128xi32, #tpu.memory_space<vmem>> -> memref<1x128xi32, #tpu.memory_space<vmem>>
      %dma_start3A_495 = tpu.memref_squeeze %dma_start3A_494 : memref<1x128xi32, #tpu.memory_space<vmem>> -> memref<128xi32, #tpu.memory_space<vmem>>
      %dma_start3A_496 = tpu.memref_slice %arg3[%add3A_228] : memref<32768xi32, #tpu.memory_space<hbm>> -> memref<128xi32, #tpu.memory_space<hbm>>
      tpu.enqueue_dma source(%dma_start3A_496 : memref<128xi32, #tpu.memory_space<hbm>>) target(%dma_start3A_495 : memref<128xi32, #tpu.memory_space<vmem>>) target_semaphore(%run_scoped3A_488 : memref<!tpu.dma_semaphore, #tpu.memory_space<semaphore_mem>>)
      %dma_wait3A_497 = arith.constant 0 : i32
      %dma_wait3A_498 = tpu.memref_slice %arg5[%run_scoped3A_229, %dma_wait3A_497] : memref<2x128xi32, #tpu.memory_space<vmem>> -> memref<1x128xi32, #tpu.memory_space<vmem>>
      %dma_wait3A_499 = tpu.memref_squeeze %dma_wait3A_498 : memref<1x128xi32, #tpu.memory_space<vmem>> -> memref<128xi32, #tpu.memory_space<vmem>>
      %dma_wait3A_500 = tpu.memref_slice %arg3[%add3A_228] : memref<32768xi32, #tpu.memory_space<hbm>> -> memref<128xi32, #tpu.memory_space<hbm>>
      %dma_wait3A_501 = arith.constant 0 : i32
      %dma_wait3A_502 = tpu.memref_slice %arg5[%run_scoped3A_229, %dma_wait3A_501] : memref<2x128xi32, #tpu.memory_space<vmem>> -> memref<1x128xi32, #tpu.memory_space<vmem>>
      %dma_wait3A_503 = tpu.memref_squeeze %dma_wait3A_502 : memref<1x128xi32, #tpu.memory_space<vmem>> -> memref<128xi32, #tpu.memory_space<vmem>>
      %dma_wait3A_504 = tpu.memref_slice %arg3[%add3A_228] : memref<32768xi32, #tpu.memory_space<hbm>> -> memref<128xi32, #tpu.memory_space<hbm>>
      tpu.wait_dma2 semaphore(%run_scoped3A_488 : memref<!tpu.dma_semaphore, #tpu.memory_space<semaphore_mem>>) src(%dma_wait3A_504 : memref<128xi32, #tpu.memory_space<hbm>>) dst(%dma_wait3A_503 : memref<128xi32, #tpu.memory_space<vmem>>)
      tpu.yield
    }) : () -> ()
    %get3A_230 = arith.constant 0 : i32
    %get3A_231 = arith.index_cast %get3A_230 : i32 to index
    %get3A_232 = arith.constant 0 : index
    %get3A_233 = tpu.vector_load %arg5[%get3A_231, %get3A_232] {strides = array<i32>} : memref<2x128xi32, #tpu.memory_space<vmem>>, vector<1x16xi32>,
    %get3A_234 = vector.shape_cast %get3A_233 : vector<1x16xi32> to vector<16xi32>
    %eq3A_235 = arith.constant 0 : i32
    %eq3A_236 = vector.broadcast %eq3A_235 : i32 to vector<16xi32>
    %eq3A_237 = arith.cmpi eq, %iota3A, %eq3A_236 : vector<16xi32>
    %add3A_238 = vector.broadcast %mul3A_6 : i32 to vector<16xi32>
    %add3A_239 = arith.addi %get3A_234, %add3A_238 : vector<16xi32>
    %select_n3A_240 = arith.select %eq3A_237, %add3A_239, %get3A_234 : vector<16xi1>, vector<16xi32>
    %swap3A_241 = arith.constant 0 : i32
    %swap3A_242 = arith.index_cast %swap3A_241 : i32 to index
    %swap3A_243 = arith.constant 0 : index
    %swap3A_244 = tpu.vector_load %arg5[%swap3A_242, %swap3A_243] {strides = array<i32>} : memref<2x128xi32, #tpu.memory_space<vmem>>, vector<1x16xi32>,
    %swap3A_245 = vector.shape_cast %swap3A_244 : vector<1x16xi32> to vector<16xi32>
    %swap3A_246 = vector.shape_cast %select_n3A_240 : vector<16xi32> to vector<1x16xi32>
    tpu.vector_store %arg5[%swap3A_242, %swap3A_243], %swap3A_246 {strides = array<i32>} : memref<2x128xi32, #tpu.memory_space<vmem>>, vector<1x16xi32>,
    %get3A_247 = arith.constant 0 : i32
    %get3A_248 = arith.index_cast %get3A_247 : i32 to index
    %get3A_249 = arith.constant 64 : index
    %get3A_250 = tpu.vector_load %arg5[%get3A_248, %get3A_249] {strides = array<i32>} : memref<2x128xi32, #tpu.memory_space<vmem>>, vector<1x16xi32>,
    %get3A_251 = vector.shape_cast %get3A_250 : vector<1x16xi32> to vector<16xi32>
    %eq3A_252 = arith.constant 0 : i32
    %eq3A_253 = vector.broadcast %eq3A_252 : i32 to vector<16xi32>
    %eq3A_254 = arith.cmpi eq, %iota3A, %eq3A_253 : vector<16xi32>
    %add3A_255 = vector.broadcast %mul3A_6 : i32 to vector<16xi32>
    %add3A_256 = arith.addi %get3A_251, %add3A_255 : vector<16xi32>
    %select_n3A_257 = arith.select %eq3A_254, %add3A_256, %get3A_251 : vector<16xi1>, vector<16xi32>
    %swap3A_258 = arith.constant 0 : i32
    %swap3A_259 = arith.index_cast %swap3A_258 : i32 to index
    %swap3A_260 = arith.constant 64 : index
    %swap3A_261 = tpu.vector_load %arg5[%swap3A_259, %swap3A_260] {strides = array<i32>} : memref<2x128xi32, #tpu.memory_space<vmem>>, vector<1x16xi32>,
    %swap3A_262 = vector.shape_cast %swap3A_261 : vector<1x16xi32> to vector<16xi32>
    %swap3A_263 = vector.shape_cast %select_n3A_257 : vector<16xi32> to vector<1x16xi32>
    tpu.vector_store %arg5[%swap3A_259, %swap3A_260], %swap3A_263 {strides = array<i32>} : memref<2x128xi32, #tpu.memory_space<vmem>>, vector<1x16xi32>,
    %dma_start3A_264 = arith.constant 0 : i32
    %dma_start3A_265 = arith.constant 0 : i32
    %dma_start3A_266 = tpu.memref_slice %arg5[%dma_start3A_264, %dma_start3A_265] : memref<2x128xi32, #tpu.memory_space<vmem>> -> memref<1x128xi32, #tpu.memory_space<vmem>>
    %dma_start3A_267 = tpu.memref_squeeze %dma_start3A_266 : memref<1x128xi32, #tpu.memory_space<vmem>> -> memref<128xi32, #tpu.memory_space<vmem>>
    %dma_start3A_268 = arith.constant 0 : i32
    %dma_start3A_269 = arith.constant 0 : i32
    %dma_start3A_270 = tpu.memref_slice %arg2[%dma_start3A_268, %dma_start3A_269] : memref<1056x384xf32, #tpu.memory_space<hbm>> -> memref<1056x384xf32, #tpu.memory_space<hbm>>
    tpu.enqueue_indirect_dma source(%dma_start3A_270 : memref<1056x384xf32, #tpu.memory_space<hbm>>) target(%arg6 : memref<128x384xf32, #tpu.memory_space<vmem>>) offsets(%dma_start3A_267 : memref<128xi32, #tpu.memory_space<vmem>>) semaphore(%arg8 : memref<!tpu.dma_semaphore, #tpu.memory_space<semaphore_mem>>)
    %dma_wait3A_271 = arith.constant 1 : i32
    %dma_wait3A_272 = arith.constant 0 : i32
    %dma_wait3A_273 = tpu.memref_slice %arg5[%dma_wait3A_271, %dma_wait3A_272] : memref<2x128xi32, #tpu.memory_space<vmem>> -> memref<1x128xi32, #tpu.memory_space<vmem>>
    %dma_wait3A_274 = tpu.memref_squeeze %dma_wait3A_273 : memref<1x128xi32, #tpu.memory_space<vmem>> -> memref<128xi32, #tpu.memory_space<vmem>>
    %dma_wait3A_275 = arith.constant 0 : i32
    %dma_wait3A_276 = arith.constant 0 : i32
    %dma_wait3A_277 = tpu.memref_slice %arg2[%dma_wait3A_275, %dma_wait3A_276] : memref<1056x384xf32, #tpu.memory_space<hbm>> -> memref<1056x384xf32, #tpu.memory_space<hbm>>
    tpu.wait_indirect_dma semaphore(%arg9 : memref<!tpu.dma_semaphore, #tpu.memory_space<semaphore_mem>>) src(%dma_wait3A_277 : memref<1056x384xf32, #tpu.memory_space<hbm>>) dst(%arg7 : memref<128x384xf32, #tpu.memory_space<vmem>>)
    %add3A_278 = arith.constant 384 : i32
    %add3A_279 = arith.addi %mul3A_2, %add3A_278 : i32
    %dma_start3A_280 = arith.constant 0 : i32
    %dma_start3A_281 = tpu.memref_slice %arg4[%add3A_279, %dma_start3A_280] : memref<32768x512xf32, #tpu.memory_space<hbm>> -> memref<128x384xf32, #tpu.memory_space<hbm>>
    %dma_start3A_282 = arith.constant 0 : i32
    %dma_start3A_283 = tpu.memref_slice %arg4[%add3A_279, %dma_start3A_282] : memref<32768x512xf32, #tpu.memory_space<hbm>> -> memref<128x384xf32, #tpu.memory_space<hbm>>
    tpu.enqueue_dma source(%arg7 : memref<128x384xf32, #tpu.memory_space<vmem>>) target(%dma_start3A_283 : memref<128x384xf32, #tpu.memory_space<hbm>>) target_semaphore(%arg11 : memref<!tpu.dma_semaphore, #tpu.memory_space<semaphore_mem>>)
    %dma_wait3A_284 = arith.constant 0 : i32
    %dma_wait3A_285 = tpu.memref_slice %arg4[%add3A_279, %dma_wait3A_284] : memref<32768x512xf32, #tpu.memory_space<hbm>> -> memref<128x384xf32, #tpu.memory_space<hbm>>
    %dma_wait3A_286 = arith.constant 0 : i32
    %dma_wait3A_287 = tpu.memref_slice %arg4[%add3A_279, %dma_wait3A_286] : memref<32768x512xf32, #tpu.memory_space<hbm>> -> memref<128x384xf32, #tpu.memory_space<hbm>>
    tpu.wait_dma2 semaphore(%arg11 : memref<!tpu.dma_semaphore, #tpu.memory_space<semaphore_mem>>) src(%arg7 : memref<128x384xf32, #tpu.memory_space<vmem>>) dst(%dma_wait3A_287 : memref<128x384xf32, #tpu.memory_space<hbm>>)
    %add3A_288 = arith.constant 640 : i32
    %add3A_289 = arith.addi %mul3A_2, %add3A_288 : i32
    %run_scoped3A_290 = arith.constant 1 : i32
    "tpu.region"() ({
      %run_scoped3A_488 = tpu.sem_alloc : memref<!tpu.dma_semaphore, #tpu.memory_space<semaphore_mem>>
      %dma_start3A_489 = arith.constant 0 : i32
      %dma_start3A_490 = tpu.memref_slice %arg5[%run_scoped3A_290, %dma_start3A_489] : memref<2x128xi32, #tpu.memory_space<vmem>> -> memref<1x128xi32, #tpu.memory_space<vmem>>
      %dma_start3A_491 = tpu.memref_squeeze %dma_start3A_490 : memref<1x128xi32, #tpu.memory_space<vmem>> -> memref<128xi32, #tpu.memory_space<vmem>>
      %dma_start3A_492 = tpu.memref_slice %arg3[%add3A_289] : memref<32768xi32, #tpu.memory_space<hbm>> -> memref<128xi32, #tpu.memory_space<hbm>>
      %dma_start3A_493 = arith.constant 0 : i32
      %dma_start3A_494 = tpu.memref_slice %arg5[%run_scoped3A_290, %dma_start3A_493] : memref<2x128xi32, #tpu.memory_space<vmem>> -> memref<1x128xi32, #tpu.memory_space<vmem>>
      %dma_start3A_495 = tpu.memref_squeeze %dma_start3A_494 : memref<1x128xi32, #tpu.memory_space<vmem>> -> memref<128xi32, #tpu.memory_space<vmem>>
      %dma_start3A_496 = tpu.memref_slice %arg3[%add3A_289] : memref<32768xi32, #tpu.memory_space<hbm>> -> memref<128xi32, #tpu.memory_space<hbm>>
      tpu.enqueue_dma source(%dma_start3A_496 : memref<128xi32, #tpu.memory_space<hbm>>) target(%dma_start3A_495 : memref<128xi32, #tpu.memory_space<vmem>>) target_semaphore(%run_scoped3A_488 : memref<!tpu.dma_semaphore, #tpu.memory_space<semaphore_mem>>)
      %dma_wait3A_497 = arith.constant 0 : i32
      %dma_wait3A_498 = tpu.memref_slice %arg5[%run_scoped3A_290, %dma_wait3A_497] : memref<2x128xi32, #tpu.memory_space<vmem>> -> memref<1x128xi32, #tpu.memory_space<vmem>>
      %dma_wait3A_499 = tpu.memref_squeeze %dma_wait3A_498 : memref<1x128xi32, #tpu.memory_space<vmem>> -> memref<128xi32, #tpu.memory_space<vmem>>
      %dma_wait3A_500 = tpu.memref_slice %arg3[%add3A_289] : memref<32768xi32, #tpu.memory_space<hbm>> -> memref<128xi32, #tpu.memory_space<hbm>>
      %dma_wait3A_501 = arith.constant 0 : i32
      %dma_wait3A_502 = tpu.memref_slice %arg5[%run_scoped3A_290, %dma_wait3A_501] : memref<2x128xi32, #tpu.memory_space<vmem>> -> memref<1x128xi32, #tpu.memory_space<vmem>>
      %dma_wait3A_503 = tpu.memref_squeeze %dma_wait3A_502 : memref<1x128xi32, #tpu.memory_space<vmem>> -> memref<128xi32, #tpu.memory_space<vmem>>
      %dma_wait3A_504 = tpu.memref_slice %arg3[%add3A_289] : memref<32768xi32, #tpu.memory_space<hbm>> -> memref<128xi32, #tpu.memory_space<hbm>>
      tpu.wait_dma2 semaphore(%run_scoped3A_488 : memref<!tpu.dma_semaphore, #tpu.memory_space<semaphore_mem>>) src(%dma_wait3A_504 : memref<128xi32, #tpu.memory_space<hbm>>) dst(%dma_wait3A_503 : memref<128xi32, #tpu.memory_space<vmem>>)
      tpu.yield
    }) : () -> ()
    %get3A_291 = arith.constant 1 : i32
    %get3A_292 = arith.index_cast %get3A_291 : i32 to index
    %get3A_293 = arith.constant 0 : index
    %get3A_294 = tpu.vector_load %arg5[%get3A_292, %get3A_293] {strides = array<i32>} : memref<2x128xi32, #tpu.memory_space<vmem>>, vector<1x16xi32>,
    %get3A_295 = vector.shape_cast %get3A_294 : vector<1x16xi32> to vector<16xi32>
    %eq3A_296 = arith.constant 0 : i32
    %eq3A_297 = vector.broadcast %eq3A_296 : i32 to vector<16xi32>
    %eq3A_298 = arith.cmpi eq, %iota3A, %eq3A_297 : vector<16xi32>
    %add3A_299 = vector.broadcast %mul3A_6 : i32 to vector<16xi32>
    %add3A_300 = arith.addi %get3A_295, %add3A_299 : vector<16xi32>
    %select_n3A_301 = arith.select %eq3A_298, %add3A_300, %get3A_295 : vector<16xi1>, vector<16xi32>
    %swap3A_302 = arith.constant 1 : i32
    %swap3A_303 = arith.index_cast %swap3A_302 : i32 to index
    %swap3A_304 = arith.constant 0 : index
    %swap3A_305 = tpu.vector_load %arg5[%swap3A_303, %swap3A_304] {strides = array<i32>} : memref<2x128xi32, #tpu.memory_space<vmem>>, vector<1x16xi32>,
    %swap3A_306 = vector.shape_cast %swap3A_305 : vector<1x16xi32> to vector<16xi32>
    %swap3A_307 = vector.shape_cast %select_n3A_301 : vector<16xi32> to vector<1x16xi32>
    tpu.vector_store %arg5[%swap3A_303, %swap3A_304], %swap3A_307 {strides = array<i32>} : memref<2x128xi32, #tpu.memory_space<vmem>>, vector<1x16xi32>,
    %get3A_308 = arith.constant 1 : i32
    %get3A_309 = arith.index_cast %get3A_308 : i32 to index
    %get3A_310 = arith.constant 64 : index
    %get3A_311 = tpu.vector_load %arg5[%get3A_309, %get3A_310] {strides = array<i32>} : memref<2x128xi32, #tpu.memory_space<vmem>>, vector<1x16xi32>,
    %get3A_312 = vector.shape_cast %get3A_311 : vector<1x16xi32> to vector<16xi32>
    %eq3A_313 = arith.constant 0 : i32
    %eq3A_314 = vector.broadcast %eq3A_313 : i32 to vector<16xi32>
    %eq3A_315 = arith.cmpi eq, %iota3A, %eq3A_314 : vector<16xi32>
    %add3A_316 = vector.broadcast %mul3A_6 : i32 to vector<16xi32>
    %add3A_317 = arith.addi %get3A_312, %add3A_316 : vector<16xi32>
    %select_n3A_318 = arith.select %eq3A_315, %add3A_317, %get3A_312 : vector<16xi1>, vector<16xi32>
    %swap3A_319 = arith.constant 1 : i32
    %swap3A_320 = arith.index_cast %swap3A_319 : i32 to index
    %swap3A_321 = arith.constant 64 : index
    %swap3A_322 = tpu.vector_load %arg5[%swap3A_320, %swap3A_321] {strides = array<i32>} : memref<2x128xi32, #tpu.memory_space<vmem>>, vector<1x16xi32>,
    %swap3A_323 = vector.shape_cast %swap3A_322 : vector<1x16xi32> to vector<16xi32>
    %swap3A_324 = vector.shape_cast %select_n3A_318 : vector<16xi32> to vector<1x16xi32>
    tpu.vector_store %arg5[%swap3A_320, %swap3A_321], %swap3A_324 {strides = array<i32>} : memref<2x128xi32, #tpu.memory_space<vmem>>, vector<1x16xi32>,
    %dma_start3A_325 = arith.constant 1 : i32
    %dma_start3A_326 = arith.constant 0 : i32
    %dma_start3A_327 = tpu.memref_slice %arg5[%dma_start3A_325, %dma_start3A_326] : memref<2x128xi32, #tpu.memory_space<vmem>> -> memref<1x128xi32, #tpu.memory_space<vmem>>
    %dma_start3A_328 = tpu.memref_squeeze %dma_start3A_327 : memref<1x128xi32, #tpu.memory_space<vmem>> -> memref<128xi32, #tpu.memory_space<vmem>>
    %dma_start3A_329 = arith.constant 0 : i32
    %dma_start3A_330 = arith.constant 0 : i32
    %dma_start3A_331 = tpu.memref_slice %arg2[%dma_start3A_329, %dma_start3A_330] : memref<1056x384xf32, #tpu.memory_space<hbm>> -> memref<1056x384xf32, #tpu.memory_space<hbm>>
    tpu.enqueue_indirect_dma source(%dma_start3A_331 : memref<1056x384xf32, #tpu.memory_space<hbm>>) target(%arg7 : memref<128x384xf32, #tpu.memory_space<vmem>>) offsets(%dma_start3A_328 : memref<128xi32, #tpu.memory_space<vmem>>) semaphore(%arg9 : memref<!tpu.dma_semaphore, #tpu.memory_space<semaphore_mem>>)
    %dma_wait3A_332 = arith.constant 0 : i32
    %dma_wait3A_333 = arith.constant 0 : i32
    %dma_wait3A_334 = tpu.memref_slice %arg5[%dma_wait3A_332, %dma_wait3A_333] : memref<2x128xi32, #tpu.memory_space<vmem>> -> memref<1x128xi32, #tpu.memory_space<vmem>>
    %dma_wait3A_335 = tpu.memref_squeeze %dma_wait3A_334 : memref<1x128xi32, #tpu.memory_space<vmem>> -> memref<128xi32, #tpu.memory_space<vmem>>
    %dma_wait3A_336 = arith.constant 0 : i32
    %dma_wait3A_337 = arith.constant 0 : i32
    %dma_wait3A_338 = tpu.memref_slice %arg2[%dma_wait3A_336, %dma_wait3A_337] : memref<1056x384xf32, #tpu.memory_space<hbm>> -> memref<1056x384xf32, #tpu.memory_space<hbm>>
    tpu.wait_indirect_dma semaphore(%arg8 : memref<!tpu.dma_semaphore, #tpu.memory_space<semaphore_mem>>) src(%dma_wait3A_338 : memref<1056x384xf32, #tpu.memory_space<hbm>>) dst(%arg6 : memref<128x384xf32, #tpu.memory_space<vmem>>)
    %add3A_339 = arith.constant 512 : i32
    %add3A_340 = arith.addi %mul3A_2, %add3A_339 : i32
    %dma_start3A_341 = arith.constant 0 : i32
    %dma_start3A_342 = tpu.memref_slice %arg4[%add3A_340, %dma_start3A_341] : memref<32768x512xf32, #tpu.memory_space<hbm>> -> memref<128x384xf32, #tpu.memory_space<hbm>>
    %dma_start3A_343 = arith.constant 0 : i32
    %dma_start3A_344 = tpu.memref_slice %arg4[%add3A_340, %dma_start3A_343] : memref<32768x512xf32, #tpu.memory_space<hbm>> -> memref<128x384xf32, #tpu.memory_space<hbm>>
    tpu.enqueue_dma source(%arg6 : memref<128x384xf32, #tpu.memory_space<vmem>>) target(%dma_start3A_344 : memref<128x384xf32, #tpu.memory_space<hbm>>) target_semaphore(%arg10 : memref<!tpu.dma_semaphore, #tpu.memory_space<semaphore_mem>>)
    %dma_wait3A_345 = arith.constant 0 : i32
    %dma_wait3A_346 = tpu.memref_slice %arg4[%add3A_340, %dma_wait3A_345] : memref<32768x512xf32, #tpu.memory_space<hbm>> -> memref<128x384xf32, #tpu.memory_space<hbm>>
    %dma_wait3A_347 = arith.constant 0 : i32
    %dma_wait3A_348 = tpu.memref_slice %arg4[%add3A_340, %dma_wait3A_347] : memref<32768x512xf32, #tpu.memory_space<hbm>> -> memref<128x384xf32, #tpu.memory_space<hbm>>
    tpu.wait_dma2 semaphore(%arg10 : memref<!tpu.dma_semaphore, #tpu.memory_space<semaphore_mem>>) src(%arg6 : memref<128x384xf32, #tpu.memory_space<vmem>>) dst(%dma_wait3A_348 : memref<128x384xf32, #tpu.memory_space<hbm>>)
    %add3A_349 = arith.constant 768 : i32
    %add3A_350 = arith.addi %mul3A_2, %add3A_349 : i32
    %run_scoped3A_351 = arith.constant 0 : i32
    "tpu.region"() ({
      %run_scoped3A_488 = tpu.sem_alloc : memref<!tpu.dma_semaphore, #tpu.memory_space<semaphore_mem>>
      %dma_start3A_489 = arith.constant 0 : i32
      %dma_start3A_490 = tpu.memref_slice %arg5[%run_scoped3A_351, %dma_start3A_489] : memref<2x128xi32, #tpu.memory_space<vmem>> -> memref<1x128xi32, #tpu.memory_space<vmem>>
      %dma_start3A_491 = tpu.memref_squeeze %dma_start3A_490 : memref<1x128xi32, #tpu.memory_space<vmem>> -> memref<128xi32, #tpu.memory_space<vmem>>
      %dma_start3A_492 = tpu.memref_slice %arg3[%add3A_350] : memref<32768xi32, #tpu.memory_space<hbm>> -> memref<128xi32, #tpu.memory_space<hbm>>
      %dma_start3A_493 = arith.constant 0 : i32
      %dma_start3A_494 = tpu.memref_slice %arg5[%run_scoped3A_351, %dma_start3A_493] : memref<2x128xi32, #tpu.memory_space<vmem>> -> memref<1x128xi32, #tpu.memory_space<vmem>>
      %dma_start3A_495 = tpu.memref_squeeze %dma_start3A_494 : memref<1x128xi32, #tpu.memory_space<vmem>> -> memref<128xi32, #tpu.memory_space<vmem>>
      %dma_start3A_496 = tpu.memref_slice %arg3[%add3A_350] : memref<32768xi32, #tpu.memory_space<hbm>> -> memref<128xi32, #tpu.memory_space<hbm>>
      tpu.enqueue_dma source(%dma_start3A_496 : memref<128xi32, #tpu.memory_space<hbm>>) target(%dma_start3A_495 : memref<128xi32, #tpu.memory_space<vmem>>) target_semaphore(%run_scoped3A_488 : memref<!tpu.dma_semaphore, #tpu.memory_space<semaphore_mem>>)
      %dma_wait3A_497 = arith.constant 0 : i32
      %dma_wait3A_498 = tpu.memref_slice %arg5[%run_scoped3A_351, %dma_wait3A_497] : memref<2x128xi32, #tpu.memory_space<vmem>> -> memref<1x128xi32, #tpu.memory_space<vmem>>
      %dma_wait3A_499 = tpu.memref_squeeze %dma_wait3A_498 : memref<1x128xi32, #tpu.memory_space<vmem>> -> memref<128xi32, #tpu.memory_space<vmem>>
      %dma_wait3A_500 = tpu.memref_slice %arg3[%add3A_350] : memref<32768xi32, #tpu.memory_space<hbm>> -> memref<128xi32, #tpu.memory_space<hbm>>
      %dma_wait3A_501 = arith.constant 0 : i32
      %dma_wait3A_502 = tpu.memref_slice %arg5[%run_scoped3A_351, %dma_wait3A_501] : memref<2x128xi32, #tpu.memory_space<vmem>> -> memref<1x128xi32, #tpu.memory_space<vmem>>
      %dma_wait3A_503 = tpu.memref_squeeze %dma_wait3A_502 : memref<1x128xi32, #tpu.memory_space<vmem>> -> memref<128xi32, #tpu.memory_space<vmem>>
      %dma_wait3A_504 = tpu.memref_slice %arg3[%add3A_350] : memref<32768xi32, #tpu.memory_space<hbm>> -> memref<128xi32, #tpu.memory_space<hbm>>
      tpu.wait_dma2 semaphore(%run_scoped3A_488 : memref<!tpu.dma_semaphore, #tpu.memory_space<semaphore_mem>>) src(%dma_wait3A_504 : memref<128xi32, #tpu.memory_space<hbm>>) dst(%dma_wait3A_503 : memref<128xi32, #tpu.memory_space<vmem>>)
      tpu.yield
    }) : () -> ()
    %get3A_352 = arith.constant 0 : i32
    %get3A_353 = arith.index_cast %get3A_352 : i32 to index
    %get3A_354 = arith.constant 0 : index
    %get3A_355 = tpu.vector_load %arg5[%get3A_353, %get3A_354] {strides = array<i32>} : memref<2x128xi32, #tpu.memory_space<vmem>>, vector<1x16xi32>,
    %get3A_356 = vector.shape_cast %get3A_355 : vector<1x16xi32> to vector<16xi32>
    %eq3A_357 = arith.constant 0 : i32
    %eq3A_358 = vector.broadcast %eq3A_357 : i32 to vector<16xi32>
    %eq3A_359 = arith.cmpi eq, %iota3A, %eq3A_358 : vector<16xi32>
    %add3A_360 = vector.broadcast %mul3A_6 : i32 to vector<16xi32>
    %add3A_361 = arith.addi %get3A_356, %add3A_360 : vector<16xi32>
    %select_n3A_362 = arith.select %eq3A_359, %add3A_361, %get3A_356 : vector<16xi1>, vector<16xi32>
    %swap3A_363 = arith.constant 0 : i32
    %swap3A_364 = arith.index_cast %swap3A_363 : i32 to index
    %swap3A_365 = arith.constant 0 : index
    %swap3A_366 = tpu.vector_load %arg5[%swap3A_364, %swap3A_365] {strides = array<i32>} : memref<2x128xi32, #tpu.memory_space<vmem>>, vector<1x16xi32>,
    %swap3A_367 = vector.shape_cast %swap3A_366 : vector<1x16xi32> to vector<16xi32>
    %swap3A_368 = vector.shape_cast %select_n3A_362 : vector<16xi32> to vector<1x16xi32>
    tpu.vector_store %arg5[%swap3A_364, %swap3A_365], %swap3A_368 {strides = array<i32>} : memref<2x128xi32, #tpu.memory_space<vmem>>, vector<1x16xi32>,
    %get3A_369 = arith.constant 0 : i32
    %get3A_370 = arith.index_cast %get3A_369 : i32 to index
    %get3A_371 = arith.constant 64 : index
    %get3A_372 = tpu.vector_load %arg5[%get3A_370, %get3A_371] {strides = array<i32>} : memref<2x128xi32, #tpu.memory_space<vmem>>, vector<1x16xi32>,
    %get3A_373 = vector.shape_cast %get3A_372 : vector<1x16xi32> to vector<16xi32>
    %eq3A_374 = arith.constant 0 : i32
    %eq3A_375 = vector.broadcast %eq3A_374 : i32 to vector<16xi32>
    %eq3A_376 = arith.cmpi eq, %iota3A, %eq3A_375 : vector<16xi32>
    %add3A_377 = vector.broadcast %mul3A_6 : i32 to vector<16xi32>
    %add3A_378 = arith.addi %get3A_373, %add3A_377 : vector<16xi32>
    %select_n3A_379 = arith.select %eq3A_376, %add3A_378, %get3A_373 : vector<16xi1>, vector<16xi32>
    %swap3A_380 = arith.constant 0 : i32
    %swap3A_381 = arith.index_cast %swap3A_380 : i32 to index
    %swap3A_382 = arith.constant 64 : index
    %swap3A_383 = tpu.vector_load %arg5[%swap3A_381, %swap3A_382] {strides = array<i32>} : memref<2x128xi32, #tpu.memory_space<vmem>>, vector<1x16xi32>,
    %swap3A_384 = vector.shape_cast %swap3A_383 : vector<1x16xi32> to vector<16xi32>
    %swap3A_385 = vector.shape_cast %select_n3A_379 : vector<16xi32> to vector<1x16xi32>
    tpu.vector_store %arg5[%swap3A_381, %swap3A_382], %swap3A_385 {strides = array<i32>} : memref<2x128xi32, #tpu.memory_space<vmem>>, vector<1x16xi32>,
    %dma_start3A_386 = arith.constant 0 : i32
    %dma_start3A_387 = arith.constant 0 : i32
    %dma_start3A_388 = tpu.memref_slice %arg5[%dma_start3A_386, %dma_start3A_387] : memref<2x128xi32, #tpu.memory_space<vmem>> -> memref<1x128xi32, #tpu.memory_space<vmem>>
    %dma_start3A_389 = tpu.memref_squeeze %dma_start3A_388 : memref<1x128xi32, #tpu.memory_space<vmem>> -> memref<128xi32, #tpu.memory_space<vmem>>
    %dma_start3A_390 = arith.constant 0 : i32
    %dma_start3A_391 = arith.constant 0 : i32
    %dma_start3A_392 = tpu.memref_slice %arg2[%dma_start3A_390, %dma_start3A_391] : memref<1056x384xf32, #tpu.memory_space<hbm>> -> memref<1056x384xf32, #tpu.memory_space<hbm>>
    tpu.enqueue_indirect_dma source(%dma_start3A_392 : memref<1056x384xf32, #tpu.memory_space<hbm>>) target(%arg6 : memref<128x384xf32, #tpu.memory_space<vmem>>) offsets(%dma_start3A_389 : memref<128xi32, #tpu.memory_space<vmem>>) semaphore(%arg8 : memref<!tpu.dma_semaphore, #tpu.memory_space<semaphore_mem>>)
    %dma_wait3A_393 = arith.constant 1 : i32
    %dma_wait3A_394 = arith.constant 0 : i32
    %dma_wait3A_395 = tpu.memref_slice %arg5[%dma_wait3A_393, %dma_wait3A_394] : memref<2x128xi32, #tpu.memory_space<vmem>> -> memref<1x128xi32, #tpu.memory_space<vmem>>
    %dma_wait3A_396 = tpu.memref_squeeze %dma_wait3A_395 : memref<1x128xi32, #tpu.memory_space<vmem>> -> memref<128xi32, #tpu.memory_space<vmem>>
    %dma_wait3A_397 = arith.constant 0 : i32
    %dma_wait3A_398 = arith.constant 0 : i32
    %dma_wait3A_399 = tpu.memref_slice %arg2[%dma_wait3A_397, %dma_wait3A_398] : memref<1056x384xf32, #tpu.memory_space<hbm>> -> memref<1056x384xf32, #tpu.memory_space<hbm>>
    tpu.wait_indirect_dma semaphore(%arg9 : memref<!tpu.dma_semaphore, #tpu.memory_space<semaphore_mem>>) src(%dma_wait3A_399 : memref<1056x384xf32, #tpu.memory_space<hbm>>) dst(%arg7 : memref<128x384xf32, #tpu.memory_space<vmem>>)
    %add3A_400 = arith.constant 640 : i32
    %add3A_401 = arith.addi %mul3A_2, %add3A_400 : i32
    %dma_start3A_402 = arith.constant 0 : i32
    %dma_start3A_403 = tpu.memref_slice %arg4[%add3A_401, %dma_start3A_402] : memref<32768x512xf32, #tpu.memory_space<hbm>> -> memref<128x384xf32, #tpu.memory_space<hbm>>
    %dma_start3A_404 = arith.constant 0 : i32
    %dma_start3A_405 = tpu.memref_slice %arg4[%add3A_401, %dma_start3A_404] : memref<32768x512xf32, #tpu.memory_space<hbm>> -> memref<128x384xf32, #tpu.memory_space<hbm>>
    tpu.enqueue_dma source(%arg7 : memref<128x384xf32, #tpu.memory_space<vmem>>) target(%dma_start3A_405 : memref<128x384xf32, #tpu.memory_space<hbm>>) target_semaphore(%arg11 : memref<!tpu.dma_semaphore, #tpu.memory_space<semaphore_mem>>)
    %dma_wait3A_406 = arith.constant 0 : i32
    %dma_wait3A_407 = tpu.memref_slice %arg4[%add3A_401, %dma_wait3A_406] : memref<32768x512xf32, #tpu.memory_space<hbm>> -> memref<128x384xf32, #tpu.memory_space<hbm>>
    %dma_wait3A_408 = arith.constant 0 : i32
    %dma_wait3A_409 = tpu.memref_slice %arg4[%add3A_401, %dma_wait3A_408] : memref<32768x512xf32, #tpu.memory_space<hbm>> -> memref<128x384xf32, #tpu.memory_space<hbm>>
    tpu.wait_dma2 semaphore(%arg11 : memref<!tpu.dma_semaphore, #tpu.memory_space<semaphore_mem>>) src(%arg7 : memref<128x384xf32, #tpu.memory_space<vmem>>) dst(%dma_wait3A_409 : memref<128x384xf32, #tpu.memory_space<hbm>>)
    %add3A_410 = arith.constant 896 : i32
    %add3A_411 = arith.addi %mul3A_2, %add3A_410 : i32
    %run_scoped3A_412 = arith.constant 1 : i32
    "tpu.region"() ({
      %run_scoped3A_488 = tpu.sem_alloc : memref<!tpu.dma_semaphore, #tpu.memory_space<semaphore_mem>>
      %dma_start3A_489 = arith.constant 0 : i32
      %dma_start3A_490 = tpu.memref_slice %arg5[%run_scoped3A_412, %dma_start3A_489] : memref<2x128xi32, #tpu.memory_space<vmem>> -> memref<1x128xi32, #tpu.memory_space<vmem>>
      %dma_start3A_491 = tpu.memref_squeeze %dma_start3A_490 : memref<1x128xi32, #tpu.memory_space<vmem>> -> memref<128xi32, #tpu.memory_space<vmem>>
      %dma_start3A_492 = tpu.memref_slice %arg3[%add3A_411] : memref<32768xi32, #tpu.memory_space<hbm>> -> memref<128xi32, #tpu.memory_space<hbm>>
      %dma_start3A_493 = arith.constant 0 : i32
      %dma_start3A_494 = tpu.memref_slice %arg5[%run_scoped3A_412, %dma_start3A_493] : memref<2x128xi32, #tpu.memory_space<vmem>> -> memref<1x128xi32, #tpu.memory_space<vmem>>
      %dma_start3A_495 = tpu.memref_squeeze %dma_start3A_494 : memref<1x128xi32, #tpu.memory_space<vmem>> -> memref<128xi32, #tpu.memory_space<vmem>>
      %dma_start3A_496 = tpu.memref_slice %arg3[%add3A_411] : memref<32768xi32, #tpu.memory_space<hbm>> -> memref<128xi32, #tpu.memory_space<hbm>>
      tpu.enqueue_dma source(%dma_start3A_496 : memref<128xi32, #tpu.memory_space<hbm>>) target(%dma_start3A_495 : memref<128xi32, #tpu.memory_space<vmem>>) target_semaphore(%run_scoped3A_488 : memref<!tpu.dma_semaphore, #tpu.memory_space<semaphore_mem>>)
      %dma_wait3A_497 = arith.constant 0 : i32
      %dma_wait3A_498 = tpu.memref_slice %arg5[%run_scoped3A_412, %dma_wait3A_497] : memref<2x128xi32, #tpu.memory_space<vmem>> -> memref<1x128xi32, #tpu.memory_space<vmem>>
      %dma_wait3A_499 = tpu.memref_squeeze %dma_wait3A_498 : memref<1x128xi32, #tpu.memory_space<vmem>> -> memref<128xi32, #tpu.memory_space<vmem>>
      %dma_wait3A_500 = tpu.memref_slice %arg3[%add3A_411] : memref<32768xi32, #tpu.memory_space<hbm>> -> memref<128xi32, #tpu.memory_space<hbm>>
      %dma_wait3A_501 = arith.constant 0 : i32
      %dma_wait3A_502 = tpu.memref_slice %arg5[%run_scoped3A_412, %dma_wait3A_501] : memref<2x128xi32, #tpu.memory_space<vmem>> -> memref<1x128xi32, #tpu.memory_space<vmem>>
      %dma_wait3A_503 = tpu.memref_squeeze %dma_wait3A_502 : memref<1x128xi32, #tpu.memory_space<vmem>> -> memref<128xi32, #tpu.memory_space<vmem>>
      %dma_wait3A_504 = tpu.memref_slice %arg3[%add3A_411] : memref<32768xi32, #tpu.memory_space<hbm>> -> memref<128xi32, #tpu.memory_space<hbm>>
      tpu.wait_dma2 semaphore(%run_scoped3A_488 : memref<!tpu.dma_semaphore, #tpu.memory_space<semaphore_mem>>) src(%dma_wait3A_504 : memref<128xi32, #tpu.memory_space<hbm>>) dst(%dma_wait3A_503 : memref<128xi32, #tpu.memory_space<vmem>>)
      tpu.yield
    }) : () -> ()
    %get3A_413 = arith.constant 1 : i32
    %get3A_414 = arith.index_cast %get3A_413 : i32 to index
    %get3A_415 = arith.constant 0 : index
    %get3A_416 = tpu.vector_load %arg5[%get3A_414, %get3A_415] {strides = array<i32>} : memref<2x128xi32, #tpu.memory_space<vmem>>, vector<1x16xi32>,
    %get3A_417 = vector.shape_cast %get3A_416 : vector<1x16xi32> to vector<16xi32>
    %eq3A_418 = arith.constant 0 : i32
    %eq3A_419 = vector.broadcast %eq3A_418 : i32 to vector<16xi32>
    %eq3A_420 = arith.cmpi eq, %iota3A, %eq3A_419 : vector<16xi32>
    %add3A_421 = vector.broadcast %mul3A_6 : i32 to vector<16xi32>
    %add3A_422 = arith.addi %get3A_417, %add3A_421 : vector<16xi32>
    %select_n3A_423 = arith.select %eq3A_420, %add3A_422, %get3A_417 : vector<16xi1>, vector<16xi32>
    %swap3A_424 = arith.constant 1 : i32
    %swap3A_425 = arith.index_cast %swap3A_424 : i32 to index
    %swap3A_426 = arith.constant 0 : index
    %swap3A_427 = tpu.vector_load %arg5[%swap3A_425, %swap3A_426] {strides = array<i32>} : memref<2x128xi32, #tpu.memory_space<vmem>>, vector<1x16xi32>,
    %swap3A_428 = vector.shape_cast %swap3A_427 : vector<1x16xi32> to vector<16xi32>
    %swap3A_429 = vector.shape_cast %select_n3A_423 : vector<16xi32> to vector<1x16xi32>
    tpu.vector_store %arg5[%swap3A_425, %swap3A_426], %swap3A_429 {strides = array<i32>} : memref<2x128xi32, #tpu.memory_space<vmem>>, vector<1x16xi32>,
    %get3A_430 = arith.constant 1 : i32
    %get3A_431 = arith.index_cast %get3A_430 : i32 to index
    %get3A_432 = arith.constant 64 : index
    %get3A_433 = tpu.vector_load %arg5[%get3A_431, %get3A_432] {strides = array<i32>} : memref<2x128xi32, #tpu.memory_space<vmem>>, vector<1x16xi32>,
    %get3A_434 = vector.shape_cast %get3A_433 : vector<1x16xi32> to vector<16xi32>
    %eq3A_435 = arith.constant 0 : i32
    %eq3A_436 = vector.broadcast %eq3A_435 : i32 to vector<16xi32>
    %eq3A_437 = arith.cmpi eq, %iota3A, %eq3A_436 : vector<16xi32>
    %add3A_438 = vector.broadcast %mul3A_6 : i32 to vector<16xi32>
    %add3A_439 = arith.addi %get3A_434, %add3A_438 : vector<16xi32>
    %select_n3A_440 = arith.select %eq3A_437, %add3A_439, %get3A_434 : vector<16xi1>, vector<16xi32>
    %swap3A_441 = arith.constant 1 : i32
    %swap3A_442 = arith.index_cast %swap3A_441 : i32 to index
    %swap3A_443 = arith.constant 64 : index
    %swap3A_444 = tpu.vector_load %arg5[%swap3A_442, %swap3A_443] {strides = array<i32>} : memref<2x128xi32, #tpu.memory_space<vmem>>, vector<1x16xi32>,
    %swap3A_445 = vector.shape_cast %swap3A_444 : vector<1x16xi32> to vector<16xi32>
    %swap3A_446 = vector.shape_cast %select_n3A_440 : vector<16xi32> to vector<1x16xi32>
    tpu.vector_store %arg5[%swap3A_442, %swap3A_443], %swap3A_446 {strides = array<i32>} : memref<2x128xi32, #tpu.memory_space<vmem>>, vector<1x16xi32>,
    %dma_start3A_447 = arith.constant 1 : i32
    %dma_start3A_448 = arith.constant 0 : i32
    %dma_start3A_449 = tpu.memref_slice %arg5[%dma_start3A_447, %dma_start3A_448] : memref<2x128xi32, #tpu.memory_space<vmem>> -> memref<1x128xi32, #tpu.memory_space<vmem>>
    %dma_start3A_450 = tpu.memref_squeeze %dma_start3A_449 : memref<1x128xi32, #tpu.memory_space<vmem>> -> memref<128xi32, #tpu.memory_space<vmem>>
    %dma_start3A_451 = arith.constant 0 : i32
    %dma_start3A_452 = arith.constant 0 : i32
    %dma_start3A_453 = tpu.memref_slice %arg2[%dma_start3A_451, %dma_start3A_452] : memref<1056x384xf32, #tpu.memory_space<hbm>> -> memref<1056x384xf32, #tpu.memory_space<hbm>>
    tpu.enqueue_indirect_dma source(%dma_start3A_453 : memref<1056x384xf32, #tpu.memory_space<hbm>>) target(%arg7 : memref<128x384xf32, #tpu.memory_space<vmem>>) offsets(%dma_start3A_450 : memref<128xi32, #tpu.memory_space<vmem>>) semaphore(%arg9 : memref<!tpu.dma_semaphore, #tpu.memory_space<semaphore_mem>>)
    %dma_wait3A_454 = arith.constant 0 : i32
    %dma_wait3A_455 = arith.constant 0 : i32
    %dma_wait3A_456 = tpu.memref_slice %arg5[%dma_wait3A_454, %dma_wait3A_455] : memref<2x128xi32, #tpu.memory_space<vmem>> -> memref<1x128xi32, #tpu.memory_space<vmem>>
    %dma_wait3A_457 = tpu.memref_squeeze %dma_wait3A_456 : memref<1x128xi32, #tpu.memory_space<vmem>> -> memref<128xi32, #tpu.memory_space<vmem>>
    %dma_wait3A_458 = arith.constant 0 : i32
    %dma_wait3A_459 = arith.constant 0 : i32
    %dma_wait3A_460 = tpu.memref_slice %arg2[%dma_wait3A_458, %dma_wait3A_459] : memref<1056x384xf32, #tpu.memory_space<hbm>> -> memref<1056x384xf32, #tpu.memory_space<hbm>>
    tpu.wait_indirect_dma semaphore(%arg8 : memref<!tpu.dma_semaphore, #tpu.memory_space<semaphore_mem>>) src(%dma_wait3A_460 : memref<1056x384xf32, #tpu.memory_space<hbm>>) dst(%arg6 : memref<128x384xf32, #tpu.memory_space<vmem>>)
    %add3A_461 = arith.constant 768 : i32
    %add3A_462 = arith.addi %mul3A_2, %add3A_461 : i32
    %dma_start3A_463 = arith.constant 0 : i32
    %dma_start3A_464 = tpu.memref_slice %arg4[%add3A_462, %dma_start3A_463] : memref<32768x512xf32, #tpu.memory_space<hbm>> -> memref<128x384xf32, #tpu.memory_space<hbm>>
    %dma_start3A_465 = arith.constant 0 : i32
    %dma_start3A_466 = tpu.memref_slice %arg4[%add3A_462, %dma_start3A_465] : memref<32768x512xf32, #tpu.memory_space<hbm>> -> memref<128x384xf32, #tpu.memory_space<hbm>>
    tpu.enqueue_dma source(%arg6 : memref<128x384xf32, #tpu.memory_space<vmem>>) target(%dma_start3A_466 : memref<128x384xf32, #tpu.memory_space<hbm>>) target_semaphore(%arg10 : memref<!tpu.dma_semaphore, #tpu.memory_space<semaphore_mem>>)
    %dma_wait3A_467 = arith.constant 1 : i32
    %dma_wait3A_468 = arith.constant 0 : i32
    %dma_wait3A_469 = tpu.memref_slice %arg5[%dma_wait3A_467, %dma_wait3A_468] : memref<2x128xi32, #tpu.memory_space<vmem>> -> memref<1x128xi32, #tpu.memory_space<vmem>>
    %dma_wait3A_470 = tpu.memref_squeeze %dma_wait3A_469 : memref<1x128xi32, #tpu.memory_space<vmem>> -> memref<128xi32, #tpu.memory_space<vmem>>
    %dma_wait3A_471 = arith.constant 0 : i32
    %dma_wait3A_472 = arith.constant 0 : i32
    %dma_wait3A_473 = tpu.memref_slice %arg2[%dma_wait3A_471, %dma_wait3A_472] : memref<1056x384xf32, #tpu.memory_space<hbm>> -> memref<1056x384xf32, #tpu.memory_space<hbm>>
    tpu.wait_indirect_dma semaphore(%arg9 : memref<!tpu.dma_semaphore, #tpu.memory_space<semaphore_mem>>) src(%dma_wait3A_473 : memref<1056x384xf32, #tpu.memory_space<hbm>>) dst(%arg7 : memref<128x384xf32, #tpu.memory_space<vmem>>)
    %add3A_474 = arith.constant 896 : i32
    %add3A_475 = arith.addi %mul3A_2, %add3A_474 : i32
    %dma_start3A_476 = arith.constant 0 : i32
    %dma_start3A_477 = tpu.memref_slice %arg4[%add3A_475, %dma_start3A_476] : memref<32768x512xf32, #tpu.memory_space<hbm>> -> memref<128x384xf32, #tpu.memory_space<hbm>>
    %dma_start3A_478 = arith.constant 0 : i32
    %dma_start3A_479 = tpu.memref_slice %arg4[%add3A_475, %dma_start3A_478] : memref<32768x512xf32, #tpu.memory_space<hbm>> -> memref<128x384xf32, #tpu.memory_space<hbm>>
    tpu.enqueue_dma source(%arg7 : memref<128x384xf32, #tpu.memory_space<vmem>>) target(%dma_start3A_479 : memref<128x384xf32, #tpu.memory_space<hbm>>) target_semaphore(%arg11 : memref<!tpu.dma_semaphore, #tpu.memory_space<semaphore_mem>>)
    %dma_wait3A_480 = arith.constant 0 : i32
    %dma_wait3A_481 = tpu.memref_slice %arg4[%add3A_462, %dma_wait3A_480] : memref<32768x512xf32, #tpu.memory_space<hbm>> -> memref<128x384xf32, #tpu.memory_space<hbm>>
    %dma_wait3A_482 = arith.constant 0 : i32
    %dma_wait3A_483 = tpu.memref_slice %arg4[%add3A_462, %dma_wait3A_482] : memref<32768x512xf32, #tpu.memory_space<hbm>> -> memref<128x384xf32, #tpu.memory_space<hbm>>
    tpu.wait_dma2 semaphore(%arg10 : memref<!tpu.dma_semaphore, #tpu.memory_space<semaphore_mem>>) src(%arg6 : memref<128x384xf32, #tpu.memory_space<vmem>>) dst(%dma_wait3A_483 : memref<128x384xf32, #tpu.memory_space<hbm>>)
    %dma_wait3A_484 = arith.constant 0 : i32
    %dma_wait3A_485 = tpu.memref_slice %arg4[%add3A_475, %dma_wait3A_484] : memref<32768x512xf32, #tpu.memory_space<hbm>> -> memref<128x384xf32, #tpu.memory_space<hbm>>
    %dma_wait3A_486 = arith.constant 0 : i32
    %dma_wait3A_487 = tpu.memref_slice %arg4[%add3A_475, %dma_wait3A_486] : memref<32768x512xf32, #tpu.memory_space<hbm>> -> memref<128x384xf32, #tpu.memory_space<hbm>>
    tpu.wait_dma2 semaphore(%arg11 : memref<!tpu.dma_semaphore, #tpu.memory_space<semaphore_mem>>) src(%arg7 : memref<128x384xf32, #tpu.memory_space<vmem>>) dst(%dma_wait3A_487 : memref<128x384xf32, #tpu.memory_space<hbm>>)
    return
  }
}

module attributes {stable_mosaic.version = 14 : i64} {
  func.func @_table_kernel(%arg0: i32, %arg1: memref<32x256xf32, #tpu.memory_space<vmem>>, %arg2: memref<32x1xf32, #tpu.memory_space<vmem>>, %arg3: memref<10x256xf32, #tpu.memory_space<vmem>>, %arg4: memref<32x1xf32, #tpu.memory_space<vmem>>, %arg5: memref<32x1xf32, #tpu.memory_space<vmem>>, %arg6: memref<1x64xf32, #tpu.memory_space<vmem>>, %arg7: memref<1x128xf32, #tpu.memory_space<vmem>>, %arg8: memref<1056x384xf32, #tpu.memory_space<vmem>>) attributes {dimension_semantics = [#tpu.dimension_semantics<arbitrary>], iteration_bounds = array<i64: 1>, scalar_prefetch = 0 : i64, scratch_operands = 0 : i64, tpu.core_type = #tpu.core_type<tc>, window_params = [{pipeline_mode = #tpu.pipeline_mode<synchronous>, transform_indices = @transform_0, window_bounds = array<i64: 32, 256>}, {pipeline_mode = #tpu.pipeline_mode<synchronous>, transform_indices = @transform_1, window_bounds = array<i64: 32, 1>}, {pipeline_mode = #tpu.pipeline_mode<synchronous>, transform_indices = @transform_2, window_bounds = array<i64: 10, 256>}, {pipeline_mode = #tpu.pipeline_mode<synchronous>, transform_indices = @transform_3, window_bounds = array<i64: 32, 1>}, {pipeline_mode = #tpu.pipeline_mode<synchronous>, transform_indices = @transform_4, window_bounds = array<i64: 32, 1>}, {pipeline_mode = #tpu.pipeline_mode<synchronous>, transform_indices = @transform_5, window_bounds = array<i64: 1, 64>}, {pipeline_mode = #tpu.pipeline_mode<synchronous>, transform_indices = @transform_6, window_bounds = array<i64: 1, 128>}, {pipeline_mode = #tpu.pipeline_mode<synchronous>, transform_indices = @transform_7, window_bounds = array<i64: 1056, 384>}]} {
    %get3A = arith.constant 0 : index
    %get3A_0 = arith.constant 0 : index
    %get3A_1 = vector.load %arg2[%get3A, %get3A_0] : memref<32x1xf32, #tpu.memory_space<vmem>>, vector<32x1xf32>
    %get3A_2 = arith.constant 0 : index
    %get3A_3 = arith.constant 0 : index
    %get3A_4 = vector.load %arg6[%get3A_2, %get3A_3] : memref<1x64xf32, #tpu.memory_space<vmem>>, vector<1x64xf32>
    %mul3A = vector.broadcast %get3A_1 : vector<32x1xf32> to vector<32x64xf32>
    %mul3A_5 = vector.broadcast %get3A_4 : vector<1x64xf32> to vector<32x64xf32>
    %mul3A_6 = arith.mulf %mul3A, %mul3A_5 : vector<32x64xf32>
    %sin3A = math.sin %mul3A_6 : vector<32x64xf32>
    %cos3A = math.cos %mul3A_6 : vector<32x64xf32>
    %get3A_7 = arith.constant 0 : index
    %get3A_8 = arith.constant 0 : index
    %get3A_9 = vector.load %arg1[%get3A_7, %get3A_8] : memref<32x256xf32, #tpu.memory_space<vmem>>, vector<32x256xf32>
    %swap3A = arith.constant 0 : index
    %swap3A_10 = arith.constant 0 : index
    %swap3A_11 = vector.load %arg8[%swap3A, %swap3A_10] : memref<1056x384xf32, #tpu.memory_space<vmem>>, vector<32x256xf32>
    tpu.vector_store %arg8[%swap3A, %swap3A_10], %get3A_9 {strides = array<i32>} : memref<1056x384xf32, #tpu.memory_space<vmem>>, vector<32x256xf32>,
    %swap3A_12 = arith.constant 0 : index
    %swap3A_13 = arith.constant 256 : index
    %swap3A_14 = vector.load %arg8[%swap3A_12, %swap3A_13] : memref<1056x384xf32, #tpu.memory_space<vmem>>, vector<32x64xf32>
    tpu.vector_store %arg8[%swap3A_12, %swap3A_13], %sin3A {strides = array<i32>} : memref<1056x384xf32, #tpu.memory_space<vmem>>, vector<32x64xf32>,
    %swap3A_15 = arith.constant 0 : index
    %swap3A_16 = arith.constant 320 : index
    %swap3A_17 = vector.load %arg8[%swap3A_15, %swap3A_16] : memref<1056x384xf32, #tpu.memory_space<vmem>>, vector<32x64xf32>
    tpu.vector_store %arg8[%swap3A_15, %swap3A_16], %cos3A {strides = array<i32>} : memref<1056x384xf32, #tpu.memory_space<vmem>>, vector<32x64xf32>,
    %get3A_18 = arith.constant 0 : index
    %get3A_19 = arith.constant 0 : index
    %get3A_20 = vector.load %arg4[%get3A_18, %get3A_19] : memref<32x1xf32, #tpu.memory_space<vmem>>, vector<32x1xf32>
    %get3A_21 = arith.constant 0 : index
    %get3A_22 = arith.constant 0 : index
    %get3A_23 = vector.load %arg7[%get3A_21, %get3A_22] : memref<1x128xf32, #tpu.memory_space<vmem>>, vector<1x128xf32>
    %mul3A_24 = vector.broadcast %get3A_20 : vector<32x1xf32> to vector<32x128xf32>
    %mul3A_25 = vector.broadcast %get3A_23 : vector<1x128xf32> to vector<32x128xf32>
    %mul3A_26 = arith.mulf %mul3A_24, %mul3A_25 : vector<32x128xf32>
    %get3A_27 = arith.constant 0 : index
    %get3A_28 = arith.constant 0 : index
    %get3A_29 = vector.load %arg5[%get3A_27, %get3A_28] : memref<32x1xf32, #tpu.memory_space<vmem>>, vector<32x1xf32>
    %convert_element_type3A = arith.fptosi %get3A_29 : vector<32x1xf32> to vector<32x1xi32>
    %sub3A = arith.constant 1 : i32
    %sub3A_30 = vector.broadcast %sub3A : i32 to vector<32x1xi32>
    %sub3A_31 = arith.subi %convert_element_type3A, %sub3A_30 : vector<32x1xi32>
    %iota3A = tpu.iota {dimensions = array<i32: 1>} : vector<32x10xi32>
    %eq3A = vector.broadcast %sub3A_31 : vector<32x1xi32> to vector<32x10xi32>
    %eq3A_32 = arith.cmpi eq, %iota3A, %eq3A : vector<32x10xi32>
    %convert_element_type3A_33 = arith.extui %eq3A_32 : vector<32x10xi1> to vector<32x10xi32>
    %convert_element_type3A_34 = arith.sitofp %convert_element_type3A_33 : vector<32x10xi32> to vector<32x10xf32>
    %get3A_35 = arith.constant 0 : index
    %get3A_36 = arith.constant 0 : index
    %get3A_37 = vector.load %arg3[%get3A_35, %get3A_36] : memref<10x256xf32, #tpu.memory_space<vmem>>, vector<10x256xf32>
    %dot_general3A = arith.constant dense<0.000000e+00> : vector<32x256xf32>
    %dot_general3A_38 = tpu.matmul %convert_element_type3A_34, %get3A_37, %dot_general3A {dimension_numbers = #tpu.dot_dimension_numbers<[1], [0], [0], [1], [0, 0, 1, 1], [], []>, precision = #tpu.contract_precision<fp32>, transpose_lhs_hint = false} : vector<32x10xf32>, vector<10x256xf32>, vector<32x256xf32> -> vector<32x256xf32>
    %sin3A_39 = math.sin %mul3A_26 : vector<32x128xf32>
    %cos3A_40 = math.cos %mul3A_26 : vector<32x128xf32>
    %concatenate3A = tpu.concatenate %sin3A_39, %cos3A_40 in 1 : vector<32x128xf32>, vector<32x128xf32> -> vector<32x256xf32>
    %add3A = arith.addf %concatenate3A, %dot_general3A_38 : vector<32x256xf32>
    %add3A_41 = arith.constant 1.000000e+00 : f32
    %add3A_42 = vector.broadcast %add3A_41 : f32 to vector<32x64xf32>
    %add3A_43 = arith.addf %cos3A, %add3A_42 : vector<32x64xf32>
    %slice3A = vector.extract_strided_slice %add3A {offsets = [0, 0], sizes = [1, 256], strides = [1, 1]} : vector<32x256xf32> to vector<1x256xf32>
    %add3A_44 = vector.broadcast %slice3A : vector<1x256xf32> to vector<32x256xf32>
    %add3A_45 = arith.addf %get3A_9, %add3A_44 : vector<32x256xf32>
    %swap3A_46 = arith.constant 32 : index
    %swap3A_47 = arith.constant 0 : index
    %swap3A_48 = vector.load %arg8[%swap3A_46, %swap3A_47] : memref<1056x384xf32, #tpu.memory_space<vmem>>, vector<32x256xf32>
    tpu.vector_store %arg8[%swap3A_46, %swap3A_47], %add3A_45 {strides = array<i32>} : memref<1056x384xf32, #tpu.memory_space<vmem>>, vector<32x256xf32>,
    %swap3A_49 = arith.constant 32 : index
    %swap3A_50 = arith.constant 256 : index
    %swap3A_51 = vector.load %arg8[%swap3A_49, %swap3A_50] : memref<1056x384xf32, #tpu.memory_space<vmem>>, vector<32x64xf32>
    tpu.vector_store %arg8[%swap3A_49, %swap3A_50], %sin3A {strides = array<i32>} : memref<1056x384xf32, #tpu.memory_space<vmem>>, vector<32x64xf32>,
    %swap3A_52 = arith.constant 32 : index
    %swap3A_53 = arith.constant 320 : index
    %swap3A_54 = vector.load %arg8[%swap3A_52, %swap3A_53] : memref<1056x384xf32, #tpu.memory_space<vmem>>, vector<32x64xf32>
    tpu.vector_store %arg8[%swap3A_52, %swap3A_53], %add3A_43 {strides = array<i32>} : memref<1056x384xf32, #tpu.memory_space<vmem>>, vector<32x64xf32>,
    %slice3A_55 = vector.extract_strided_slice %add3A {offsets = [1, 0], sizes = [1, 256], strides = [1, 1]} : vector<32x256xf32> to vector<1x256xf32>
    %add3A_56 = vector.broadcast %slice3A_55 : vector<1x256xf32> to vector<32x256xf32>
    %add3A_57 = arith.addf %get3A_9, %add3A_56 : vector<32x256xf32>
    %swap3A_58 = arith.constant 64 : index
    %swap3A_59 = arith.constant 0 : index
    %swap3A_60 = vector.load %arg8[%swap3A_58, %swap3A_59] : memref<1056x384xf32, #tpu.memory_space<vmem>>, vector<32x256xf32>
    tpu.vector_store %arg8[%swap3A_58, %swap3A_59], %add3A_57 {strides = array<i32>} : memref<1056x384xf32, #tpu.memory_space<vmem>>, vector<32x256xf32>,
    %swap3A_61 = arith.constant 64 : index
    %swap3A_62 = arith.constant 256 : index
    %swap3A_63 = vector.load %arg8[%swap3A_61, %swap3A_62] : memref<1056x384xf32, #tpu.memory_space<vmem>>, vector<32x64xf32>
    tpu.vector_store %arg8[%swap3A_61, %swap3A_62], %sin3A {strides = array<i32>} : memref<1056x384xf32, #tpu.memory_space<vmem>>, vector<32x64xf32>,
    %swap3A_64 = arith.constant 64 : index
    %swap3A_65 = arith.constant 320 : index
    %swap3A_66 = vector.load %arg8[%swap3A_64, %swap3A_65] : memref<1056x384xf32, #tpu.memory_space<vmem>>, vector<32x64xf32>
    tpu.vector_store %arg8[%swap3A_64, %swap3A_65], %add3A_43 {strides = array<i32>} : memref<1056x384xf32, #tpu.memory_space<vmem>>, vector<32x64xf32>,
    %slice3A_67 = vector.extract_strided_slice %add3A {offsets = [2, 0], sizes = [1, 256], strides = [1, 1]} : vector<32x256xf32> to vector<1x256xf32>
    %add3A_68 = vector.broadcast %slice3A_67 : vector<1x256xf32> to vector<32x256xf32>
    %add3A_69 = arith.addf %get3A_9, %add3A_68 : vector<32x256xf32>
    %swap3A_70 = arith.constant 96 : index
    %swap3A_71 = arith.constant 0 : index
    %swap3A_72 = vector.load %arg8[%swap3A_70, %swap3A_71] : memref<1056x384xf32, #tpu.memory_space<vmem>>, vector<32x256xf32>
    tpu.vector_store %arg8[%swap3A_70, %swap3A_71], %add3A_69 {strides = array<i32>} : memref<1056x384xf32, #tpu.memory_space<vmem>>, vector<32x256xf32>,
    %swap3A_73 = arith.constant 96 : index
    %swap3A_74 = arith.constant 256 : index
    %swap3A_75 = vector.load %arg8[%swap3A_73, %swap3A_74] : memref<1056x384xf32, #tpu.memory_space<vmem>>, vector<32x64xf32>
    tpu.vector_store %arg8[%swap3A_73, %swap3A_74], %sin3A {strides = array<i32>} : memref<1056x384xf32, #tpu.memory_space<vmem>>, vector<32x64xf32>,
    %swap3A_76 = arith.constant 96 : index
    %swap3A_77 = arith.constant 320 : index
    %swap3A_78 = vector.load %arg8[%swap3A_76, %swap3A_77] : memref<1056x384xf32, #tpu.memory_space<vmem>>, vector<32x64xf32>
    tpu.vector_store %arg8[%swap3A_76, %swap3A_77], %add3A_43 {strides = array<i32>} : memref<1056x384xf32, #tpu.memory_space<vmem>>, vector<32x64xf32>,
    %slice3A_79 = vector.extract_strided_slice %add3A {offsets = [3, 0], sizes = [1, 256], strides = [1, 1]} : vector<32x256xf32> to vector<1x256xf32>
    %add3A_80 = vector.broadcast %slice3A_79 : vector<1x256xf32> to vector<32x256xf32>
    %add3A_81 = arith.addf %get3A_9, %add3A_80 : vector<32x256xf32>
    %swap3A_82 = arith.constant 128 : index
    %swap3A_83 = arith.constant 0 : index
    %swap3A_84 = vector.load %arg8[%swap3A_82, %swap3A_83] : memref<1056x384xf32, #tpu.memory_space<vmem>>, vector<32x256xf32>
    tpu.vector_store %arg8[%swap3A_82, %swap3A_83], %add3A_81 {strides = array<i32>} : memref<1056x384xf32, #tpu.memory_space<vmem>>, vector<32x256xf32>,
    %swap3A_85 = arith.constant 128 : index
    %swap3A_86 = arith.constant 256 : index
    %swap3A_87 = vector.load %arg8[%swap3A_85, %swap3A_86] : memref<1056x384xf32, #tpu.memory_space<vmem>>, vector<32x64xf32>
    tpu.vector_store %arg8[%swap3A_85, %swap3A_86], %sin3A {strides = array<i32>} : memref<1056x384xf32, #tpu.memory_space<vmem>>, vector<32x64xf32>,
    %swap3A_88 = arith.constant 128 : index
    %swap3A_89 = arith.constant 320 : index
    %swap3A_90 = vector.load %arg8[%swap3A_88, %swap3A_89] : memref<1056x384xf32, #tpu.memory_space<vmem>>, vector<32x64xf32>
    tpu.vector_store %arg8[%swap3A_88, %swap3A_89], %add3A_43 {strides = array<i32>} : memref<1056x384xf32, #tpu.memory_space<vmem>>, vector<32x64xf32>,
    %slice3A_91 = vector.extract_strided_slice %add3A {offsets = [4, 0], sizes = [1, 256], strides = [1, 1]} : vector<32x256xf32> to vector<1x256xf32>
    %add3A_92 = vector.broadcast %slice3A_91 : vector<1x256xf32> to vector<32x256xf32>
    %add3A_93 = arith.addf %get3A_9, %add3A_92 : vector<32x256xf32>
    %swap3A_94 = arith.constant 160 : index
    %swap3A_95 = arith.constant 0 : index
    %swap3A_96 = vector.load %arg8[%swap3A_94, %swap3A_95] : memref<1056x384xf32, #tpu.memory_space<vmem>>, vector<32x256xf32>
    tpu.vector_store %arg8[%swap3A_94, %swap3A_95], %add3A_93 {strides = array<i32>} : memref<1056x384xf32, #tpu.memory_space<vmem>>, vector<32x256xf32>,
    %swap3A_97 = arith.constant 160 : index
    %swap3A_98 = arith.constant 256 : index
    %swap3A_99 = vector.load %arg8[%swap3A_97, %swap3A_98] : memref<1056x384xf32, #tpu.memory_space<vmem>>, vector<32x64xf32>
    tpu.vector_store %arg8[%swap3A_97, %swap3A_98], %sin3A {strides = array<i32>} : memref<1056x384xf32, #tpu.memory_space<vmem>>, vector<32x64xf32>,
    %swap3A_100 = arith.constant 160 : index
    %swap3A_101 = arith.constant 320 : index
    %swap3A_102 = vector.load %arg8[%swap3A_100, %swap3A_101] : memref<1056x384xf32, #tpu.memory_space<vmem>>, vector<32x64xf32>
    tpu.vector_store %arg8[%swap3A_100, %swap3A_101], %add3A_43 {strides = array<i32>} : memref<1056x384xf32, #tpu.memory_space<vmem>>, vector<32x64xf32>,
    %slice3A_103 = vector.extract_strided_slice %add3A {offsets = [5, 0], sizes = [1, 256], strides = [1, 1]} : vector<32x256xf32> to vector<1x256xf32>
    %add3A_104 = vector.broadcast %slice3A_103 : vector<1x256xf32> to vector<32x256xf32>
    %add3A_105 = arith.addf %get3A_9, %add3A_104 : vector<32x256xf32>
    %swap3A_106 = arith.constant 192 : index
    %swap3A_107 = arith.constant 0 : index
    %swap3A_108 = vector.load %arg8[%swap3A_106, %swap3A_107] : memref<1056x384xf32, #tpu.memory_space<vmem>>, vector<32x256xf32>
    tpu.vector_store %arg8[%swap3A_106, %swap3A_107], %add3A_105 {strides = array<i32>} : memref<1056x384xf32, #tpu.memory_space<vmem>>, vector<32x256xf32>,
    %swap3A_109 = arith.constant 192 : index
    %swap3A_110 = arith.constant 256 : index
    %swap3A_111 = vector.load %arg8[%swap3A_109, %swap3A_110] : memref<1056x384xf32, #tpu.memory_space<vmem>>, vector<32x64xf32>
    tpu.vector_store %arg8[%swap3A_109, %swap3A_110], %sin3A {strides = array<i32>} : memref<1056x384xf32, #tpu.memory_space<vmem>>, vector<32x64xf32>,
    %swap3A_112 = arith.constant 192 : index
    %swap3A_113 = arith.constant 320 : index
    %swap3A_114 = vector.load %arg8[%swap3A_112, %swap3A_113] : memref<1056x384xf32, #tpu.memory_space<vmem>>, vector<32x64xf32>
    tpu.vector_store %arg8[%swap3A_112, %swap3A_113], %add3A_43 {strides = array<i32>} : memref<1056x384xf32, #tpu.memory_space<vmem>>, vector<32x64xf32>,
    %slice3A_115 = vector.extract_strided_slice %add3A {offsets = [6, 0], sizes = [1, 256], strides = [1, 1]} : vector<32x256xf32> to vector<1x256xf32>
    %add3A_116 = vector.broadcast %slice3A_115 : vector<1x256xf32> to vector<32x256xf32>
    %add3A_117 = arith.addf %get3A_9, %add3A_116 : vector<32x256xf32>
    %swap3A_118 = arith.constant 224 : index
    %swap3A_119 = arith.constant 0 : index
    %swap3A_120 = vector.load %arg8[%swap3A_118, %swap3A_119] : memref<1056x384xf32, #tpu.memory_space<vmem>>, vector<32x256xf32>
    tpu.vector_store %arg8[%swap3A_118, %swap3A_119], %add3A_117 {strides = array<i32>} : memref<1056x384xf32, #tpu.memory_space<vmem>>, vector<32x256xf32>,
    %swap3A_121 = arith.constant 224 : index
    %swap3A_122 = arith.constant 256 : index
    %swap3A_123 = vector.load %arg8[%swap3A_121, %swap3A_122] : memref<1056x384xf32, #tpu.memory_space<vmem>>, vector<32x64xf32>
    tpu.vector_store %arg8[%swap3A_121, %swap3A_122], %sin3A {strides = array<i32>} : memref<1056x384xf32, #tpu.memory_space<vmem>>, vector<32x64xf32>,
    %swap3A_124 = arith.constant 224 : index
    %swap3A_125 = arith.constant 320 : index
    %swap3A_126 = vector.load %arg8[%swap3A_124, %swap3A_125] : memref<1056x384xf32, #tpu.memory_space<vmem>>, vector<32x64xf32>
    tpu.vector_store %arg8[%swap3A_124, %swap3A_125], %add3A_43 {strides = array<i32>} : memref<1056x384xf32, #tpu.memory_space<vmem>>, vector<32x64xf32>,
    %slice3A_127 = vector.extract_strided_slice %add3A {offsets = [7, 0], sizes = [1, 256], strides = [1, 1]} : vector<32x256xf32> to vector<1x256xf32>
    %add3A_128 = vector.broadcast %slice3A_127 : vector<1x256xf32> to vector<32x256xf32>
    %add3A_129 = arith.addf %get3A_9, %add3A_128 : vector<32x256xf32>
    %swap3A_130 = arith.constant 256 : index
    %swap3A_131 = arith.constant 0 : index
    %swap3A_132 = vector.load %arg8[%swap3A_130, %swap3A_131] : memref<1056x384xf32, #tpu.memory_space<vmem>>, vector<32x256xf32>
    tpu.vector_store %arg8[%swap3A_130, %swap3A_131], %add3A_129 {strides = array<i32>} : memref<1056x384xf32, #tpu.memory_space<vmem>>, vector<32x256xf32>,
    %swap3A_133 = arith.constant 256 : index
    %swap3A_134 = arith.constant 256 : index
    %swap3A_135 = vector.load %arg8[%swap3A_133, %swap3A_134] : memref<1056x384xf32, #tpu.memory_space<vmem>>, vector<32x64xf32>
    tpu.vector_store %arg8[%swap3A_133, %swap3A_134], %sin3A {strides = array<i32>} : memref<1056x384xf32, #tpu.memory_space<vmem>>, vector<32x64xf32>,
    %swap3A_136 = arith.constant 256 : index
    %swap3A_137 = arith.constant 320 : index
    %swap3A_138 = vector.load %arg8[%swap3A_136, %swap3A_137] : memref<1056x384xf32, #tpu.memory_space<vmem>>, vector<32x64xf32>
    tpu.vector_store %arg8[%swap3A_136, %swap3A_137], %add3A_43 {strides = array<i32>} : memref<1056x384xf32, #tpu.memory_space<vmem>>, vector<32x64xf32>,
    %slice3A_139 = vector.extract_strided_slice %add3A {offsets = [8, 0], sizes = [1, 256], strides = [1, 1]} : vector<32x256xf32> to vector<1x256xf32>
    %add3A_140 = vector.broadcast %slice3A_139 : vector<1x256xf32> to vector<32x256xf32>
    %add3A_141 = arith.addf %get3A_9, %add3A_140 : vector<32x256xf32>
    %swap3A_142 = arith.constant 288 : index
    %swap3A_143 = arith.constant 0 : index
    %swap3A_144 = vector.load %arg8[%swap3A_142, %swap3A_143] : memref<1056x384xf32, #tpu.memory_space<vmem>>, vector<32x256xf32>
    tpu.vector_store %arg8[%swap3A_142, %swap3A_143], %add3A_141 {strides = array<i32>} : memref<1056x384xf32, #tpu.memory_space<vmem>>, vector<32x256xf32>,
    %swap3A_145 = arith.constant 288 : index
    %swap3A_146 = arith.constant 256 : index
    %swap3A_147 = vector.load %arg8[%swap3A_145, %swap3A_146] : memref<1056x384xf32, #tpu.memory_space<vmem>>, vector<32x64xf32>
    tpu.vector_store %arg8[%swap3A_145, %swap3A_146], %sin3A {strides = array<i32>} : memref<1056x384xf32, #tpu.memory_space<vmem>>, vector<32x64xf32>,
    %swap3A_148 = arith.constant 288 : index
    %swap3A_149 = arith.constant 320 : index
    %swap3A_150 = vector.load %arg8[%swap3A_148, %swap3A_149] : memref<1056x384xf32, #tpu.memory_space<vmem>>, vector<32x64xf32>
    tpu.vector_store %arg8[%swap3A_148, %swap3A_149], %add3A_43 {strides = array<i32>} : memref<1056x384xf32, #tpu.memory_space<vmem>>, vector<32x64xf32>,
    %slice3A_151 = vector.extract_strided_slice %add3A {offsets = [9, 0], sizes = [1, 256], strides = [1, 1]} : vector<32x256xf32> to vector<1x256xf32>
    %add3A_152 = vector.broadcast %slice3A_151 : vector<1x256xf32> to vector<32x256xf32>
    %add3A_153 = arith.addf %get3A_9, %add3A_152 : vector<32x256xf32>
    %swap3A_154 = arith.constant 320 : index
    %swap3A_155 = arith.constant 0 : index
    %swap3A_156 = vector.load %arg8[%swap3A_154, %swap3A_155] : memref<1056x384xf32, #tpu.memory_space<vmem>>, vector<32x256xf32>
    tpu.vector_store %arg8[%swap3A_154, %swap3A_155], %add3A_153 {strides = array<i32>} : memref<1056x384xf32, #tpu.memory_space<vmem>>, vector<32x256xf32>,
    %swap3A_157 = arith.constant 320 : index
    %swap3A_158 = arith.constant 256 : index
    %swap3A_159 = vector.load %arg8[%swap3A_157, %swap3A_158] : memref<1056x384xf32, #tpu.memory_space<vmem>>, vector<32x64xf32>
    tpu.vector_store %arg8[%swap3A_157, %swap3A_158], %sin3A {strides = array<i32>} : memref<1056x384xf32, #tpu.memory_space<vmem>>, vector<32x64xf32>,
    %swap3A_160 = arith.constant 320 : index
    %swap3A_161 = arith.constant 320 : index
    %swap3A_162 = vector.load %arg8[%swap3A_160, %swap3A_161] : memref<1056x384xf32, #tpu.memory_space<vmem>>, vector<32x64xf32>
    tpu.vector_store %arg8[%swap3A_160, %swap3A_161], %add3A_43 {strides = array<i32>} : memref<1056x384xf32, #tpu.memory_space<vmem>>, vector<32x64xf32>,
    %slice3A_163 = vector.extract_strided_slice %add3A {offsets = [10, 0], sizes = [1, 256], strides = [1, 1]} : vector<32x256xf32> to vector<1x256xf32>
    %add3A_164 = vector.broadcast %slice3A_163 : vector<1x256xf32> to vector<32x256xf32>
    %add3A_165 = arith.addf %get3A_9, %add3A_164 : vector<32x256xf32>
    %swap3A_166 = arith.constant 352 : index
    %swap3A_167 = arith.constant 0 : index
    %swap3A_168 = vector.load %arg8[%swap3A_166, %swap3A_167] : memref<1056x384xf32, #tpu.memory_space<vmem>>, vector<32x256xf32>
    tpu.vector_store %arg8[%swap3A_166, %swap3A_167], %add3A_165 {strides = array<i32>} : memref<1056x384xf32, #tpu.memory_space<vmem>>, vector<32x256xf32>,
    %swap3A_169 = arith.constant 352 : index
    %swap3A_170 = arith.constant 256 : index
    %swap3A_171 = vector.load %arg8[%swap3A_169, %swap3A_170] : memref<1056x384xf32, #tpu.memory_space<vmem>>, vector<32x64xf32>
    tpu.vector_store %arg8[%swap3A_169, %swap3A_170], %sin3A {strides = array<i32>} : memref<1056x384xf32, #tpu.memory_space<vmem>>, vector<32x64xf32>,
    %swap3A_172 = arith.constant 352 : index
    %swap3A_173 = arith.constant 320 : index
    %swap3A_174 = vector.load %arg8[%swap3A_172, %swap3A_173] : memref<1056x384xf32, #tpu.memory_space<vmem>>, vector<32x64xf32>
    tpu.vector_store %arg8[%swap3A_172, %swap3A_173], %add3A_43 {strides = array<i32>} : memref<1056x384xf32, #tpu.memory_space<vmem>>, vector<32x64xf32>,
    %slice3A_175 = vector.extract_strided_slice %add3A {offsets = [11, 0], sizes = [1, 256], strides = [1, 1]} : vector<32x256xf32> to vector<1x256xf32>
    %add3A_176 = vector.broadcast %slice3A_175 : vector<1x256xf32> to vector<32x256xf32>
    %add3A_177 = arith.addf %get3A_9, %add3A_176 : vector<32x256xf32>
    %swap3A_178 = arith.constant 384 : index
    %swap3A_179 = arith.constant 0 : index
    %swap3A_180 = vector.load %arg8[%swap3A_178, %swap3A_179] : memref<1056x384xf32, #tpu.memory_space<vmem>>, vector<32x256xf32>
    tpu.vector_store %arg8[%swap3A_178, %swap3A_179], %add3A_177 {strides = array<i32>} : memref<1056x384xf32, #tpu.memory_space<vmem>>, vector<32x256xf32>,
    %swap3A_181 = arith.constant 384 : index
    %swap3A_182 = arith.constant 256 : index
    %swap3A_183 = vector.load %arg8[%swap3A_181, %swap3A_182] : memref<1056x384xf32, #tpu.memory_space<vmem>>, vector<32x64xf32>
    tpu.vector_store %arg8[%swap3A_181, %swap3A_182], %sin3A {strides = array<i32>} : memref<1056x384xf32, #tpu.memory_space<vmem>>, vector<32x64xf32>,
    %swap3A_184 = arith.constant 384 : index
    %swap3A_185 = arith.constant 320 : index
    %swap3A_186 = vector.load %arg8[%swap3A_184, %swap3A_185] : memref<1056x384xf32, #tpu.memory_space<vmem>>, vector<32x64xf32>
    tpu.vector_store %arg8[%swap3A_184, %swap3A_185], %add3A_43 {strides = array<i32>} : memref<1056x384xf32, #tpu.memory_space<vmem>>, vector<32x64xf32>,
    %slice3A_187 = vector.extract_strided_slice %add3A {offsets = [12, 0], sizes = [1, 256], strides = [1, 1]} : vector<32x256xf32> to vector<1x256xf32>
    %add3A_188 = vector.broadcast %slice3A_187 : vector<1x256xf32> to vector<32x256xf32>
    %add3A_189 = arith.addf %get3A_9, %add3A_188 : vector<32x256xf32>
    %swap3A_190 = arith.constant 416 : index
    %swap3A_191 = arith.constant 0 : index
    %swap3A_192 = vector.load %arg8[%swap3A_190, %swap3A_191] : memref<1056x384xf32, #tpu.memory_space<vmem>>, vector<32x256xf32>
    tpu.vector_store %arg8[%swap3A_190, %swap3A_191], %add3A_189 {strides = array<i32>} : memref<1056x384xf32, #tpu.memory_space<vmem>>, vector<32x256xf32>,
    %swap3A_193 = arith.constant 416 : index
    %swap3A_194 = arith.constant 256 : index
    %swap3A_195 = vector.load %arg8[%swap3A_193, %swap3A_194] : memref<1056x384xf32, #tpu.memory_space<vmem>>, vector<32x64xf32>
    tpu.vector_store %arg8[%swap3A_193, %swap3A_194], %sin3A {strides = array<i32>} : memref<1056x384xf32, #tpu.memory_space<vmem>>, vector<32x64xf32>,
    %swap3A_196 = arith.constant 416 : index
    %swap3A_197 = arith.constant 320 : index
    %swap3A_198 = vector.load %arg8[%swap3A_196, %swap3A_197] : memref<1056x384xf32, #tpu.memory_space<vmem>>, vector<32x64xf32>
    tpu.vector_store %arg8[%swap3A_196, %swap3A_197], %add3A_43 {strides = array<i32>} : memref<1056x384xf32, #tpu.memory_space<vmem>>, vector<32x64xf32>,
    %slice3A_199 = vector.extract_strided_slice %add3A {offsets = [13, 0], sizes = [1, 256], strides = [1, 1]} : vector<32x256xf32> to vector<1x256xf32>
    %add3A_200 = vector.broadcast %slice3A_199 : vector<1x256xf32> to vector<32x256xf32>
    %add3A_201 = arith.addf %get3A_9, %add3A_200 : vector<32x256xf32>
    %swap3A_202 = arith.constant 448 : index
    %swap3A_203 = arith.constant 0 : index
    %swap3A_204 = vector.load %arg8[%swap3A_202, %swap3A_203] : memref<1056x384xf32, #tpu.memory_space<vmem>>, vector<32x256xf32>
    tpu.vector_store %arg8[%swap3A_202, %swap3A_203], %add3A_201 {strides = array<i32>} : memref<1056x384xf32, #tpu.memory_space<vmem>>, vector<32x256xf32>,
    %swap3A_205 = arith.constant 448 : index
    %swap3A_206 = arith.constant 256 : index
    %swap3A_207 = vector.load %arg8[%swap3A_205, %swap3A_206] : memref<1056x384xf32, #tpu.memory_space<vmem>>, vector<32x64xf32>
    tpu.vector_store %arg8[%swap3A_205, %swap3A_206], %sin3A {strides = array<i32>} : memref<1056x384xf32, #tpu.memory_space<vmem>>, vector<32x64xf32>,
    %swap3A_208 = arith.constant 448 : index
    %swap3A_209 = arith.constant 320 : index
    %swap3A_210 = vector.load %arg8[%swap3A_208, %swap3A_209] : memref<1056x384xf32, #tpu.memory_space<vmem>>, vector<32x64xf32>
    tpu.vector_store %arg8[%swap3A_208, %swap3A_209], %add3A_43 {strides = array<i32>} : memref<1056x384xf32, #tpu.memory_space<vmem>>, vector<32x64xf32>,
    %slice3A_211 = vector.extract_strided_slice %add3A {offsets = [14, 0], sizes = [1, 256], strides = [1, 1]} : vector<32x256xf32> to vector<1x256xf32>
    %add3A_212 = vector.broadcast %slice3A_211 : vector<1x256xf32> to vector<32x256xf32>
    %add3A_213 = arith.addf %get3A_9, %add3A_212 : vector<32x256xf32>
    %swap3A_214 = arith.constant 480 : index
    %swap3A_215 = arith.constant 0 : index
    %swap3A_216 = vector.load %arg8[%swap3A_214, %swap3A_215] : memref<1056x384xf32, #tpu.memory_space<vmem>>, vector<32x256xf32>
    tpu.vector_store %arg8[%swap3A_214, %swap3A_215], %add3A_213 {strides = array<i32>} : memref<1056x384xf32, #tpu.memory_space<vmem>>, vector<32x256xf32>,
    %swap3A_217 = arith.constant 480 : index
    %swap3A_218 = arith.constant 256 : index
    %swap3A_219 = vector.load %arg8[%swap3A_217, %swap3A_218] : memref<1056x384xf32, #tpu.memory_space<vmem>>, vector<32x64xf32>
    tpu.vector_store %arg8[%swap3A_217, %swap3A_218], %sin3A {strides = array<i32>} : memref<1056x384xf32, #tpu.memory_space<vmem>>, vector<32x64xf32>,
    %swap3A_220 = arith.constant 480 : index
    %swap3A_221 = arith.constant 320 : index
    %swap3A_222 = vector.load %arg8[%swap3A_220, %swap3A_221] : memref<1056x384xf32, #tpu.memory_space<vmem>>, vector<32x64xf32>
    tpu.vector_store %arg8[%swap3A_220, %swap3A_221], %add3A_43 {strides = array<i32>} : memref<1056x384xf32, #tpu.memory_space<vmem>>, vector<32x64xf32>,
    %slice3A_223 = vector.extract_strided_slice %add3A {offsets = [15, 0], sizes = [1, 256], strides = [1, 1]} : vector<32x256xf32> to vector<1x256xf32>
    %add3A_224 = vector.broadcast %slice3A_223 : vector<1x256xf32> to vector<32x256xf32>
    %add3A_225 = arith.addf %get3A_9, %add3A_224 : vector<32x256xf32>
    %swap3A_226 = arith.constant 512 : index
    %swap3A_227 = arith.constant 0 : index
    %swap3A_228 = vector.load %arg8[%swap3A_226, %swap3A_227] : memref<1056x384xf32, #tpu.memory_space<vmem>>, vector<32x256xf32>
    tpu.vector_store %arg8[%swap3A_226, %swap3A_227], %add3A_225 {strides = array<i32>} : memref<1056x384xf32, #tpu.memory_space<vmem>>, vector<32x256xf32>,
    %swap3A_229 = arith.constant 512 : index
    %swap3A_230 = arith.constant 256 : index
    %swap3A_231 = vector.load %arg8[%swap3A_229, %swap3A_230] : memref<1056x384xf32, #tpu.memory_space<vmem>>, vector<32x64xf32>
    tpu.vector_store %arg8[%swap3A_229, %swap3A_230], %sin3A {strides = array<i32>} : memref<1056x384xf32, #tpu.memory_space<vmem>>, vector<32x64xf32>,
    %swap3A_232 = arith.constant 512 : index
    %swap3A_233 = arith.constant 320 : index
    %swap3A_234 = vector.load %arg8[%swap3A_232, %swap3A_233] : memref<1056x384xf32, #tpu.memory_space<vmem>>, vector<32x64xf32>
    tpu.vector_store %arg8[%swap3A_232, %swap3A_233], %add3A_43 {strides = array<i32>} : memref<1056x384xf32, #tpu.memory_space<vmem>>, vector<32x64xf32>,
    %slice3A_235 = vector.extract_strided_slice %add3A {offsets = [16, 0], sizes = [1, 256], strides = [1, 1]} : vector<32x256xf32> to vector<1x256xf32>
    %add3A_236 = vector.broadcast %slice3A_235 : vector<1x256xf32> to vector<32x256xf32>
    %add3A_237 = arith.addf %get3A_9, %add3A_236 : vector<32x256xf32>
    %swap3A_238 = arith.constant 544 : index
    %swap3A_239 = arith.constant 0 : index
    %swap3A_240 = vector.load %arg8[%swap3A_238, %swap3A_239] : memref<1056x384xf32, #tpu.memory_space<vmem>>, vector<32x256xf32>
    tpu.vector_store %arg8[%swap3A_238, %swap3A_239], %add3A_237 {strides = array<i32>} : memref<1056x384xf32, #tpu.memory_space<vmem>>, vector<32x256xf32>,
    %swap3A_241 = arith.constant 544 : index
    %swap3A_242 = arith.constant 256 : index
    %swap3A_243 = vector.load %arg8[%swap3A_241, %swap3A_242] : memref<1056x384xf32, #tpu.memory_space<vmem>>, vector<32x64xf32>
    tpu.vector_store %arg8[%swap3A_241, %swap3A_242], %sin3A {strides = array<i32>} : memref<1056x384xf32, #tpu.memory_space<vmem>>, vector<32x64xf32>,
    %swap3A_244 = arith.constant 544 : index
    %swap3A_245 = arith.constant 320 : index
    %swap3A_246 = vector.load %arg8[%swap3A_244, %swap3A_245] : memref<1056x384xf32, #tpu.memory_space<vmem>>, vector<32x64xf32>
    tpu.vector_store %arg8[%swap3A_244, %swap3A_245], %add3A_43 {strides = array<i32>} : memref<1056x384xf32, #tpu.memory_space<vmem>>, vector<32x64xf32>,
    %slice3A_247 = vector.extract_strided_slice %add3A {offsets = [17, 0], sizes = [1, 256], strides = [1, 1]} : vector<32x256xf32> to vector<1x256xf32>
    %add3A_248 = vector.broadcast %slice3A_247 : vector<1x256xf32> to vector<32x256xf32>
    %add3A_249 = arith.addf %get3A_9, %add3A_248 : vector<32x256xf32>
    %swap3A_250 = arith.constant 576 : index
    %swap3A_251 = arith.constant 0 : index
    %swap3A_252 = vector.load %arg8[%swap3A_250, %swap3A_251] : memref<1056x384xf32, #tpu.memory_space<vmem>>, vector<32x256xf32>
    tpu.vector_store %arg8[%swap3A_250, %swap3A_251], %add3A_249 {strides = array<i32>} : memref<1056x384xf32, #tpu.memory_space<vmem>>, vector<32x256xf32>,
    %swap3A_253 = arith.constant 576 : index
    %swap3A_254 = arith.constant 256 : index
    %swap3A_255 = vector.load %arg8[%swap3A_253, %swap3A_254] : memref<1056x384xf32, #tpu.memory_space<vmem>>, vector<32x64xf32>
    tpu.vector_store %arg8[%swap3A_253, %swap3A_254], %sin3A {strides = array<i32>} : memref<1056x384xf32, #tpu.memory_space<vmem>>, vector<32x64xf32>,
    %swap3A_256 = arith.constant 576 : index
    %swap3A_257 = arith.constant 320 : index
    %swap3A_258 = vector.load %arg8[%swap3A_256, %swap3A_257] : memref<1056x384xf32, #tpu.memory_space<vmem>>, vector<32x64xf32>
    tpu.vector_store %arg8[%swap3A_256, %swap3A_257], %add3A_43 {strides = array<i32>} : memref<1056x384xf32, #tpu.memory_space<vmem>>, vector<32x64xf32>,
    %slice3A_259 = vector.extract_strided_slice %add3A {offsets = [18, 0], sizes = [1, 256], strides = [1, 1]} : vector<32x256xf32> to vector<1x256xf32>
    %add3A_260 = vector.broadcast %slice3A_259 : vector<1x256xf32> to vector<32x256xf32>
    %add3A_261 = arith.addf %get3A_9, %add3A_260 : vector<32x256xf32>
    %swap3A_262 = arith.constant 608 : index
    %swap3A_263 = arith.constant 0 : index
    %swap3A_264 = vector.load %arg8[%swap3A_262, %swap3A_263] : memref<1056x384xf32, #tpu.memory_space<vmem>>, vector<32x256xf32>
    tpu.vector_store %arg8[%swap3A_262, %swap3A_263], %add3A_261 {strides = array<i32>} : memref<1056x384xf32, #tpu.memory_space<vmem>>, vector<32x256xf32>,
    %swap3A_265 = arith.constant 608 : index
    %swap3A_266 = arith.constant 256 : index
    %swap3A_267 = vector.load %arg8[%swap3A_265, %swap3A_266] : memref<1056x384xf32, #tpu.memory_space<vmem>>, vector<32x64xf32>
    tpu.vector_store %arg8[%swap3A_265, %swap3A_266], %sin3A {strides = array<i32>} : memref<1056x384xf32, #tpu.memory_space<vmem>>, vector<32x64xf32>,
    %swap3A_268 = arith.constant 608 : index
    %swap3A_269 = arith.constant 320 : index
    %swap3A_270 = vector.load %arg8[%swap3A_268, %swap3A_269] : memref<1056x384xf32, #tpu.memory_space<vmem>>, vector<32x64xf32>
    tpu.vector_store %arg8[%swap3A_268, %swap3A_269], %add3A_43 {strides = array<i32>} : memref<1056x384xf32, #tpu.memory_space<vmem>>, vector<32x64xf32>,
    %slice3A_271 = vector.extract_strided_slice %add3A {offsets = [19, 0], sizes = [1, 256], strides = [1, 1]} : vector<32x256xf32> to vector<1x256xf32>
    %add3A_272 = vector.broadcast %slice3A_271 : vector<1x256xf32> to vector<32x256xf32>
    %add3A_273 = arith.addf %get3A_9, %add3A_272 : vector<32x256xf32>
    %swap3A_274 = arith.constant 640 : index
    %swap3A_275 = arith.constant 0 : index
    %swap3A_276 = vector.load %arg8[%swap3A_274, %swap3A_275] : memref<1056x384xf32, #tpu.memory_space<vmem>>, vector<32x256xf32>
    tpu.vector_store %arg8[%swap3A_274, %swap3A_275], %add3A_273 {strides = array<i32>} : memref<1056x384xf32, #tpu.memory_space<vmem>>, vector<32x256xf32>,
    %swap3A_277 = arith.constant 640 : index
    %swap3A_278 = arith.constant 256 : index
    %swap3A_279 = vector.load %arg8[%swap3A_277, %swap3A_278] : memref<1056x384xf32, #tpu.memory_space<vmem>>, vector<32x64xf32>
    tpu.vector_store %arg8[%swap3A_277, %swap3A_278], %sin3A {strides = array<i32>} : memref<1056x384xf32, #tpu.memory_space<vmem>>, vector<32x64xf32>,
    %swap3A_280 = arith.constant 640 : index
    %swap3A_281 = arith.constant 320 : index
    %swap3A_282 = vector.load %arg8[%swap3A_280, %swap3A_281] : memref<1056x384xf32, #tpu.memory_space<vmem>>, vector<32x64xf32>
    tpu.vector_store %arg8[%swap3A_280, %swap3A_281], %add3A_43 {strides = array<i32>} : memref<1056x384xf32, #tpu.memory_space<vmem>>, vector<32x64xf32>,
    %slice3A_283 = vector.extract_strided_slice %add3A {offsets = [20, 0], sizes = [1, 256], strides = [1, 1]} : vector<32x256xf32> to vector<1x256xf32>
    %add3A_284 = vector.broadcast %slice3A_283 : vector<1x256xf32> to vector<32x256xf32>
    %add3A_285 = arith.addf %get3A_9, %add3A_284 : vector<32x256xf32>
    %swap3A_286 = arith.constant 672 : index
    %swap3A_287 = arith.constant 0 : index
    %swap3A_288 = vector.load %arg8[%swap3A_286, %swap3A_287] : memref<1056x384xf32, #tpu.memory_space<vmem>>, vector<32x256xf32>
    tpu.vector_store %arg8[%swap3A_286, %swap3A_287], %add3A_285 {strides = array<i32>} : memref<1056x384xf32, #tpu.memory_space<vmem>>, vector<32x256xf32>,
    %swap3A_289 = arith.constant 672 : index
    %swap3A_290 = arith.constant 256 : index
    %swap3A_291 = vector.load %arg8[%swap3A_289, %swap3A_290] : memref<1056x384xf32, #tpu.memory_space<vmem>>, vector<32x64xf32>
    tpu.vector_store %arg8[%swap3A_289, %swap3A_290], %sin3A {strides = array<i32>} : memref<1056x384xf32, #tpu.memory_space<vmem>>, vector<32x64xf32>,
    %swap3A_292 = arith.constant 672 : index
    %swap3A_293 = arith.constant 320 : index
    %swap3A_294 = vector.load %arg8[%swap3A_292, %swap3A_293] : memref<1056x384xf32, #tpu.memory_space<vmem>>, vector<32x64xf32>
    tpu.vector_store %arg8[%swap3A_292, %swap3A_293], %add3A_43 {strides = array<i32>} : memref<1056x384xf32, #tpu.memory_space<vmem>>, vector<32x64xf32>,
    %slice3A_295 = vector.extract_strided_slice %add3A {offsets = [21, 0], sizes = [1, 256], strides = [1, 1]} : vector<32x256xf32> to vector<1x256xf32>
    %add3A_296 = vector.broadcast %slice3A_295 : vector<1x256xf32> to vector<32x256xf32>
    %add3A_297 = arith.addf %get3A_9, %add3A_296 : vector<32x256xf32>
    %swap3A_298 = arith.constant 704 : index
    %swap3A_299 = arith.constant 0 : index
    %swap3A_300 = vector.load %arg8[%swap3A_298, %swap3A_299] : memref<1056x384xf32, #tpu.memory_space<vmem>>, vector<32x256xf32>
    tpu.vector_store %arg8[%swap3A_298, %swap3A_299], %add3A_297 {strides = array<i32>} : memref<1056x384xf32, #tpu.memory_space<vmem>>, vector<32x256xf32>,
    %swap3A_301 = arith.constant 704 : index
    %swap3A_302 = arith.constant 256 : index
    %swap3A_303 = vector.load %arg8[%swap3A_301, %swap3A_302] : memref<1056x384xf32, #tpu.memory_space<vmem>>, vector<32x64xf32>
    tpu.vector_store %arg8[%swap3A_301, %swap3A_302], %sin3A {strides = array<i32>} : memref<1056x384xf32, #tpu.memory_space<vmem>>, vector<32x64xf32>,
    %swap3A_304 = arith.constant 704 : index
    %swap3A_305 = arith.constant 320 : index
    %swap3A_306 = vector.load %arg8[%swap3A_304, %swap3A_305] : memref<1056x384xf32, #tpu.memory_space<vmem>>, vector<32x64xf32>
    tpu.vector_store %arg8[%swap3A_304, %swap3A_305], %add3A_43 {strides = array<i32>} : memref<1056x384xf32, #tpu.memory_space<vmem>>, vector<32x64xf32>,
    %slice3A_307 = vector.extract_strided_slice %add3A {offsets = [22, 0], sizes = [1, 256], strides = [1, 1]} : vector<32x256xf32> to vector<1x256xf32>
    %add3A_308 = vector.broadcast %slice3A_307 : vector<1x256xf32> to vector<32x256xf32>
    %add3A_309 = arith.addf %get3A_9, %add3A_308 : vector<32x256xf32>
    %swap3A_310 = arith.constant 736 : index
    %swap3A_311 = arith.constant 0 : index
    %swap3A_312 = vector.load %arg8[%swap3A_310, %swap3A_311] : memref<1056x384xf32, #tpu.memory_space<vmem>>, vector<32x256xf32>
    tpu.vector_store %arg8[%swap3A_310, %swap3A_311], %add3A_309 {strides = array<i32>} : memref<1056x384xf32, #tpu.memory_space<vmem>>, vector<32x256xf32>,
    %swap3A_313 = arith.constant 736 : index
    %swap3A_314 = arith.constant 256 : index
    %swap3A_315 = vector.load %arg8[%swap3A_313, %swap3A_314] : memref<1056x384xf32, #tpu.memory_space<vmem>>, vector<32x64xf32>
    tpu.vector_store %arg8[%swap3A_313, %swap3A_314], %sin3A {strides = array<i32>} : memref<1056x384xf32, #tpu.memory_space<vmem>>, vector<32x64xf32>,
    %swap3A_316 = arith.constant 736 : index
    %swap3A_317 = arith.constant 320 : index
    %swap3A_318 = vector.load %arg8[%swap3A_316, %swap3A_317] : memref<1056x384xf32, #tpu.memory_space<vmem>>, vector<32x64xf32>
    tpu.vector_store %arg8[%swap3A_316, %swap3A_317], %add3A_43 {strides = array<i32>} : memref<1056x384xf32, #tpu.memory_space<vmem>>, vector<32x64xf32>,
    %slice3A_319 = vector.extract_strided_slice %add3A {offsets = [23, 0], sizes = [1, 256], strides = [1, 1]} : vector<32x256xf32> to vector<1x256xf32>
    %add3A_320 = vector.broadcast %slice3A_319 : vector<1x256xf32> to vector<32x256xf32>
    %add3A_321 = arith.addf %get3A_9, %add3A_320 : vector<32x256xf32>
    %swap3A_322 = arith.constant 768 : index
    %swap3A_323 = arith.constant 0 : index
    %swap3A_324 = vector.load %arg8[%swap3A_322, %swap3A_323] : memref<1056x384xf32, #tpu.memory_space<vmem>>, vector<32x256xf32>
    tpu.vector_store %arg8[%swap3A_322, %swap3A_323], %add3A_321 {strides = array<i32>} : memref<1056x384xf32, #tpu.memory_space<vmem>>, vector<32x256xf32>,
    %swap3A_325 = arith.constant 768 : index
    %swap3A_326 = arith.constant 256 : index
    %swap3A_327 = vector.load %arg8[%swap3A_325, %swap3A_326] : memref<1056x384xf32, #tpu.memory_space<vmem>>, vector<32x64xf32>
    tpu.vector_store %arg8[%swap3A_325, %swap3A_326], %sin3A {strides = array<i32>} : memref<1056x384xf32, #tpu.memory_space<vmem>>, vector<32x64xf32>,
    %swap3A_328 = arith.constant 768 : index
    %swap3A_329 = arith.constant 320 : index
    %swap3A_330 = vector.load %arg8[%swap3A_328, %swap3A_329] : memref<1056x384xf32, #tpu.memory_space<vmem>>, vector<32x64xf32>
    tpu.vector_store %arg8[%swap3A_328, %swap3A_329], %add3A_43 {strides = array<i32>} : memref<1056x384xf32, #tpu.memory_space<vmem>>, vector<32x64xf32>,
    %slice3A_331 = vector.extract_strided_slice %add3A {offsets = [24, 0], sizes = [1, 256], strides = [1, 1]} : vector<32x256xf32> to vector<1x256xf32>
    %add3A_332 = vector.broadcast %slice3A_331 : vector<1x256xf32> to vector<32x256xf32>
    %add3A_333 = arith.addf %get3A_9, %add3A_332 : vector<32x256xf32>
    %swap3A_334 = arith.constant 800 : index
    %swap3A_335 = arith.constant 0 : index
    %swap3A_336 = vector.load %arg8[%swap3A_334, %swap3A_335] : memref<1056x384xf32, #tpu.memory_space<vmem>>, vector<32x256xf32>
    tpu.vector_store %arg8[%swap3A_334, %swap3A_335], %add3A_333 {strides = array<i32>} : memref<1056x384xf32, #tpu.memory_space<vmem>>, vector<32x256xf32>,
    %swap3A_337 = arith.constant 800 : index
    %swap3A_338 = arith.constant 256 : index
    %swap3A_339 = vector.load %arg8[%swap3A_337, %swap3A_338] : memref<1056x384xf32, #tpu.memory_space<vmem>>, vector<32x64xf32>
    tpu.vector_store %arg8[%swap3A_337, %swap3A_338], %sin3A {strides = array<i32>} : memref<1056x384xf32, #tpu.memory_space<vmem>>, vector<32x64xf32>,
    %swap3A_340 = arith.constant 800 : index
    %swap3A_341 = arith.constant 320 : index
    %swap3A_342 = vector.load %arg8[%swap3A_340, %swap3A_341] : memref<1056x384xf32, #tpu.memory_space<vmem>>, vector<32x64xf32>
    tpu.vector_store %arg8[%swap3A_340, %swap3A_341], %add3A_43 {strides = array<i32>} : memref<1056x384xf32, #tpu.memory_space<vmem>>, vector<32x64xf32>,
    %slice3A_343 = vector.extract_strided_slice %add3A {offsets = [25, 0], sizes = [1, 256], strides = [1, 1]} : vector<32x256xf32> to vector<1x256xf32>
    %add3A_344 = vector.broadcast %slice3A_343 : vector<1x256xf32> to vector<32x256xf32>
    %add3A_345 = arith.addf %get3A_9, %add3A_344 : vector<32x256xf32>
    %swap3A_346 = arith.constant 832 : index
    %swap3A_347 = arith.constant 0 : index
    %swap3A_348 = vector.load %arg8[%swap3A_346, %swap3A_347] : memref<1056x384xf32, #tpu.memory_space<vmem>>, vector<32x256xf32>
    tpu.vector_store %arg8[%swap3A_346, %swap3A_347], %add3A_345 {strides = array<i32>} : memref<1056x384xf32, #tpu.memory_space<vmem>>, vector<32x256xf32>,
    %swap3A_349 = arith.constant 832 : index
    %swap3A_350 = arith.constant 256 : index
    %swap3A_351 = vector.load %arg8[%swap3A_349, %swap3A_350] : memref<1056x384xf32, #tpu.memory_space<vmem>>, vector<32x64xf32>
    tpu.vector_store %arg8[%swap3A_349, %swap3A_350], %sin3A {strides = array<i32>} : memref<1056x384xf32, #tpu.memory_space<vmem>>, vector<32x64xf32>,
    %swap3A_352 = arith.constant 832 : index
    %swap3A_353 = arith.constant 320 : index
    %swap3A_354 = vector.load %arg8[%swap3A_352, %swap3A_353] : memref<1056x384xf32, #tpu.memory_space<vmem>>, vector<32x64xf32>
    tpu.vector_store %arg8[%swap3A_352, %swap3A_353], %add3A_43 {strides = array<i32>} : memref<1056x384xf32, #tpu.memory_space<vmem>>, vector<32x64xf32>,
    %slice3A_355 = vector.extract_strided_slice %add3A {offsets = [26, 0], sizes = [1, 256], strides = [1, 1]} : vector<32x256xf32> to vector<1x256xf32>
    %add3A_356 = vector.broadcast %slice3A_355 : vector<1x256xf32> to vector<32x256xf32>
    %add3A_357 = arith.addf %get3A_9, %add3A_356 : vector<32x256xf32>
    %swap3A_358 = arith.constant 864 : index
    %swap3A_359 = arith.constant 0 : index
    %swap3A_360 = vector.load %arg8[%swap3A_358, %swap3A_359] : memref<1056x384xf32, #tpu.memory_space<vmem>>, vector<32x256xf32>
    tpu.vector_store %arg8[%swap3A_358, %swap3A_359], %add3A_357 {strides = array<i32>} : memref<1056x384xf32, #tpu.memory_space<vmem>>, vector<32x256xf32>,
    %swap3A_361 = arith.constant 864 : index
    %swap3A_362 = arith.constant 256 : index
    %swap3A_363 = vector.load %arg8[%swap3A_361, %swap3A_362] : memref<1056x384xf32, #tpu.memory_space<vmem>>, vector<32x64xf32>
    tpu.vector_store %arg8[%swap3A_361, %swap3A_362], %sin3A {strides = array<i32>} : memref<1056x384xf32, #tpu.memory_space<vmem>>, vector<32x64xf32>,
    %swap3A_364 = arith.constant 864 : index
    %swap3A_365 = arith.constant 320 : index
    %swap3A_366 = vector.load %arg8[%swap3A_364, %swap3A_365] : memref<1056x384xf32, #tpu.memory_space<vmem>>, vector<32x64xf32>
    tpu.vector_store %arg8[%swap3A_364, %swap3A_365], %add3A_43 {strides = array<i32>} : memref<1056x384xf32, #tpu.memory_space<vmem>>, vector<32x64xf32>,
    %slice3A_367 = vector.extract_strided_slice %add3A {offsets = [27, 0], sizes = [1, 256], strides = [1, 1]} : vector<32x256xf32> to vector<1x256xf32>
    %add3A_368 = vector.broadcast %slice3A_367 : vector<1x256xf32> to vector<32x256xf32>
    %add3A_369 = arith.addf %get3A_9, %add3A_368 : vector<32x256xf32>
    %swap3A_370 = arith.constant 896 : index
    %swap3A_371 = arith.constant 0 : index
    %swap3A_372 = vector.load %arg8[%swap3A_370, %swap3A_371] : memref<1056x384xf32, #tpu.memory_space<vmem>>, vector<32x256xf32>
    tpu.vector_store %arg8[%swap3A_370, %swap3A_371], %add3A_369 {strides = array<i32>} : memref<1056x384xf32, #tpu.memory_space<vmem>>, vector<32x256xf32>,
    %swap3A_373 = arith.constant 896 : index
    %swap3A_374 = arith.constant 256 : index
    %swap3A_375 = vector.load %arg8[%swap3A_373, %swap3A_374] : memref<1056x384xf32, #tpu.memory_space<vmem>>, vector<32x64xf32>
    tpu.vector_store %arg8[%swap3A_373, %swap3A_374], %sin3A {strides = array<i32>} : memref<1056x384xf32, #tpu.memory_space<vmem>>, vector<32x64xf32>,
    %swap3A_376 = arith.constant 896 : index
    %swap3A_377 = arith.constant 320 : index
    %swap3A_378 = vector.load %arg8[%swap3A_376, %swap3A_377] : memref<1056x384xf32, #tpu.memory_space<vmem>>, vector<32x64xf32>
    tpu.vector_store %arg8[%swap3A_376, %swap3A_377], %add3A_43 {strides = array<i32>} : memref<1056x384xf32, #tpu.memory_space<vmem>>, vector<32x64xf32>,
    %slice3A_379 = vector.extract_strided_slice %add3A {offsets = [28, 0], sizes = [1, 256], strides = [1, 1]} : vector<32x256xf32> to vector<1x256xf32>
    %add3A_380 = vector.broadcast %slice3A_379 : vector<1x256xf32> to vector<32x256xf32>
    %add3A_381 = arith.addf %get3A_9, %add3A_380 : vector<32x256xf32>
    %swap3A_382 = arith.constant 928 : index
    %swap3A_383 = arith.constant 0 : index
    %swap3A_384 = vector.load %arg8[%swap3A_382, %swap3A_383] : memref<1056x384xf32, #tpu.memory_space<vmem>>, vector<32x256xf32>
    tpu.vector_store %arg8[%swap3A_382, %swap3A_383], %add3A_381 {strides = array<i32>} : memref<1056x384xf32, #tpu.memory_space<vmem>>, vector<32x256xf32>,
    %swap3A_385 = arith.constant 928 : index
    %swap3A_386 = arith.constant 256 : index
    %swap3A_387 = vector.load %arg8[%swap3A_385, %swap3A_386] : memref<1056x384xf32, #tpu.memory_space<vmem>>, vector<32x64xf32>
    tpu.vector_store %arg8[%swap3A_385, %swap3A_386], %sin3A {strides = array<i32>} : memref<1056x384xf32, #tpu.memory_space<vmem>>, vector<32x64xf32>,
    %swap3A_388 = arith.constant 928 : index
    %swap3A_389 = arith.constant 320 : index
    %swap3A_390 = vector.load %arg8[%swap3A_388, %swap3A_389] : memref<1056x384xf32, #tpu.memory_space<vmem>>, vector<32x64xf32>
    tpu.vector_store %arg8[%swap3A_388, %swap3A_389], %add3A_43 {strides = array<i32>} : memref<1056x384xf32, #tpu.memory_space<vmem>>, vector<32x64xf32>,
    %slice3A_391 = vector.extract_strided_slice %add3A {offsets = [29, 0], sizes = [1, 256], strides = [1, 1]} : vector<32x256xf32> to vector<1x256xf32>
    %add3A_392 = vector.broadcast %slice3A_391 : vector<1x256xf32> to vector<32x256xf32>
    %add3A_393 = arith.addf %get3A_9, %add3A_392 : vector<32x256xf32>
    %swap3A_394 = arith.constant 960 : index
    %swap3A_395 = arith.constant 0 : index
    %swap3A_396 = vector.load %arg8[%swap3A_394, %swap3A_395] : memref<1056x384xf32, #tpu.memory_space<vmem>>, vector<32x256xf32>
    tpu.vector_store %arg8[%swap3A_394, %swap3A_395], %add3A_393 {strides = array<i32>} : memref<1056x384xf32, #tpu.memory_space<vmem>>, vector<32x256xf32>,
    %swap3A_397 = arith.constant 960 : index
    %swap3A_398 = arith.constant 256 : index
    %swap3A_399 = vector.load %arg8[%swap3A_397, %swap3A_398] : memref<1056x384xf32, #tpu.memory_space<vmem>>, vector<32x64xf32>
    tpu.vector_store %arg8[%swap3A_397, %swap3A_398], %sin3A {strides = array<i32>} : memref<1056x384xf32, #tpu.memory_space<vmem>>, vector<32x64xf32>,
    %swap3A_400 = arith.constant 960 : index
    %swap3A_401 = arith.constant 320 : index
    %swap3A_402 = vector.load %arg8[%swap3A_400, %swap3A_401] : memref<1056x384xf32, #tpu.memory_space<vmem>>, vector<32x64xf32>
    tpu.vector_store %arg8[%swap3A_400, %swap3A_401], %add3A_43 {strides = array<i32>} : memref<1056x384xf32, #tpu.memory_space<vmem>>, vector<32x64xf32>,
    %slice3A_403 = vector.extract_strided_slice %add3A {offsets = [30, 0], sizes = [1, 256], strides = [1, 1]} : vector<32x256xf32> to vector<1x256xf32>
    %add3A_404 = vector.broadcast %slice3A_403 : vector<1x256xf32> to vector<32x256xf32>
    %add3A_405 = arith.addf %get3A_9, %add3A_404 : vector<32x256xf32>
    %swap3A_406 = arith.constant 992 : index
    %swap3A_407 = arith.constant 0 : index
    %swap3A_408 = vector.load %arg8[%swap3A_406, %swap3A_407] : memref<1056x384xf32, #tpu.memory_space<vmem>>, vector<32x256xf32>
    tpu.vector_store %arg8[%swap3A_406, %swap3A_407], %add3A_405 {strides = array<i32>} : memref<1056x384xf32, #tpu.memory_space<vmem>>, vector<32x256xf32>,
    %swap3A_409 = arith.constant 992 : index
    %swap3A_410 = arith.constant 256 : index
    %swap3A_411 = vector.load %arg8[%swap3A_409, %swap3A_410] : memref<1056x384xf32, #tpu.memory_space<vmem>>, vector<32x64xf32>
    tpu.vector_store %arg8[%swap3A_409, %swap3A_410], %sin3A {strides = array<i32>} : memref<1056x384xf32, #tpu.memory_space<vmem>>, vector<32x64xf32>,
    %swap3A_412 = arith.constant 992 : index
    %swap3A_413 = arith.constant 320 : index
    %swap3A_414 = vector.load %arg8[%swap3A_412, %swap3A_413] : memref<1056x384xf32, #tpu.memory_space<vmem>>, vector<32x64xf32>
    tpu.vector_store %arg8[%swap3A_412, %swap3A_413], %add3A_43 {strides = array<i32>} : memref<1056x384xf32, #tpu.memory_space<vmem>>, vector<32x64xf32>,
    %slice3A_415 = vector.extract_strided_slice %add3A {offsets = [31, 0], sizes = [1, 256], strides = [1, 1]} : vector<32x256xf32> to vector<1x256xf32>
    %add3A_416 = vector.broadcast %slice3A_415 : vector<1x256xf32> to vector<32x256xf32>
    %add3A_417 = arith.addf %get3A_9, %add3A_416 : vector<32x256xf32>
    %swap3A_418 = arith.constant 1024 : index
    %swap3A_419 = arith.constant 0 : index
    %swap3A_420 = vector.load %arg8[%swap3A_418, %swap3A_419] : memref<1056x384xf32, #tpu.memory_space<vmem>>, vector<32x256xf32>
    tpu.vector_store %arg8[%swap3A_418, %swap3A_419], %add3A_417 {strides = array<i32>} : memref<1056x384xf32, #tpu.memory_space<vmem>>, vector<32x256xf32>,
    %swap3A_421 = arith.constant 1024 : index
    %swap3A_422 = arith.constant 256 : index
    %swap3A_423 = vector.load %arg8[%swap3A_421, %swap3A_422] : memref<1056x384xf32, #tpu.memory_space<vmem>>, vector<32x64xf32>
    tpu.vector_store %arg8[%swap3A_421, %swap3A_422], %sin3A {strides = array<i32>} : memref<1056x384xf32, #tpu.memory_space<vmem>>, vector<32x64xf32>,
    %swap3A_424 = arith.constant 1024 : index
    %swap3A_425 = arith.constant 320 : index
    %swap3A_426 = vector.load %arg8[%swap3A_424, %swap3A_425] : memref<1056x384xf32, #tpu.memory_space<vmem>>, vector<32x64xf32>
    tpu.vector_store %arg8[%swap3A_424, %swap3A_425], %add3A_43 {strides = array<i32>} : memref<1056x384xf32, #tpu.memory_space<vmem>>, vector<32x64xf32>,
    return
  }
  func.func @transform_0(%arg0: i32) -> (i32, i32) {
    %c0_i32 = arith.constant 0 : i32
    %c0_i32_0 = arith.constant 0 : i32
    %c0_i32_1 = arith.constant 0 : i32
    return %c0_i32, %c0_i32_0 : i32, i32
  }
  func.func @transform_1(%arg0: i32) -> (i32, i32) {
    %c0_i32 = arith.constant 0 : i32
    %c0_i32_0 = arith.constant 0 : i32
    %c0_i32_1 = arith.constant 0 : i32
    return %c0_i32, %c0_i32_0 : i32, i32
  }
  func.func @transform_2(%arg0: i32) -> (i32, i32) {
    %c0_i32 = arith.constant 0 : i32
    %c0_i32_0 = arith.constant 0 : i32
    %c0_i32_1 = arith.constant 0 : i32
    return %c0_i32, %c0_i32_0 : i32, i32
  }
  func.func @transform_3(%arg0: i32) -> (i32, i32) {
    %c0_i32 = arith.constant 0 : i32
    %c0_i32_0 = arith.constant 0 : i32
    %c0_i32_1 = arith.constant 0 : i32
    return %c0_i32, %c0_i32_0 : i32, i32
  }
  func.func @transform_4(%arg0: i32) -> (i32, i32) {
    %c0_i32 = arith.constant 0 : i32
    %c0_i32_0 = arith.constant 0 : i32
    %c0_i32_1 = arith.constant 0 : i32
    return %c0_i32, %c0_i32_0 : i32, i32
  }
  func.func @transform_5(%arg0: i32) -> (i32, i32) {
    %c0_i32 = arith.constant 0 : i32
    %c0_i32_0 = arith.constant 0 : i32
    %c0_i32_1 = arith.constant 0 : i32
    return %c0_i32, %c0_i32_0 : i32, i32
  }
  func.func @transform_6(%arg0: i32) -> (i32, i32) {
    %c0_i32 = arith.constant 0 : i32
    %c0_i32_0 = arith.constant 0 : i32
    %c0_i32_1 = arith.constant 0 : i32
    return %c0_i32, %c0_i32_0 : i32, i32
  }
  func.func @transform_7(%arg0: i32) -> (i32, i32) {
    %c0_i32 = arith.constant 0 : i32
    %c0_i32_0 = arith.constant 0 : i32
    %c0_i32_1 = arith.constant 0 : i32
    return %c0_i32, %c0_i32_0 : i32, i32
  }
}

module attributes {stable_mosaic.version = 14 : i64} {
  func.func @_suffix_kernel(%arg0: i32, %arg1: memref<32768x512xf32, #tpu.memory_space<any>>, %arg2: memref<1x512xf32, #tpu.memory_space<vmem>>, %arg3: memref<64x512xi32, #tpu.memory_space<vmem>>, %arg4: memref<28xf32, #tpu.memory_space<smem>>, %arg5: memref<1x64xf32, #tpu.memory_space<vmem>>, %arg6: memref<1024x128xf32, #tpu.memory_space<vmem>>, %arg7: memref<512x64xf32, #tpu.memory_space<vmem>>, %arg8: memref<64x512xf32, #tpu.memory_space<vmem>>) attributes {dimension_semantics = [#tpu.dimension_semantics<arbitrary>], iteration_bounds = array<i64: 32>, scalar_prefetch = 0 : i64, scratch_operands = 2 : i64, tpu.core_type = #tpu.core_type<tc>, window_params = [{}, {pipeline_mode = #tpu.pipeline_mode<synchronous>, transform_indices = @transform_1, window_bounds = array<i64: 1, 512>}, {pipeline_mode = #tpu.pipeline_mode<synchronous>, transform_indices = @transform_2, window_bounds = array<i64: 64, 512>}, {transform_indices = @transform_3, window_bounds = array<i64: 28>}, {pipeline_mode = #tpu.pipeline_mode<synchronous>, transform_indices = @transform_4, window_bounds = array<i64: 1, 64>}, {transform_indices = @transform_5, window_bounds = array<i64: 1024, 128>}]} {
    %eq3A = arith.constant 0 : i32
    %eq3A_0 = arith.cmpi eq, %arg0, %eq3A : i32
    %convert_element_type3A = arith.extui %eq3A_0 : i1 to i32
    %cond3A = arith.constant 0 : i32
    %cond3A_1 = arith.cmpi ne, %convert_element_type3A, %cond3A : i32
    scf.if %cond3A_1 {
      %get3A_37 = arith.constant 0 : index
      %get3A_38 = arith.constant 0 : index
      %get3A_39 = vector.load %arg3[%get3A_37, %get3A_38] : memref<64x512xi32, #tpu.memory_space<vmem>>, vector<64x512xi32>
      %broadcast_in_dim3A_40 = arith.constant 0.000000e+00 : f32
      %broadcast_in_dim3A_41 = vector.broadcast %broadcast_in_dim3A_40 : f32 to vector<64x512xf32>
      %eq3A_42 = arith.constant 0 : i32
      %eq3A_43 = vector.broadcast %eq3A_42 : i32 to vector<64x512xi32>
      %eq3A_44 = arith.cmpi eq, %get3A_39, %eq3A_43 : vector<64x512xi32>
      %get3A_45 = arith.constant 0 : index
      %get3A_46 = memref.load %arg4[%get3A_45] : memref<28xf32, #tpu.memory_space<smem>>
      %broadcast_in_dim3A_47 = vector.broadcast %get3A_46 : f32 to vector<64x512xf32>
      %select_n3A_48 = arith.select %eq3A_44, %broadcast_in_dim3A_47, %broadcast_in_dim3A_41 : vector<64x512xi1>, vector<64x512xf32>
      %eq3A_49 = arith.constant 1 : i32
      %eq3A_50 = vector.broadcast %eq3A_49 : i32 to vector<64x512xi32>
      %eq3A_51 = arith.cmpi eq, %get3A_39, %eq3A_50 : vector<64x512xi32>
      %get3A_52 = arith.constant 1 : index
      %get3A_53 = memref.load %arg4[%get3A_52] : memref<28xf32, #tpu.memory_space<smem>>
      %broadcast_in_dim3A_54 = vector.broadcast %get3A_53 : f32 to vector<64x512xf32>
      %select_n3A_55 = arith.select %eq3A_51, %broadcast_in_dim3A_54, %select_n3A_48 : vector<64x512xi1>, vector<64x512xf32>
      %eq3A_56 = arith.constant 2 : i32
      %eq3A_57 = vector.broadcast %eq3A_56 : i32 to vector<64x512xi32>
      %eq3A_58 = arith.cmpi eq, %get3A_39, %eq3A_57 : vector<64x512xi32>
      %get3A_59 = arith.constant 2 : index
      %get3A_60 = memref.load %arg4[%get3A_59] : memref<28xf32, #tpu.memory_space<smem>>
      %broadcast_in_dim3A_61 = vector.broadcast %get3A_60 : f32 to vector<64x512xf32>
      %select_n3A_62 = arith.select %eq3A_58, %broadcast_in_dim3A_61, %select_n3A_55 : vector<64x512xi1>, vector<64x512xf32>
      %eq3A_63 = arith.constant 3 : i32
      %eq3A_64 = vector.broadcast %eq3A_63 : i32 to vector<64x512xi32>
      %eq3A_65 = arith.cmpi eq, %get3A_39, %eq3A_64 : vector<64x512xi32>
      %get3A_66 = arith.constant 3 : index
      %get3A_67 = memref.load %arg4[%get3A_66] : memref<28xf32, #tpu.memory_space<smem>>
      %broadcast_in_dim3A_68 = vector.broadcast %get3A_67 : f32 to vector<64x512xf32>
      %select_n3A_69 = arith.select %eq3A_65, %broadcast_in_dim3A_68, %select_n3A_62 : vector<64x512xi1>, vector<64x512xf32>
      %eq3A_70 = arith.constant 4 : i32
      %eq3A_71 = vector.broadcast %eq3A_70 : i32 to vector<64x512xi32>
      %eq3A_72 = arith.cmpi eq, %get3A_39, %eq3A_71 : vector<64x512xi32>
      %get3A_73 = arith.constant 4 : index
      %get3A_74 = memref.load %arg4[%get3A_73] : memref<28xf32, #tpu.memory_space<smem>>
      %broadcast_in_dim3A_75 = vector.broadcast %get3A_74 : f32 to vector<64x512xf32>
      %select_n3A_76 = arith.select %eq3A_72, %broadcast_in_dim3A_75, %select_n3A_69 : vector<64x512xi1>, vector<64x512xf32>
      %eq3A_77 = arith.constant 5 : i32
      %eq3A_78 = vector.broadcast %eq3A_77 : i32 to vector<64x512xi32>
      %eq3A_79 = arith.cmpi eq, %get3A_39, %eq3A_78 : vector<64x512xi32>
      %get3A_80 = arith.constant 5 : index
      %get3A_81 = memref.load %arg4[%get3A_80] : memref<28xf32, #tpu.memory_space<smem>>
      %broadcast_in_dim3A_82 = vector.broadcast %get3A_81 : f32 to vector<64x512xf32>
      %select_n3A_83 = arith.select %eq3A_79, %broadcast_in_dim3A_82, %select_n3A_76 : vector<64x512xi1>, vector<64x512xf32>
      %eq3A_84 = arith.constant 6 : i32
      %eq3A_85 = vector.broadcast %eq3A_84 : i32 to vector<64x512xi32>
      %eq3A_86 = arith.cmpi eq, %get3A_39, %eq3A_85 : vector<64x512xi32>
      %get3A_87 = arith.constant 6 : index
      %get3A_88 = memref.load %arg4[%get3A_87] : memref<28xf32, #tpu.memory_space<smem>>
      %broadcast_in_dim3A_89 = vector.broadcast %get3A_88 : f32 to vector<64x512xf32>
      %select_n3A_90 = arith.select %eq3A_86, %broadcast_in_dim3A_89, %select_n3A_83 : vector<64x512xi1>, vector<64x512xf32>
      %eq3A_91 = arith.constant 7 : i32
      %eq3A_92 = vector.broadcast %eq3A_91 : i32 to vector<64x512xi32>
      %eq3A_93 = arith.cmpi eq, %get3A_39, %eq3A_92 : vector<64x512xi32>
      %get3A_94 = arith.constant 7 : index
      %get3A_95 = memref.load %arg4[%get3A_94] : memref<28xf32, #tpu.memory_space<smem>>
      %broadcast_in_dim3A_96 = vector.broadcast %get3A_95 : f32 to vector<64x512xf32>
      %select_n3A_97 = arith.select %eq3A_93, %broadcast_in_dim3A_96, %select_n3A_90 : vector<64x512xi1>, vector<64x512xf32>
      %eq3A_98 = arith.constant 8 : i32
      %eq3A_99 = vector.broadcast %eq3A_98 : i32 to vector<64x512xi32>
      %eq3A_100 = arith.cmpi eq, %get3A_39, %eq3A_99 : vector<64x512xi32>
      %get3A_101 = arith.constant 8 : index
      %get3A_102 = memref.load %arg4[%get3A_101] : memref<28xf32, #tpu.memory_space<smem>>
      %broadcast_in_dim3A_103 = vector.broadcast %get3A_102 : f32 to vector<64x512xf32>
      %select_n3A_104 = arith.select %eq3A_100, %broadcast_in_dim3A_103, %select_n3A_97 : vector<64x512xi1>, vector<64x512xf32>
      %eq3A_105 = arith.constant 9 : i32
      %eq3A_106 = vector.broadcast %eq3A_105 : i32 to vector<64x512xi32>
      %eq3A_107 = arith.cmpi eq, %get3A_39, %eq3A_106 : vector<64x512xi32>
      %get3A_108 = arith.constant 9 : index
      %get3A_109 = memref.load %arg4[%get3A_108] : memref<28xf32, #tpu.memory_space<smem>>
      %broadcast_in_dim3A_110 = vector.broadcast %get3A_109 : f32 to vector<64x512xf32>
      %select_n3A_111 = arith.select %eq3A_107, %broadcast_in_dim3A_110, %select_n3A_104 : vector<64x512xi1>, vector<64x512xf32>
      %eq3A_112 = arith.constant 10 : i32
      %eq3A_113 = vector.broadcast %eq3A_112 : i32 to vector<64x512xi32>
      %eq3A_114 = arith.cmpi eq, %get3A_39, %eq3A_113 : vector<64x512xi32>
      %get3A_115 = arith.constant 10 : index
      %get3A_116 = memref.load %arg4[%get3A_115] : memref<28xf32, #tpu.memory_space<smem>>
      %broadcast_in_dim3A_117 = vector.broadcast %get3A_116 : f32 to vector<64x512xf32>
      %select_n3A_118 = arith.select %eq3A_114, %broadcast_in_dim3A_117, %select_n3A_111 : vector<64x512xi1>, vector<64x512xf32>
      %eq3A_119 = arith.constant 11 : i32
      %eq3A_120 = vector.broadcast %eq3A_119 : i32 to vector<64x512xi32>
      %eq3A_121 = arith.cmpi eq, %get3A_39, %eq3A_120 : vector<64x512xi32>
      %get3A_122 = arith.constant 11 : index
      %get3A_123 = memref.load %arg4[%get3A_122] : memref<28xf32, #tpu.memory_space<smem>>
      %broadcast_in_dim3A_124 = vector.broadcast %get3A_123 : f32 to vector<64x512xf32>
      %select_n3A_125 = arith.select %eq3A_121, %broadcast_in_dim3A_124, %select_n3A_118 : vector<64x512xi1>, vector<64x512xf32>
      %eq3A_126 = arith.constant 12 : i32
      %eq3A_127 = vector.broadcast %eq3A_126 : i32 to vector<64x512xi32>
      %eq3A_128 = arith.cmpi eq, %get3A_39, %eq3A_127 : vector<64x512xi32>
      %get3A_129 = arith.constant 12 : index
      %get3A_130 = memref.load %arg4[%get3A_129] : memref<28xf32, #tpu.memory_space<smem>>
      %broadcast_in_dim3A_131 = vector.broadcast %get3A_130 : f32 to vector<64x512xf32>
      %select_n3A_132 = arith.select %eq3A_128, %broadcast_in_dim3A_131, %select_n3A_125 : vector<64x512xi1>, vector<64x512xf32>
      %eq3A_133 = arith.constant 13 : i32
      %eq3A_134 = vector.broadcast %eq3A_133 : i32 to vector<64x512xi32>
      %eq3A_135 = arith.cmpi eq, %get3A_39, %eq3A_134 : vector<64x512xi32>
      %get3A_136 = arith.constant 13 : index
      %get3A_137 = memref.load %arg4[%get3A_136] : memref<28xf32, #tpu.memory_space<smem>>
      %broadcast_in_dim3A_138 = vector.broadcast %get3A_137 : f32 to vector<64x512xf32>
      %select_n3A_139 = arith.select %eq3A_135, %broadcast_in_dim3A_138, %select_n3A_132 : vector<64x512xi1>, vector<64x512xf32>
      %eq3A_140 = arith.constant 14 : i32
      %eq3A_141 = vector.broadcast %eq3A_140 : i32 to vector<64x512xi32>
      %eq3A_142 = arith.cmpi eq, %get3A_39, %eq3A_141 : vector<64x512xi32>
      %get3A_143 = arith.constant 14 : index
      %get3A_144 = memref.load %arg4[%get3A_143] : memref<28xf32, #tpu.memory_space<smem>>
      %broadcast_in_dim3A_145 = vector.broadcast %get3A_144 : f32 to vector<64x512xf32>
      %select_n3A_146 = arith.select %eq3A_142, %broadcast_in_dim3A_145, %select_n3A_139 : vector<64x512xi1>, vector<64x512xf32>
      %eq3A_147 = arith.constant 15 : i32
      %eq3A_148 = vector.broadcast %eq3A_147 : i32 to vector<64x512xi32>
      %eq3A_149 = arith.cmpi eq, %get3A_39, %eq3A_148 : vector<64x512xi32>
      %get3A_150 = arith.constant 15 : index
      %get3A_151 = memref.load %arg4[%get3A_150] : memref<28xf32, #tpu.memory_space<smem>>
      %broadcast_in_dim3A_152 = vector.broadcast %get3A_151 : f32 to vector<64x512xf32>
      %select_n3A_153 = arith.select %eq3A_149, %broadcast_in_dim3A_152, %select_n3A_146 : vector<64x512xi1>, vector<64x512xf32>
      %eq3A_154 = arith.constant 16 : i32
      %eq3A_155 = vector.broadcast %eq3A_154 : i32 to vector<64x512xi32>
      %eq3A_156 = arith.cmpi eq, %get3A_39, %eq3A_155 : vector<64x512xi32>
      %get3A_157 = arith.constant 16 : index
      %get3A_158 = memref.load %arg4[%get3A_157] : memref<28xf32, #tpu.memory_space<smem>>
      %broadcast_in_dim3A_159 = vector.broadcast %get3A_158 : f32 to vector<64x512xf32>
      %select_n3A_160 = arith.select %eq3A_156, %broadcast_in_dim3A_159, %select_n3A_153 : vector<64x512xi1>, vector<64x512xf32>
      %eq3A_161 = arith.constant 17 : i32
      %eq3A_162 = vector.broadcast %eq3A_161 : i32 to vector<64x512xi32>
      %eq3A_163 = arith.cmpi eq, %get3A_39, %eq3A_162 : vector<64x512xi32>
      %get3A_164 = arith.constant 17 : index
      %get3A_165 = memref.load %arg4[%get3A_164] : memref<28xf32, #tpu.memory_space<smem>>
      %broadcast_in_dim3A_166 = vector.broadcast %get3A_165 : f32 to vector<64x512xf32>
      %select_n3A_167 = arith.select %eq3A_163, %broadcast_in_dim3A_166, %select_n3A_160 : vector<64x512xi1>, vector<64x512xf32>
      %eq3A_168 = arith.constant 18 : i32
      %eq3A_169 = vector.broadcast %eq3A_168 : i32 to vector<64x512xi32>
      %eq3A_170 = arith.cmpi eq, %get3A_39, %eq3A_169 : vector<64x512xi32>
      %get3A_171 = arith.constant 18 : index
      %get3A_172 = memref.load %arg4[%get3A_171] : memref<28xf32, #tpu.memory_space<smem>>
      %broadcast_in_dim3A_173 = vector.broadcast %get3A_172 : f32 to vector<64x512xf32>
      %select_n3A_174 = arith.select %eq3A_170, %broadcast_in_dim3A_173, %select_n3A_167 : vector<64x512xi1>, vector<64x512xf32>
      %eq3A_175 = arith.constant 19 : i32
      %eq3A_176 = vector.broadcast %eq3A_175 : i32 to vector<64x512xi32>
      %eq3A_177 = arith.cmpi eq, %get3A_39, %eq3A_176 : vector<64x512xi32>
      %get3A_178 = arith.constant 19 : index
      %get3A_179 = memref.load %arg4[%get3A_178] : memref<28xf32, #tpu.memory_space<smem>>
      %broadcast_in_dim3A_180 = vector.broadcast %get3A_179 : f32 to vector<64x512xf32>
      %select_n3A_181 = arith.select %eq3A_177, %broadcast_in_dim3A_180, %select_n3A_174 : vector<64x512xi1>, vector<64x512xf32>
      %eq3A_182 = arith.constant 20 : i32
      %eq3A_183 = vector.broadcast %eq3A_182 : i32 to vector<64x512xi32>
      %eq3A_184 = arith.cmpi eq, %get3A_39, %eq3A_183 : vector<64x512xi32>
      %get3A_185 = arith.constant 20 : index
      %get3A_186 = memref.load %arg4[%get3A_185] : memref<28xf32, #tpu.memory_space<smem>>
      %broadcast_in_dim3A_187 = vector.broadcast %get3A_186 : f32 to vector<64x512xf32>
      %select_n3A_188 = arith.select %eq3A_184, %broadcast_in_dim3A_187, %select_n3A_181 : vector<64x512xi1>, vector<64x512xf32>
      %eq3A_189 = arith.constant 21 : i32
      %eq3A_190 = vector.broadcast %eq3A_189 : i32 to vector<64x512xi32>
      %eq3A_191 = arith.cmpi eq, %get3A_39, %eq3A_190 : vector<64x512xi32>
      %get3A_192 = arith.constant 21 : index
      %get3A_193 = memref.load %arg4[%get3A_192] : memref<28xf32, #tpu.memory_space<smem>>
      %broadcast_in_dim3A_194 = vector.broadcast %get3A_193 : f32 to vector<64x512xf32>
      %select_n3A_195 = arith.select %eq3A_191, %broadcast_in_dim3A_194, %select_n3A_188 : vector<64x512xi1>, vector<64x512xf32>
      %eq3A_196 = arith.constant 22 : i32
      %eq3A_197 = vector.broadcast %eq3A_196 : i32 to vector<64x512xi32>
      %eq3A_198 = arith.cmpi eq, %get3A_39, %eq3A_197 : vector<64x512xi32>
      %get3A_199 = arith.constant 22 : index
      %get3A_200 = memref.load %arg4[%get3A_199] : memref<28xf32, #tpu.memory_space<smem>>
      %broadcast_in_dim3A_201 = vector.broadcast %get3A_200 : f32 to vector<64x512xf32>
      %select_n3A_202 = arith.select %eq3A_198, %broadcast_in_dim3A_201, %select_n3A_195 : vector<64x512xi1>, vector<64x512xf32>
      %eq3A_203 = arith.constant 23 : i32
      %eq3A_204 = vector.broadcast %eq3A_203 : i32 to vector<64x512xi32>
      %eq3A_205 = arith.cmpi eq, %get3A_39, %eq3A_204 : vector<64x512xi32>
      %get3A_206 = arith.constant 23 : index
      %get3A_207 = memref.load %arg4[%get3A_206] : memref<28xf32, #tpu.memory_space<smem>>
      %broadcast_in_dim3A_208 = vector.broadcast %get3A_207 : f32 to vector<64x512xf32>
      %select_n3A_209 = arith.select %eq3A_205, %broadcast_in_dim3A_208, %select_n3A_202 : vector<64x512xi1>, vector<64x512xf32>
      %eq3A_210 = arith.constant 24 : i32
      %eq3A_211 = vector.broadcast %eq3A_210 : i32 to vector<64x512xi32>
      %eq3A_212 = arith.cmpi eq, %get3A_39, %eq3A_211 : vector<64x512xi32>
      %get3A_213 = arith.constant 24 : index
      %get3A_214 = memref.load %arg4[%get3A_213] : memref<28xf32, #tpu.memory_space<smem>>
      %broadcast_in_dim3A_215 = vector.broadcast %get3A_214 : f32 to vector<64x512xf32>
      %select_n3A_216 = arith.select %eq3A_212, %broadcast_in_dim3A_215, %select_n3A_209 : vector<64x512xi1>, vector<64x512xf32>
      %eq3A_217 = arith.constant 25 : i32
      %eq3A_218 = vector.broadcast %eq3A_217 : i32 to vector<64x512xi32>
      %eq3A_219 = arith.cmpi eq, %get3A_39, %eq3A_218 : vector<64x512xi32>
      %get3A_220 = arith.constant 25 : index
      %get3A_221 = memref.load %arg4[%get3A_220] : memref<28xf32, #tpu.memory_space<smem>>
      %broadcast_in_dim3A_222 = vector.broadcast %get3A_221 : f32 to vector<64x512xf32>
      %select_n3A_223 = arith.select %eq3A_219, %broadcast_in_dim3A_222, %select_n3A_216 : vector<64x512xi1>, vector<64x512xf32>
      %eq3A_224 = arith.constant 26 : i32
      %eq3A_225 = vector.broadcast %eq3A_224 : i32 to vector<64x512xi32>
      %eq3A_226 = arith.cmpi eq, %get3A_39, %eq3A_225 : vector<64x512xi32>
      %get3A_227 = arith.constant 26 : index
      %get3A_228 = memref.load %arg4[%get3A_227] : memref<28xf32, #tpu.memory_space<smem>>
      %broadcast_in_dim3A_229 = vector.broadcast %get3A_228 : f32 to vector<64x512xf32>
      %select_n3A_230 = arith.select %eq3A_226, %broadcast_in_dim3A_229, %select_n3A_223 : vector<64x512xi1>, vector<64x512xf32>
      %eq3A_231 = arith.constant 27 : i32
      %eq3A_232 = vector.broadcast %eq3A_231 : i32 to vector<64x512xi32>
      %eq3A_233 = arith.cmpi eq, %get3A_39, %eq3A_232 : vector<64x512xi32>
      %get3A_234 = arith.constant 27 : index
      %get3A_235 = memref.load %arg4[%get3A_234] : memref<28xf32, #tpu.memory_space<smem>>
      %broadcast_in_dim3A_236 = vector.broadcast %get3A_235 : f32 to vector<64x512xf32>
      %select_n3A_237 = arith.select %eq3A_233, %broadcast_in_dim3A_236, %select_n3A_230 : vector<64x512xi1>, vector<64x512xf32>
      %swap3A_238 = arith.constant 0 : index
      %swap3A_239 = arith.constant 0 : index
      %swap3A_240 = vector.load %arg8[%swap3A_238, %swap3A_239] : memref<64x512xf32, #tpu.memory_space<vmem>>, vector<64x512xf32>
      tpu.vector_store %arg8[%swap3A_238, %swap3A_239], %select_n3A_237 {strides = array<i32>} : memref<64x512xf32, #tpu.memory_space<vmem>>, vector<64x512xf32>,
      %scan3A = arith.constant 1 : i32
      %get3A_241 = arith.index_cast %scan3A : i32 to index
      %get3A_242 = arith.constant 0 : index
      %get3A_243 = vector.load %arg8[%get3A_241, %get3A_242] : memref<64x512xf32, #tpu.memory_space<vmem>>, vector<1x512xf32>
      %sub3A = arith.constant 1 : i32
      %sub3A_244 = arith.subi %scan3A, %sub3A : i32
      %get3A_245 = arith.index_cast %sub3A_244 : i32 to index
      %get3A_246 = arith.constant 0 : index
      %get3A_247 = vector.load %arg8[%get3A_245, %get3A_246] : memref<64x512xf32, #tpu.memory_space<vmem>>, vector<1x512xf32>
      %add3A_248 = arith.addf %get3A_243, %get3A_247 : vector<1x512xf32>
      %swap3A_249 = arith.index_cast %scan3A : i32 to index
      %swap3A_250 = arith.constant 0 : index
      %swap3A_251 = vector.load %arg8[%swap3A_249, %swap3A_250] : memref<64x512xf32, #tpu.memory_space<vmem>>, vector<1x512xf32>
      tpu.vector_store %arg8[%swap3A_249, %swap3A_250], %add3A_248 {strides = array<i32>} : memref<64x512xf32, #tpu.memory_space<vmem>>, vector<1x512xf32>,
      %scan3A_252 = arith.constant 2 : i32
      %get3A_253 = arith.index_cast %scan3A_252 : i32 to index
      %get3A_254 = arith.constant 0 : index
      %get3A_255 = vector.load %arg8[%get3A_253, %get3A_254] : memref<64x512xf32, #tpu.memory_space<vmem>>, vector<1x512xf32>
      %sub3A_256 = arith.constant 1 : i32
      %sub3A_257 = arith.subi %scan3A_252, %sub3A_256 : i32
      %get3A_258 = arith.index_cast %sub3A_257 : i32 to index
      %get3A_259 = arith.constant 0 : index
      %get3A_260 = vector.load %arg8[%get3A_258, %get3A_259] : memref<64x512xf32, #tpu.memory_space<vmem>>, vector<1x512xf32>
      %add3A_261 = arith.addf %get3A_255, %get3A_260 : vector<1x512xf32>
      %swap3A_262 = arith.index_cast %scan3A_252 : i32 to index
      %swap3A_263 = arith.constant 0 : index
      %swap3A_264 = vector.load %arg8[%swap3A_262, %swap3A_263] : memref<64x512xf32, #tpu.memory_space<vmem>>, vector<1x512xf32>
      tpu.vector_store %arg8[%swap3A_262, %swap3A_263], %add3A_261 {strides = array<i32>} : memref<64x512xf32, #tpu.memory_space<vmem>>, vector<1x512xf32>,
      %scan3A_265 = arith.constant 3 : i32
      %get3A_266 = arith.index_cast %scan3A_265 : i32 to index
      %get3A_267 = arith.constant 0 : index
      %get3A_268 = vector.load %arg8[%get3A_266, %get3A_267] : memref<64x512xf32, #tpu.memory_space<vmem>>, vector<1x512xf32>
      %sub3A_269 = arith.constant 1 : i32
      %sub3A_270 = arith.subi %scan3A_265, %sub3A_269 : i32
      %get3A_271 = arith.index_cast %sub3A_270 : i32 to index
      %get3A_272 = arith.constant 0 : index
      %get3A_273 = vector.load %arg8[%get3A_271, %get3A_272] : memref<64x512xf32, #tpu.memory_space<vmem>>, vector<1x512xf32>
      %add3A_274 = arith.addf %get3A_268, %get3A_273 : vector<1x512xf32>
      %swap3A_275 = arith.index_cast %scan3A_265 : i32 to index
      %swap3A_276 = arith.constant 0 : index
      %swap3A_277 = vector.load %arg8[%swap3A_275, %swap3A_276] : memref<64x512xf32, #tpu.memory_space<vmem>>, vector<1x512xf32>
      tpu.vector_store %arg8[%swap3A_275, %swap3A_276], %add3A_274 {strides = array<i32>} : memref<64x512xf32, #tpu.memory_space<vmem>>, vector<1x512xf32>,
      %scan3A_278 = arith.constant 4 : i32
      %get3A_279 = arith.index_cast %scan3A_278 : i32 to index
      %get3A_280 = arith.constant 0 : index
      %get3A_281 = vector.load %arg8[%get3A_279, %get3A_280] : memref<64x512xf32, #tpu.memory_space<vmem>>, vector<1x512xf32>
      %sub3A_282 = arith.constant 1 : i32
      %sub3A_283 = arith.subi %scan3A_278, %sub3A_282 : i32
      %get3A_284 = arith.index_cast %sub3A_283 : i32 to index
      %get3A_285 = arith.constant 0 : index
      %get3A_286 = vector.load %arg8[%get3A_284, %get3A_285] : memref<64x512xf32, #tpu.memory_space<vmem>>, vector<1x512xf32>
      %add3A_287 = arith.addf %get3A_281, %get3A_286 : vector<1x512xf32>
      %swap3A_288 = arith.index_cast %scan3A_278 : i32 to index
      %swap3A_289 = arith.constant 0 : index
      %swap3A_290 = vector.load %arg8[%swap3A_288, %swap3A_289] : memref<64x512xf32, #tpu.memory_space<vmem>>, vector<1x512xf32>
      tpu.vector_store %arg8[%swap3A_288, %swap3A_289], %add3A_287 {strides = array<i32>} : memref<64x512xf32, #tpu.memory_space<vmem>>, vector<1x512xf32>,
      %scan3A_291 = arith.constant 5 : i32
      %get3A_292 = arith.index_cast %scan3A_291 : i32 to index
      %get3A_293 = arith.constant 0 : index
      %get3A_294 = vector.load %arg8[%get3A_292, %get3A_293] : memref<64x512xf32, #tpu.memory_space<vmem>>, vector<1x512xf32>
      %sub3A_295 = arith.constant 1 : i32
      %sub3A_296 = arith.subi %scan3A_291, %sub3A_295 : i32
      %get3A_297 = arith.index_cast %sub3A_296 : i32 to index
      %get3A_298 = arith.constant 0 : index
      %get3A_299 = vector.load %arg8[%get3A_297, %get3A_298] : memref<64x512xf32, #tpu.memory_space<vmem>>, vector<1x512xf32>
      %add3A_300 = arith.addf %get3A_294, %get3A_299 : vector<1x512xf32>
      %swap3A_301 = arith.index_cast %scan3A_291 : i32 to index
      %swap3A_302 = arith.constant 0 : index
      %swap3A_303 = vector.load %arg8[%swap3A_301, %swap3A_302] : memref<64x512xf32, #tpu.memory_space<vmem>>, vector<1x512xf32>
      tpu.vector_store %arg8[%swap3A_301, %swap3A_302], %add3A_300 {strides = array<i32>} : memref<64x512xf32, #tpu.memory_space<vmem>>, vector<1x512xf32>,
      %scan3A_304 = arith.constant 6 : i32
      %get3A_305 = arith.index_cast %scan3A_304 : i32 to index
      %get3A_306 = arith.constant 0 : index
      %get3A_307 = vector.load %arg8[%get3A_305, %get3A_306] : memref<64x512xf32, #tpu.memory_space<vmem>>, vector<1x512xf32>
      %sub3A_308 = arith.constant 1 : i32
      %sub3A_309 = arith.subi %scan3A_304, %sub3A_308 : i32
      %get3A_310 = arith.index_cast %sub3A_309 : i32 to index
      %get3A_311 = arith.constant 0 : index
      %get3A_312 = vector.load %arg8[%get3A_310, %get3A_311] : memref<64x512xf32, #tpu.memory_space<vmem>>, vector<1x512xf32>
      %add3A_313 = arith.addf %get3A_307, %get3A_312 : vector<1x512xf32>
      %swap3A_314 = arith.index_cast %scan3A_304 : i32 to index
      %swap3A_315 = arith.constant 0 : index
      %swap3A_316 = vector.load %arg8[%swap3A_314, %swap3A_315] : memref<64x512xf32, #tpu.memory_space<vmem>>, vector<1x512xf32>
      tpu.vector_store %arg8[%swap3A_314, %swap3A_315], %add3A_313 {strides = array<i32>} : memref<64x512xf32, #tpu.memory_space<vmem>>, vector<1x512xf32>,
      %scan3A_317 = arith.constant 7 : i32
      %get3A_318 = arith.index_cast %scan3A_317 : i32 to index
      %get3A_319 = arith.constant 0 : index
      %get3A_320 = vector.load %arg8[%get3A_318, %get3A_319] : memref<64x512xf32, #tpu.memory_space<vmem>>, vector<1x512xf32>
      %sub3A_321 = arith.constant 1 : i32
      %sub3A_322 = arith.subi %scan3A_317, %sub3A_321 : i32
      %get3A_323 = arith.index_cast %sub3A_322 : i32 to index
      %get3A_324 = arith.constant 0 : index
      %get3A_325 = vector.load %arg8[%get3A_323, %get3A_324] : memref<64x512xf32, #tpu.memory_space<vmem>>, vector<1x512xf32>
      %add3A_326 = arith.addf %get3A_320, %get3A_325 : vector<1x512xf32>
      %swap3A_327 = arith.index_cast %scan3A_317 : i32 to index
      %swap3A_328 = arith.constant 0 : index
      %swap3A_329 = vector.load %arg8[%swap3A_327, %swap3A_328] : memref<64x512xf32, #tpu.memory_space<vmem>>, vector<1x512xf32>
      tpu.vector_store %arg8[%swap3A_327, %swap3A_328], %add3A_326 {strides = array<i32>} : memref<64x512xf32, #tpu.memory_space<vmem>>, vector<1x512xf32>,
      %scan3A_330 = arith.constant 8 : i32
      %get3A_331 = arith.index_cast %scan3A_330 : i32 to index
      %get3A_332 = arith.constant 0 : index
      %get3A_333 = vector.load %arg8[%get3A_331, %get3A_332] : memref<64x512xf32, #tpu.memory_space<vmem>>, vector<1x512xf32>
      %sub3A_334 = arith.constant 1 : i32
      %sub3A_335 = arith.subi %scan3A_330, %sub3A_334 : i32
      %get3A_336 = arith.index_cast %sub3A_335 : i32 to index
      %get3A_337 = arith.constant 0 : index
      %get3A_338 = vector.load %arg8[%get3A_336, %get3A_337] : memref<64x512xf32, #tpu.memory_space<vmem>>, vector<1x512xf32>
      %add3A_339 = arith.addf %get3A_333, %get3A_338 : vector<1x512xf32>
      %swap3A_340 = arith.index_cast %scan3A_330 : i32 to index
      %swap3A_341 = arith.constant 0 : index
      %swap3A_342 = vector.load %arg8[%swap3A_340, %swap3A_341] : memref<64x512xf32, #tpu.memory_space<vmem>>, vector<1x512xf32>
      tpu.vector_store %arg8[%swap3A_340, %swap3A_341], %add3A_339 {strides = array<i32>} : memref<64x512xf32, #tpu.memory_space<vmem>>, vector<1x512xf32>,
      %scan3A_343 = arith.constant 9 : i32
      %get3A_344 = arith.index_cast %scan3A_343 : i32 to index
      %get3A_345 = arith.constant 0 : index
      %get3A_346 = vector.load %arg8[%get3A_344, %get3A_345] : memref<64x512xf32, #tpu.memory_space<vmem>>, vector<1x512xf32>
      %sub3A_347 = arith.constant 1 : i32
      %sub3A_348 = arith.subi %scan3A_343, %sub3A_347 : i32
      %get3A_349 = arith.index_cast %sub3A_348 : i32 to index
      %get3A_350 = arith.constant 0 : index
      %get3A_351 = vector.load %arg8[%get3A_349, %get3A_350] : memref<64x512xf32, #tpu.memory_space<vmem>>, vector<1x512xf32>
      %add3A_352 = arith.addf %get3A_346, %get3A_351 : vector<1x512xf32>
      %swap3A_353 = arith.index_cast %scan3A_343 : i32 to index
      %swap3A_354 = arith.constant 0 : index
      %swap3A_355 = vector.load %arg8[%swap3A_353, %swap3A_354] : memref<64x512xf32, #tpu.memory_space<vmem>>, vector<1x512xf32>
      tpu.vector_store %arg8[%swap3A_353, %swap3A_354], %add3A_352 {strides = array<i32>} : memref<64x512xf32, #tpu.memory_space<vmem>>, vector<1x512xf32>,
      %scan3A_356 = arith.constant 10 : i32
      %get3A_357 = arith.index_cast %scan3A_356 : i32 to index
      %get3A_358 = arith.constant 0 : index
      %get3A_359 = vector.load %arg8[%get3A_357, %get3A_358] : memref<64x512xf32, #tpu.memory_space<vmem>>, vector<1x512xf32>
      %sub3A_360 = arith.constant 1 : i32
      %sub3A_361 = arith.subi %scan3A_356, %sub3A_360 : i32
      %get3A_362 = arith.index_cast %sub3A_361 : i32 to index
      %get3A_363 = arith.constant 0 : index
      %get3A_364 = vector.load %arg8[%get3A_362, %get3A_363] : memref<64x512xf32, #tpu.memory_space<vmem>>, vector<1x512xf32>
      %add3A_365 = arith.addf %get3A_359, %get3A_364 : vector<1x512xf32>
      %swap3A_366 = arith.index_cast %scan3A_356 : i32 to index
      %swap3A_367 = arith.constant 0 : index
      %swap3A_368 = vector.load %arg8[%swap3A_366, %swap3A_367] : memref<64x512xf32, #tpu.memory_space<vmem>>, vector<1x512xf32>
      tpu.vector_store %arg8[%swap3A_366, %swap3A_367], %add3A_365 {strides = array<i32>} : memref<64x512xf32, #tpu.memory_space<vmem>>, vector<1x512xf32>,
      %scan3A_369 = arith.constant 11 : i32
      %get3A_370 = arith.index_cast %scan3A_369 : i32 to index
      %get3A_371 = arith.constant 0 : index
      %get3A_372 = vector.load %arg8[%get3A_370, %get3A_371] : memref<64x512xf32, #tpu.memory_space<vmem>>, vector<1x512xf32>
      %sub3A_373 = arith.constant 1 : i32
      %sub3A_374 = arith.subi %scan3A_369, %sub3A_373 : i32
      %get3A_375 = arith.index_cast %sub3A_374 : i32 to index
      %get3A_376 = arith.constant 0 : index
      %get3A_377 = vector.load %arg8[%get3A_375, %get3A_376] : memref<64x512xf32, #tpu.memory_space<vmem>>, vector<1x512xf32>
      %add3A_378 = arith.addf %get3A_372, %get3A_377 : vector<1x512xf32>
      %swap3A_379 = arith.index_cast %scan3A_369 : i32 to index
      %swap3A_380 = arith.constant 0 : index
      %swap3A_381 = vector.load %arg8[%swap3A_379, %swap3A_380] : memref<64x512xf32, #tpu.memory_space<vmem>>, vector<1x512xf32>
      tpu.vector_store %arg8[%swap3A_379, %swap3A_380], %add3A_378 {strides = array<i32>} : memref<64x512xf32, #tpu.memory_space<vmem>>, vector<1x512xf32>,
      %scan3A_382 = arith.constant 12 : i32
      %get3A_383 = arith.index_cast %scan3A_382 : i32 to index
      %get3A_384 = arith.constant 0 : index
      %get3A_385 = vector.load %arg8[%get3A_383, %get3A_384] : memref<64x512xf32, #tpu.memory_space<vmem>>, vector<1x512xf32>
      %sub3A_386 = arith.constant 1 : i32
      %sub3A_387 = arith.subi %scan3A_382, %sub3A_386 : i32
      %get3A_388 = arith.index_cast %sub3A_387 : i32 to index
      %get3A_389 = arith.constant 0 : index
      %get3A_390 = vector.load %arg8[%get3A_388, %get3A_389] : memref<64x512xf32, #tpu.memory_space<vmem>>, vector<1x512xf32>
      %add3A_391 = arith.addf %get3A_385, %get3A_390 : vector<1x512xf32>
      %swap3A_392 = arith.index_cast %scan3A_382 : i32 to index
      %swap3A_393 = arith.constant 0 : index
      %swap3A_394 = vector.load %arg8[%swap3A_392, %swap3A_393] : memref<64x512xf32, #tpu.memory_space<vmem>>, vector<1x512xf32>
      tpu.vector_store %arg8[%swap3A_392, %swap3A_393], %add3A_391 {strides = array<i32>} : memref<64x512xf32, #tpu.memory_space<vmem>>, vector<1x512xf32>,
      %scan3A_395 = arith.constant 13 : i32
      %get3A_396 = arith.index_cast %scan3A_395 : i32 to index
      %get3A_397 = arith.constant 0 : index
      %get3A_398 = vector.load %arg8[%get3A_396, %get3A_397] : memref<64x512xf32, #tpu.memory_space<vmem>>, vector<1x512xf32>
      %sub3A_399 = arith.constant 1 : i32
      %sub3A_400 = arith.subi %scan3A_395, %sub3A_399 : i32
      %get3A_401 = arith.index_cast %sub3A_400 : i32 to index
      %get3A_402 = arith.constant 0 : index
      %get3A_403 = vector.load %arg8[%get3A_401, %get3A_402] : memref<64x512xf32, #tpu.memory_space<vmem>>, vector<1x512xf32>
      %add3A_404 = arith.addf %get3A_398, %get3A_403 : vector<1x512xf32>
      %swap3A_405 = arith.index_cast %scan3A_395 : i32 to index
      %swap3A_406 = arith.constant 0 : index
      %swap3A_407 = vector.load %arg8[%swap3A_405, %swap3A_406] : memref<64x512xf32, #tpu.memory_space<vmem>>, vector<1x512xf32>
      tpu.vector_store %arg8[%swap3A_405, %swap3A_406], %add3A_404 {strides = array<i32>} : memref<64x512xf32, #tpu.memory_space<vmem>>, vector<1x512xf32>,
      %scan3A_408 = arith.constant 14 : i32
      %get3A_409 = arith.index_cast %scan3A_408 : i32 to index
      %get3A_410 = arith.constant 0 : index
      %get3A_411 = vector.load %arg8[%get3A_409, %get3A_410] : memref<64x512xf32, #tpu.memory_space<vmem>>, vector<1x512xf32>
      %sub3A_412 = arith.constant 1 : i32
      %sub3A_413 = arith.subi %scan3A_408, %sub3A_412 : i32
      %get3A_414 = arith.index_cast %sub3A_413 : i32 to index
      %get3A_415 = arith.constant 0 : index
      %get3A_416 = vector.load %arg8[%get3A_414, %get3A_415] : memref<64x512xf32, #tpu.memory_space<vmem>>, vector<1x512xf32>
      %add3A_417 = arith.addf %get3A_411, %get3A_416 : vector<1x512xf32>
      %swap3A_418 = arith.index_cast %scan3A_408 : i32 to index
      %swap3A_419 = arith.constant 0 : index
      %swap3A_420 = vector.load %arg8[%swap3A_418, %swap3A_419] : memref<64x512xf32, #tpu.memory_space<vmem>>, vector<1x512xf32>
      tpu.vector_store %arg8[%swap3A_418, %swap3A_419], %add3A_417 {strides = array<i32>} : memref<64x512xf32, #tpu.memory_space<vmem>>, vector<1x512xf32>,
      %scan3A_421 = arith.constant 15 : i32
      %get3A_422 = arith.index_cast %scan3A_421 : i32 to index
      %get3A_423 = arith.constant 0 : index
      %get3A_424 = vector.load %arg8[%get3A_422, %get3A_423] : memref<64x512xf32, #tpu.memory_space<vmem>>, vector<1x512xf32>
      %sub3A_425 = arith.constant 1 : i32
      %sub3A_426 = arith.subi %scan3A_421, %sub3A_425 : i32
      %get3A_427 = arith.index_cast %sub3A_426 : i32 to index
      %get3A_428 = arith.constant 0 : index
      %get3A_429 = vector.load %arg8[%get3A_427, %get3A_428] : memref<64x512xf32, #tpu.memory_space<vmem>>, vector<1x512xf32>
      %add3A_430 = arith.addf %get3A_424, %get3A_429 : vector<1x512xf32>
      %swap3A_431 = arith.index_cast %scan3A_421 : i32 to index
      %swap3A_432 = arith.constant 0 : index
      %swap3A_433 = vector.load %arg8[%swap3A_431, %swap3A_432] : memref<64x512xf32, #tpu.memory_space<vmem>>, vector<1x512xf32>
      tpu.vector_store %arg8[%swap3A_431, %swap3A_432], %add3A_430 {strides = array<i32>} : memref<64x512xf32, #tpu.memory_space<vmem>>, vector<1x512xf32>,
      %scan3A_434 = arith.constant 16 : i32
      %get3A_435 = arith.index_cast %scan3A_434 : i32 to index
      %get3A_436 = arith.constant 0 : index
      %get3A_437 = vector.load %arg8[%get3A_435, %get3A_436] : memref<64x512xf32, #tpu.memory_space<vmem>>, vector<1x512xf32>
      %sub3A_438 = arith.constant 1 : i32
      %sub3A_439 = arith.subi %scan3A_434, %sub3A_438 : i32
      %get3A_440 = arith.index_cast %sub3A_439 : i32 to index
      %get3A_441 = arith.constant 0 : index
      %get3A_442 = vector.load %arg8[%get3A_440, %get3A_441] : memref<64x512xf32, #tpu.memory_space<vmem>>, vector<1x512xf32>
      %add3A_443 = arith.addf %get3A_437, %get3A_442 : vector<1x512xf32>
      %swap3A_444 = arith.index_cast %scan3A_434 : i32 to index
      %swap3A_445 = arith.constant 0 : index
      %swap3A_446 = vector.load %arg8[%swap3A_444, %swap3A_445] : memref<64x512xf32, #tpu.memory_space<vmem>>, vector<1x512xf32>
      tpu.vector_store %arg8[%swap3A_444, %swap3A_445], %add3A_443 {strides = array<i32>} : memref<64x512xf32, #tpu.memory_space<vmem>>, vector<1x512xf32>,
      %scan3A_447 = arith.constant 17 : i32
      %get3A_448 = arith.index_cast %scan3A_447 : i32 to index
      %get3A_449 = arith.constant 0 : index
      %get3A_450 = vector.load %arg8[%get3A_448, %get3A_449] : memref<64x512xf32, #tpu.memory_space<vmem>>, vector<1x512xf32>
      %sub3A_451 = arith.constant 1 : i32
      %sub3A_452 = arith.subi %scan3A_447, %sub3A_451 : i32
      %get3A_453 = arith.index_cast %sub3A_452 : i32 to index
      %get3A_454 = arith.constant 0 : index
      %get3A_455 = vector.load %arg8[%get3A_453, %get3A_454] : memref<64x512xf32, #tpu.memory_space<vmem>>, vector<1x512xf32>
      %add3A_456 = arith.addf %get3A_450, %get3A_455 : vector<1x512xf32>
      %swap3A_457 = arith.index_cast %scan3A_447 : i32 to index
      %swap3A_458 = arith.constant 0 : index
      %swap3A_459 = vector.load %arg8[%swap3A_457, %swap3A_458] : memref<64x512xf32, #tpu.memory_space<vmem>>, vector<1x512xf32>
      tpu.vector_store %arg8[%swap3A_457, %swap3A_458], %add3A_456 {strides = array<i32>} : memref<64x512xf32, #tpu.memory_space<vmem>>, vector<1x512xf32>,
      %scan3A_460 = arith.constant 18 : i32
      %get3A_461 = arith.index_cast %scan3A_460 : i32 to index
      %get3A_462 = arith.constant 0 : index
      %get3A_463 = vector.load %arg8[%get3A_461, %get3A_462] : memref<64x512xf32, #tpu.memory_space<vmem>>, vector<1x512xf32>
      %sub3A_464 = arith.constant 1 : i32
      %sub3A_465 = arith.subi %scan3A_460, %sub3A_464 : i32
      %get3A_466 = arith.index_cast %sub3A_465 : i32 to index
      %get3A_467 = arith.constant 0 : index
      %get3A_468 = vector.load %arg8[%get3A_466, %get3A_467] : memref<64x512xf32, #tpu.memory_space<vmem>>, vector<1x512xf32>
      %add3A_469 = arith.addf %get3A_463, %get3A_468 : vector<1x512xf32>
      %swap3A_470 = arith.index_cast %scan3A_460 : i32 to index
      %swap3A_471 = arith.constant 0 : index
      %swap3A_472 = vector.load %arg8[%swap3A_470, %swap3A_471] : memref<64x512xf32, #tpu.memory_space<vmem>>, vector<1x512xf32>
      tpu.vector_store %arg8[%swap3A_470, %swap3A_471], %add3A_469 {strides = array<i32>} : memref<64x512xf32, #tpu.memory_space<vmem>>, vector<1x512xf32>,
      %scan3A_473 = arith.constant 19 : i32
      %get3A_474 = arith.index_cast %scan3A_473 : i32 to index
      %get3A_475 = arith.constant 0 : index
      %get3A_476 = vector.load %arg8[%get3A_474, %get3A_475] : memref<64x512xf32, #tpu.memory_space<vmem>>, vector<1x512xf32>
      %sub3A_477 = arith.constant 1 : i32
      %sub3A_478 = arith.subi %scan3A_473, %sub3A_477 : i32
      %get3A_479 = arith.index_cast %sub3A_478 : i32 to index
      %get3A_480 = arith.constant 0 : index
      %get3A_481 = vector.load %arg8[%get3A_479, %get3A_480] : memref<64x512xf32, #tpu.memory_space<vmem>>, vector<1x512xf32>
      %add3A_482 = arith.addf %get3A_476, %get3A_481 : vector<1x512xf32>
      %swap3A_483 = arith.index_cast %scan3A_473 : i32 to index
      %swap3A_484 = arith.constant 0 : index
      %swap3A_485 = vector.load %arg8[%swap3A_483, %swap3A_484] : memref<64x512xf32, #tpu.memory_space<vmem>>, vector<1x512xf32>
      tpu.vector_store %arg8[%swap3A_483, %swap3A_484], %add3A_482 {strides = array<i32>} : memref<64x512xf32, #tpu.memory_space<vmem>>, vector<1x512xf32>,
      %scan3A_486 = arith.constant 20 : i32
      %get3A_487 = arith.index_cast %scan3A_486 : i32 to index
      %get3A_488 = arith.constant 0 : index
      %get3A_489 = vector.load %arg8[%get3A_487, %get3A_488] : memref<64x512xf32, #tpu.memory_space<vmem>>, vector<1x512xf32>
      %sub3A_490 = arith.constant 1 : i32
      %sub3A_491 = arith.subi %scan3A_486, %sub3A_490 : i32
      %get3A_492 = arith.index_cast %sub3A_491 : i32 to index
      %get3A_493 = arith.constant 0 : index
      %get3A_494 = vector.load %arg8[%get3A_492, %get3A_493] : memref<64x512xf32, #tpu.memory_space<vmem>>, vector<1x512xf32>
      %add3A_495 = arith.addf %get3A_489, %get3A_494 : vector<1x512xf32>
      %swap3A_496 = arith.index_cast %scan3A_486 : i32 to index
      %swap3A_497 = arith.constant 0 : index
      %swap3A_498 = vector.load %arg8[%swap3A_496, %swap3A_497] : memref<64x512xf32, #tpu.memory_space<vmem>>, vector<1x512xf32>
      tpu.vector_store %arg8[%swap3A_496, %swap3A_497], %add3A_495 {strides = array<i32>} : memref<64x512xf32, #tpu.memory_space<vmem>>, vector<1x512xf32>,
      %scan3A_499 = arith.constant 21 : i32
      %get3A_500 = arith.index_cast %scan3A_499 : i32 to index
      %get3A_501 = arith.constant 0 : index
      %get3A_502 = vector.load %arg8[%get3A_500, %get3A_501] : memref<64x512xf32, #tpu.memory_space<vmem>>, vector<1x512xf32>
      %sub3A_503 = arith.constant 1 : i32
      %sub3A_504 = arith.subi %scan3A_499, %sub3A_503 : i32
      %get3A_505 = arith.index_cast %sub3A_504 : i32 to index
      %get3A_506 = arith.constant 0 : index
      %get3A_507 = vector.load %arg8[%get3A_505, %get3A_506] : memref<64x512xf32, #tpu.memory_space<vmem>>, vector<1x512xf32>
      %add3A_508 = arith.addf %get3A_502, %get3A_507 : vector<1x512xf32>
      %swap3A_509 = arith.index_cast %scan3A_499 : i32 to index
      %swap3A_510 = arith.constant 0 : index
      %swap3A_511 = vector.load %arg8[%swap3A_509, %swap3A_510] : memref<64x512xf32, #tpu.memory_space<vmem>>, vector<1x512xf32>
      tpu.vector_store %arg8[%swap3A_509, %swap3A_510], %add3A_508 {strides = array<i32>} : memref<64x512xf32, #tpu.memory_space<vmem>>, vector<1x512xf32>,
      %scan3A_512 = arith.constant 22 : i32
      %get3A_513 = arith.index_cast %scan3A_512 : i32 to index
      %get3A_514 = arith.constant 0 : index
      %get3A_515 = vector.load %arg8[%get3A_513, %get3A_514] : memref<64x512xf32, #tpu.memory_space<vmem>>, vector<1x512xf32>
      %sub3A_516 = arith.constant 1 : i32
      %sub3A_517 = arith.subi %scan3A_512, %sub3A_516 : i32
      %get3A_518 = arith.index_cast %sub3A_517 : i32 to index
      %get3A_519 = arith.constant 0 : index
      %get3A_520 = vector.load %arg8[%get3A_518, %get3A_519] : memref<64x512xf32, #tpu.memory_space<vmem>>, vector<1x512xf32>
      %add3A_521 = arith.addf %get3A_515, %get3A_520 : vector<1x512xf32>
      %swap3A_522 = arith.index_cast %scan3A_512 : i32 to index
      %swap3A_523 = arith.constant 0 : index
      %swap3A_524 = vector.load %arg8[%swap3A_522, %swap3A_523] : memref<64x512xf32, #tpu.memory_space<vmem>>, vector<1x512xf32>
      tpu.vector_store %arg8[%swap3A_522, %swap3A_523], %add3A_521 {strides = array<i32>} : memref<64x512xf32, #tpu.memory_space<vmem>>, vector<1x512xf32>,
      %scan3A_525 = arith.constant 23 : i32
      %get3A_526 = arith.index_cast %scan3A_525 : i32 to index
      %get3A_527 = arith.constant 0 : index
      %get3A_528 = vector.load %arg8[%get3A_526, %get3A_527] : memref<64x512xf32, #tpu.memory_space<vmem>>, vector<1x512xf32>
      %sub3A_529 = arith.constant 1 : i32
      %sub3A_530 = arith.subi %scan3A_525, %sub3A_529 : i32
      %get3A_531 = arith.index_cast %sub3A_530 : i32 to index
      %get3A_532 = arith.constant 0 : index
      %get3A_533 = vector.load %arg8[%get3A_531, %get3A_532] : memref<64x512xf32, #tpu.memory_space<vmem>>, vector<1x512xf32>
      %add3A_534 = arith.addf %get3A_528, %get3A_533 : vector<1x512xf32>
      %swap3A_535 = arith.index_cast %scan3A_525 : i32 to index
      %swap3A_536 = arith.constant 0 : index
      %swap3A_537 = vector.load %arg8[%swap3A_535, %swap3A_536] : memref<64x512xf32, #tpu.memory_space<vmem>>, vector<1x512xf32>
      tpu.vector_store %arg8[%swap3A_535, %swap3A_536], %add3A_534 {strides = array<i32>} : memref<64x512xf32, #tpu.memory_space<vmem>>, vector<1x512xf32>,
      %scan3A_538 = arith.constant 24 : i32
      %get3A_539 = arith.index_cast %scan3A_538 : i32 to index
      %get3A_540 = arith.constant 0 : index
      %get3A_541 = vector.load %arg8[%get3A_539, %get3A_540] : memref<64x512xf32, #tpu.memory_space<vmem>>, vector<1x512xf32>
      %sub3A_542 = arith.constant 1 : i32
      %sub3A_543 = arith.subi %scan3A_538, %sub3A_542 : i32
      %get3A_544 = arith.index_cast %sub3A_543 : i32 to index
      %get3A_545 = arith.constant 0 : index
      %get3A_546 = vector.load %arg8[%get3A_544, %get3A_545] : memref<64x512xf32, #tpu.memory_space<vmem>>, vector<1x512xf32>
      %add3A_547 = arith.addf %get3A_541, %get3A_546 : vector<1x512xf32>
      %swap3A_548 = arith.index_cast %scan3A_538 : i32 to index
      %swap3A_549 = arith.constant 0 : index
      %swap3A_550 = vector.load %arg8[%swap3A_548, %swap3A_549] : memref<64x512xf32, #tpu.memory_space<vmem>>, vector<1x512xf32>
      tpu.vector_store %arg8[%swap3A_548, %swap3A_549], %add3A_547 {strides = array<i32>} : memref<64x512xf32, #tpu.memory_space<vmem>>, vector<1x512xf32>,
      %scan3A_551 = arith.constant 25 : i32
      %get3A_552 = arith.index_cast %scan3A_551 : i32 to index
      %get3A_553 = arith.constant 0 : index
      %get3A_554 = vector.load %arg8[%get3A_552, %get3A_553] : memref<64x512xf32, #tpu.memory_space<vmem>>, vector<1x512xf32>
      %sub3A_555 = arith.constant 1 : i32
      %sub3A_556 = arith.subi %scan3A_551, %sub3A_555 : i32
      %get3A_557 = arith.index_cast %sub3A_556 : i32 to index
      %get3A_558 = arith.constant 0 : index
      %get3A_559 = vector.load %arg8[%get3A_557, %get3A_558] : memref<64x512xf32, #tpu.memory_space<vmem>>, vector<1x512xf32>
      %add3A_560 = arith.addf %get3A_554, %get3A_559 : vector<1x512xf32>
      %swap3A_561 = arith.index_cast %scan3A_551 : i32 to index
      %swap3A_562 = arith.constant 0 : index
      %swap3A_563 = vector.load %arg8[%swap3A_561, %swap3A_562] : memref<64x512xf32, #tpu.memory_space<vmem>>, vector<1x512xf32>
      tpu.vector_store %arg8[%swap3A_561, %swap3A_562], %add3A_560 {strides = array<i32>} : memref<64x512xf32, #tpu.memory_space<vmem>>, vector<1x512xf32>,
      %scan3A_564 = arith.constant 26 : i32
      %get3A_565 = arith.index_cast %scan3A_564 : i32 to index
      %get3A_566 = arith.constant 0 : index
      %get3A_567 = vector.load %arg8[%get3A_565, %get3A_566] : memref<64x512xf32, #tpu.memory_space<vmem>>, vector<1x512xf32>
      %sub3A_568 = arith.constant 1 : i32
      %sub3A_569 = arith.subi %scan3A_564, %sub3A_568 : i32
      %get3A_570 = arith.index_cast %sub3A_569 : i32 to index
      %get3A_571 = arith.constant 0 : index
      %get3A_572 = vector.load %arg8[%get3A_570, %get3A_571] : memref<64x512xf32, #tpu.memory_space<vmem>>, vector<1x512xf32>
      %add3A_573 = arith.addf %get3A_567, %get3A_572 : vector<1x512xf32>
      %swap3A_574 = arith.index_cast %scan3A_564 : i32 to index
      %swap3A_575 = arith.constant 0 : index
      %swap3A_576 = vector.load %arg8[%swap3A_574, %swap3A_575] : memref<64x512xf32, #tpu.memory_space<vmem>>, vector<1x512xf32>
      tpu.vector_store %arg8[%swap3A_574, %swap3A_575], %add3A_573 {strides = array<i32>} : memref<64x512xf32, #tpu.memory_space<vmem>>, vector<1x512xf32>,
      %scan3A_577 = arith.constant 27 : i32
      %get3A_578 = arith.index_cast %scan3A_577 : i32 to index
      %get3A_579 = arith.constant 0 : index
      %get3A_580 = vector.load %arg8[%get3A_578, %get3A_579] : memref<64x512xf32, #tpu.memory_space<vmem>>, vector<1x512xf32>
      %sub3A_581 = arith.constant 1 : i32
      %sub3A_582 = arith.subi %scan3A_577, %sub3A_581 : i32
      %get3A_583 = arith.index_cast %sub3A_582 : i32 to index
      %get3A_584 = arith.constant 0 : index
      %get3A_585 = vector.load %arg8[%get3A_583, %get3A_584] : memref<64x512xf32, #tpu.memory_space<vmem>>, vector<1x512xf32>
      %add3A_586 = arith.addf %get3A_580, %get3A_585 : vector<1x512xf32>
      %swap3A_587 = arith.index_cast %scan3A_577 : i32 to index
      %swap3A_588 = arith.constant 0 : index
      %swap3A_589 = vector.load %arg8[%swap3A_587, %swap3A_588] : memref<64x512xf32, #tpu.memory_space<vmem>>, vector<1x512xf32>
      tpu.vector_store %arg8[%swap3A_587, %swap3A_588], %add3A_586 {strides = array<i32>} : memref<64x512xf32, #tpu.memory_space<vmem>>, vector<1x512xf32>,
      %scan3A_590 = arith.constant 28 : i32
      %get3A_591 = arith.index_cast %scan3A_590 : i32 to index
      %get3A_592 = arith.constant 0 : index
      %get3A_593 = vector.load %arg8[%get3A_591, %get3A_592] : memref<64x512xf32, #tpu.memory_space<vmem>>, vector<1x512xf32>
      %sub3A_594 = arith.constant 1 : i32
      %sub3A_595 = arith.subi %scan3A_590, %sub3A_594 : i32
      %get3A_596 = arith.index_cast %sub3A_595 : i32 to index
      %get3A_597 = arith.constant 0 : index
      %get3A_598 = vector.load %arg8[%get3A_596, %get3A_597] : memref<64x512xf32, #tpu.memory_space<vmem>>, vector<1x512xf32>
      %add3A_599 = arith.addf %get3A_593, %get3A_598 : vector<1x512xf32>
      %swap3A_600 = arith.index_cast %scan3A_590 : i32 to index
      %swap3A_601 = arith.constant 0 : index
      %swap3A_602 = vector.load %arg8[%swap3A_600, %swap3A_601] : memref<64x512xf32, #tpu.memory_space<vmem>>, vector<1x512xf32>
      tpu.vector_store %arg8[%swap3A_600, %swap3A_601], %add3A_599 {strides = array<i32>} : memref<64x512xf32, #tpu.memory_space<vmem>>, vector<1x512xf32>,
      %scan3A_603 = arith.constant 29 : i32
      %get3A_604 = arith.index_cast %scan3A_603 : i32 to index
      %get3A_605 = arith.constant 0 : index
      %get3A_606 = vector.load %arg8[%get3A_604, %get3A_605] : memref<64x512xf32, #tpu.memory_space<vmem>>, vector<1x512xf32>
      %sub3A_607 = arith.constant 1 : i32
      %sub3A_608 = arith.subi %scan3A_603, %sub3A_607 : i32
      %get3A_609 = arith.index_cast %sub3A_608 : i32 to index
      %get3A_610 = arith.constant 0 : index
      %get3A_611 = vector.load %arg8[%get3A_609, %get3A_610] : memref<64x512xf32, #tpu.memory_space<vmem>>, vector<1x512xf32>
      %add3A_612 = arith.addf %get3A_606, %get3A_611 : vector<1x512xf32>
      %swap3A_613 = arith.index_cast %scan3A_603 : i32 to index
      %swap3A_614 = arith.constant 0 : index
      %swap3A_615 = vector.load %arg8[%swap3A_613, %swap3A_614] : memref<64x512xf32, #tpu.memory_space<vmem>>, vector<1x512xf32>
      tpu.vector_store %arg8[%swap3A_613, %swap3A_614], %add3A_612 {strides = array<i32>} : memref<64x512xf32, #tpu.memory_space<vmem>>, vector<1x512xf32>,
      %scan3A_616 = arith.constant 30 : i32
      %get3A_617 = arith.index_cast %scan3A_616 : i32 to index
      %get3A_618 = arith.constant 0 : index
      %get3A_619 = vector.load %arg8[%get3A_617, %get3A_618] : memref<64x512xf32, #tpu.memory_space<vmem>>, vector<1x512xf32>
      %sub3A_620 = arith.constant 1 : i32
      %sub3A_621 = arith.subi %scan3A_616, %sub3A_620 : i32
      %get3A_622 = arith.index_cast %sub3A_621 : i32 to index
      %get3A_623 = arith.constant 0 : index
      %get3A_624 = vector.load %arg8[%get3A_622, %get3A_623] : memref<64x512xf32, #tpu.memory_space<vmem>>, vector<1x512xf32>
      %add3A_625 = arith.addf %get3A_619, %get3A_624 : vector<1x512xf32>
      %swap3A_626 = arith.index_cast %scan3A_616 : i32 to index
      %swap3A_627 = arith.constant 0 : index
      %swap3A_628 = vector.load %arg8[%swap3A_626, %swap3A_627] : memref<64x512xf32, #tpu.memory_space<vmem>>, vector<1x512xf32>
      tpu.vector_store %arg8[%swap3A_626, %swap3A_627], %add3A_625 {strides = array<i32>} : memref<64x512xf32, #tpu.memory_space<vmem>>, vector<1x512xf32>,
      %scan3A_629 = arith.constant 31 : i32
      %get3A_630 = arith.index_cast %scan3A_629 : i32 to index
      %get3A_631 = arith.constant 0 : index
      %get3A_632 = vector.load %arg8[%get3A_630, %get3A_631] : memref<64x512xf32, #tpu.memory_space<vmem>>, vector<1x512xf32>
      %sub3A_633 = arith.constant 1 : i32
      %sub3A_634 = arith.subi %scan3A_629, %sub3A_633 : i32
      %get3A_635 = arith.index_cast %sub3A_634 : i32 to index
      %get3A_636 = arith.constant 0 : index
      %get3A_637 = vector.load %arg8[%get3A_635, %get3A_636] : memref<64x512xf32, #tpu.memory_space<vmem>>, vector<1x512xf32>
      %add3A_638 = arith.addf %get3A_632, %get3A_637 : vector<1x512xf32>
      %swap3A_639 = arith.index_cast %scan3A_629 : i32 to index
      %swap3A_640 = arith.constant 0 : index
      %swap3A_641 = vector.load %arg8[%swap3A_639, %swap3A_640] : memref<64x512xf32, #tpu.memory_space<vmem>>, vector<1x512xf32>
      tpu.vector_store %arg8[%swap3A_639, %swap3A_640], %add3A_638 {strides = array<i32>} : memref<64x512xf32, #tpu.memory_space<vmem>>, vector<1x512xf32>,
      %scan3A_642 = arith.constant 32 : i32
      %get3A_643 = arith.index_cast %scan3A_642 : i32 to index
      %get3A_644 = arith.constant 0 : index
      %get3A_645 = vector.load %arg8[%get3A_643, %get3A_644] : memref<64x512xf32, #tpu.memory_space<vmem>>, vector<1x512xf32>
      %sub3A_646 = arith.constant 1 : i32
      %sub3A_647 = arith.subi %scan3A_642, %sub3A_646 : i32
      %get3A_648 = arith.index_cast %sub3A_647 : i32 to index
      %get3A_649 = arith.constant 0 : index
      %get3A_650 = vector.load %arg8[%get3A_648, %get3A_649] : memref<64x512xf32, #tpu.memory_space<vmem>>, vector<1x512xf32>
      %add3A_651 = arith.addf %get3A_645, %get3A_650 : vector<1x512xf32>
      %swap3A_652 = arith.index_cast %scan3A_642 : i32 to index
      %swap3A_653 = arith.constant 0 : index
      %swap3A_654 = vector.load %arg8[%swap3A_652, %swap3A_653] : memref<64x512xf32, #tpu.memory_space<vmem>>, vector<1x512xf32>
      tpu.vector_store %arg8[%swap3A_652, %swap3A_653], %add3A_651 {strides = array<i32>} : memref<64x512xf32, #tpu.memory_space<vmem>>, vector<1x512xf32>,
      %scan3A_655 = arith.constant 33 : i32
      %get3A_656 = arith.index_cast %scan3A_655 : i32 to index
      %get3A_657 = arith.constant 0 : index
      %get3A_658 = vector.load %arg8[%get3A_656, %get3A_657] : memref<64x512xf32, #tpu.memory_space<vmem>>, vector<1x512xf32>
      %sub3A_659 = arith.constant 1 : i32
      %sub3A_660 = arith.subi %scan3A_655, %sub3A_659 : i32
      %get3A_661 = arith.index_cast %sub3A_660 : i32 to index
      %get3A_662 = arith.constant 0 : index
      %get3A_663 = vector.load %arg8[%get3A_661, %get3A_662] : memref<64x512xf32, #tpu.memory_space<vmem>>, vector<1x512xf32>
      %add3A_664 = arith.addf %get3A_658, %get3A_663 : vector<1x512xf32>
      %swap3A_665 = arith.index_cast %scan3A_655 : i32 to index
      %swap3A_666 = arith.constant 0 : index
      %swap3A_667 = vector.load %arg8[%swap3A_665, %swap3A_666] : memref<64x512xf32, #tpu.memory_space<vmem>>, vector<1x512xf32>
      tpu.vector_store %arg8[%swap3A_665, %swap3A_666], %add3A_664 {strides = array<i32>} : memref<64x512xf32, #tpu.memory_space<vmem>>, vector<1x512xf32>,
      %scan3A_668 = arith.constant 34 : i32
      %get3A_669 = arith.index_cast %scan3A_668 : i32 to index
      %get3A_670 = arith.constant 0 : index
      %get3A_671 = vector.load %arg8[%get3A_669, %get3A_670] : memref<64x512xf32, #tpu.memory_space<vmem>>, vector<1x512xf32>
      %sub3A_672 = arith.constant 1 : i32
      %sub3A_673 = arith.subi %scan3A_668, %sub3A_672 : i32
      %get3A_674 = arith.index_cast %sub3A_673 : i32 to index
      %get3A_675 = arith.constant 0 : index
      %get3A_676 = vector.load %arg8[%get3A_674, %get3A_675] : memref<64x512xf32, #tpu.memory_space<vmem>>, vector<1x512xf32>
      %add3A_677 = arith.addf %get3A_671, %get3A_676 : vector<1x512xf32>
      %swap3A_678 = arith.index_cast %scan3A_668 : i32 to index
      %swap3A_679 = arith.constant 0 : index
      %swap3A_680 = vector.load %arg8[%swap3A_678, %swap3A_679] : memref<64x512xf32, #tpu.memory_space<vmem>>, vector<1x512xf32>
      tpu.vector_store %arg8[%swap3A_678, %swap3A_679], %add3A_677 {strides = array<i32>} : memref<64x512xf32, #tpu.memory_space<vmem>>, vector<1x512xf32>,
      %scan3A_681 = arith.constant 35 : i32
      %get3A_682 = arith.index_cast %scan3A_681 : i32 to index
      %get3A_683 = arith.constant 0 : index
      %get3A_684 = vector.load %arg8[%get3A_682, %get3A_683] : memref<64x512xf32, #tpu.memory_space<vmem>>, vector<1x512xf32>
      %sub3A_685 = arith.constant 1 : i32
      %sub3A_686 = arith.subi %scan3A_681, %sub3A_685 : i32
      %get3A_687 = arith.index_cast %sub3A_686 : i32 to index
      %get3A_688 = arith.constant 0 : index
      %get3A_689 = vector.load %arg8[%get3A_687, %get3A_688] : memref<64x512xf32, #tpu.memory_space<vmem>>, vector<1x512xf32>
      %add3A_690 = arith.addf %get3A_684, %get3A_689 : vector<1x512xf32>
      %swap3A_691 = arith.index_cast %scan3A_681 : i32 to index
      %swap3A_692 = arith.constant 0 : index
      %swap3A_693 = vector.load %arg8[%swap3A_691, %swap3A_692] : memref<64x512xf32, #tpu.memory_space<vmem>>, vector<1x512xf32>
      tpu.vector_store %arg8[%swap3A_691, %swap3A_692], %add3A_690 {strides = array<i32>} : memref<64x512xf32, #tpu.memory_space<vmem>>, vector<1x512xf32>,
      %scan3A_694 = arith.constant 36 : i32
      %get3A_695 = arith.index_cast %scan3A_694 : i32 to index
      %get3A_696 = arith.constant 0 : index
      %get3A_697 = vector.load %arg8[%get3A_695, %get3A_696] : memref<64x512xf32, #tpu.memory_space<vmem>>, vector<1x512xf32>
      %sub3A_698 = arith.constant 1 : i32
      %sub3A_699 = arith.subi %scan3A_694, %sub3A_698 : i32
      %get3A_700 = arith.index_cast %sub3A_699 : i32 to index
      %get3A_701 = arith.constant 0 : index
      %get3A_702 = vector.load %arg8[%get3A_700, %get3A_701] : memref<64x512xf32, #tpu.memory_space<vmem>>, vector<1x512xf32>
      %add3A_703 = arith.addf %get3A_697, %get3A_702 : vector<1x512xf32>
      %swap3A_704 = arith.index_cast %scan3A_694 : i32 to index
      %swap3A_705 = arith.constant 0 : index
      %swap3A_706 = vector.load %arg8[%swap3A_704, %swap3A_705] : memref<64x512xf32, #tpu.memory_space<vmem>>, vector<1x512xf32>
      tpu.vector_store %arg8[%swap3A_704, %swap3A_705], %add3A_703 {strides = array<i32>} : memref<64x512xf32, #tpu.memory_space<vmem>>, vector<1x512xf32>,
      %scan3A_707 = arith.constant 37 : i32
      %get3A_708 = arith.index_cast %scan3A_707 : i32 to index
      %get3A_709 = arith.constant 0 : index
      %get3A_710 = vector.load %arg8[%get3A_708, %get3A_709] : memref<64x512xf32, #tpu.memory_space<vmem>>, vector<1x512xf32>
      %sub3A_711 = arith.constant 1 : i32
      %sub3A_712 = arith.subi %scan3A_707, %sub3A_711 : i32
      %get3A_713 = arith.index_cast %sub3A_712 : i32 to index
      %get3A_714 = arith.constant 0 : index
      %get3A_715 = vector.load %arg8[%get3A_713, %get3A_714] : memref<64x512xf32, #tpu.memory_space<vmem>>, vector<1x512xf32>
      %add3A_716 = arith.addf %get3A_710, %get3A_715 : vector<1x512xf32>
      %swap3A_717 = arith.index_cast %scan3A_707 : i32 to index
      %swap3A_718 = arith.constant 0 : index
      %swap3A_719 = vector.load %arg8[%swap3A_717, %swap3A_718] : memref<64x512xf32, #tpu.memory_space<vmem>>, vector<1x512xf32>
      tpu.vector_store %arg8[%swap3A_717, %swap3A_718], %add3A_716 {strides = array<i32>} : memref<64x512xf32, #tpu.memory_space<vmem>>, vector<1x512xf32>,
      %scan3A_720 = arith.constant 38 : i32
      %get3A_721 = arith.index_cast %scan3A_720 : i32 to index
      %get3A_722 = arith.constant 0 : index
      %get3A_723 = vector.load %arg8[%get3A_721, %get3A_722] : memref<64x512xf32, #tpu.memory_space<vmem>>, vector<1x512xf32>
      %sub3A_724 = arith.constant 1 : i32
      %sub3A_725 = arith.subi %scan3A_720, %sub3A_724 : i32
      %get3A_726 = arith.index_cast %sub3A_725 : i32 to index
      %get3A_727 = arith.constant 0 : index
      %get3A_728 = vector.load %arg8[%get3A_726, %get3A_727] : memref<64x512xf32, #tpu.memory_space<vmem>>, vector<1x512xf32>
      %add3A_729 = arith.addf %get3A_723, %get3A_728 : vector<1x512xf32>
      %swap3A_730 = arith.index_cast %scan3A_720 : i32 to index
      %swap3A_731 = arith.constant 0 : index
      %swap3A_732 = vector.load %arg8[%swap3A_730, %swap3A_731] : memref<64x512xf32, #tpu.memory_space<vmem>>, vector<1x512xf32>
      tpu.vector_store %arg8[%swap3A_730, %swap3A_731], %add3A_729 {strides = array<i32>} : memref<64x512xf32, #tpu.memory_space<vmem>>, vector<1x512xf32>,
      %scan3A_733 = arith.constant 39 : i32
      %get3A_734 = arith.index_cast %scan3A_733 : i32 to index
      %get3A_735 = arith.constant 0 : index
      %get3A_736 = vector.load %arg8[%get3A_734, %get3A_735] : memref<64x512xf32, #tpu.memory_space<vmem>>, vector<1x512xf32>
      %sub3A_737 = arith.constant 1 : i32
      %sub3A_738 = arith.subi %scan3A_733, %sub3A_737 : i32
      %get3A_739 = arith.index_cast %sub3A_738 : i32 to index
      %get3A_740 = arith.constant 0 : index
      %get3A_741 = vector.load %arg8[%get3A_739, %get3A_740] : memref<64x512xf32, #tpu.memory_space<vmem>>, vector<1x512xf32>
      %add3A_742 = arith.addf %get3A_736, %get3A_741 : vector<1x512xf32>
      %swap3A_743 = arith.index_cast %scan3A_733 : i32 to index
      %swap3A_744 = arith.constant 0 : index
      %swap3A_745 = vector.load %arg8[%swap3A_743, %swap3A_744] : memref<64x512xf32, #tpu.memory_space<vmem>>, vector<1x512xf32>
      tpu.vector_store %arg8[%swap3A_743, %swap3A_744], %add3A_742 {strides = array<i32>} : memref<64x512xf32, #tpu.memory_space<vmem>>, vector<1x512xf32>,
      %scan3A_746 = arith.constant 40 : i32
      %get3A_747 = arith.index_cast %scan3A_746 : i32 to index
      %get3A_748 = arith.constant 0 : index
      %get3A_749 = vector.load %arg8[%get3A_747, %get3A_748] : memref<64x512xf32, #tpu.memory_space<vmem>>, vector<1x512xf32>
      %sub3A_750 = arith.constant 1 : i32
      %sub3A_751 = arith.subi %scan3A_746, %sub3A_750 : i32
      %get3A_752 = arith.index_cast %sub3A_751 : i32 to index
      %get3A_753 = arith.constant 0 : index
      %get3A_754 = vector.load %arg8[%get3A_752, %get3A_753] : memref<64x512xf32, #tpu.memory_space<vmem>>, vector<1x512xf32>
      %add3A_755 = arith.addf %get3A_749, %get3A_754 : vector<1x512xf32>
      %swap3A_756 = arith.index_cast %scan3A_746 : i32 to index
      %swap3A_757 = arith.constant 0 : index
      %swap3A_758 = vector.load %arg8[%swap3A_756, %swap3A_757] : memref<64x512xf32, #tpu.memory_space<vmem>>, vector<1x512xf32>
      tpu.vector_store %arg8[%swap3A_756, %swap3A_757], %add3A_755 {strides = array<i32>} : memref<64x512xf32, #tpu.memory_space<vmem>>, vector<1x512xf32>,
      %scan3A_759 = arith.constant 41 : i32
      %get3A_760 = arith.index_cast %scan3A_759 : i32 to index
      %get3A_761 = arith.constant 0 : index
      %get3A_762 = vector.load %arg8[%get3A_760, %get3A_761] : memref<64x512xf32, #tpu.memory_space<vmem>>, vector<1x512xf32>
      %sub3A_763 = arith.constant 1 : i32
      %sub3A_764 = arith.subi %scan3A_759, %sub3A_763 : i32
      %get3A_765 = arith.index_cast %sub3A_764 : i32 to index
      %get3A_766 = arith.constant 0 : index
      %get3A_767 = vector.load %arg8[%get3A_765, %get3A_766] : memref<64x512xf32, #tpu.memory_space<vmem>>, vector<1x512xf32>
      %add3A_768 = arith.addf %get3A_762, %get3A_767 : vector<1x512xf32>
      %swap3A_769 = arith.index_cast %scan3A_759 : i32 to index
      %swap3A_770 = arith.constant 0 : index
      %swap3A_771 = vector.load %arg8[%swap3A_769, %swap3A_770] : memref<64x512xf32, #tpu.memory_space<vmem>>, vector<1x512xf32>
      tpu.vector_store %arg8[%swap3A_769, %swap3A_770], %add3A_768 {strides = array<i32>} : memref<64x512xf32, #tpu.memory_space<vmem>>, vector<1x512xf32>,
      %scan3A_772 = arith.constant 42 : i32
      %get3A_773 = arith.index_cast %scan3A_772 : i32 to index
      %get3A_774 = arith.constant 0 : index
      %get3A_775 = vector.load %arg8[%get3A_773, %get3A_774] : memref<64x512xf32, #tpu.memory_space<vmem>>, vector<1x512xf32>
      %sub3A_776 = arith.constant 1 : i32
      %sub3A_777 = arith.subi %scan3A_772, %sub3A_776 : i32
      %get3A_778 = arith.index_cast %sub3A_777 : i32 to index
      %get3A_779 = arith.constant 0 : index
      %get3A_780 = vector.load %arg8[%get3A_778, %get3A_779] : memref<64x512xf32, #tpu.memory_space<vmem>>, vector<1x512xf32>
      %add3A_781 = arith.addf %get3A_775, %get3A_780 : vector<1x512xf32>
      %swap3A_782 = arith.index_cast %scan3A_772 : i32 to index
      %swap3A_783 = arith.constant 0 : index
      %swap3A_784 = vector.load %arg8[%swap3A_782, %swap3A_783] : memref<64x512xf32, #tpu.memory_space<vmem>>, vector<1x512xf32>
      tpu.vector_store %arg8[%swap3A_782, %swap3A_783], %add3A_781 {strides = array<i32>} : memref<64x512xf32, #tpu.memory_space<vmem>>, vector<1x512xf32>,
      %scan3A_785 = arith.constant 43 : i32
      %get3A_786 = arith.index_cast %scan3A_785 : i32 to index
      %get3A_787 = arith.constant 0 : index
      %get3A_788 = vector.load %arg8[%get3A_786, %get3A_787] : memref<64x512xf32, #tpu.memory_space<vmem>>, vector<1x512xf32>
      %sub3A_789 = arith.constant 1 : i32
      %sub3A_790 = arith.subi %scan3A_785, %sub3A_789 : i32
      %get3A_791 = arith.index_cast %sub3A_790 : i32 to index
      %get3A_792 = arith.constant 0 : index
      %get3A_793 = vector.load %arg8[%get3A_791, %get3A_792] : memref<64x512xf32, #tpu.memory_space<vmem>>, vector<1x512xf32>
      %add3A_794 = arith.addf %get3A_788, %get3A_793 : vector<1x512xf32>
      %swap3A_795 = arith.index_cast %scan3A_785 : i32 to index
      %swap3A_796 = arith.constant 0 : index
      %swap3A_797 = vector.load %arg8[%swap3A_795, %swap3A_796] : memref<64x512xf32, #tpu.memory_space<vmem>>, vector<1x512xf32>
      tpu.vector_store %arg8[%swap3A_795, %swap3A_796], %add3A_794 {strides = array<i32>} : memref<64x512xf32, #tpu.memory_space<vmem>>, vector<1x512xf32>,
      %scan3A_798 = arith.constant 44 : i32
      %get3A_799 = arith.index_cast %scan3A_798 : i32 to index
      %get3A_800 = arith.constant 0 : index
      %get3A_801 = vector.load %arg8[%get3A_799, %get3A_800] : memref<64x512xf32, #tpu.memory_space<vmem>>, vector<1x512xf32>
      %sub3A_802 = arith.constant 1 : i32
      %sub3A_803 = arith.subi %scan3A_798, %sub3A_802 : i32
      %get3A_804 = arith.index_cast %sub3A_803 : i32 to index
      %get3A_805 = arith.constant 0 : index
      %get3A_806 = vector.load %arg8[%get3A_804, %get3A_805] : memref<64x512xf32, #tpu.memory_space<vmem>>, vector<1x512xf32>
      %add3A_807 = arith.addf %get3A_801, %get3A_806 : vector<1x512xf32>
      %swap3A_808 = arith.index_cast %scan3A_798 : i32 to index
      %swap3A_809 = arith.constant 0 : index
      %swap3A_810 = vector.load %arg8[%swap3A_808, %swap3A_809] : memref<64x512xf32, #tpu.memory_space<vmem>>, vector<1x512xf32>
      tpu.vector_store %arg8[%swap3A_808, %swap3A_809], %add3A_807 {strides = array<i32>} : memref<64x512xf32, #tpu.memory_space<vmem>>, vector<1x512xf32>,
      %scan3A_811 = arith.constant 45 : i32
      %get3A_812 = arith.index_cast %scan3A_811 : i32 to index
      %get3A_813 = arith.constant 0 : index
      %get3A_814 = vector.load %arg8[%get3A_812, %get3A_813] : memref<64x512xf32, #tpu.memory_space<vmem>>, vector<1x512xf32>
      %sub3A_815 = arith.constant 1 : i32
      %sub3A_816 = arith.subi %scan3A_811, %sub3A_815 : i32
      %get3A_817 = arith.index_cast %sub3A_816 : i32 to index
      %get3A_818 = arith.constant 0 : index
      %get3A_819 = vector.load %arg8[%get3A_817, %get3A_818] : memref<64x512xf32, #tpu.memory_space<vmem>>, vector<1x512xf32>
      %add3A_820 = arith.addf %get3A_814, %get3A_819 : vector<1x512xf32>
      %swap3A_821 = arith.index_cast %scan3A_811 : i32 to index
      %swap3A_822 = arith.constant 0 : index
      %swap3A_823 = vector.load %arg8[%swap3A_821, %swap3A_822] : memref<64x512xf32, #tpu.memory_space<vmem>>, vector<1x512xf32>
      tpu.vector_store %arg8[%swap3A_821, %swap3A_822], %add3A_820 {strides = array<i32>} : memref<64x512xf32, #tpu.memory_space<vmem>>, vector<1x512xf32>,
      %scan3A_824 = arith.constant 46 : i32
      %get3A_825 = arith.index_cast %scan3A_824 : i32 to index
      %get3A_826 = arith.constant 0 : index
      %get3A_827 = vector.load %arg8[%get3A_825, %get3A_826] : memref<64x512xf32, #tpu.memory_space<vmem>>, vector<1x512xf32>
      %sub3A_828 = arith.constant 1 : i32
      %sub3A_829 = arith.subi %scan3A_824, %sub3A_828 : i32
      %get3A_830 = arith.index_cast %sub3A_829 : i32 to index
      %get3A_831 = arith.constant 0 : index
      %get3A_832 = vector.load %arg8[%get3A_830, %get3A_831] : memref<64x512xf32, #tpu.memory_space<vmem>>, vector<1x512xf32>
      %add3A_833 = arith.addf %get3A_827, %get3A_832 : vector<1x512xf32>
      %swap3A_834 = arith.index_cast %scan3A_824 : i32 to index
      %swap3A_835 = arith.constant 0 : index
      %swap3A_836 = vector.load %arg8[%swap3A_834, %swap3A_835] : memref<64x512xf32, #tpu.memory_space<vmem>>, vector<1x512xf32>
      tpu.vector_store %arg8[%swap3A_834, %swap3A_835], %add3A_833 {strides = array<i32>} : memref<64x512xf32, #tpu.memory_space<vmem>>, vector<1x512xf32>,
      %scan3A_837 = arith.constant 47 : i32
      %get3A_838 = arith.index_cast %scan3A_837 : i32 to index
      %get3A_839 = arith.constant 0 : index
      %get3A_840 = vector.load %arg8[%get3A_838, %get3A_839] : memref<64x512xf32, #tpu.memory_space<vmem>>, vector<1x512xf32>
      %sub3A_841 = arith.constant 1 : i32
      %sub3A_842 = arith.subi %scan3A_837, %sub3A_841 : i32
      %get3A_843 = arith.index_cast %sub3A_842 : i32 to index
      %get3A_844 = arith.constant 0 : index
      %get3A_845 = vector.load %arg8[%get3A_843, %get3A_844] : memref<64x512xf32, #tpu.memory_space<vmem>>, vector<1x512xf32>
      %add3A_846 = arith.addf %get3A_840, %get3A_845 : vector<1x512xf32>
      %swap3A_847 = arith.index_cast %scan3A_837 : i32 to index
      %swap3A_848 = arith.constant 0 : index
      %swap3A_849 = vector.load %arg8[%swap3A_847, %swap3A_848] : memref<64x512xf32, #tpu.memory_space<vmem>>, vector<1x512xf32>
      tpu.vector_store %arg8[%swap3A_847, %swap3A_848], %add3A_846 {strides = array<i32>} : memref<64x512xf32, #tpu.memory_space<vmem>>, vector<1x512xf32>,
      %scan3A_850 = arith.constant 48 : i32
      %get3A_851 = arith.index_cast %scan3A_850 : i32 to index
      %get3A_852 = arith.constant 0 : index
      %get3A_853 = vector.load %arg8[%get3A_851, %get3A_852] : memref<64x512xf32, #tpu.memory_space<vmem>>, vector<1x512xf32>
      %sub3A_854 = arith.constant 1 : i32
      %sub3A_855 = arith.subi %scan3A_850, %sub3A_854 : i32
      %get3A_856 = arith.index_cast %sub3A_855 : i32 to index
      %get3A_857 = arith.constant 0 : index
      %get3A_858 = vector.load %arg8[%get3A_856, %get3A_857] : memref<64x512xf32, #tpu.memory_space<vmem>>, vector<1x512xf32>
      %add3A_859 = arith.addf %get3A_853, %get3A_858 : vector<1x512xf32>
      %swap3A_860 = arith.index_cast %scan3A_850 : i32 to index
      %swap3A_861 = arith.constant 0 : index
      %swap3A_862 = vector.load %arg8[%swap3A_860, %swap3A_861] : memref<64x512xf32, #tpu.memory_space<vmem>>, vector<1x512xf32>
      tpu.vector_store %arg8[%swap3A_860, %swap3A_861], %add3A_859 {strides = array<i32>} : memref<64x512xf32, #tpu.memory_space<vmem>>, vector<1x512xf32>,
      %scan3A_863 = arith.constant 49 : i32
      %get3A_864 = arith.index_cast %scan3A_863 : i32 to index
      %get3A_865 = arith.constant 0 : index
      %get3A_866 = vector.load %arg8[%get3A_864, %get3A_865] : memref<64x512xf32, #tpu.memory_space<vmem>>, vector<1x512xf32>
      %sub3A_867 = arith.constant 1 : i32
      %sub3A_868 = arith.subi %scan3A_863, %sub3A_867 : i32
      %get3A_869 = arith.index_cast %sub3A_868 : i32 to index
      %get3A_870 = arith.constant 0 : index
      %get3A_871 = vector.load %arg8[%get3A_869, %get3A_870] : memref<64x512xf32, #tpu.memory_space<vmem>>, vector<1x512xf32>
      %add3A_872 = arith.addf %get3A_866, %get3A_871 : vector<1x512xf32>
      %swap3A_873 = arith.index_cast %scan3A_863 : i32 to index
      %swap3A_874 = arith.constant 0 : index
      %swap3A_875 = vector.load %arg8[%swap3A_873, %swap3A_874] : memref<64x512xf32, #tpu.memory_space<vmem>>, vector<1x512xf32>
      tpu.vector_store %arg8[%swap3A_873, %swap3A_874], %add3A_872 {strides = array<i32>} : memref<64x512xf32, #tpu.memory_space<vmem>>, vector<1x512xf32>,
      %scan3A_876 = arith.constant 50 : i32
      %get3A_877 = arith.index_cast %scan3A_876 : i32 to index
      %get3A_878 = arith.constant 0 : index
      %get3A_879 = vector.load %arg8[%get3A_877, %get3A_878] : memref<64x512xf32, #tpu.memory_space<vmem>>, vector<1x512xf32>
      %sub3A_880 = arith.constant 1 : i32
      %sub3A_881 = arith.subi %scan3A_876, %sub3A_880 : i32
      %get3A_882 = arith.index_cast %sub3A_881 : i32 to index
      %get3A_883 = arith.constant 0 : index
      %get3A_884 = vector.load %arg8[%get3A_882, %get3A_883] : memref<64x512xf32, #tpu.memory_space<vmem>>, vector<1x512xf32>
      %add3A_885 = arith.addf %get3A_879, %get3A_884 : vector<1x512xf32>
      %swap3A_886 = arith.index_cast %scan3A_876 : i32 to index
      %swap3A_887 = arith.constant 0 : index
      %swap3A_888 = vector.load %arg8[%swap3A_886, %swap3A_887] : memref<64x512xf32, #tpu.memory_space<vmem>>, vector<1x512xf32>
      tpu.vector_store %arg8[%swap3A_886, %swap3A_887], %add3A_885 {strides = array<i32>} : memref<64x512xf32, #tpu.memory_space<vmem>>, vector<1x512xf32>,
      %scan3A_889 = arith.constant 51 : i32
      %get3A_890 = arith.index_cast %scan3A_889 : i32 to index
      %get3A_891 = arith.constant 0 : index
      %get3A_892 = vector.load %arg8[%get3A_890, %get3A_891] : memref<64x512xf32, #tpu.memory_space<vmem>>, vector<1x512xf32>
      %sub3A_893 = arith.constant 1 : i32
      %sub3A_894 = arith.subi %scan3A_889, %sub3A_893 : i32
      %get3A_895 = arith.index_cast %sub3A_894 : i32 to index
      %get3A_896 = arith.constant 0 : index
      %get3A_897 = vector.load %arg8[%get3A_895, %get3A_896] : memref<64x512xf32, #tpu.memory_space<vmem>>, vector<1x512xf32>
      %add3A_898 = arith.addf %get3A_892, %get3A_897 : vector<1x512xf32>
      %swap3A_899 = arith.index_cast %scan3A_889 : i32 to index
      %swap3A_900 = arith.constant 0 : index
      %swap3A_901 = vector.load %arg8[%swap3A_899, %swap3A_900] : memref<64x512xf32, #tpu.memory_space<vmem>>, vector<1x512xf32>
      tpu.vector_store %arg8[%swap3A_899, %swap3A_900], %add3A_898 {strides = array<i32>} : memref<64x512xf32, #tpu.memory_space<vmem>>, vector<1x512xf32>,
      %scan3A_902 = arith.constant 52 : i32
      %get3A_903 = arith.index_cast %scan3A_902 : i32 to index
      %get3A_904 = arith.constant 0 : index
      %get3A_905 = vector.load %arg8[%get3A_903, %get3A_904] : memref<64x512xf32, #tpu.memory_space<vmem>>, vector<1x512xf32>
      %sub3A_906 = arith.constant 1 : i32
      %sub3A_907 = arith.subi %scan3A_902, %sub3A_906 : i32
      %get3A_908 = arith.index_cast %sub3A_907 : i32 to index
      %get3A_909 = arith.constant 0 : index
      %get3A_910 = vector.load %arg8[%get3A_908, %get3A_909] : memref<64x512xf32, #tpu.memory_space<vmem>>, vector<1x512xf32>
      %add3A_911 = arith.addf %get3A_905, %get3A_910 : vector<1x512xf32>
      %swap3A_912 = arith.index_cast %scan3A_902 : i32 to index
      %swap3A_913 = arith.constant 0 : index
      %swap3A_914 = vector.load %arg8[%swap3A_912, %swap3A_913] : memref<64x512xf32, #tpu.memory_space<vmem>>, vector<1x512xf32>
      tpu.vector_store %arg8[%swap3A_912, %swap3A_913], %add3A_911 {strides = array<i32>} : memref<64x512xf32, #tpu.memory_space<vmem>>, vector<1x512xf32>,
      %scan3A_915 = arith.constant 53 : i32
      %get3A_916 = arith.index_cast %scan3A_915 : i32 to index
      %get3A_917 = arith.constant 0 : index
      %get3A_918 = vector.load %arg8[%get3A_916, %get3A_917] : memref<64x512xf32, #tpu.memory_space<vmem>>, vector<1x512xf32>
      %sub3A_919 = arith.constant 1 : i32
      %sub3A_920 = arith.subi %scan3A_915, %sub3A_919 : i32
      %get3A_921 = arith.index_cast %sub3A_920 : i32 to index
      %get3A_922 = arith.constant 0 : index
      %get3A_923 = vector.load %arg8[%get3A_921, %get3A_922] : memref<64x512xf32, #tpu.memory_space<vmem>>, vector<1x512xf32>
      %add3A_924 = arith.addf %get3A_918, %get3A_923 : vector<1x512xf32>
      %swap3A_925 = arith.index_cast %scan3A_915 : i32 to index
      %swap3A_926 = arith.constant 0 : index
      %swap3A_927 = vector.load %arg8[%swap3A_925, %swap3A_926] : memref<64x512xf32, #tpu.memory_space<vmem>>, vector<1x512xf32>
      tpu.vector_store %arg8[%swap3A_925, %swap3A_926], %add3A_924 {strides = array<i32>} : memref<64x512xf32, #tpu.memory_space<vmem>>, vector<1x512xf32>,
      %scan3A_928 = arith.constant 54 : i32
      %get3A_929 = arith.index_cast %scan3A_928 : i32 to index
      %get3A_930 = arith.constant 0 : index
      %get3A_931 = vector.load %arg8[%get3A_929, %get3A_930] : memref<64x512xf32, #tpu.memory_space<vmem>>, vector<1x512xf32>
      %sub3A_932 = arith.constant 1 : i32
      %sub3A_933 = arith.subi %scan3A_928, %sub3A_932 : i32
      %get3A_934 = arith.index_cast %sub3A_933 : i32 to index
      %get3A_935 = arith.constant 0 : index
      %get3A_936 = vector.load %arg8[%get3A_934, %get3A_935] : memref<64x512xf32, #tpu.memory_space<vmem>>, vector<1x512xf32>
      %add3A_937 = arith.addf %get3A_931, %get3A_936 : vector<1x512xf32>
      %swap3A_938 = arith.index_cast %scan3A_928 : i32 to index
      %swap3A_939 = arith.constant 0 : index
      %swap3A_940 = vector.load %arg8[%swap3A_938, %swap3A_939] : memref<64x512xf32, #tpu.memory_space<vmem>>, vector<1x512xf32>
      tpu.vector_store %arg8[%swap3A_938, %swap3A_939], %add3A_937 {strides = array<i32>} : memref<64x512xf32, #tpu.memory_space<vmem>>, vector<1x512xf32>,
      %scan3A_941 = arith.constant 55 : i32
      %get3A_942 = arith.index_cast %scan3A_941 : i32 to index
      %get3A_943 = arith.constant 0 : index
      %get3A_944 = vector.load %arg8[%get3A_942, %get3A_943] : memref<64x512xf32, #tpu.memory_space<vmem>>, vector<1x512xf32>
      %sub3A_945 = arith.constant 1 : i32
      %sub3A_946 = arith.subi %scan3A_941, %sub3A_945 : i32
      %get3A_947 = arith.index_cast %sub3A_946 : i32 to index
      %get3A_948 = arith.constant 0 : index
      %get3A_949 = vector.load %arg8[%get3A_947, %get3A_948] : memref<64x512xf32, #tpu.memory_space<vmem>>, vector<1x512xf32>
      %add3A_950 = arith.addf %get3A_944, %get3A_949 : vector<1x512xf32>
      %swap3A_951 = arith.index_cast %scan3A_941 : i32 to index
      %swap3A_952 = arith.constant 0 : index
      %swap3A_953 = vector.load %arg8[%swap3A_951, %swap3A_952] : memref<64x512xf32, #tpu.memory_space<vmem>>, vector<1x512xf32>
      tpu.vector_store %arg8[%swap3A_951, %swap3A_952], %add3A_950 {strides = array<i32>} : memref<64x512xf32, #tpu.memory_space<vmem>>, vector<1x512xf32>,
      %scan3A_954 = arith.constant 56 : i32
      %get3A_955 = arith.index_cast %scan3A_954 : i32 to index
      %get3A_956 = arith.constant 0 : index
      %get3A_957 = vector.load %arg8[%get3A_955, %get3A_956] : memref<64x512xf32, #tpu.memory_space<vmem>>, vector<1x512xf32>
      %sub3A_958 = arith.constant 1 : i32
      %sub3A_959 = arith.subi %scan3A_954, %sub3A_958 : i32
      %get3A_960 = arith.index_cast %sub3A_959 : i32 to index
      %get3A_961 = arith.constant 0 : index
      %get3A_962 = vector.load %arg8[%get3A_960, %get3A_961] : memref<64x512xf32, #tpu.memory_space<vmem>>, vector<1x512xf32>
      %add3A_963 = arith.addf %get3A_957, %get3A_962 : vector<1x512xf32>
      %swap3A_964 = arith.index_cast %scan3A_954 : i32 to index
      %swap3A_965 = arith.constant 0 : index
      %swap3A_966 = vector.load %arg8[%swap3A_964, %swap3A_965] : memref<64x512xf32, #tpu.memory_space<vmem>>, vector<1x512xf32>
      tpu.vector_store %arg8[%swap3A_964, %swap3A_965], %add3A_963 {strides = array<i32>} : memref<64x512xf32, #tpu.memory_space<vmem>>, vector<1x512xf32>,
      %scan3A_967 = arith.constant 57 : i32
      %get3A_968 = arith.index_cast %scan3A_967 : i32 to index
      %get3A_969 = arith.constant 0 : index
      %get3A_970 = vector.load %arg8[%get3A_968, %get3A_969] : memref<64x512xf32, #tpu.memory_space<vmem>>, vector<1x512xf32>
      %sub3A_971 = arith.constant 1 : i32
      %sub3A_972 = arith.subi %scan3A_967, %sub3A_971 : i32
      %get3A_973 = arith.index_cast %sub3A_972 : i32 to index
      %get3A_974 = arith.constant 0 : index
      %get3A_975 = vector.load %arg8[%get3A_973, %get3A_974] : memref<64x512xf32, #tpu.memory_space<vmem>>, vector<1x512xf32>
      %add3A_976 = arith.addf %get3A_970, %get3A_975 : vector<1x512xf32>
      %swap3A_977 = arith.index_cast %scan3A_967 : i32 to index
      %swap3A_978 = arith.constant 0 : index
      %swap3A_979 = vector.load %arg8[%swap3A_977, %swap3A_978] : memref<64x512xf32, #tpu.memory_space<vmem>>, vector<1x512xf32>
      tpu.vector_store %arg8[%swap3A_977, %swap3A_978], %add3A_976 {strides = array<i32>} : memref<64x512xf32, #tpu.memory_space<vmem>>, vector<1x512xf32>,
      %scan3A_980 = arith.constant 58 : i32
      %get3A_981 = arith.index_cast %scan3A_980 : i32 to index
      %get3A_982 = arith.constant 0 : index
      %get3A_983 = vector.load %arg8[%get3A_981, %get3A_982] : memref<64x512xf32, #tpu.memory_space<vmem>>, vector<1x512xf32>
      %sub3A_984 = arith.constant 1 : i32
      %sub3A_985 = arith.subi %scan3A_980, %sub3A_984 : i32
      %get3A_986 = arith.index_cast %sub3A_985 : i32 to index
      %get3A_987 = arith.constant 0 : index
      %get3A_988 = vector.load %arg8[%get3A_986, %get3A_987] : memref<64x512xf32, #tpu.memory_space<vmem>>, vector<1x512xf32>
      %add3A_989 = arith.addf %get3A_983, %get3A_988 : vector<1x512xf32>
      %swap3A_990 = arith.index_cast %scan3A_980 : i32 to index
      %swap3A_991 = arith.constant 0 : index
      %swap3A_992 = vector.load %arg8[%swap3A_990, %swap3A_991] : memref<64x512xf32, #tpu.memory_space<vmem>>, vector<1x512xf32>
      tpu.vector_store %arg8[%swap3A_990, %swap3A_991], %add3A_989 {strides = array<i32>} : memref<64x512xf32, #tpu.memory_space<vmem>>, vector<1x512xf32>,
      %scan3A_993 = arith.constant 59 : i32
      %get3A_994 = arith.index_cast %scan3A_993 : i32 to index
      %get3A_995 = arith.constant 0 : index
      %get3A_996 = vector.load %arg8[%get3A_994, %get3A_995] : memref<64x512xf32, #tpu.memory_space<vmem>>, vector<1x512xf32>
      %sub3A_997 = arith.constant 1 : i32
      %sub3A_998 = arith.subi %scan3A_993, %sub3A_997 : i32
      %get3A_999 = arith.index_cast %sub3A_998 : i32 to index
      %get3A_1000 = arith.constant 0 : index
      %get3A_1001 = vector.load %arg8[%get3A_999, %get3A_1000] : memref<64x512xf32, #tpu.memory_space<vmem>>, vector<1x512xf32>
      %add3A_1002 = arith.addf %get3A_996, %get3A_1001 : vector<1x512xf32>
      %swap3A_1003 = arith.index_cast %scan3A_993 : i32 to index
      %swap3A_1004 = arith.constant 0 : index
      %swap3A_1005 = vector.load %arg8[%swap3A_1003, %swap3A_1004] : memref<64x512xf32, #tpu.memory_space<vmem>>, vector<1x512xf32>
      tpu.vector_store %arg8[%swap3A_1003, %swap3A_1004], %add3A_1002 {strides = array<i32>} : memref<64x512xf32, #tpu.memory_space<vmem>>, vector<1x512xf32>,
      %scan3A_1006 = arith.constant 60 : i32
      %get3A_1007 = arith.index_cast %scan3A_1006 : i32 to index
      %get3A_1008 = arith.constant 0 : index
      %get3A_1009 = vector.load %arg8[%get3A_1007, %get3A_1008] : memref<64x512xf32, #tpu.memory_space<vmem>>, vector<1x512xf32>
      %sub3A_1010 = arith.constant 1 : i32
      %sub3A_1011 = arith.subi %scan3A_1006, %sub3A_1010 : i32
      %get3A_1012 = arith.index_cast %sub3A_1011 : i32 to index
      %get3A_1013 = arith.constant 0 : index
      %get3A_1014 = vector.load %arg8[%get3A_1012, %get3A_1013] : memref<64x512xf32, #tpu.memory_space<vmem>>, vector<1x512xf32>
      %add3A_1015 = arith.addf %get3A_1009, %get3A_1014 : vector<1x512xf32>
      %swap3A_1016 = arith.index_cast %scan3A_1006 : i32 to index
      %swap3A_1017 = arith.constant 0 : index
      %swap3A_1018 = vector.load %arg8[%swap3A_1016, %swap3A_1017] : memref<64x512xf32, #tpu.memory_space<vmem>>, vector<1x512xf32>
      tpu.vector_store %arg8[%swap3A_1016, %swap3A_1017], %add3A_1015 {strides = array<i32>} : memref<64x512xf32, #tpu.memory_space<vmem>>, vector<1x512xf32>,
      %scan3A_1019 = arith.constant 61 : i32
      %get3A_1020 = arith.index_cast %scan3A_1019 : i32 to index
      %get3A_1021 = arith.constant 0 : index
      %get3A_1022 = vector.load %arg8[%get3A_1020, %get3A_1021] : memref<64x512xf32, #tpu.memory_space<vmem>>, vector<1x512xf32>
      %sub3A_1023 = arith.constant 1 : i32
      %sub3A_1024 = arith.subi %scan3A_1019, %sub3A_1023 : i32
      %get3A_1025 = arith.index_cast %sub3A_1024 : i32 to index
      %get3A_1026 = arith.constant 0 : index
      %get3A_1027 = vector.load %arg8[%get3A_1025, %get3A_1026] : memref<64x512xf32, #tpu.memory_space<vmem>>, vector<1x512xf32>
      %add3A_1028 = arith.addf %get3A_1022, %get3A_1027 : vector<1x512xf32>
      %swap3A_1029 = arith.index_cast %scan3A_1019 : i32 to index
      %swap3A_1030 = arith.constant 0 : index
      %swap3A_1031 = vector.load %arg8[%swap3A_1029, %swap3A_1030] : memref<64x512xf32, #tpu.memory_space<vmem>>, vector<1x512xf32>
      tpu.vector_store %arg8[%swap3A_1029, %swap3A_1030], %add3A_1028 {strides = array<i32>} : memref<64x512xf32, #tpu.memory_space<vmem>>, vector<1x512xf32>,
      %scan3A_1032 = arith.constant 62 : i32
      %get3A_1033 = arith.index_cast %scan3A_1032 : i32 to index
      %get3A_1034 = arith.constant 0 : index
      %get3A_1035 = vector.load %arg8[%get3A_1033, %get3A_1034] : memref<64x512xf32, #tpu.memory_space<vmem>>, vector<1x512xf32>
      %sub3A_1036 = arith.constant 1 : i32
      %sub3A_1037 = arith.subi %scan3A_1032, %sub3A_1036 : i32
      %get3A_1038 = arith.index_cast %sub3A_1037 : i32 to index
      %get3A_1039 = arith.constant 0 : index
      %get3A_1040 = vector.load %arg8[%get3A_1038, %get3A_1039] : memref<64x512xf32, #tpu.memory_space<vmem>>, vector<1x512xf32>
      %add3A_1041 = arith.addf %get3A_1035, %get3A_1040 : vector<1x512xf32>
      %swap3A_1042 = arith.index_cast %scan3A_1032 : i32 to index
      %swap3A_1043 = arith.constant 0 : index
      %swap3A_1044 = vector.load %arg8[%swap3A_1042, %swap3A_1043] : memref<64x512xf32, #tpu.memory_space<vmem>>, vector<1x512xf32>
      tpu.vector_store %arg8[%swap3A_1042, %swap3A_1043], %add3A_1041 {strides = array<i32>} : memref<64x512xf32, #tpu.memory_space<vmem>>, vector<1x512xf32>,
      %scan3A_1045 = arith.constant 63 : i32
      %get3A_1046 = arith.index_cast %scan3A_1045 : i32 to index
      %get3A_1047 = arith.constant 0 : index
      %get3A_1048 = vector.load %arg8[%get3A_1046, %get3A_1047] : memref<64x512xf32, #tpu.memory_space<vmem>>, vector<1x512xf32>
      %sub3A_1049 = arith.constant 1 : i32
      %sub3A_1050 = arith.subi %scan3A_1045, %sub3A_1049 : i32
      %get3A_1051 = arith.index_cast %sub3A_1050 : i32 to index
      %get3A_1052 = arith.constant 0 : index
      %get3A_1053 = vector.load %arg8[%get3A_1051, %get3A_1052] : memref<64x512xf32, #tpu.memory_space<vmem>>, vector<1x512xf32>
      %add3A_1054 = arith.addf %get3A_1048, %get3A_1053 : vector<1x512xf32>
      %swap3A_1055 = arith.index_cast %scan3A_1045 : i32 to index
      %swap3A_1056 = arith.constant 0 : index
      %swap3A_1057 = vector.load %arg8[%swap3A_1055, %swap3A_1056] : memref<64x512xf32, #tpu.memory_space<vmem>>, vector<1x512xf32>
      tpu.vector_store %arg8[%swap3A_1055, %swap3A_1056], %add3A_1054 {strides = array<i32>} : memref<64x512xf32, #tpu.memory_space<vmem>>, vector<1x512xf32>,
      %scan3A_1058 = arith.constant 63 : i32
      %get3A_1059 = arith.constant 0 : index
      %get3A_1060 = arith.constant 0 : index
      %get3A_1061 = vector.load %arg2[%get3A_1059, %get3A_1060] : memref<1x512xf32, #tpu.memory_space<vmem>>, vector<1x512xf32>
      %get3A_1062 = arith.constant 0 : index
      %get3A_1063 = arith.constant 0 : index
      %get3A_1064 = vector.load %arg8[%get3A_1062, %get3A_1063] : memref<64x512xf32, #tpu.memory_space<vmem>>, vector<64x512xf32>
      %sub3A_1065 = vector.broadcast %get3A_1061 : vector<1x512xf32> to vector<64x512xf32>
      %sub3A_1066 = arith.subf %sub3A_1065, %get3A_1064 : vector<64x512xf32>
      %reshape3A_1067 = vector.shape_cast %sub3A_1066 : vector<64x512xf32> to vector<32x2x512xf32>
      %transpose3A = tpu.transpose %reshape3A_1067, [1, 0, 2] : vector<32x2x512xf32> -> vector<2x32x512xf32>
      %reshape3A_1068 = vector.shape_cast %transpose3A : vector<2x32x512xf32> to vector<64x512xf32>
      %transpose3A_1069 = tpu.transpose %reshape3A_1068, [1, 0] : vector<64x512xf32> -> vector<512x64xf32>
      %swap3A_1070 = arith.constant 0 : index
      %swap3A_1071 = arith.constant 0 : index
      %swap3A_1072 = vector.load %arg7[%swap3A_1070, %swap3A_1071] : memref<512x64xf32, #tpu.memory_space<vmem>>, vector<512x64xf32>
      tpu.vector_store %arg7[%swap3A_1070, %swap3A_1071], %transpose3A_1069 {strides = array<i32>} : memref<512x64xf32, #tpu.memory_space<vmem>>, vector<512x64xf32>,
    } else {
    }
    %mul3A = arith.constant 16 : i32
    %mul3A_2 = arith.muli %arg0, %mul3A : i32
    %get3A = arith.index_cast %mul3A_2 : i32 to index
    %get3A_3 = arith.constant 0 : index
    %get3A_4 = vector.load %arg7[%get3A, %get3A_3] : memref<512x64xf32, #tpu.memory_space<vmem>>, vector<16x64xf32>
    %get3A_5 = arith.constant 0 : index
    %get3A_6 = arith.constant 0 : index
    %get3A_7 = vector.load %arg5[%get3A_5, %get3A_6] : memref<1x64xf32, #tpu.memory_space<vmem>>, vector<1x64xf32>
    %broadcast_in_dim3A = vector.shape_cast %get3A_7 : vector<1x64xf32> to vector<1x1x64xf32>
    %slice3A = vector.extract_strided_slice %get3A_4 {offsets = [0, 0], sizes = [16, 32], strides = [1, 1]} : vector<16x64xf32> to vector<16x32xf32>
    %broadcast_in_dim3A_8 = vector.shape_cast %slice3A : vector<16x32xf32> to vector<16x32x1xf32>
    %mul3A_9 = vector.broadcast %broadcast_in_dim3A_8 : vector<16x32x1xf32> to vector<16x32x64xf32>
    %mul3A_10 = vector.broadcast %broadcast_in_dim3A : vector<1x1x64xf32> to vector<16x32x64xf32>
    %mul3A_11 = arith.mulf %mul3A_9, %mul3A_10 : vector<16x32x64xf32>
    %slice3A_12 = vector.extract_strided_slice %get3A_4 {offsets = [0, 32], sizes = [16, 32], strides = [1, 1]} : vector<16x64xf32> to vector<16x32xf32>
    %broadcast_in_dim3A_13 = vector.shape_cast %slice3A_12 : vector<16x32xf32> to vector<16x32x1xf32>
    %mul3A_14 = vector.broadcast %broadcast_in_dim3A_13 : vector<16x32x1xf32> to vector<16x32x64xf32>
    %mul3A_15 = vector.broadcast %broadcast_in_dim3A : vector<1x1x64xf32> to vector<16x32x64xf32>
    %mul3A_16 = arith.mulf %mul3A_14, %mul3A_15 : vector<16x32x64xf32>
    %concatenate3A = tpu.concatenate %mul3A_11, %mul3A_16 in 2 : vector<16x32x64xf32>, vector<16x32x64xf32> -> vector<16x32x128xf32>
    %sin3A = math.sin %concatenate3A : vector<16x32x128xf32>
    %cos3A = math.cos %concatenate3A : vector<16x32x128xf32>
    %slice3A_17 = vector.extract_strided_slice %sin3A {offsets = [0, 0, 0], sizes = [16, 32, 64], strides = [1, 1, 1]} : vector<16x32x128xf32> to vector<16x32x64xf32>
    %slice3A_18 = vector.extract_strided_slice %cos3A {offsets = [0, 0, 0], sizes = [16, 32, 64], strides = [1, 1, 1]} : vector<16x32x128xf32> to vector<16x32x64xf32>
    %concatenate3A_19 = tpu.concatenate %slice3A_17, %slice3A_18 in 2 : vector<16x32x64xf32>, vector<16x32x64xf32> -> vector<16x32x128xf32>
    %slice3A_20 = vector.extract_strided_slice %sin3A {offsets = [0, 0, 64], sizes = [16, 32, 64], strides = [1, 1, 1]} : vector<16x32x128xf32> to vector<16x32x64xf32>
    %slice3A_21 = vector.extract_strided_slice %cos3A {offsets = [0, 0, 64], sizes = [16, 32, 64], strides = [1, 1, 1]} : vector<16x32x128xf32> to vector<16x32x64xf32>
    %concatenate3A_22 = tpu.concatenate %slice3A_20, %slice3A_21 in 2 : vector<16x32x64xf32>, vector<16x32x64xf32> -> vector<16x32x128xf32>
    %iota3A = tpu.iota {dimensions = array<i32: 1>} : vector<16x32x128xi32>
    %iota3A_23 = tpu.iota {dimensions = array<i32: 2>} : vector<16x32x128xi32>
    %eq3A_24 = arith.constant 0 : i32
    %eq3A_25 = vector.broadcast %eq3A_24 : i32 to vector<16x32x128xi32>
    %eq3A_26 = arith.cmpi eq, %iota3A, %eq3A_25 : vector<16x32x128xi32>
    %ge3A = arith.constant 64 : i32
    %ge3A_27 = vector.broadcast %ge3A : i32 to vector<16x32x128xi32>
    %ge3A_28 = arith.cmpi sge, %iota3A_23, %ge3A_27 : vector<16x32x128xi32>
    %and3A = arith.andi %eq3A_26, %ge3A_28 : vector<16x32x128xi1>
    %jit3A = arith.constant 1.000000e+00 : f32
    %jit3A_29 = arith.constant 0.000000e+00 : f32
    %broadcast_in_dim3A_30 = vector.broadcast %jit3A : f32 to vector<16x32x128xf32>
    %broadcast_in_dim3A_31 = vector.broadcast %jit3A_29 : f32 to vector<16x32x128xf32>
    %select_n3A = arith.select %and3A, %broadcast_in_dim3A_30, %broadcast_in_dim3A_31 : vector<16x32x128xi1>, vector<16x32x128xf32>
    %add3A = arith.addf %concatenate3A_19, %select_n3A : vector<16x32x128xf32>
    %stack3A = vector.shape_cast %add3A : vector<16x32x128xf32> to vector<16x32x1x128xf32>
    %stack3A_32 = vector.shape_cast %concatenate3A_22 : vector<16x32x128xf32> to vector<16x32x1x128xf32>
    %stack3A_33 = tpu.concatenate %stack3A, %stack3A_32 in 2 : vector<16x32x1x128xf32>, vector<16x32x1x128xf32> -> vector<16x32x2x128xf32>
    %reshape3A = vector.shape_cast %stack3A_33 : vector<16x32x2x128xf32> to vector<16x64x128xf32>
    %reshape3A_34 = vector.shape_cast %reshape3A : vector<16x64x128xf32> to vector<1024x128xf32>
    %swap3A = arith.constant 0 : index
    %swap3A_35 = arith.constant 0 : index
    %swap3A_36 = vector.load %arg6[%swap3A, %swap3A_35] : memref<1024x128xf32, #tpu.memory_space<vmem>>, vector<1024x128xf32>
    tpu.vector_store %arg6[%swap3A, %swap3A_35], %reshape3A_34 {strides = array<i32>} : memref<1024x128xf32, #tpu.memory_space<vmem>>, vector<1024x128xf32>,
    return
  }
  func.func @transform_1(%arg0: i32) -> (i32, i32) {
    %c0_i32 = arith.constant 0 : i32
    %c0_i32_0 = arith.constant 0 : i32
    %c0_i32_1 = arith.constant 0 : i32
    return %c0_i32, %c0_i32_0 : i32, i32
  }
  func.func @transform_2(%arg0: i32) -> (i32, i32) {
    %c0_i32 = arith.constant 0 : i32
    %c0_i32_0 = arith.constant 0 : i32
    %c0_i32_1 = arith.constant 0 : i32
    return %c0_i32, %c0_i32_0 : i32, i32
  }
  func.func @transform_3(%arg0: i32) -> i32 {
    %c0_i32 = arith.constant 0 : i32
    %c0_i32_0 = arith.constant 0 : i32
    return %c0_i32 : i32
  }
  func.func @transform_4(%arg0: i32) -> (i32, i32) {
    %c0_i32 = arith.constant 0 : i32
    %c0_i32_0 = arith.constant 0 : i32
    %c0_i32_1 = arith.constant 0 : i32
    return %c0_i32, %c0_i32_0 : i32, i32
  }
  func.func @transform_5(%arg0: i32) -> (i32, i32) {
    %c3_i32 = arith.constant 3 : i32
    %c0_i32 = arith.constant 0 : i32
    return %arg0, %c3_i32 : i32, i32
  }
}

</mosaic_0001>

<sc_bundles>
// kernel: kernel.5.cloned.1.call-start
scs
__scs_entry_jumppad:
0x0: {  	(pc) =	sbr.rel $0x88, $3  }
0x1: {  	(tag) =	ssettag $0x0;
	lr =	simm.s32 $0x1  }
0x2: {  	[smem:$0x3F9C] =	sst lr;
	_ =	strace $0xD0000000  }
0x3: {  	_ = 	snop  }
0x4: {  	_ = 	snop  }
0x5: {  	_ = 	snop  }
0x6: {  	_ = 	snop  }
0x7: {  	_ = 	snop  }
__scs_overlays_trampoline_lowered:
0x8: {  	[smem:$0x3FAB] =	sst s0  }
0x9: {  	[smem:$0x3FAC] =	sst s1  }
0xa: {  	[smem:$0x3FAD] =	sst s2  }
0xb: {  	[smem:$0x3FAE] =	sst s3  }
0xc: {  	[smem:$0x3FAF] =	sst s4  }
0xd: {  	[smem:$0x3FB0] =	sst s5  }
0xe: {  	[smem:$0x3FB1] =	sst s6  }
0xf: {  	[smem:$0x3FB2] =	sst s7  }
0x10: {  	[smem:$0x3FB3] =	sst s8  }
0x11: {  	[smem:$0x3FB4] =	sst s9;
	s0 =	simm.s32 @!p0 $0x0  }
0x12: {  	s1 =	sld [smem:$0x3F9A];
	s0 =	simm.s32 @p0 $0x1  }
0x13: {  	[smem:$0x3FB5] =	sst s0;
	s0 =	simm.s32 @!p1 $0x0  }
0x14: {  	s2 =	sld [smem:$0x3F99];
	s0 =	simm.s32 @p1 $0x1  }
0x15: {  	[smem:$0x3FB6] =	sst s0;
	s0 =	simm.s32 @!p2 $0x0  }
0x16: {  	s3 =	sld [smem:$0x3FDB];
	s0 =	simm.s32 @p2 $0x1  }
0x17: {  	s4 =	simm.s32 $0x1BF5;
	[smem:$0x3FB8] =	sst s0  }
0x18: {  	s0 =	sld [smem:$0x3F9B];
	_ =	swait.ge [sflag:s4], $0x0  }
0x19: {  	s7 =	sld [smem:$0x3F9C]  }
0x1a: {  	s8 =	sadd.s32 $0xFFFFE003, lr  }
0x1b: {  	s9 =	sadd.s32 $0xFFFFFEF7, lr;
	s5 =	simm.s32 $0xFFFFFFFF;
	p2 =	slt.u32 s8, $0xFFFFF086  }
0x1c: {  	p1 =	slt.u32 s9, $0xF7A;
	s5 =	simm.s32 @!p2 $0x0  }
0x1d: {  	s5 =	simm.s32 @p1 $0x1;
	p0 =	seq.s32 s7, s2  }
0x1e: {  	s7 =	smul.u32 @!p0 $0xF7A, s2;
	p2 =	seq.s32 @!p0 s5, $0x0  }
0x1f: {  	s9 =	smul.u32 $0xF7A, s1;
	s8 =	simm.s32 @!p0 $0x1BF5;
	p2 =	por !p2, p0  }
0x20: {  	[sflag:s8] =	ssyncset.s32 @!p0 $0xFFFFF086;
	s6 =	sadd.s32 @!p0 s3, s7;
	s7 =	simm.s32 @!p0 $0x108  }
0x21: {  	s3 =	sadd.s32 s3, s9;
	s6 =	sadd.s32 @!p0 $0x88, s6;
	s7 =	simm.s32 @p2 $0x1082  }
0x22: {  	[simem:s7], [sflag:s8] =	dma.local @!p0 [hbm:s6], $0xF7A  }
0x23: {  	s9 =	sor.u32 $0xD0000000, s2;
	s6 =	simm.s32 $0x108;
	_ =	swait.ge @!p0 [sflag:s8], $0x0  }
0x24: {  	s3 =	sadd.s32 $0x88, s3;
	s6 =	simm.s32 @!p1 $0x1082;
	[sflag:s4] =	ssyncset.s32 $0xFFFFF086  }
0x25: {  	[simem:s6], [sflag:s4] =	dma.local [hbm:s3], $0xF7A  }
0x26: {  	[smem:$0x3F9C] =	sst s1;
	(tag) =	ssettag s2;
	_ =	strace s9  }
0x27: {  	s1 =	sld [smem:$0x3FAC]  }
0x28: {  	s2 =	sld [smem:$0x3FAD]  }
0x29: {  	s4 =	sld [smem:$0x3FAF]  }
0x2a: {  	p0 =	seq.s32 s5, $0x0;
	s5 =	sld [smem:$0x3FB0]  }
0x2b: {  	s6 =	sld [smem:$0x3FB1]  }
0x2c: {  	s7 =	sld [smem:$0x3FB2]  }
0x2d: {  	s3 =	simm.s32 $0x108;
	s8 =	sld [smem:$0x3FB3]  }
0x2e: {  	s3 =	simm.s32 @!p0 $0x1082;
	s9 =	sld [smem:$0x3FB4]  }
0x2f: {  	lr =	sadd.s32 s0, s3;
	s0 =	sld [smem:$0x3FAB]  }
0x30: {  	s3 =	sld [smem:$0x3FAE]  }
0x31: {  	[smem:$0x3FB7] =	sst s10  }
0x32: {  	s10 =	sld [smem:$0x3FB5];
	_ =	sdelay $0x3  }
0x33: {  	p0 =	seq.s32 s10, $0x1;
	s10 =	sld [smem:$0x3FB7];
	_ =	sdelay $0x3  }
0x34: {  	[smem:$0x3FB7] =	sst s10  }
0x35: {  	s10 =	sld [smem:$0x3FB6];
	_ =	sdelay $0x3  }
0x36: {  	p1 =	seq.s32 s10, $0x1;
	s10 =	sld [smem:$0x3FB7];
	_ =	sdelay $0x3  }
0x37: {  	[smem:$0x3FB7] =	sst s10  }
0x38: {  	s10 =	sld [smem:$0x3FB8]  }
0x39: {  	_ = 	snop;
	(pc) =	sbr.ind lr, $3  }
0x3a: {  	_ = 	snop  }
0x3b: {  	_ = 	snop  }
0x3c: {  	p2 =	seq.s32 s10, $0x1;
	s10 =	sld [smem:$0x3FB7]  }
0x3d: {  	_ =	shalt  }
0x3e: {  	_ =	shalt  }
0x3f: {  	_ =	shalt  }
0x40: {  	_ =	shalt  }
0x41: {  	_ =	shalt  }
0x42: {  	_ =	shalt  }
0x43: {  	_ =	shalt  }
0x44: {  	_ =	shalt  }
0x45: {  	_ =	shalt  }
0x46: {  	_ =	shalt  }
0x47: {  	_ =	shalt  }
0x48: {  	_ =	shalt  }
0x49: {  	_ =	shalt  }
0x4a: {  	_ =	shalt  }
0x4b: {  	_ =	shalt  }
0x4c: {  	_ =	shalt  }
0x4d: {  	_ =	shalt  }
0x4e: {  	_ =	shalt  }
0x4f: {  	_ =	shalt  }
0x50: {  	_ =	shalt  }
0x51: {  	_ =	shalt  }
0x52: {  	_ =	shalt  }
0x53: {  	_ =	shalt  }
0x54: {  	_ =	shalt  }
0x55: {  	_ =	shalt  }
0x56: {  	_ =	shalt  }
0x57: {  	_ =	shalt  }
0x58: {  	_ =	shalt  }
0x59: {  	_ =	shalt  }
0x5a: {  	_ =	shalt  }
0x5b: {  	_ =	shalt  }
0x5c: {  	_ =	shalt  }
0x5d: {  	_ =	shalt  }
0x5e: {  	_ =	shalt  }
0x5f: {  	_ =	shalt  }
0x60: {  	_ =	shalt  }
0x61: {  	_ =	shalt  }
0x62: {  	_ =	shalt  }
0x63: {  	_ =	shalt  }
0x64: {  	_ =	shalt  }
0x65: {  	_ =	shalt  }
0x66: {  	_ =	shalt  }
0x67: {  	_ =	shalt  }
0x68: {  	_ =	shalt  }
0x69: {  	_ =	shalt  }
0x6a: {  	_ =	shalt  }
0x6b: {  	_ =	shalt  }
0x6c: {  	_ =	shalt  }
0x6d: {  	_ =	shalt  }
0x6e: {  	_ =	shalt  }
0x6f: {  	_ =	shalt  }
0x70: {  	_ =	shalt  }
0x71: {  	_ =	shalt  }
0x72: {  	_ =	shalt  }
0x73: {  	_ =	shalt  }
0x74: {  	_ =	shalt  }
0x75: {  	_ =	shalt  }
0x76: {  	_ =	shalt  }
0x77: {  	_ =	shalt  }
0x78: {  	_ =	shalt  }
0x79: {  	_ =	shalt  }
0x7a: {  	_ =	shalt  }
0x7b: {  	_ =	shalt  }
0x7c: {  	_ =	shalt  }
0x7d: {  	_ =	shalt  }
0x7e: {  	_ =	shalt  }
0x7f: {  	_ =	shalt  }
0x80: {  	_ =	shalt  }
0x81: {  	_ =	shalt  }
0x82: {  	_ =	shalt  }
0x83: {  	_ =	shalt  }
0x84: {  	_ =	shalt  }
0x85: {  	_ =	shalt  }
0x86: {  	_ =	shalt  }
0x87: {  	_ =	shalt  }
.Lfunc_end0:
.L_simem_size_0:
called_computation_lowered:
.L_overlay_start_0:
0x88: {  	s2 =	sld [smem:$0x3FD9]  }
0x89: {  	s3 =	sld [smem:$0x3FFE];
	_ =	sdelay $0x1  }
0x8a: {  	s1 =	srdreg.scid  }
0x8b: {  	s0 =	sand.u32 $0x1, s1  }
0x8c: {  	s17 =	sshll.u32 s0, $0xA;
	s2 =	sadd.s32 s3, s2  }
0x8d: {  	s2 =	sadd.s32 s2, s17  }
0x8e: {  	[smem:$0x3FC3] =	sst s2  }
0x8f: {  	_ = 	snop  }
0x90: {  	s2 =	sld [smem:$0x3FD0];
	(tm) =	ssettm $0x1  }
0x91: {  	s18 =	sld [smem:$0x3FFB];
	_ =	sdelay $0x3  }
0x92: {  	_ =	strace s18  }
0x93: {  	s3 =	sld [smem:$0x3FFC];
	_ =	sdelay $0x3  }
0x94: {  	_ =	strace s3  }
0x95: {  	s3 =	sld [smem:$0x3FFD];
	_ =	sdelay $0x3  }
0x96: {  	_ =	strace s3  }
0x97: {  	_ =	strace $0x8FFFFFFF  }
0x98: {  	s19 =	sld [smem:$0x3FDB];
	_ =	sdelay $0x1  }
0x99: {  	s4 =	simm.s32 $_scs_section_size  }
0x9a: {  	s5 =	simm.s32 $_size__tile_overlayer_lowered;
	s6 =	simm.s32 $_tile_overlayer_lowered  }
0x9b: {  	s22 =	simm.s32 $0x1BFF;
	s21 =	sshll.u32 s6, $0x1;
	s3 =	sadd.s32 s4, s19  }
0x9c: {  	s7 =	simm.s32 $0x0;
	s20 =	sshll.u32 s5, $0x1;
	s5 =	sadd.s32 s21, s3  }
0x9d: {  	[timem:s7], [sflag:s22] =	dma.local [hbm:s5], s20  }
0x9e: {  	_ =	swait.ge [sflag:s22], s20  }
0x9f: {  	s4 =	ssub.s32 $0x0, s20;
	[sflag:s22] =	ssyncset.done $0x0  }
0xa0: {  	[sflag:s22] =	ssyncadd.s32 s4;
	_ =	sdelay $0x1  }
0xa1: {  	s23 =	simm.s32 $0x1B8B  }
0xa2: {  	_ =	swait.ge [sflag:s23], $0x1  }
0xa3: {  	[sflag:s23] =	ssyncset.done $0x0  }
0xa4: {  	s25 =	simm.s32 $0x1B8E;
	s24 =	sld [smem:$0x3FFE];
	[sflag:s23] =	ssyncadd.s32 $0xFFFFFFFF  }
0xa5: {  	s26 =	simm.s32 $execute0_lowered;
	[smem:$0x3FD2] =	sst s25  }
0xa6: {  	s5 =	sshll.u32 s26, $0x1;
	_ =	strace $0x80000046;
	[dreg:$0x1] =	wrdreg $0xFFFFFFFF  }
0xa7: {  	s28 =	simm.s32 $_size_execute0_lowered;
	s3 =	sadd.s32 s3, s5;
	[dreg:$0x0] =	wrdreg $0x0  }
0xa8: {  	s5 =	sshll.u32 s28, $0x1;
	[dreg:$0x2] =	wrdreg s3  }
0xa9: {  	[dreg:$0x3] =	wrdreg s5  }
0xaa: {  	[dreg:$0x4] =	wrdreg $0xC0  }
0xab: {  	_ =	task [dreg:s7], $0x5FFFF  }
0xac: {  	[dreg:$0x1] =	wrdreg $0xFFFFFFFF  }
0xad: {  	[dreg:$0x0] =	wrdreg $0x60  }
0xae: {  	[dreg:$0x2] =	wrdreg s24  }
0xaf: {  	[dreg:$0x3] =	wrdreg s2  }
0xb0: {  	[dreg:$0x4] =	wrdreg $0x9  }
0xb1: {  	_ =	task.clear_ibuf [dreg:s7], $0x5FFFF;
	_ =	strace $0x90000046  }
0xb2: {  	s29 =	simm.s32 $0x9;
	_ =	strace $0x80000048  }
0xb3: {  	_ =	swait.ge [sflag:s29], $0x1  }
0xb4: {  	[sflag:s29] =	ssyncadd.s32 $0xFFFFFFFF  }
0xb5: {  	_ =	strace $0x90000048  }
0xb6: {  	_ =	sfence  }
0xb7: {  	s30 =	sld [smem:$0x0];
	_ =	sdelay $0x2  }
0xb8: {  	s31 =	sshll.u32 s1, $0xD;
	s1 =	sshrl.u32 s1, $0x2  }
0xb9: {  	s3 =	sand.u32 $0x4000, s31;
	s1 =	sadd.s32 s1, s30  }
0xba: {  	s0 =	sor.u32 s3, s0;
	s1 =	sshll.u32 s1, $0x11  }
0xbb: {  	s0 =	sor.u32 s1, s0  }
0xbc: {  	s0 =	sadd.s32 $0x8F2B, s0  }
0xbd: {  	[sflag:s0] =	ssyncadd.remote.s32 $0x1  }
0xbe: {  	_ =	sfence.sel $0xFFFF  }
0xbf: {  	[dreg:$0x0] =	wrdreg $0xFFFFFFFF;
	(pc) =	sbr.abs _section_cstart, $3  }
0xc0: {  	[dreg:$0x1] =	wrdreg $0xFFFFFFFF  }
0xc1: {  	_ =	task.clear_ibuf [dreg:s7], $0x2FFFF;
	_ =	strace $0x9FFFFFFF  }
0xc2: {  	(tm) =	ssettm $0x7FFFFFFF  }
0xc3: {  	_ =	shalt  }
tec
execute0_lowered:
.L_overlay_start_1:
0x0: {  	(tag) =	ssettag $0x1  }
0x1: {  	s0 =	rddreg [dreg:$0x0]  }
0x2: {  	s1 =	rddreg [dreg:$0x1]  }
0x3: {  	s3 =	srdreg.scid;
	s5 =	stileid.u32  }
0x4: {  	s2 =	simm.s32 $0x0;
	s28 =	simm.s32 $0x2;
	s29 =	simm.s32 $0x4  }
0x5: {  	s4 =	sand.u32 $0x1, s3;
	s17 =	sshll.u32 s5, $0x1;
	[smem:$0x7FF] =	sst s2  }
0x6: {  	s3 =	sadd.s32 $0x2200, s0;
	s7 =	sadd.s32 $0x1200, s0;
	s5 =	sor.u32 s4, s17  }
0x7: {  	_ =	strace $0x80000047;
	s4 =	ssub.s32 $0x2, s4;
	s6 =	sshll.u32 s5, $0xA  }
0x8: {  	s8 =	sshll.u32 s5, $0x7;
	s19 =	sshll.u32 s5, $0x10;
	s11 =	sshrl.u32 s4, $0x1  }
0x9: {  	s5 =	sshll.u32 s5, $0x5;
	s9 =	sor.u32 $0x80, s6;
	s8 =	sadd.s32 s7, s8  }
0xa: {  	s20 =	sadd.s32 s1, s19;
	s21 =	sor.u32 $0x100, s6;
	s12 =	sor.u32 $0x180, s6  }
0xb: {  	s31 =	sor.u32 $0x200, s6;
	s14 =	sor.u32 $0x280, s6;
	[dreg:$0x3] =	wrdreg s8  }
0xc: {  	s10 =	sshrl.u32 s9, $0x3;
	[dreg:$0x5] =	wrdreg s20;
	s22 =	sshrl.u32 s21, $0x3  }
0xd: {  	s9 =	sshll.u32 s9, $0x6;
	s24 =	sshrl.u32 s12, $0x3;
	s26 =	sshll.u32 s21, $0x6  }
0xe: {  	s13 =	sshll.u32 s12, $0x6;
	s16 =	sshrl.u32 s14, $0x3;
	s20 =	sor.u32 $0x300, s6  }
0xf: {  	s6 =	sor.u32 $0x380, s6;
	s18 =	sadd.s32 s7, s10;
	s8 =	sadd.s32 s7, s22  }
0x10: {  	s23 =	sadd.s32 s1, s9;
	s25 =	sadd.s32 s7, s24;
	[dreg:$0x4] =	wrdreg s18  }
0x11: {  	s30 =	sadd.s32 s1, s26;
	s10 =	ssub.s32 s4, s11;
	[dreg:$0x6] =	wrdreg s8  }
0x12: {  	s11 =	sshrl.u32 s31, $0x3;
	s15 =	sadd.s32 s1, s13;
	[dreg:$0x7] =	wrdreg s23  }
0x13: {  	s17 =	sadd.s32 s7, s16;
	s21 =	sshrl.u32 s20, $0x3;
	[dreg:$0x8] =	wrdreg s25  }
0x14: {  	s22 =	sshll.u32 s14, $0x6;
	s24 =	sshrl.u32 s6, $0x3;
	[dreg:$0x9] =	wrdreg s30  }
0x15: {  	s26 =	sshll.u32 s20, $0x6;
	s6 =	sshll.u32 s6, $0x6;
	[dreg:$0xb] =	wrdreg s15  }
0x16: {  	s4 =	sadd.s32 s7, s11;
	s18 =	sshll.u32 s31, $0x6;
	[dreg:$0xc] =	wrdreg s17  }
0x17: {  	s23 =	sadd.s32 s1, s22;
	s25 =	sadd.s32 s7, s24;
	[dreg:$0xa] =	wrdreg s4  }
0x18: {  	s30 =	sadd.s32 s1, s26;
	s31 =	sadd.s32 $0x20, s5;
	[dreg:$0xf] =	wrdreg s23  }
0x19: {  	s5 =	smax.u32 s10, $0x1;
	s26 =	simm.s32 $0x3;
	[dreg:$0x10] =	wrdreg s25  }
0x1a: {  	s19 =	sadd.s32 s1, s18;
	s4 =	sadd.s32 s7, s21;
	[dreg:$0x11] =	wrdreg s30  }
0x1b: {  	v3 =	vlaneseq.u32;
	vm0 =	vmmov $0x1;
	vm1 =	vmmov $0xffff;
	s1 =	sadd.s32 s1, s6;
	s6 =	simm.s32 $0x5;
	[dreg:$0xd] =	wrdreg s19  }
0x1c: {  	vm2 =	vmmov $0xff;
	v2 =	vshrl.u32 v3, $0x3;
	v1 =	vand.u32 $0x7, v3;
	s23 =	simm.s32 $0x1;
	s25 =	simm.s32 $0xC00;
	[dreg:$0xe] =	wrdreg s4  }
0x1d: {  	v3 =	vor.u32 $0x8, v3;
	v2 =	vmul.u32 $0x8, v2;
	v0 =	vmov s31;
	s7 =	simm.s32 $0x1000;
	s4 =	sadd.s32 $0x2300, s0;
	[dreg:$0x12] =	wrdreg s1  }
.LBB2_1:
0x1e: {  	s30 =	rddreg [dreg:$0x3]  }
0x1f: {  	[tilespmem:s2], [sflag:$0x5] =	stream.linear.gather [hbm4b:s30+s2], $0x80, $0x38;
	[tilespmem:$0x18100] =	vst v63  }
0x20: {  	_ =	swait.ge [sflag:s6], $0x80  }
0x21: {  	[sflag:s6] =	ssyncset.done $0x0  }
0x22: {  	[sflag:s6] =	ssyncadd.s32 $0xFFFFFF80  }
0x23: {  	v4 =	vld [tilespmem:$0x0];
	_ =	sdelay $0x4  }
0x24: {  	v5 =	vadd.s32 v0, v4  }
0x25: {  	v4 =	vsel vm0, v5, v4  }
0x26: {  	v5 =	vshrl.u32 v4, $0x3  }
0x27: {  	v5 =	vmul.u32 $0x18, v5  }
0x28: {  	v6 =	vand.u32 $0x7, v4  }
0x29: {  	v7 =	vld [tilespmem:$0x40];
	v5 =	vor.u32 v6, v5  }
0x2a: {  	v6 =	vperm.xlane v5, v1;
	_ =	sdelay $0x1  }
0x2b: {  	v6 =	vadd.s32 v2, v6;
	_ =	sdelay $0x1  }
0x2c: {  	v8 =	vadd.s32 v0, v7;
	v5 =	vperm.xlane v5, v3  }
0x2d: {  	[tilespmem:$0x0] =	vst v4;
	v4 =	vsel vm0, v8, v7  }
0x2e: {  	s0 =	simm.s32 $0x100;
	[tilespmem:$0x40] =	vst v4;
	v4 =	vadd.s32 v2, v5  }
0x2f: {  	[tilespmem:s0], [sflag:$0x1] =	stream.indirect_vreg.gather [hbm4b:s3+s2], $0x80, v6, vm1, $0xb8;
	[tilespmem:$0x18100] =	vst v63  }
0x30: {  	s14 =	simm.s32 $0x900  }
0x31: {  	[tilespmem:s14], [sflag:$0x1] =	stream.indirect_vreg.gather [hbm4b:s4+s2], $0x80, v6, vm2, $0xb8;
	[tilespmem:$0x18100] =	vst v63  }
0x32: {  	s15 =	simm.s32 $0xD00  }
0x33: {  	[tilespmem:s15], [sflag:$0x1] =	stream.indirect_vreg.gather [hbm4b:s3+s2], $0x80, v4, vm1, $0xb8;
	[tilespmem:$0x18100] =	vst v63  }
0x34: {  	s16 =	simm.s32 $0x1500  }
0x35: {  	[tilespmem:s16], [sflag:$0x1] =	stream.indirect_vreg.gather [hbm4b:s4+s2], $0x80, v4, vm2, $0xb8;
	[tilespmem:$0x18100] =	vst v63  }
0x36: {  	v4 =	vld [tilespmem:$0x10];
	_ =	sdelay $0x4  }
0x37: {  	v5 =	vshrl.u32 v4, $0x3  }
0x38: {  	v5 =	vmul.u32 $0x18, v5  }
0x39: {  	v4 =	vand.u32 $0x7, v4  }
0x3a: {  	v4 =	vor.u32 v4, v5  }
0x3b: {  	v5 =	vperm.xlane v4, v1;
	_ =	sdelay $0x1  }
0x3c: {  	v5 =	vadd.s32 v2, v5;
	_ =	sdelay $0x1  }
0x3d: {  	v4 =	vperm.xlane v4, v3;
	_ =	sdelay $0x1  }
0x3e: {  	s17 =	simm.s32 $0x1900;
	v4 =	vadd.s32 v2, v4  }
0x3f: {  	[tilespmem:s17], [sflag:$0x1] =	stream.indirect_vreg.gather [hbm4b:s3+s2], $0x80, v5, vm1, $0xb8;
	[tilespmem:$0x18100] =	vst v63  }
0x40: {  	s18 =	simm.s32 $0x2100  }
0x41: {  	[tilespmem:s18], [sflag:$0x1] =	stream.indirect_vreg.gather [hbm4b:s4+s2], $0x80, v5, vm2, $0xb8;
	[tilespmem:$0x18100] =	vst v63  }
0x42: {  	s19 =	simm.s32 $0x2500  }
0x43: {  	[tilespmem:s19], [sflag:$0x1] =	stream.indirect_vreg.gather [hbm4b:s3+s2], $0x80, v4, vm1, $0xb8;
	[tilespmem:$0x18100] =	vst v63  }
0x44: {  	s20 =	simm.s32 $0x2D00  }
0x45: {  	[tilespmem:s20], [sflag:$0x1] =	stream.indirect_vreg.gather [hbm4b:s4+s2], $0x80, v4, vm2, $0xb8;
	[tilespmem:$0x18100] =	vst v63  }
0x46: {  	v4 =	vld [tilespmem:$0x20];
	_ =	sdelay $0x4  }
0x47: {  	v5 =	vshrl.u32 v4, $0x3  }
0x48: {  	v5 =	vmul.u32 $0x18, v5  }
0x49: {  	v4 =	vand.u32 $0x7, v4  }
0x4a: {  	v4 =	vor.u32 v4, v5  }
0x4b: {  	v5 =	vperm.xlane v4, v1;
	_ =	sdelay $0x1  }
0x4c: {  	v5 =	vadd.s32 v2, v5;
	_ =	sdelay $0x1  }
0x4d: {  	v4 =	vperm.xlane v4, v3;
	_ =	sdelay $0x1  }
0x4e: {  	s21 =	simm.s32 $0x3100;
	v4 =	vadd.s32 v2, v4  }
0x4f: {  	[tilespmem:s21], [sflag:$0x1] =	stream.indirect_vreg.gather [hbm4b:s3+s2], $0x80, v5, vm1, $0xb8;
	[tilespmem:$0x18100] =	vst v63  }
0x50: {  	s22 =	simm.s32 $0x3900  }
0x51: {  	[tilespmem:s22], [sflag:$0x1] =	stream.indirect_vreg.gather [hbm4b:s4+s2], $0x80, v5, vm2, $0xb8;
	[tilespmem:$0x18100] =	vst v63  }
0x52: {  	s24 =	simm.s32 $0x3D00  }
0x53: {  	[tilespmem:s24], [sflag:$0x1] =	stream.indirect_vreg.gather [hbm4b:s3+s2], $0x80, v4, vm1, $0xb8;
	[tilespmem:$0x18100] =	vst v63  }
0x54: {  	s30 =	simm.s32 $0x4500  }
0x55: {  	[tilespmem:s30], [sflag:$0x1] =	stream.indirect_vreg.gather [hbm4b:s4+s2], $0x80, v4, vm2, $0xb8;
	[tilespmem:$0x18100] =	vst v63  }
0x56: {  	v4 =	vld [tilespmem:$0x30];
	_ =	sdelay $0x4  }
0x57: {  	v5 =	vshrl.u32 v4, $0x3  }
0x58: {  	v5 =	vmul.u32 $0x18, v5  }
0x59: {  	v4 =	vand.u32 $0x7, v4  }
0x5a: {  	v4 =	vor.u32 v4, v5  }
0x5b: {  	v5 =	vperm.xlane v4, v1;
	_ =	sdelay $0x1  }
0x5c: {  	v5 =	vadd.s32 v2, v5;
	_ =	sdelay $0x1  }
0x5d: {  	v4 =	vperm.xlane v4, v3;
	_ =	sdelay $0x1  }
0x5e: {  	s31 =	simm.s32 $0x4900;
	v4 =	vadd.s32 v2, v4  }
0x5f: {  	[tilespmem:s31], [sflag:$0x1] =	stream.indirect_vreg.gather [hbm4b:s3+s2], $0x80, v5, vm1, $0xb8;
	[tilespmem:$0x18100] =	vst v63  }
0x60: {  	s1 =	simm.s32 $0x5100  }
0x61: {  	[tilespmem:s1], [sflag:$0x1] =	stream.indirect_vreg.gather [hbm4b:s4+s2], $0x80, v5, vm2, $0xb8;
	[tilespmem:$0x18100] =	vst v63  }
0x62: {  	s8 =	simm.s32 $0x5500  }
0x63: {  	[tilespmem:s8], [sflag:$0x1] =	stream.indirect_vreg.gather [hbm4b:s3+s2], $0x80, v4, vm1, $0xb8;
	[tilespmem:$0x18100] =	vst v63  }
0x64: {  	s12 =	simm.s32 $0x5D00  }
0x65: {  	[tilespmem:s12], [sflag:$0x1] =	stream.indirect_vreg.gather [hbm4b:s4+s2], $0x80, v4, vm2, $0xb8;
	[tilespmem:$0x18100] =	vst v63  }
0x66: {  	v4 =	vld [tilespmem:$0x40];
	_ =	sdelay $0x4  }
0x67: {  	v5 =	vshrl.u32 v4, $0x3  }
0x68: {  	v5 =	vmul.u32 $0x18, v5  }
0x69: {  	v4 =	vand.u32 $0x7, v4  }
0x6a: {  	v4 =	vor.u32 v4, v5  }
0x6b: {  	v5 =	vperm.xlane v4, v1;
	_ =	sdelay $0x1  }
0x6c: {  	v5 =	vadd.s32 v2, v5;
	_ =	sdelay $0x1  }
0x6d: {  	v4 =	vperm.xlane v4, v3;
	_ =	sdelay $0x1  }
0x6e: {  	s13 =	simm.s32 $0x6100;
	v4 =	vadd.s32 v2, v4  }
0x6f: {  	[tilespmem:s13], [sflag:$0x1] =	stream.indirect_vreg.gather [hbm4b:s3+s2], $0x80, v5, vm1, $0xb8;
	[tilespmem:$0x18100] =	vst v63  }
0x70: {  	s14 =	simm.s32 $0x6900  }
0x71: {  	[tilespmem:s14], [sflag:$0x1] =	stream.indirect_vreg.gather [hbm4b:s4+s2], $0x80, v5, vm2, $0xb8;
	[tilespmem:$0x18100] =	vst v63  }
0x72: {  	s15 =	simm.s32 $0x6D00  }
0x73: {  	[tilespmem:s15], [sflag:$0x1] =	stream.indirect_vreg.gather [hbm4b:s3+s2], $0x80, v4, vm1, $0xb8;
	[tilespmem:$0x18100] =	vst v63  }
0x74: {  	s16 =	simm.s32 $0x7500  }
0x75: {  	[tilespmem:s16], [sflag:$0x1] =	stream.indirect_vreg.gather [hbm4b:s4+s2], $0x80, v4, vm2, $0xb8;
	[tilespmem:$0x18100] =	vst v63  }
0x76: {  	v4 =	vld [tilespmem:$0x50];
	_ =	sdelay $0x4  }
0x77: {  	v5 =	vshrl.u32 v4, $0x3  }
0x78: {  	v5 =	vmul.u32 $0x18, v5  }
0x79: {  	v4 =	vand.u32 $0x7, v4  }
0x7a: {  	v4 =	vor.u32 v4, v5  }
0x7b: {  	v5 =	vperm.xlane v4, v1;
	_ =	sdelay $0x1  }
0x7c: {  	v5 =	vadd.s32 v2, v5;
	_ =	sdelay $0x1  }
0x7d: {  	v4 =	vperm.xlane v4, v3;
	_ =	sdelay $0x1  }
0x7e: {  	s17 =	simm.s32 $0x7900;
	v4 =	vadd.s32 v2, v4  }
0x7f: {  	[tilespmem:s17], [sflag:$0x1] =	stream.indirect_vreg.gather [hbm4b:s3+s2], $0x80, v5, vm1, $0xb8;
	[tilespmem:$0x18100] =	vst v63  }
0x80: {  	s18 =	simm.s32 $0x8100  }
0x81: {  	[tilespmem:s18], [sflag:$0x1] =	stream.indirect_vreg.gather [hbm4b:s4+s2], $0x80, v5, vm2, $0xb8;
	[tilespmem:$0x18100] =	vst v63  }
0x82: {  	s19 =	simm.s32 $0x8500  }
0x83: {  	[tilespmem:s19], [sflag:$0x1] =	stream.indirect_vreg.gather [hbm4b:s3+s2], $0x80, v4, vm1, $0xb8;
	[tilespmem:$0x18100] =	vst v63  }
0x84: {  	s20 =	simm.s32 $0x8D00  }
0x85: {  	[tilespmem:s20], [sflag:$0x1] =	stream.indirect_vreg.gather [hbm4b:s4+s2], $0x80, v4, vm2, $0xb8;
	[tilespmem:$0x18100] =	vst v63  }
0x86: {  	v4 =	vld [tilespmem:$0x60];
	_ =	sdelay $0x4  }
0x87: {  	v5 =	vshrl.u32 v4, $0x3  }
0x88: {  	v5 =	vmul.u32 $0x18, v5  }
0x89: {  	v4 =	vand.u32 $0x7, v4  }
0x8a: {  	v4 =	vor.u32 v4, v5  }
0x8b: {  	v5 =	vperm.xlane v4, v1;
	_ =	sdelay $0x1  }
0x8c: {  	v5 =	vadd.s32 v2, v5;
	_ =	sdelay $0x1  }
0x8d: {  	v4 =	vperm.xlane v4, v3;
	_ =	sdelay $0x1  }
0x8e: {  	s21 =	simm.s32 $0x9100;
	v4 =	vadd.s32 v2, v4  }
0x8f: {  	[tilespmem:s21], [sflag:$0x1] =	stream.indirect_vreg.gather [hbm4b:s3+s2], $0x80, v5, vm1, $0xb8;
	[tilespmem:$0x18100] =	vst v63  }
0x90: {  	s22 =	simm.s32 $0x9900  }
0x91: {  	[tilespmem:s22], [sflag:$0x1] =	stream.indirect_vreg.gather [hbm4b:s4+s2], $0x80, v5, vm2, $0xb8;
	[tilespmem:$0x18100] =	vst v63  }
0x92: {  	s24 =	simm.s32 $0x9D00  }
0x93: {  	[tilespmem:s24], [sflag:$0x1] =	stream.indirect_vreg.gather [hbm4b:s3+s2], $0x80, v4, vm1, $0xb8;
	[tilespmem:$0x18100] =	vst v63  }
0x94: {  	s30 =	simm.s32 $0xA500  }
0x95: {  	[tilespmem:s30], [sflag:$0x1] =	stream.indirect_vreg.gather [hbm4b:s4+s2], $0x80, v4, vm2, $0xb8;
	[tilespmem:$0x18100] =	vst v63  }
0x96: {  	v4 =	vld [tilespmem:$0x70];
	_ =	sdelay $0x4  }
0x97: {  	v5 =	vshrl.u32 v4, $0x3  }
0x98: {  	v5 =	vmul.u32 $0x18, v5  }
0x99: {  	v4 =	vand.u32 $0x7, v4  }
0x9a: {  	v4 =	vor.u32 v4, v5  }
0x9b: {  	v5 =	vperm.xlane v4, v1;
	_ =	sdelay $0x1  }
0x9c: {  	v5 =	vadd.s32 v2, v5;
	_ =	sdelay $0x1  }
0x9d: {  	v4 =	vperm.xlane v4, v3;
	_ =	sdelay $0x1  }
0x9e: {  	s31 =	simm.s32 $0xA900;
	v4 =	vadd.s32 v2, v4  }
0x9f: {  	[tilespmem:s31], [sflag:$0x1] =	stream.indirect_vreg.gather [hbm4b:s3+s2], $0x80, v5, vm1, $0xb8;
	[tilespmem:$0x18100] =	vst v63  }
0xa0: {  	s1 =	simm.s32 $0xB100  }
0xa1: {  	[tilespmem:s1], [sflag:$0x1] =	stream.indirect_vreg.gather [hbm4b:s4+s2], $0x80, v5, vm2, $0xb8;
	[tilespmem:$0x18100] =	vst v63  }
0xa2: {  	s14 =	simm.s32 $0xB500  }
0xa3: {  	[tilespmem:s14], [sflag:$0x1] =	stream.indirect_vreg.gather [hbm4b:s3+s2], $0x80, v4, vm1, $0xb8;
	[tilespmem:$0x18100] =	vst v63  }
0xa4: {  	s16 =	simm.s32 $0xBD00  }
0xa5: {  	[tilespmem:s16], [sflag:$0x1] =	stream.indirect_vreg.gather [hbm4b:s4+s2], $0x80, v4, vm2, $0xb8;
	[tilespmem:$0x18100] =	vst v63  }
0xa6: {  	s15 =	rddreg [dreg:$0x4];
	s1 =	simm.s32 $0x80  }
0xa7: {  	[tilespmem:s1], [sflag:$0x5] =	stream.linear.gather [hbm4b:s15+s2], $0x80, $0x38;
	[tilespmem:$0x18100] =	vst v63  }
0xa8: {  	_ =	swait.ge [sflag:s6], $0x80  }
0xa9: {  	[sflag:s6] =	ssyncset.done $0x0  }
0xaa: {  	[sflag:s6] =	ssyncadd.s32 $0xFFFFFF80  }
0xab: {  	v4 =	vld [tilespmem:$0x80];
	_ =	sdelay $0x4  }
0xac: {  	v5 =	vadd.s32 v0, v4  }
0xad: {  	v4 =	vsel vm0, v5, v4  }
0xae: {  	v5 =	vshrl.u32 v4, $0x3  }
0xaf: {  	v5 =	vmul.u32 $0x18, v5  }
0xb0: {  	v43 =	vand.u32 $0x7, v4  }
0xb1: {  	v44 =	vld [tilespmem:$0xC0];
	v5 =	vor.u32 v43, v5  }
0xb2: {  	v6 =	vperm.xlane v5, v1;
	_ =	sdelay $0x1  }
0xb3: {  	v6 =	vadd.s32 v2, v6;
	_ =	sdelay $0x1  }
0xb4: {  	v45 =	vadd.s32 v0, v44;
	v5 =	vperm.xlane v5, v3  }
0xb5: {  	[tilespmem:$0x80] =	vst v4;
	v4 =	vsel vm0, v45, v44  }
0xb6: {  	s17 =	simm.s32 $0xC100;
	[tilespmem:$0xC0] =	vst v4;
	v4 =	vadd.s32 v2, v5  }
0xb7: {  	[tilespmem:s17], [sflag:$0x2] =	stream.indirect_vreg.gather [hbm4b:s3+s2], $0x80, v6, vm1, $0xb8;
	[tilespmem:$0x18100] =	vst v63  }
0xb8: {  	s18 =	simm.s32 $0xC900  }
0xb9: {  	[tilespmem:s18], [sflag:$0x2] =	stream.indirect_vreg.gather [hbm4b:s4+s2], $0x80, v6, vm2, $0xb8;
	[tilespmem:$0x18100] =	vst v63  }
0xba: {  	s19 =	simm.s32 $0xCD00  }
0xbb: {  	[tilespmem:s19], [sflag:$0x2] =	stream.indirect_vreg.gather [hbm4b:s3+s2], $0x80, v4, vm1, $0xb8;
	[tilespmem:$0x18100] =	vst v63  }
0xbc: {  	s20 =	simm.s32 $0xD500  }
0xbd: {  	[tilespmem:s20], [sflag:$0x2] =	stream.indirect_vreg.gather [hbm4b:s4+s2], $0x80, v4, vm2, $0xb8;
	[tilespmem:$0x18100] =	vst v63  }
0xbe: {  	v4 =	vld [tilespmem:$0x90];
	_ =	sdelay $0x4  }
0xbf: {  	v5 =	vshrl.u32 v4, $0x3  }
0xc0: {  	v5 =	vmul.u32 $0x18, v5  }
0xc1: {  	v4 =	vand.u32 $0x7, v4  }
0xc2: {  	v4 =	vor.u32 v4, v5  }
0xc3: {  	v5 =	vperm.xlane v4, v1;
	_ =	sdelay $0x1  }
0xc4: {  	v5 =	vadd.s32 v2, v5;
	_ =	sdelay $0x1  }
0xc5: {  	v4 =	vperm.xlane v4, v3;
	_ =	sdelay $0x1  }
0xc6: {  	s21 =	simm.s32 $0xD900;
	v4 =	vadd.s32 v2, v4  }
0xc7: {  	[tilespmem:s21], [sflag:$0x2] =	stream.indirect_vreg.gather [hbm4b:s3+s2], $0x80, v5, vm1, $0xb8;
	[tilespmem:$0x18100] =	vst v63  }
0xc8: {  	s22 =	simm.s32 $0xE100  }
0xc9: {  	[tilespmem:s22], [sflag:$0x2] =	stream.indirect_vreg.gather [hbm4b:s4+s2], $0x80, v5, vm2, $0xb8;
	[tilespmem:$0x18100] =	vst v63  }
0xca: {  	s24 =	simm.s32 $0xE500  }
0xcb: {  	[tilespmem:s24], [sflag:$0x2] =	stream.indirect_vreg.gather [hbm4b:s3+s2], $0x80, v4, vm1, $0xb8;
	[tilespmem:$0x18100] =	vst v63  }
0xcc: {  	s31 =	simm.s32 $0xED00  }
0xcd: {  	[tilespmem:s31], [sflag:$0x2] =	stream.indirect_vreg.gather [hbm4b:s4+s2], $0x80, v4, vm2, $0xb8;
	[tilespmem:$0x18100] =	vst v63  }
0xce: {  	v4 =	vld [tilespmem:$0xA0];
	_ =	sdelay $0x4  }
0xcf: {  	v5 =	vshrl.u32 v4, $0x3  }
0xd0: {  	v5 =	vmul.u32 $0x18, v5  }
0xd1: {  	v4 =	vand.u32 $0x7, v4  }
0xd2: {  	v4 =	vor.u32 v4, v5  }
0xd3: {  	v5 =	vperm.xlane v4, v1;
	_ =	sdelay $0x1  }
0xd4: {  	v5 =	vadd.s32 v2, v5;
	_ =	sdelay $0x1  }
0xd5: {  	v4 =	vperm.xlane v4, v3;
	_ =	sdelay $0x1  }
0xd6: {  	s0 =	simm.s32 $0xF100;
	v4 =	vadd.s32 v2, v4  }
0xd7: {  	[tilespmem:s0], [sflag:$0x2] =	stream.indirect_vreg.gather [hbm4b:s3+s2], $0x80, v5, vm1, $0xb8;
	[tilespmem:$0x18100] =	vst v63  }
0xd8: {  	s1 =	simm.s32 $0xF900  }
0xd9: {  	[tilespmem:s1], [sflag:$0x2] =	stream.indirect_vreg.gather [hbm4b:s4+s2], $0x80, v5, vm2, $0xb8;
	[tilespmem:$0x18100] =	vst v63  }
0xda: {  	s14 =	simm.s32 $0xFD00  }
0xdb: {  	[tilespmem:s14], [sflag:$0x2] =	stream.indirect_vreg.gather [hbm4b:s3+s2], $0x80, v4, vm1, $0xb8;
	[tilespmem:$0x18100] =	vst v63  }
0xdc: {  	s15 =	simm.s32 $0x10500  }
0xdd: {  	[tilespmem:s15], [sflag:$0x2] =	stream.indirect_vreg.gather [hbm4b:s4+s2], $0x80, v4, vm2, $0xb8;
	[tilespmem:$0x18100] =	vst v63  }
0xde: {  	v4 =	vld [tilespmem:$0xB0];
	_ =	sdelay $0x4  }
0xdf: {  	v5 =	vshrl.u32 v4, $0x3  }
0xe0: {  	v5 =	vmul.u32 $0x18, v5  }
0xe1: {  	v4 =	vand.u32 $0x7, v4  }
0xe2: {  	v4 =	vor.u32 v4, v5  }
0xe3: {  	v5 =	vperm.xlane v4, v1;
	_ =	sdelay $0x1  }
0xe4: {  	v5 =	vadd.s32 v2, v5;
	_ =	sdelay $0x1  }
0xe5: {  	v4 =	vperm.xlane v4, v3;
	_ =	sdelay $0x1  }
0xe6: {  	s16 =	simm.s32 $0x10900;
	v4 =	vadd.s32 v2, v4  }
0xe7: {  	[tilespmem:s16], [sflag:$0x2] =	stream.indirect_vreg.gather [hbm4b:s3+s2], $0x80, v5, vm1, $0xb8;
	[tilespmem:$0x18100] =	vst v63  }
0xe8: {  	s17 =	simm.s32 $0x11100  }
0xe9: {  	[tilespmem:s17], [sflag:$0x2] =	stream.indirect_vreg.gather [hbm4b:s4+s2], $0x80, v5, vm2, $0xb8;
	[tilespmem:$0x18100] =	vst v63  }
0xea: {  	s18 =	simm.s32 $0x11500  }
0xeb: {  	[tilespmem:s18], [sflag:$0x2] =	stream.indirect_vreg.gather [hbm4b:s3+s2], $0x80, v4, vm1, $0xb8;
	[tilespmem:$0x18100] =	vst v63  }
0xec: {  	s19 =	simm.s32 $0x11D00  }
0xed: {  	[tilespmem:s19], [sflag:$0x2] =	stream.indirect_vreg.gather [hbm4b:s4+s2], $0x80, v4, vm2, $0xb8;
	[tilespmem:$0x18100] =	vst v63  }
0xee: {  	v4 =	vld [tilespmem:$0xC0];
	_ =	sdelay $0x4  }
0xef: {  	v5 =	vshrl.u32 v4, $0x3  }
0xf0: {  	v5 =	vmul.u32 $0x18, v5  }
0xf1: {  	v4 =	vand.u32 $0x7, v4  }
0xf2: {  	v4 =	vor.u32 v4, v5  }
0xf3: {  	v5 =	vperm.xlane v4, v1;
	_ =	sdelay $0x1  }
0xf4: {  	v5 =	vadd.s32 v2, v5;
	_ =	sdelay $0x1  }
0xf5: {  	v4 =	vperm.xlane v4, v3;
	_ =	sdelay $0x1  }
0xf6: {  	s20 =	simm.s32 $0x12100;
	v4 =	vadd.s32 v2, v4  }
0xf7: {  	[tilespmem:s20], [sflag:$0x2] =	stream.indirect_vreg.gather [hbm4b:s3+s2], $0x80, v5, vm1, $0xb8;
	[tilespmem:$0x18100] =	vst v63  }
0xf8: {  	s21 =	simm.s32 $0x12900  }
0xf9: {  	[tilespmem:s21], [sflag:$0x2] =	stream.indirect_vreg.gather [hbm4b:s4+s2], $0x80, v5, vm2, $0xb8;
	[tilespmem:$0x18100] =	vst v63  }
0xfa: {  	s22 =	simm.s32 $0x12D00  }
0xfb: {  	[tilespmem:s22], [sflag:$0x2] =	stream.indirect_vreg.gather [hbm4b:s3+s2], $0x80, v4, vm1, $0xb8;
	[tilespmem:$0x18100] =	vst v63  }
0xfc: {  	s24 =	simm.s32 $0x13500  }
0xfd: {  	[tilespmem:s24], [sflag:$0x2] =	stream.indirect_vreg.gather [hbm4b:s4+s2], $0x80, v4, vm2, $0xb8;
	[tilespmem:$0x18100] =	vst v63  }
0xfe: {  	v4 =	vld [tilespmem:$0xD0];
	_ =	sdelay $0x4  }
0xff: {  	v5 =	vshrl.u32 v4, $0x3  }
0x100: {  	v5 =	vmul.u32 $0x18, v5  }
0x101: {  	v4 =	vand.u32 $0x7, v4  }
0x102: {  	v4 =	vor.u32 v4, v5  }
0x103: {  	v5 =	vperm.xlane v4, v1;
	_ =	sdelay $0x1  }
0x104: {  	v5 =	vadd.s32 v2, v5;
	_ =	sdelay $0x1  }
0x105: {  	v4 =	vperm.xlane v4, v3;
	_ =	sdelay $0x1  }
0x106: {  	s31 =	simm.s32 $0x13900;
	v4 =	vadd.s32 v2, v4  }
0x107: {  	[tilespmem:s31], [sflag:$0x2] =	stream.indirect_vreg.gather [hbm4b:s3+s2], $0x80, v5, vm1, $0xb8;
	[tilespmem:$0x18100] =	vst v63  }
0x108: {  	s0 =	simm.s32 $0x14100  }
0x109: {  	[tilespmem:s0], [sflag:$0x2] =	stream.indirect_vreg.gather [hbm4b:s4+s2], $0x80, v5, vm2, $0xb8;
	[tilespmem:$0x18100] =	vst v63  }
0x10a: {  	s1 =	simm.s32 $0x14500  }
0x10b: {  	[tilespmem:s1], [sflag:$0x2] =	stream.indirect_vreg.gather [hbm4b:s3+s2], $0x80, v4, vm1, $0xb8;
	[tilespmem:$0x18100] =	vst v63  }
0x10c: {  	s14 =	simm.s32 $0x14D00  }
0x10d: {  	[tilespmem:s14], [sflag:$0x2] =	stream.indirect_vreg.gather [hbm4b:s4+s2], $0x80, v4, vm2, $0xb8;
	[tilespmem:$0x18100] =	vst v63  }
0x10e: {  	v4 =	vld [tilespmem:$0xE0];
	_ =	sdelay $0x4  }
0x10f: {  	v5 =	vshrl.u32 v4, $0x3  }
0x110: {  	v5 =	vmul.u32 $0x18, v5  }
0x111: {  	v4 =	vand.u32 $0x7, v4  }
0x112: {  	v4 =	vor.u32 v4, v5  }
0x113: {  	v5 =	vperm.xlane v4, v1;
	_ =	sdelay $0x1  }
0x114: {  	v5 =	vadd.s32 v2, v5;
	_ =	sdelay $0x1  }
0x115: {  	v4 =	vperm.xlane v4, v3;
	_ =	sdelay $0x1  }
0x116: {  	s15 =	simm.s32 $0x15100;
	v4 =	vadd.s32 v2, v4  }
0x117: {  	[tilespmem:s15], [sflag:$0x2] =	stream.indirect_vreg.gather [hbm4b:s3+s2], $0x80, v5, vm1, $0xb8;
	[tilespmem:$0x18100] =	vst v63  }
0x118: {  	s16 =	simm.s32 $0x15900  }
0x119: {  	[tilespmem:s16], [sflag:$0x2] =	stream.indirect_vreg.gather [hbm4b:s4+s2], $0x80, v5, vm2, $0xb8;
	[tilespmem:$0x18100] =	vst v63  }
0x11a: {  	s17 =	simm.s32 $0x15D00  }
0x11b: {  	[tilespmem:s17], [sflag:$0x2] =	stream.indirect_vreg.gather [hbm4b:s3+s2], $0x80, v4, vm1, $0xb8;
	[tilespmem:$0x18100] =	vst v63  }
0x11c: {  	s18 =	simm.s32 $0x16500  }
0x11d: {  	[tilespmem:s18], [sflag:$0x2] =	stream.indirect_vreg.gather [hbm4b:s4+s2], $0x80, v4, vm2, $0xb8;
	[tilespmem:$0x18100] =	vst v63  }
0x11e: {  	v4 =	vld [tilespmem:$0xF0];
	_ =	sdelay $0x4  }
0x11f: {  	v5 =	vshrl.u32 v4, $0x3  }
0x120: {  	v5 =	vmul.u32 $0x18, v5  }
0x121: {  	v4 =	vand.u32 $0x7, v4  }
0x122: {  	v4 =	vor.u32 v4, v5  }
0x123: {  	v5 =	vperm.xlane v4, v1;
	_ =	sdelay $0x1  }
0x124: {  	v5 =	vadd.s32 v2, v5;
	_ =	sdelay $0x1  }
0x125: {  	v4 =	vperm.xlane v4, v3;
	_ =	sdelay $0x1  }
0x126: {  	s19 =	simm.s32 $0x16900;
	v4 =	vadd.s32 v2, v4  }
0x127: {  	[tilespmem:s19], [sflag:$0x2] =	stream.indirect_vreg.gather [hbm4b:s3+s2], $0x80, v5, vm1, $0xb8;
	[tilespmem:$0x18100] =	vst v63  }
0x128: {  	s20 =	simm.s32 $0x17100  }
0x129: {  	[tilespmem:s20], [sflag:$0x2] =	stream.indirect_vreg.gather [hbm4b:s4+s2], $0x80, v5, vm2, $0xb8;
	[tilespmem:$0x18100] =	vst v63  }
0x12a: {  	s21 =	simm.s32 $0x17500  }
0x12b: {  	[tilespmem:s21], [sflag:$0x2] =	stream.indirect_vreg.gather [hbm4b:s3+s2], $0x80, v4, vm1, $0xb8;
	[tilespmem:$0x18100] =	vst v63  }
0x12c: {  	s22 =	simm.s32 $0x17D00  }
0x12d: {  	[tilespmem:s22], [sflag:$0x2] =	stream.indirect_vreg.gather [hbm4b:s4+s2], $0x80, v4, vm2, $0xb8;
	[tilespmem:$0x18100] =	vst v63  }
0x12e: {  	_ =	swait.ge [sflag:s23], $0xC000  }
0x12f: {  	[sflag:s23] =	ssyncset.done $0x0  }
0x130: {  	s31 =	simm.s32 $0x100;
	s24 =	rddreg [dreg:$0x5];
	[sflag:s23] =	ssyncadd.s32 $0xFFFF4000  }
0x131: {  	[hbm4b:s24+s25] =	stream.strided.scatter [tilespmem:s31], [sflag:$0x3], $0xC000, s7, s25, $0x38;
	[tilespmem:$0x18100] =	vst v63  }
0x132: {  	_ =	swait.ge [sflag:s26], $0xC000  }
0x133: {  	[sflag:s26] =	ssyncset.done $0x0  }
0x134: {  	s0 =	rddreg [dreg:$0x6];
	[sflag:s26] =	ssyncadd.s32 $0xFFFF4000  }
0x135: {  	[tilespmem:s2], [sflag:$0x5] =	stream.linear.gather [hbm4b:s0+s2], $0x80, $0x38;
	[tilespmem:$0x18100] =	vst v63  }
0x136: {  	_ =	swait.ge [sflag:s6], $0x80  }
0x137: {  	[sflag:s6] =	ssyncset.done $0x0  }
0x138: {  	[sflag:s6] =	ssyncadd.s32 $0xFFFFFF80  }
0x139: {  	v4 =	vld [tilespmem:$0x0];
	_ =	sdelay $0x4  }
0x13a: {  	v5 =	vadd.s32 v0, v4  }
0x13b: {  	v4 =	vsel vm0, v5, v4  }
0x13c: {  	v5 =	vshrl.u32 v4, $0x3  }
0x13d: {  	v5 =	vmul.u32 $0x18, v5  }
0x13e: {  	v46 =	vand.u32 $0x7, v4  }
0x13f: {  	v47 =	vld [tilespmem:$0x40];
	v5 =	vor.u32 v46, v5  }
0x140: {  	v6 =	vperm.xlane v5, v1;
	_ =	sdelay $0x1  }
0x141: {  	v6 =	vadd.s32 v2, v6;
	_ =	sdelay $0x1  }
0x142: {  	v48 =	vadd.s32 v0, v47;
	v5 =	vperm.xlane v5, v3  }
0x143: {  	[tilespmem:$0x0] =	vst v4;
	v4 =	vsel vm0, v48, v47  }
0x144: {  	[tilespmem:$0x40] =	vst v4;
	v4 =	vadd.s32 v2, v5  }
0x145: {  	[tilespmem:s31], [sflag:$0x1] =	stream.indirect_vreg.gather [hbm4b:s3+s2], $0x80, v6, vm1, $0xb8;
	[tilespmem:$0x18100] =	vst v63  }
0x146: {  	s24 =	simm.s32 $0x900  }
0x147: {  	[tilespmem:s24], [sflag:$0x1] =	stream.indirect_vreg.gather [hbm4b:s4+s2], $0x80, v6, vm2, $0xb8;
	[tilespmem:$0x18100] =	vst v63  }
0x148: {  	s15 =	simm.s32 $0xD00  }
0x149: {  	[tilespmem:s15], [sflag:$0x1] =	stream.indirect_vreg.gather [hbm4b:s3+s2], $0x80, v4, vm1, $0xb8;
	[tilespmem:$0x18100] =	vst v63  }
0x14a: {  	s9 =	simm.s32 $0x1500  }
0x14b: {  	[tilespmem:s9], [sflag:$0x1] =	stream.indirect_vreg.gather [hbm4b:s4+s2], $0x80, v4, vm2, $0xb8;
	[tilespmem:$0x18100] =	vst v63  }
0x14c: {  	v4 =	vld [tilespmem:$0x10];
	_ =	sdelay $0x4  }
0x14d: {  	v5 =	vshrl.u32 v4, $0x3  }
0x14e: {  	v5 =	vmul.u32 $0x18, v5  }
0x14f: {  	v4 =	vand.u32 $0x7, v4  }
0x150: {  	v4 =	vor.u32 v4, v5  }
0x151: {  	v5 =	vperm.xlane v4, v1;
	_ =	sdelay $0x1  }
0x152: {  	v5 =	vadd.s32 v2, v5;
	_ =	sdelay $0x1  }
0x153: {  	v4 =	vperm.xlane v4, v3;
	_ =	sdelay $0x1  }
0x154: {  	s17 =	simm.s32 $0x1900;
	v4 =	vadd.s32 v2, v4  }
0x155: {  	[tilespmem:s17], [sflag:$0x1] =	stream.indirect_vreg.gather [hbm4b:s3+s2], $0x80, v5, vm1, $0xb8;
	[tilespmem:$0x18100] =	vst v63  }
0x156: {  	s18 =	simm.s32 $0x2100  }
0x157: {  	[tilespmem:s18], [sflag:$0x1] =	stream.indirect_vreg.gather [hbm4b:s4+s2], $0x80, v5, vm2, $0xb8;
	[tilespmem:$0x18100] =	vst v63  }
0x158: {  	s19 =	simm.s32 $0x2500  }
0x159: {  	[tilespmem:s19], [sflag:$0x1] =	stream.indirect_vreg.gather [hbm4b:s3+s2], $0x80, v4, vm1, $0xb8;
	[tilespmem:$0x18100] =	vst v63  }
0x15a: {  	s10 =	simm.s32 $0x2D00  }
0x15b: {  	[tilespmem:s10], [sflag:$0x1] =	stream.indirect_vreg.gather [hbm4b:s4+s2], $0x80, v4, vm2, $0xb8;
	[tilespmem:$0x18100] =	vst v63  }
0x15c: {  	v4 =	vld [tilespmem:$0x20];
	_ =	sdelay $0x4  }
0x15d: {  	v5 =	vshrl.u32 v4, $0x3  }
0x15e: {  	v5 =	vmul.u32 $0x18, v5  }
0x15f: {  	v4 =	vand.u32 $0x7, v4  }
0x160: {  	v4 =	vor.u32 v4, v5  }
0x161: {  	v5 =	vperm.xlane v4, v1;
	_ =	sdelay $0x1  }
0x162: {  	v5 =	vadd.s32 v2, v5;
	_ =	sdelay $0x1  }
0x163: {  	v4 =	vperm.xlane v4, v3;
	_ =	sdelay $0x1  }
0x164: {  	s20 =	simm.s32 $0x3100;
	v4 =	vadd.s32 v2, v4  }
0x165: {  	[tilespmem:s20], [sflag:$0x1] =	stream.indirect_vreg.gather [hbm4b:s3+s2], $0x80, v5, vm1, $0xb8;
	[tilespmem:$0x18100] =	vst v63  }
0x166: {  	s21 =	simm.s32 $0x3900  }
0x167: {  	[tilespmem:s21], [sflag:$0x1] =	stream.indirect_vreg.gather [hbm4b:s4+s2], $0x80, v5, vm2, $0xb8;
	[tilespmem:$0x18100] =	vst v63  }
0x168: {  	s22 =	simm.s32 $0x3D00  }
0x169: {  	[tilespmem:s22], [sflag:$0x1] =	stream.indirect_vreg.gather [hbm4b:s3+s2], $0x80, v4, vm1, $0xb8;
	[tilespmem:$0x18100] =	vst v63  }
0x16a: {  	s11 =	simm.s32 $0x4500  }
0x16b: {  	[tilespmem:s11], [sflag:$0x1] =	stream.indirect_vreg.gather [hbm4b:s4+s2], $0x80, v4, vm2, $0xb8;
	[tilespmem:$0x18100] =	vst v63  }
0x16c: {  	v4 =	vld [tilespmem:$0x30];
	_ =	sdelay $0x4  }
0x16d: {  	v5 =	vshrl.u32 v4, $0x3  }
0x16e: {  	v5 =	vmul.u32 $0x18, v5  }
0x16f: {  	v4 =	vand.u32 $0x7, v4  }
0x170: {  	v4 =	vor.u32 v4, v5  }
0x171: {  	v5 =	vperm.xlane v4, v1;
	_ =	sdelay $0x1  }
0x172: {  	v5 =	vadd.s32 v2, v5;
	_ =	sdelay $0x1  }
0x173: {  	v4 =	vperm.xlane v4, v3;
	_ =	sdelay $0x1  }
0x174: {  	s31 =	simm.s32 $0x4900;
	v4 =	vadd.s32 v2, v4  }
0x175: {  	[tilespmem:s31], [sflag:$0x1] =	stream.indirect_vreg.gather [hbm4b:s3+s2], $0x80, v5, vm1, $0xb8;
	[tilespmem:$0x18100] =	vst v63  }
0x176: {  	s14 =	simm.s32 $0x5100  }
0x177: {  	[tilespmem:s14], [sflag:$0x1] =	stream.indirect_vreg.gather [hbm4b:s4+s2], $0x80, v5, vm2, $0xb8;
	[tilespmem:$0x18100] =	vst v63  }
0x178: {  	s16 =	simm.s32 $0x5500  }
0x179: {  	[tilespmem:s16], [sflag:$0x1] =	stream.indirect_vreg.gather [hbm4b:s3+s2], $0x80, v4, vm1, $0xb8;
	[tilespmem:$0x18100] =	vst v63  }
0x17a: {  	s12 =	simm.s32 $0x5D00  }
0x17b: {  	[tilespmem:s12], [sflag:$0x1] =	stream.indirect_vreg.gather [hbm4b:s4+s2], $0x80, v4, vm2, $0xb8;
	[tilespmem:$0x18100] =	vst v63  }
0x17c: {  	v4 =	vld [tilespmem:$0x40];
	_ =	sdelay $0x4  }
0x17d: {  	v5 =	vshrl.u32 v4, $0x3  }
0x17e: {  	v5 =	vmul.u32 $0x18, v5  }
0x17f: {  	v4 =	vand.u32 $0x7, v4  }
0x180: {  	v4 =	vor.u32 v4, v5  }
0x181: {  	v5 =	vperm.xlane v4, v1;
	_ =	sdelay $0x1  }
0x182: {  	v5 =	vadd.s32 v2, v5;
	_ =	sdelay $0x1  }
0x183: {  	v4 =	vperm.xlane v4, v3;
	_ =	sdelay $0x1  }
0x184: {  	s10 =	simm.s32 $0x6100;
	v4 =	vadd.s32 v2, v4  }
0x185: {  	[tilespmem:s10], [sflag:$0x1] =	stream.indirect_vreg.gather [hbm4b:s3+s2], $0x80, v5, vm1, $0xb8;
	[tilespmem:$0x18100] =	vst v63  }
0x186: {  	s11 =	simm.s32 $0x6900  }
0x187: {  	[tilespmem:s11], [sflag:$0x1] =	stream.indirect_vreg.gather [hbm4b:s4+s2], $0x80, v5, vm2, $0xb8;
	[tilespmem:$0x18100] =	vst v63  }
0x188: {  	s12 =	simm.s32 $0x6D00  }
0x189: {  	[tilespmem:s12], [sflag:$0x1] =	stream.indirect_vreg.gather [hbm4b:s3+s2], $0x80, v4, vm1, $0xb8;
	[tilespmem:$0x18100] =	vst v63  }
0x18a: {  	s13 =	simm.s32 $0x7500  }
0x18b: {  	[tilespmem:s13], [sflag:$0x1] =	stream.indirect_vreg.gather [hbm4b:s4+s2], $0x80, v4, vm2, $0xb8;
	[tilespmem:$0x18100] =	vst v63  }
0x18c: {  	v4 =	vld [tilespmem:$0x50];
	_ =	sdelay $0x4  }
0x18d: {  	v5 =	vshrl.u32 v4, $0x3  }
0x18e: {  	v5 =	vmul.u32 $0x18, v5  }
0x18f: {  	v4 =	vand.u32 $0x7, v4  }
0x190: {  	v4 =	vor.u32 v4, v5  }
0x191: {  	v5 =	vperm.xlane v4, v1;
	_ =	sdelay $0x1  }
0x192: {  	v5 =	vadd.s32 v2, v5;
	_ =	sdelay $0x1  }
0x193: {  	v4 =	vperm.xlane v4, v3;
	_ =	sdelay $0x1  }
0x194: {  	s13 =	simm.s32 $0x7900;
	v4 =	vadd.s32 v2, v4  }
0x195: {  	[tilespmem:s13], [sflag:$0x1] =	stream.indirect_vreg.gather [hbm4b:s3+s2], $0x80, v5, vm1, $0xb8;
	[tilespmem:$0x18100] =	vst v63  }
0x196: {  	s14 =	simm.s32 $0x8100  }
0x197: {  	[tilespmem:s14], [sflag:$0x1] =	stream.indirect_vreg.gather [hbm4b:s4+s2], $0x80, v5, vm2, $0xb8;
	[tilespmem:$0x18100] =	vst v63  }
0x198: {  	s16 =	simm.s32 $0x8500  }
0x199: {  	[tilespmem:s16], [sflag:$0x1] =	stream.indirect_vreg.gather [hbm4b:s3+s2], $0x80, v4, vm1, $0xb8;
	[tilespmem:$0x18100] =	vst v63  }
0x19a: {  	s30 =	simm.s32 $0x8D00  }
0x19b: {  	[tilespmem:s30], [sflag:$0x1] =	stream.indirect_vreg.gather [hbm4b:s4+s2], $0x80, v4, vm2, $0xb8;
	[tilespmem:$0x18100] =	vst v63  }
0x19c: {  	v4 =	vld [tilespmem:$0x60];
	_ =	sdelay $0x4  }
0x19d: {  	v5 =	vshrl.u32 v4, $0x3  }
0x19e: {  	v5 =	vmul.u32 $0x18, v5  }
0x19f: {  	v4 =	vand.u32 $0x7, v4  }
0x1a0: {  	v4 =	vor.u32 v4, v5  }
0x1a1: {  	v5 =	vperm.xlane v4, v1;
	_ =	sdelay $0x1  }
0x1a2: {  	v5 =	vadd.s32 v2, v5;
	_ =	sdelay $0x1  }
0x1a3: {  	v4 =	vperm.xlane v4, v3;
	_ =	sdelay $0x1  }
0x1a4: {  	s1 =	simm.s32 $0x9100;
	v4 =	vadd.s32 v2, v4  }
0x1a5: {  	[tilespmem:s1], [sflag:$0x1] =	stream.indirect_vreg.gather [hbm4b:s3+s2], $0x80, v5, vm1, $0xb8;
	[tilespmem:$0x18100] =	vst v63  }
0x1a6: {  	s1 =	simm.s32 $0x9900  }
0x1a7: {  	[tilespmem:s1], [sflag:$0x1] =	stream.indirect_vreg.gather [hbm4b:s4+s2], $0x80, v5, vm2, $0xb8;
	[tilespmem:$0x18100] =	vst v63  }
0x1a8: {  	s8 =	simm.s32 $0x9D00  }
0x1a9: {  	[tilespmem:s8], [sflag:$0x1] =	stream.indirect_vreg.gather [hbm4b:s3+s2], $0x80, v4, vm1, $0xb8;
	[tilespmem:$0x18100] =	vst v63  }
0x1aa: {  	s9 =	simm.s32 $0xA500  }
0x1ab: {  	[tilespmem:s9], [sflag:$0x1] =	stream.indirect_vreg.gather [hbm4b:s4+s2], $0x80, v4, vm2, $0xb8;
	[tilespmem:$0x18100] =	vst v63  }
0x1ac: {  	v4 =	vld [tilespmem:$0x70];
	_ =	sdelay $0x4  }
0x1ad: {  	v5 =	vshrl.u32 v4, $0x3  }
0x1ae: {  	v5 =	vmul.u32 $0x18, v5  }
0x1af: {  	v4 =	vand.u32 $0x7, v4  }
0x1b0: {  	v4 =	vor.u32 v4, v5  }
0x1b1: {  	v5 =	vperm.xlane v4, v1;
	_ =	sdelay $0x1  }
0x1b2: {  	v5 =	vadd.s32 v2, v5;
	_ =	sdelay $0x1  }
0x1b3: {  	v4 =	vperm.xlane v4, v3;
	_ =	sdelay $0x1  }
0x1b4: {  	s8 =	simm.s32 $0xA900;
	v4 =	vadd.s32 v2, v4  }
0x1b5: {  	[tilespmem:s8], [sflag:$0x1] =	stream.indirect_vreg.gather [hbm4b:s3+s2], $0x80, v5, vm1, $0xb8;
	[tilespmem:$0x18100] =	vst v63  }
0x1b6: {  	s30 =	simm.s32 $0xB100  }
0x1b7: {  	[tilespmem:s30], [sflag:$0x1] =	stream.indirect_vreg.gather [hbm4b:s4+s2], $0x80, v5, vm2, $0xb8;
	[tilespmem:$0x18100] =	vst v63  }
0x1b8: {  	s8 =	simm.s32 $0xB500  }
0x1b9: {  	[tilespmem:s8], [sflag:$0x1] =	stream.indirect_vreg.gather [hbm4b:s3+s2], $0x80, v4, vm1, $0xb8;
	[tilespmem:$0x18100] =	vst v63  }
0x1ba: {  	s30 =	simm.s32 $0xBD00  }
0x1bb: {  	[tilespmem:s30], [sflag:$0x1] =	stream.indirect_vreg.gather [hbm4b:s4+s2], $0x80, v4, vm2, $0xb8;
	[tilespmem:$0x18100] =	vst v63  }
0x1bc: {  	_ =	swait.ge [sflag:s28], $0xC000  }
0x1bd: {  	[sflag:s28] =	ssyncset.done $0x0  }
0x1be: {  	s0 =	simm.s32 $0xC100;
	s8 =	rddreg [dreg:$0x7];
	[sflag:s28] =	ssyncadd.s32 $0xFFFF4000  }
0x1bf: {  	[hbm4b:s8+s25] =	stream.strided.scatter [tilespmem:s0], [sflag:$0x4], $0xC000, s7, s25, $0x38;
	[tilespmem:$0x18100] =	vst v63  }
0x1c0: {  	_ =	swait.ge [sflag:s29], $0xC000  }
0x1c1: {  	[sflag:s29] =	ssyncset.done $0x0  }
0x1c2: {  	s8 =	simm.s32 $0x80;
	s30 =	rddreg [dreg:$0x8];
	[sflag:s29] =	ssyncadd.s32 $0xFFFF4000  }
0x1c3: {  	[tilespmem:s8], [sflag:$0x5] =	stream.linear.gather [hbm4b:s30+s2], $0x80, $0x38;
	[tilespmem:$0x18100] =	vst v63  }
0x1c4: {  	_ =	swait.ge [sflag:s6], $0x80  }
0x1c5: {  	[sflag:s6] =	ssyncset.done $0x0  }
0x1c6: {  	[sflag:s6] =	ssyncadd.s32 $0xFFFFFF80  }
0x1c7: {  	v4 =	vld [tilespmem:$0x80];
	_ =	sdelay $0x4  }
0x1c8: {  	v5 =	vadd.s32 v0, v4  }
0x1c9: {  	v4 =	vsel vm0, v5, v4  }
0x1ca: {  	v5 =	vshrl.u32 v4, $0x3  }
0x1cb: {  	v5 =	vmul.u32 $0x18, v5  }
0x1cc: {  	v49 =	vand.u32 $0x7, v4  }
0x1cd: {  	v50 =	vld [tilespmem:$0xC0];
	v5 =	vor.u32 v49, v5  }
0x1ce: {  	v6 =	vperm.xlane v5, v1;
	_ =	sdelay $0x1  }
0x1cf: {  	v6 =	vadd.s32 v2, v6;
	_ =	sdelay $0x1  }
0x1d0: {  	v51 =	vadd.s32 v0, v50;
	v5 =	vperm.xlane v5, v3  }
0x1d1: {  	[tilespmem:$0x80] =	vst v4;
	v4 =	vsel vm0, v51, v50  }
0x1d2: {  	[tilespmem:$0xC0] =	vst v4;
	v4 =	vadd.s32 v2, v5  }
0x1d3: {  	[tilespmem:s0], [sflag:$0x2] =	stream.indirect_vreg.gather [hbm4b:s3+s2], $0x80, v6, vm1, $0xb8;
	[tilespmem:$0x18100] =	vst v63  }
0x1d4: {  	s30 =	simm.s32 $0xC900  }
0x1d5: {  	[tilespmem:s30], [sflag:$0x2] =	stream.indirect_vreg.gather [hbm4b:s4+s2], $0x80, v6, vm2, $0xb8;
	[tilespmem:$0x18100] =	vst v63  }
0x1d6: {  	s30 =	simm.s32 $0xCD00  }
0x1d7: {  	[tilespmem:s30], [sflag:$0x2] =	stream.indirect_vreg.gather [hbm4b:s3+s2], $0x80, v4, vm1, $0xb8;
	[tilespmem:$0x18100] =	vst v63  }
0x1d8: {  	s30 =	simm.s32 $0xD500  }
0x1d9: {  	[tilespmem:s30], [sflag:$0x2] =	stream.indirect_vreg.gather [hbm4b:s4+s2], $0x80, v4, vm2, $0xb8;
	[tilespmem:$0x18100] =	vst v63  }
0x1da: {  	v4 =	vld [tilespmem:$0x90];
	_ =	sdelay $0x4  }
0x1db: {  	v5 =	vshrl.u32 v4, $0x3  }
0x1dc: {  	v5 =	vmul.u32 $0x18, v5  }
0x1dd: {  	v4 =	vand.u32 $0x7, v4  }
0x1de: {  	v4 =	vor.u32 v4, v5  }
0x1df: {  	v5 =	vperm.xlane v4, v1;
	_ =	sdelay $0x1  }
0x1e0: {  	v5 =	vadd.s32 v2, v5;
	_ =	sdelay $0x1  }
0x1e1: {  	v4 =	vperm.xlane v4, v3;
	_ =	sdelay $0x1  }
0x1e2: {  	s30 =	simm.s32 $0xD900;
	v4 =	vadd.s32 v2, v4  }
0x1e3: {  	[tilespmem:s30], [sflag:$0x2] =	stream.indirect_vreg.gather [hbm4b:s3+s2], $0x80, v5, vm1, $0xb8;
	[tilespmem:$0x18100] =	vst v63  }
0x1e4: {  	s30 =	simm.s32 $0xE100  }
0x1e5: {  	[tilespmem:s30], [sflag:$0x2] =	stream.indirect_vreg.gather [hbm4b:s4+s2], $0x80, v5, vm2, $0xb8;
	[tilespmem:$0x18100] =	vst v63  }
0x1e6: {  	s30 =	simm.s32 $0xE500  }
0x1e7: {  	[tilespmem:s30], [sflag:$0x2] =	stream.indirect_vreg.gather [hbm4b:s3+s2], $0x80, v4, vm1, $0xb8;
	[tilespmem:$0x18100] =	vst v63  }
0x1e8: {  	s30 =	simm.s32 $0xED00  }
0x1e9: {  	[tilespmem:s30], [sflag:$0x2] =	stream.indirect_vreg.gather [hbm4b:s4+s2], $0x80, v4, vm2, $0xb8;
	[tilespmem:$0x18100] =	vst v63  }
0x1ea: {  	v4 =	vld [tilespmem:$0xA0];
	_ =	sdelay $0x4  }
0x1eb: {  	v5 =	vshrl.u32 v4, $0x3  }
0x1ec: {  	v5 =	vmul.u32 $0x18, v5  }
0x1ed: {  	v4 =	vand.u32 $0x7, v4  }
0x1ee: {  	v4 =	vor.u32 v4, v5  }
0x1ef: {  	v5 =	vperm.xlane v4, v1;
	_ =	sdelay $0x1  }
0x1f0: {  	v5 =	vadd.s32 v2, v5;
	_ =	sdelay $0x1  }
0x1f1: {  	v4 =	vperm.xlane v4, v3;
	_ =	sdelay $0x1  }
0x1f2: {  	s30 =	simm.s32 $0xF100;
	v4 =	vadd.s32 v2, v4  }
0x1f3: {  	[tilespmem:s30], [sflag:$0x2] =	stream.indirect_vreg.gather [hbm4b:s3+s2], $0x80, v5, vm1, $0xb8;
	[tilespmem:$0x18100] =	vst v63  }
0x1f4: {  	s30 =	simm.s32 $0xF900  }
0x1f5: {  	[tilespmem:s30], [sflag:$0x2] =	stream.indirect_vreg.gather [hbm4b:s4+s2], $0x80, v5, vm2, $0xb8;
	[tilespmem:$0x18100] =	vst v63  }
0x1f6: {  	s30 =	simm.s32 $0xFD00  }
0x1f7: {  	[tilespmem:s30], [sflag:$0x2] =	stream.indirect_vreg.gather [hbm4b:s3+s2], $0x80, v4, vm1, $0xb8;
	[tilespmem:$0x18100] =	vst v63  }
0x1f8: {  	s30 =	simm.s32 $0x10500  }
0x1f9: {  	[tilespmem:s30], [sflag:$0x2] =	stream.indirect_vreg.gather [hbm4b:s4+s2], $0x80, v4, vm2, $0xb8;
	[tilespmem:$0x18100] =	vst v63  }
0x1fa: {  	v4 =	vld [tilespmem:$0xB0];
	_ =	sdelay $0x4  }
0x1fb: {  	v5 =	vshrl.u32 v4, $0x3  }
0x1fc: {  	v5 =	vmul.u32 $0x18, v5  }
0x1fd: {  	v4 =	vand.u32 $0x7, v4  }
0x1fe: {  	v4 =	vor.u32 v4, v5  }
0x1ff: {  	v5 =	vperm.xlane v4, v1;
	_ =	sdelay $0x1  }
0x200: {  	v5 =	vadd.s32 v2, v5;
	_ =	sdelay $0x1  }
0x201: {  	v4 =	vperm.xlane v4, v3;
	_ =	sdelay $0x1  }
0x202: {  	s30 =	simm.s32 $0x10900;
	v4 =	vadd.s32 v2, v4  }
0x203: {  	[tilespmem:s30], [sflag:$0x2] =	stream.indirect_vreg.gather [hbm4b:s3+s2], $0x80, v5, vm1, $0xb8;
	[tilespmem:$0x18100] =	vst v63  }
0x204: {  	s30 =	simm.s32 $0x11100  }
0x205: {  	[tilespmem:s30], [sflag:$0x2] =	stream.indirect_vreg.gather [hbm4b:s4+s2], $0x80, v5, vm2, $0xb8;
	[tilespmem:$0x18100] =	vst v63  }
0x206: {  	s30 =	simm.s32 $0x11500  }
0x207: {  	[tilespmem:s30], [sflag:$0x2] =	stream.indirect_vreg.gather [hbm4b:s3+s2], $0x80, v4, vm1, $0xb8;
	[tilespmem:$0x18100] =	vst v63  }
0x208: {  	s30 =	simm.s32 $0x11D00  }
0x209: {  	[tilespmem:s30], [sflag:$0x2] =	stream.indirect_vreg.gather [hbm4b:s4+s2], $0x80, v4, vm2, $0xb8;
	[tilespmem:$0x18100] =	vst v63  }
0x20a: {  	v4 =	vld [tilespmem:$0xC0];
	_ =	sdelay $0x4  }
0x20b: {  	v5 =	vshrl.u32 v4, $0x3  }
0x20c: {  	v5 =	vmul.u32 $0x18, v5  }
0x20d: {  	v4 =	vand.u32 $0x7, v4  }
0x20e: {  	v4 =	vor.u32 v4, v5  }
0x20f: {  	v5 =	vperm.xlane v4, v1;
	_ =	sdelay $0x1  }
0x210: {  	v5 =	vadd.s32 v2, v5;
	_ =	sdelay $0x1  }
0x211: {  	v4 =	vperm.xlane v4, v3;
	_ =	sdelay $0x1  }
0x212: {  	s30 =	simm.s32 $0x12100;
	v4 =	vadd.s32 v2, v4  }
0x213: {  	[tilespmem:s30], [sflag:$0x2] =	stream.indirect_vreg.gather [hbm4b:s3+s2], $0x80, v5, vm1, $0xb8;
	[tilespmem:$0x18100] =	vst v63  }
0x214: {  	s30 =	simm.s32 $0x12900  }
0x215: {  	[tilespmem:s30], [sflag:$0x2] =	stream.indirect_vreg.gather [hbm4b:s4+s2], $0x80, v5, vm2, $0xb8;
	[tilespmem:$0x18100] =	vst v63  }
0x216: {  	s30 =	simm.s32 $0x12D00  }
0x217: {  	[tilespmem:s30], [sflag:$0x2] =	stream.indirect_vreg.gather [hbm4b:s3+s2], $0x80, v4, vm1, $0xb8;
	[tilespmem:$0x18100] =	vst v63  }
0x218: {  	s30 =	simm.s32 $0x13500  }
0x219: {  	[tilespmem:s30], [sflag:$0x2] =	stream.indirect_vreg.gather [hbm4b:s4+s2], $0x80, v4, vm2, $0xb8;
	[tilespmem:$0x18100] =	vst v63  }
0x21a: {  	v4 =	vld [tilespmem:$0xD0];
	_ =	sdelay $0x4  }
0x21b: {  	v5 =	vshrl.u32 v4, $0x3  }
0x21c: {  	v5 =	vmul.u32 $0x18, v5  }
0x21d: {  	v4 =	vand.u32 $0x7, v4  }
0x21e: {  	v4 =	vor.u32 v4, v5  }
0x21f: {  	v5 =	vperm.xlane v4, v1;
	_ =	sdelay $0x1  }
0x220: {  	v5 =	vadd.s32 v2, v5;
	_ =	sdelay $0x1  }
0x221: {  	v4 =	vperm.xlane v4, v3;
	_ =	sdelay $0x1  }
0x222: {  	s30 =	simm.s32 $0x13900;
	v4 =	vadd.s32 v2, v4  }
0x223: {  	[tilespmem:s30], [sflag:$0x2] =	stream.indirect_vreg.gather [hbm4b:s3+s2], $0x80, v5, vm1, $0xb8;
	[tilespmem:$0x18100] =	vst v63  }
0x224: {  	s30 =	simm.s32 $0x14100  }
0x225: {  	[tilespmem:s30], [sflag:$0x2] =	stream.indirect_vreg.gather [hbm4b:s4+s2], $0x80, v5, vm2, $0xb8;
	[tilespmem:$0x18100] =	vst v63  }
0x226: {  	s30 =	simm.s32 $0x14500  }
0x227: {  	[tilespmem:s30], [sflag:$0x2] =	stream.indirect_vreg.gather [hbm4b:s3+s2], $0x80, v4, vm1, $0xb8;
	[tilespmem:$0x18100] =	vst v63  }
0x228: {  	s30 =	simm.s32 $0x14D00  }
0x229: {  	[tilespmem:s30], [sflag:$0x2] =	stream.indirect_vreg.gather [hbm4b:s4+s2], $0x80, v4, vm2, $0xb8;
	[tilespmem:$0x18100] =	vst v63  }
0x22a: {  	v4 =	vld [tilespmem:$0xE0];
	_ =	sdelay $0x4  }
0x22b: {  	v5 =	vshrl.u32 v4, $0x3  }
0x22c: {  	v5 =	vmul.u32 $0x18, v5  }
0x22d: {  	v4 =	vand.u32 $0x7, v4  }
0x22e: {  	v4 =	vor.u32 v4, v5  }
0x22f: {  	v5 =	vperm.xlane v4, v1;
	_ =	sdelay $0x1  }
0x230: {  	v5 =	vadd.s32 v2, v5;
	_ =	sdelay $0x1  }
0x231: {  	v4 =	vperm.xlane v4, v3;
	_ =	sdelay $0x1  }
0x232: {  	s30 =	simm.s32 $0x15100;
	v4 =	vadd.s32 v2, v4  }
0x233: {  	[tilespmem:s30], [sflag:$0x2] =	stream.indirect_vreg.gather [hbm4b:s3+s2], $0x80, v5, vm1, $0xb8;
	[tilespmem:$0x18100] =	vst v63  }
0x234: {  	s30 =	simm.s32 $0x15900  }
0x235: {  	[tilespmem:s30], [sflag:$0x2] =	stream.indirect_vreg.gather [hbm4b:s4+s2], $0x80, v5, vm2, $0xb8;
	[tilespmem:$0x18100] =	vst v63  }
0x236: {  	s30 =	simm.s32 $0x15D00  }
0x237: {  	[tilespmem:s30], [sflag:$0x2] =	stream.indirect_vreg.gather [hbm4b:s3+s2], $0x80, v4, vm1, $0xb8;
	[tilespmem:$0x18100] =	vst v63  }
0x238: {  	s30 =	simm.s32 $0x16500  }
0x239: {  	[tilespmem:s30], [sflag:$0x2] =	stream.indirect_vreg.gather [hbm4b:s4+s2], $0x80, v4, vm2, $0xb8;
	[tilespmem:$0x18100] =	vst v63  }
0x23a: {  	v4 =	vld [tilespmem:$0xF0];
	_ =	sdelay $0x4  }
0x23b: {  	v5 =	vshrl.u32 v4, $0x3  }
0x23c: {  	v5 =	vmul.u32 $0x18, v5  }
0x23d: {  	v4 =	vand.u32 $0x7, v4  }
0x23e: {  	v4 =	vor.u32 v4, v5  }
0x23f: {  	v5 =	vperm.xlane v4, v1;
	_ =	sdelay $0x1  }
0x240: {  	v5 =	vadd.s32 v2, v5;
	_ =	sdelay $0x1  }
0x241: {  	v4 =	vperm.xlane v4, v3;
	_ =	sdelay $0x1  }
0x242: {  	s30 =	simm.s32 $0x16900;
	v4 =	vadd.s32 v2, v4  }
0x243: {  	[tilespmem:s30], [sflag:$0x2] =	stream.indirect_vreg.gather [hbm4b:s3+s2], $0x80, v5, vm1, $0xb8;
	[tilespmem:$0x18100] =	vst v63  }
0x244: {  	s30 =	simm.s32 $0x17100  }
0x245: {  	[tilespmem:s30], [sflag:$0x2] =	stream.indirect_vreg.gather [hbm4b:s4+s2], $0x80, v5, vm2, $0xb8;
	[tilespmem:$0x18100] =	vst v63  }
0x246: {  	s30 =	simm.s32 $0x17500  }
0x247: {  	[tilespmem:s30], [sflag:$0x2] =	stream.indirect_vreg.gather [hbm4b:s3+s2], $0x80, v4, vm1, $0xb8;
	[tilespmem:$0x18100] =	vst v63  }
0x248: {  	s30 =	simm.s32 $0x17D00  }
0x249: {  	[tilespmem:s30], [sflag:$0x2] =	stream.indirect_vreg.gather [hbm4b:s4+s2], $0x80, v4, vm2, $0xb8;
	[tilespmem:$0x18100] =	vst v63  }
0x24a: {  	_ =	swait.ge [sflag:s23], $0xC000  }
0x24b: {  	[sflag:s23] =	ssyncset.done $0x0  }
0x24c: {  	s0 =	simm.s32 $0x100;
	s30 =	rddreg [dreg:$0x9];
	[sflag:s23] =	ssyncadd.s32 $0xFFFF4000  }
0x24d: {  	[hbm4b:s30+s25] =	stream.strided.scatter [tilespmem:s0], [sflag:$0x3], $0xC000, s7, s25, $0x38;
	[tilespmem:$0x18100] =	vst v63  }
0x24e: {  	_ =	swait.ge [sflag:s26], $0xC000  }
0x24f: {  	[sflag:s26] =	ssyncset.done $0x0  }
0x250: {  	s30 =	rddreg [dreg:$0xa];
	[sflag:s26] =	ssyncadd.s32 $0xFFFF4000  }
0x251: {  	[tilespmem:s2], [sflag:$0x5] =	stream.linear.gather [hbm4b:s30+s2], $0x80, $0x38;
	[tilespmem:$0x18100] =	vst v63  }
0x252: {  	_ =	swait.ge [sflag:s6], $0x80  }
0x253: {  	[sflag:s6] =	ssyncset.done $0x0  }
0x254: {  	[sflag:s6] =	ssyncadd.s32 $0xFFFFFF80  }
0x255: {  	v4 =	vld [tilespmem:$0x0];
	_ =	sdelay $0x4  }
0x256: {  	v5 =	vadd.s32 v0, v4  }
0x257: {  	v4 =	vsel vm0, v5, v4  }
0x258: {  	v5 =	vshrl.u32 v4, $0x3  }
0x259: {  	v5 =	vmul.u32 $0x18, v5  }
0x25a: {  	v52 =	vand.u32 $0x7, v4  }
0x25b: {  	v53 =	vld [tilespmem:$0x40];
	v5 =	vor.u32 v52, v5  }
0x25c: {  	v6 =	vperm.xlane v5, v1;
	_ =	sdelay $0x1  }
0x25d: {  	v6 =	vadd.s32 v2, v6;
	_ =	sdelay $0x1  }
0x25e: {  	v54 =	vadd.s32 v0, v53;
	v5 =	vperm.xlane v5, v3  }
0x25f: {  	[tilespmem:$0x0] =	vst v4;
	v4 =	vsel vm0, v54, v53  }
0x260: {  	[tilespmem:$0x40] =	vst v4;
	v4 =	vadd.s32 v2, v5  }
0x261: {  	[tilespmem:s0], [sflag:$0x1] =	stream.indirect_vreg.gather [hbm4b:s3+s2], $0x80, v6, vm1, $0xb8;
	[tilespmem:$0x18100] =	vst v63  }
0x262: {  	_ = 	snop  }
0x263: {  	[tilespmem:s24], [sflag:$0x1] =	stream.indirect_vreg.gather [hbm4b:s4+s2], $0x80, v6, vm2, $0xb8;
	[tilespmem:$0x18100] =	vst v63  }
0x264: {  	_ = 	snop  }
0x265: {  	[tilespmem:s15], [sflag:$0x1] =	stream.indirect_vreg.gather [hbm4b:s3+s2], $0x80, v4, vm1, $0xb8;
	[tilespmem:$0x18100] =	vst v63  }
0x266: {  	s15 =	simm.s32 $0x1500  }
0x267: {  	[tilespmem:s15], [sflag:$0x1] =	stream.indirect_vreg.gather [hbm4b:s4+s2], $0x80, v4, vm2, $0xb8;
	[tilespmem:$0x18100] =	vst v63  }
0x268: {  	v4 =	vld [tilespmem:$0x10];
	_ =	sdelay $0x4  }
0x269: {  	v5 =	vshrl.u32 v4, $0x3  }
0x26a: {  	v5 =	vmul.u32 $0x18, v5  }
0x26b: {  	v4 =	vand.u32 $0x7, v4  }
0x26c: {  	v4 =	vor.u32 v4, v5  }
0x26d: {  	v5 =	vperm.xlane v4, v1;
	_ =	sdelay $0x1  }
0x26e: {  	v5 =	vadd.s32 v2, v5;
	_ =	sdelay $0x1  }
0x26f: {  	v4 =	vperm.xlane v4, v3;
	_ =	sdelay $0x1  }
0x270: {  	v4 =	vadd.s32 v2, v4  }
0x271: {  	[tilespmem:s17], [sflag:$0x1] =	stream.indirect_vreg.gather [hbm4b:s3+s2], $0x80, v5, vm1, $0xb8;
	[tilespmem:$0x18100] =	vst v63  }
0x272: {  	_ = 	snop  }
0x273: {  	[tilespmem:s18], [sflag:$0x1] =	stream.indirect_vreg.gather [hbm4b:s4+s2], $0x80, v5, vm2, $0xb8;
	[tilespmem:$0x18100] =	vst v63  }
0x274: {  	_ = 	snop  }
0x275: {  	[tilespmem:s19], [sflag:$0x1] =	stream.indirect_vreg.gather [hbm4b:s3+s2], $0x80, v4, vm1, $0xb8;
	[tilespmem:$0x18100] =	vst v63  }
0x276: {  	s19 =	simm.s32 $0x2D00  }
0x277: {  	[tilespmem:s19], [sflag:$0x1] =	stream.indirect_vreg.gather [hbm4b:s4+s2], $0x80, v4, vm2, $0xb8;
	[tilespmem:$0x18100] =	vst v63  }
0x278: {  	v4 =	vld [tilespmem:$0x20];
	_ =	sdelay $0x4  }
0x279: {  	v5 =	vshrl.u32 v4, $0x3  }
0x27a: {  	v5 =	vmul.u32 $0x18, v5  }
0x27b: {  	v4 =	vand.u32 $0x7, v4  }
0x27c: {  	v4 =	vor.u32 v4, v5  }
0x27d: {  	v5 =	vperm.xlane v4, v1;
	_ =	sdelay $0x1  }
0x27e: {  	v5 =	vadd.s32 v2, v5;
	_ =	sdelay $0x1  }
0x27f: {  	v4 =	vperm.xlane v4, v3;
	_ =	sdelay $0x1  }
0x280: {  	v4 =	vadd.s32 v2, v4  }
0x281: {  	[tilespmem:s20], [sflag:$0x1] =	stream.indirect_vreg.gather [hbm4b:s3+s2], $0x80, v5, vm1, $0xb8;
	[tilespmem:$0x18100] =	vst v63  }
0x282: {  	_ = 	snop  }
0x283: {  	[tilespmem:s21], [sflag:$0x1] =	stream.indirect_vreg.gather [hbm4b:s4+s2], $0x80, v5, vm2, $0xb8;
	[tilespmem:$0x18100] =	vst v63  }
0x284: {  	_ = 	snop  }
0x285: {  	[tilespmem:s22], [sflag:$0x1] =	stream.indirect_vreg.gather [hbm4b:s3+s2], $0x80, v4, vm1, $0xb8;
	[tilespmem:$0x18100] =	vst v63  }
0x286: {  	s22 =	simm.s32 $0x4500  }
0x287: {  	[tilespmem:s22], [sflag:$0x1] =	stream.indirect_vreg.gather [hbm4b:s4+s2], $0x80, v4, vm2, $0xb8;
	[tilespmem:$0x18100] =	vst v63  }
0x288: {  	v4 =	vld [tilespmem:$0x30];
	_ =	sdelay $0x4  }
0x289: {  	v5 =	vshrl.u32 v4, $0x3  }
0x28a: {  	v5 =	vmul.u32 $0x18, v5  }
0x28b: {  	v4 =	vand.u32 $0x7, v4  }
0x28c: {  	v4 =	vor.u32 v4, v5  }
0x28d: {  	v5 =	vperm.xlane v4, v1;
	_ =	sdelay $0x1  }
0x28e: {  	v5 =	vadd.s32 v2, v5;
	_ =	sdelay $0x1  }
0x28f: {  	v4 =	vperm.xlane v4, v3;
	_ =	sdelay $0x1  }
0x290: {  	v4 =	vadd.s32 v2, v4  }
0x291: {  	[tilespmem:s31], [sflag:$0x1] =	stream.indirect_vreg.gather [hbm4b:s3+s2], $0x80, v5, vm1, $0xb8;
	[tilespmem:$0x18100] =	vst v63  }
0x292: {  	s30 =	simm.s32 $0x5100  }
0x293: {  	[tilespmem:s30], [sflag:$0x1] =	stream.indirect_vreg.gather [hbm4b:s4+s2], $0x80, v5, vm2, $0xb8;
	[tilespmem:$0x18100] =	vst v63  }
0x294: {  	s31 =	simm.s32 $0x5500  }
0x295: {  	[tilespmem:s31], [sflag:$0x1] =	stream.indirect_vreg.gather [hbm4b:s3+s2], $0x80, v4, vm1, $0xb8;
	[tilespmem:$0x18100] =	vst v63  }
0x296: {  	s30 =	simm.s32 $0x5D00  }
0x297: {  	[tilespmem:s30], [sflag:$0x1] =	stream.indirect_vreg.gather [hbm4b:s4+s2], $0x80, v4, vm2, $0xb8;
	[tilespmem:$0x18100] =	vst v63  }
0x298: {  	v4 =	vld [tilespmem:$0x40];
	_ =	sdelay $0x4  }
0x299: {  	v5 =	vshrl.u32 v4, $0x3  }
0x29a: {  	v5 =	vmul.u32 $0x18, v5  }
0x29b: {  	v4 =	vand.u32 $0x7, v4  }
0x29c: {  	v4 =	vor.u32 v4, v5  }
0x29d: {  	v5 =	vperm.xlane v4, v1;
	_ =	sdelay $0x1  }
0x29e: {  	v5 =	vadd.s32 v2, v5;
	_ =	sdelay $0x1  }
0x29f: {  	v4 =	vperm.xlane v4, v3;
	_ =	sdelay $0x1  }
0x2a0: {  	v4 =	vadd.s32 v2, v4  }
0x2a1: {  	[tilespmem:s10], [sflag:$0x1] =	stream.indirect_vreg.gather [hbm4b:s3+s2], $0x80, v5, vm1, $0xb8;
	[tilespmem:$0x18100] =	vst v63  }
0x2a2: {  	_ = 	snop  }
0x2a3: {  	[tilespmem:s11], [sflag:$0x1] =	stream.indirect_vreg.gather [hbm4b:s4+s2], $0x80, v5, vm2, $0xb8;
	[tilespmem:$0x18100] =	vst v63  }
0x2a4: {  	_ = 	snop  }
0x2a5: {  	[tilespmem:s12], [sflag:$0x1] =	stream.indirect_vreg.gather [hbm4b:s3+s2], $0x80, v4, vm1, $0xb8;
	[tilespmem:$0x18100] =	vst v63  }
0x2a6: {  	s31 =	simm.s32 $0x7500  }
0x2a7: {  	[tilespmem:s31], [sflag:$0x1] =	stream.indirect_vreg.gather [hbm4b:s4+s2], $0x80, v4, vm2, $0xb8;
	[tilespmem:$0x18100] =	vst v63  }
0x2a8: {  	v4 =	vld [tilespmem:$0x50];
	_ =	sdelay $0x4  }
0x2a9: {  	v5 =	vshrl.u32 v4, $0x3  }
0x2aa: {  	v5 =	vmul.u32 $0x18, v5  }
0x2ab: {  	v4 =	vand.u32 $0x7, v4  }
0x2ac: {  	v4 =	vor.u32 v4, v5  }
0x2ad: {  	v5 =	vperm.xlane v4, v1;
	_ =	sdelay $0x1  }
0x2ae: {  	v5 =	vadd.s32 v2, v5;
	_ =	sdelay $0x1  }
0x2af: {  	v4 =	vperm.xlane v4, v3;
	_ =	sdelay $0x1  }
0x2b0: {  	v4 =	vadd.s32 v2, v4  }
0x2b1: {  	[tilespmem:s13], [sflag:$0x1] =	stream.indirect_vreg.gather [hbm4b:s3+s2], $0x80, v5, vm1, $0xb8;
	[tilespmem:$0x18100] =	vst v63  }
0x2b2: {  	_ = 	snop  }
0x2b3: {  	[tilespmem:s14], [sflag:$0x1] =	stream.indirect_vreg.gather [hbm4b:s4+s2], $0x80, v5, vm2, $0xb8;
	[tilespmem:$0x18100] =	vst v63  }
0x2b4: {  	_ = 	snop  }
0x2b5: {  	[tilespmem:s16], [sflag:$0x1] =	stream.indirect_vreg.gather [hbm4b:s3+s2], $0x80, v4, vm1, $0xb8;
	[tilespmem:$0x18100] =	vst v63  }
0x2b6: {  	s30 =	simm.s32 $0x8D00  }
0x2b7: {  	[tilespmem:s30], [sflag:$0x1] =	stream.indirect_vreg.gather [hbm4b:s4+s2], $0x80, v4, vm2, $0xb8;
	[tilespmem:$0x18100] =	vst v63  }
0x2b8: {  	v4 =	vld [tilespmem:$0x60];
	_ =	sdelay $0x4  }
0x2b9: {  	v5 =	vshrl.u32 v4, $0x3  }
0x2ba: {  	v5 =	vmul.u32 $0x18, v5  }
0x2bb: {  	v4 =	vand.u32 $0x7, v4  }
0x2bc: {  	v4 =	vor.u32 v4, v5  }
0x2bd: {  	v5 =	vperm.xlane v4, v1;
	_ =	sdelay $0x1  }
0x2be: {  	v5 =	vadd.s32 v2, v5;
	_ =	sdelay $0x1  }
0x2bf: {  	v4 =	vperm.xlane v4, v3;
	_ =	sdelay $0x1  }
0x2c0: {  	s31 =	simm.s32 $0x9100;
	v4 =	vadd.s32 v2, v4  }
0x2c1: {  	[tilespmem:s31], [sflag:$0x1] =	stream.indirect_vreg.gather [hbm4b:s3+s2], $0x80, v5, vm1, $0xb8;
	[tilespmem:$0x18100] =	vst v63  }
0x2c2: {  	_ = 	snop  }
0x2c3: {  	[tilespmem:s1], [sflag:$0x1] =	stream.indirect_vreg.gather [hbm4b:s4+s2], $0x80, v5, vm2, $0xb8;
	[tilespmem:$0x18100] =	vst v63  }
0x2c4: {  	s30 =	simm.s32 $0x9D00  }
0x2c5: {  	[tilespmem:s30], [sflag:$0x1] =	stream.indirect_vreg.gather [hbm4b:s3+s2], $0x80, v4, vm1, $0xb8;
	[tilespmem:$0x18100] =	vst v63  }
0x2c6: {  	_ = 	snop  }
0x2c7: {  	[tilespmem:s9], [sflag:$0x1] =	stream.indirect_vreg.gather [hbm4b:s4+s2], $0x80, v4, vm2, $0xb8;
	[tilespmem:$0x18100] =	vst v63  }
0x2c8: {  	v4 =	vld [tilespmem:$0x70];
	_ =	sdelay $0x4  }
0x2c9: {  	v5 =	vshrl.u32 v4, $0x3  }
0x2ca: {  	v5 =	vmul.u32 $0x18, v5  }
0x2cb: {  	v4 =	vand.u32 $0x7, v4  }
0x2cc: {  	v4 =	vor.u32 v4, v5  }
0x2cd: {  	v5 =	vperm.xlane v4, v1;
	_ =	sdelay $0x1  }
0x2ce: {  	v5 =	vadd.s32 v2, v5;
	_ =	sdelay $0x1  }
0x2cf: {  	v4 =	vperm.xlane v4, v3;
	_ =	sdelay $0x1  }
0x2d0: {  	s31 =	simm.s32 $0xA900;
	v4 =	vadd.s32 v2, v4  }
0x2d1: {  	[tilespmem:s31], [sflag:$0x1] =	stream.indirect_vreg.gather [hbm4b:s3+s2], $0x80, v5, vm1, $0xb8;
	[tilespmem:$0x18100] =	vst v63  }
0x2d2: {  	s1 =	simm.s32 $0xB100  }
0x2d3: {  	[tilespmem:s1], [sflag:$0x1] =	stream.indirect_vreg.gather [hbm4b:s4+s2], $0x80, v5, vm2, $0xb8;
	[tilespmem:$0x18100] =	vst v63  }
0x2d4: {  	s9 =	simm.s32 $0xB500  }
0x2d5: {  	[tilespmem:s9], [sflag:$0x1] =	stream.indirect_vreg.gather [hbm4b:s3+s2], $0x80, v4, vm1, $0xb8;
	[tilespmem:$0x18100] =	vst v63  }
0x2d6: {  	s30 =	simm.s32 $0xBD00  }
0x2d7: {  	[tilespmem:s30], [sflag:$0x1] =	stream.indirect_vreg.gather [hbm4b:s4+s2], $0x80, v4, vm2, $0xb8;
	[tilespmem:$0x18100] =	vst v63  }
0x2d8: {  	_ =	swait.ge [sflag:s28], $0xC000  }
0x2d9: {  	[sflag:s28] =	ssyncset.done $0x0  }
0x2da: {  	s8 =	simm.s32 $0xC100;
	s1 =	rddreg [dreg:$0xb];
	[sflag:s28] =	ssyncadd.s32 $0xFFFF4000  }
0x2db: {  	[hbm4b:s1+s25] =	stream.strided.scatter [tilespmem:s8], [sflag:$0x4], $0xC000, s7, s25, $0x38;
	[tilespmem:$0x18100] =	vst v63  }
0x2dc: {  	_ =	swait.ge [sflag:s29], $0xC000  }
0x2dd: {  	[sflag:s29] =	ssyncset.done $0x0  }
0x2de: {  	s9 =	simm.s32 $0x80;
	s8 =	rddreg [dreg:$0xc];
	[sflag:s29] =	ssyncadd.s32 $0xFFFF4000  }
0x2df: {  	[tilespmem:s9], [sflag:$0x5] =	stream.linear.gather [hbm4b:s8+s2], $0x80, $0x38;
	[tilespmem:$0x18100] =	vst v63  }
0x2e0: {  	_ =	swait.ge [sflag:s6], $0x80  }
0x2e1: {  	[sflag:s6] =	ssyncset.done $0x0  }
0x2e2: {  	[sflag:s6] =	ssyncadd.s32 $0xFFFFFF80  }
0x2e3: {  	v4 =	vld [tilespmem:$0x80];
	_ =	sdelay $0x4  }
0x2e4: {  	v5 =	vadd.s32 v0, v4  }
0x2e5: {  	v4 =	vsel vm0, v5, v4  }
0x2e6: {  	v5 =	vshrl.u32 v4, $0x3  }
0x2e7: {  	v5 =	vmul.u32 $0x18, v5  }
0x2e8: {  	v55 =	vand.u32 $0x7, v4  }
0x2e9: {  	v56 =	vld [tilespmem:$0xC0];
	v5 =	vor.u32 v55, v5  }
0x2ea: {  	v6 =	vperm.xlane v5, v1;
	_ =	sdelay $0x1  }
0x2eb: {  	v6 =	vadd.s32 v2, v6;
	_ =	sdelay $0x1  }
0x2ec: {  	v57 =	vadd.s32 v0, v56;
	v5 =	vperm.xlane v5, v3  }
0x2ed: {  	[tilespmem:$0x80] =	vst v4;
	v4 =	vsel vm0, v57, v56  }
0x2ee: {  	s0 =	simm.s32 $0xC100;
	[tilespmem:$0xC0] =	vst v4;
	v4 =	vadd.s32 v2, v5  }
0x2ef: {  	[tilespmem:s0], [sflag:$0x2] =	stream.indirect_vreg.gather [hbm4b:s3+s2], $0x80, v6, vm1, $0xb8;
	[tilespmem:$0x18100] =	vst v63  }
0x2f0: {  	s30 =	simm.s32 $0xC900  }
0x2f1: {  	[tilespmem:s30], [sflag:$0x2] =	stream.indirect_vreg.gather [hbm4b:s4+s2], $0x80, v6, vm2, $0xb8;
	[tilespmem:$0x18100] =	vst v63  }
0x2f2: {  	s1 =	simm.s32 $0xCD00  }
0x2f3: {  	[tilespmem:s1], [sflag:$0x2] =	stream.indirect_vreg.gather [hbm4b:s3+s2], $0x80, v4, vm1, $0xb8;
	[tilespmem:$0x18100] =	vst v63  }
0x2f4: {  	s8 =	simm.s32 $0xD500  }
0x2f5: {  	[tilespmem:s8], [sflag:$0x2] =	stream.indirect_vreg.gather [hbm4b:s4+s2], $0x80, v4, vm2, $0xb8;
	[tilespmem:$0x18100] =	vst v63  }
0x2f6: {  	v4 =	vld [tilespmem:$0x90];
	_ =	sdelay $0x4  }
0x2f7: {  	v5 =	vshrl.u32 v4, $0x3  }
0x2f8: {  	v5 =	vmul.u32 $0x18, v5  }
0x2f9: {  	v4 =	vand.u32 $0x7, v4  }
0x2fa: {  	v4 =	vor.u32 v4, v5  }
0x2fb: {  	v5 =	vperm.xlane v4, v1;
	_ =	sdelay $0x1  }
0x2fc: {  	v5 =	vadd.s32 v2, v5;
	_ =	sdelay $0x1  }
0x2fd: {  	v4 =	vperm.xlane v4, v3;
	_ =	sdelay $0x1  }
0x2fe: {  	s1 =	simm.s32 $0xD900;
	v4 =	vadd.s32 v2, v4  }
0x2ff: {  	[tilespmem:s1], [sflag:$0x2] =	stream.indirect_vreg.gather [hbm4b:s3+s2], $0x80, v5, vm1, $0xb8;
	[tilespmem:$0x18100] =	vst v63  }
0x300: {  	s8 =	simm.s32 $0xE100  }
0x301: {  	[tilespmem:s8], [sflag:$0x2] =	stream.indirect_vreg.gather [hbm4b:s4+s2], $0x80, v5, vm2, $0xb8;
	[tilespmem:$0x18100] =	vst v63  }
0x302: {  	s9 =	simm.s32 $0xE500  }
0x303: {  	[tilespmem:s9], [sflag:$0x2] =	stream.indirect_vreg.gather [hbm4b:s3+s2], $0x80, v4, vm1, $0xb8;
	[tilespmem:$0x18100] =	vst v63  }
0x304: {  	s9 =	simm.s32 $0xED00  }
0x305: {  	[tilespmem:s9], [sflag:$0x2] =	stream.indirect_vreg.gather [hbm4b:s4+s2], $0x80, v4, vm2, $0xb8;
	[tilespmem:$0x18100] =	vst v63  }
0x306: {  	v4 =	vld [tilespmem:$0xA0];
	_ =	sdelay $0x4  }
0x307: {  	v5 =	vshrl.u32 v4, $0x3  }
0x308: {  	v5 =	vmul.u32 $0x18, v5  }
0x309: {  	v4 =	vand.u32 $0x7, v4  }
0x30a: {  	v4 =	vor.u32 v4, v5  }
0x30b: {  	v5 =	vperm.xlane v4, v1;
	_ =	sdelay $0x1  }
0x30c: {  	v5 =	vadd.s32 v2, v5;
	_ =	sdelay $0x1  }
0x30d: {  	v4 =	vperm.xlane v4, v3;
	_ =	sdelay $0x1  }
0x30e: {  	s9 =	simm.s32 $0xF100;
	v4 =	vadd.s32 v2, v4  }
0x30f: {  	[tilespmem:s9], [sflag:$0x2] =	stream.indirect_vreg.gather [hbm4b:s3+s2], $0x80, v5, vm1, $0xb8;
	[tilespmem:$0x18100] =	vst v63  }
0x310: {  	s9 =	simm.s32 $0xF900  }
0x311: {  	[tilespmem:s9], [sflag:$0x2] =	stream.indirect_vreg.gather [hbm4b:s4+s2], $0x80, v5, vm2, $0xb8;
	[tilespmem:$0x18100] =	vst v63  }
0x312: {  	s9 =	simm.s32 $0xFD00  }
0x313: {  	[tilespmem:s9], [sflag:$0x2] =	stream.indirect_vreg.gather [hbm4b:s3+s2], $0x80, v4, vm1, $0xb8;
	[tilespmem:$0x18100] =	vst v63  }
0x314: {  	s9 =	simm.s32 $0x10500  }
0x315: {  	[tilespmem:s9], [sflag:$0x2] =	stream.indirect_vreg.gather [hbm4b:s4+s2], $0x80, v4, vm2, $0xb8;
	[tilespmem:$0x18100] =	vst v63  }
0x316: {  	v4 =	vld [tilespmem:$0xB0];
	_ =	sdelay $0x4  }
0x317: {  	v5 =	vshrl.u32 v4, $0x3  }
0x318: {  	v5 =	vmul.u32 $0x18, v5  }
0x319: {  	v4 =	vand.u32 $0x7, v4  }
0x31a: {  	v4 =	vor.u32 v4, v5  }
0x31b: {  	v5 =	vperm.xlane v4, v1;
	_ =	sdelay $0x1  }
0x31c: {  	v5 =	vadd.s32 v2, v5;
	_ =	sdelay $0x1  }
0x31d: {  	v4 =	vperm.xlane v4, v3;
	_ =	sdelay $0x1  }
0x31e: {  	s9 =	simm.s32 $0x10900;
	v4 =	vadd.s32 v2, v4  }
0x31f: {  	[tilespmem:s9], [sflag:$0x2] =	stream.indirect_vreg.gather [hbm4b:s3+s2], $0x80, v5, vm1, $0xb8;
	[tilespmem:$0x18100] =	vst v63  }
0x320: {  	s9 =	simm.s32 $0x11100  }
0x321: {  	[tilespmem:s9], [sflag:$0x2] =	stream.indirect_vreg.gather [hbm4b:s4+s2], $0x80, v5, vm2, $0xb8;
	[tilespmem:$0x18100] =	vst v63  }
0x322: {  	s9 =	simm.s32 $0x11500  }
0x323: {  	[tilespmem:s9], [sflag:$0x2] =	stream.indirect_vreg.gather [hbm4b:s3+s2], $0x80, v4, vm1, $0xb8;
	[tilespmem:$0x18100] =	vst v63  }
0x324: {  	s9 =	simm.s32 $0x11D00  }
0x325: {  	[tilespmem:s9], [sflag:$0x2] =	stream.indirect_vreg.gather [hbm4b:s4+s2], $0x80, v4, vm2, $0xb8;
	[tilespmem:$0x18100] =	vst v63  }
0x326: {  	v4 =	vld [tilespmem:$0xC0];
	_ =	sdelay $0x4  }
0x327: {  	v5 =	vshrl.u32 v4, $0x3  }
0x328: {  	v5 =	vmul.u32 $0x18, v5  }
0x329: {  	v4 =	vand.u32 $0x7, v4  }
0x32a: {  	v4 =	vor.u32 v4, v5  }
0x32b: {  	v5 =	vperm.xlane v4, v1;
	_ =	sdelay $0x1  }
0x32c: {  	v5 =	vadd.s32 v2, v5;
	_ =	sdelay $0x1  }
0x32d: {  	v4 =	vperm.xlane v4, v3;
	_ =	sdelay $0x1  }
0x32e: {  	s9 =	simm.s32 $0x12100;
	v4 =	vadd.s32 v2, v4  }
0x32f: {  	[tilespmem:s9], [sflag:$0x2] =	stream.indirect_vreg.gather [hbm4b:s3+s2], $0x80, v5, vm1, $0xb8;
	[tilespmem:$0x18100] =	vst v63  }
0x330: {  	s9 =	simm.s32 $0x12900  }
0x331: {  	[tilespmem:s9], [sflag:$0x2] =	stream.indirect_vreg.gather [hbm4b:s4+s2], $0x80, v5, vm2, $0xb8;
	[tilespmem:$0x18100] =	vst v63  }
0x332: {  	s9 =	simm.s32 $0x12D00  }
0x333: {  	[tilespmem:s9], [sflag:$0x2] =	stream.indirect_vreg.gather [hbm4b:s3+s2], $0x80, v4, vm1, $0xb8;
	[tilespmem:$0x18100] =	vst v63  }
0x334: {  	s9 =	simm.s32 $0x13500  }
0x335: {  	[tilespmem:s9], [sflag:$0x2] =	stream.indirect_vreg.gather [hbm4b:s4+s2], $0x80, v4, vm2, $0xb8;
	[tilespmem:$0x18100] =	vst v63  }
0x336: {  	v4 =	vld [tilespmem:$0xD0];
	_ =	sdelay $0x4  }
0x337: {  	v5 =	vshrl.u32 v4, $0x3  }
0x338: {  	v5 =	vmul.u32 $0x18, v5  }
0x339: {  	v4 =	vand.u32 $0x7, v4  }
0x33a: {  	v4 =	vor.u32 v4, v5  }
0x33b: {  	v5 =	vperm.xlane v4, v1;
	_ =	sdelay $0x1  }
0x33c: {  	v5 =	vadd.s32 v2, v5;
	_ =	sdelay $0x1  }
0x33d: {  	v4 =	vperm.xlane v4, v3;
	_ =	sdelay $0x1  }
0x33e: {  	s9 =	simm.s32 $0x13900;
	v4 =	vadd.s32 v2, v4  }
0x33f: {  	[tilespmem:s9], [sflag:$0x2] =	stream.indirect_vreg.gather [hbm4b:s3+s2], $0x80, v5, vm1, $0xb8;
	[tilespmem:$0x18100] =	vst v63  }
0x340: {  	s9 =	simm.s32 $0x14100  }
0x341: {  	[tilespmem:s9], [sflag:$0x2] =	stream.indirect_vreg.gather [hbm4b:s4+s2], $0x80, v5, vm2, $0xb8;
	[tilespmem:$0x18100] =	vst v63  }
0x342: {  	s9 =	simm.s32 $0x14500  }
0x343: {  	[tilespmem:s9], [sflag:$0x2] =	stream.indirect_vreg.gather [hbm4b:s3+s2], $0x80, v4, vm1, $0xb8;
	[tilespmem:$0x18100] =	vst v63  }
0x344: {  	s9 =	simm.s32 $0x14D00  }
0x345: {  	[tilespmem:s9], [sflag:$0x2] =	stream.indirect_vreg.gather [hbm4b:s4+s2], $0x80, v4, vm2, $0xb8;
	[tilespmem:$0x18100] =	vst v63  }
0x346: {  	v4 =	vld [tilespmem:$0xE0];
	_ =	sdelay $0x4  }
0x347: {  	v5 =	vshrl.u32 v4, $0x3  }
0x348: {  	v5 =	vmul.u32 $0x18, v5  }
0x349: {  	v4 =	vand.u32 $0x7, v4  }
0x34a: {  	v4 =	vor.u32 v4, v5  }
0x34b: {  	v5 =	vperm.xlane v4, v1;
	_ =	sdelay $0x1  }
0x34c: {  	v5 =	vadd.s32 v2, v5;
	_ =	sdelay $0x1  }
0x34d: {  	v4 =	vperm.xlane v4, v3;
	_ =	sdelay $0x1  }
0x34e: {  	s9 =	simm.s32 $0x15100;
	v4 =	vadd.s32 v2, v4  }
0x34f: {  	[tilespmem:s9], [sflag:$0x2] =	stream.indirect_vreg.gather [hbm4b:s3+s2], $0x80, v5, vm1, $0xb8;
	[tilespmem:$0x18100] =	vst v63  }
0x350: {  	s9 =	simm.s32 $0x15900  }
0x351: {  	[tilespmem:s9], [sflag:$0x2] =	stream.indirect_vreg.gather [hbm4b:s4+s2], $0x80, v5, vm2, $0xb8;
	[tilespmem:$0x18100] =	vst v63  }
0x352: {  	s9 =	simm.s32 $0x15D00  }
0x353: {  	[tilespmem:s9], [sflag:$0x2] =	stream.indirect_vreg.gather [hbm4b:s3+s2], $0x80, v4, vm1, $0xb8;
	[tilespmem:$0x18100] =	vst v63  }
0x354: {  	s9 =	simm.s32 $0x16500  }
0x355: {  	[tilespmem:s9], [sflag:$0x2] =	stream.indirect_vreg.gather [hbm4b:s4+s2], $0x80, v4, vm2, $0xb8;
	[tilespmem:$0x18100] =	vst v63  }
0x356: {  	v4 =	vld [tilespmem:$0xF0];
	_ =	sdelay $0x4  }
0x357: {  	v5 =	vshrl.u32 v4, $0x3  }
0x358: {  	v5 =	vmul.u32 $0x18, v5  }
0x359: {  	v4 =	vand.u32 $0x7, v4  }
0x35a: {  	v4 =	vor.u32 v4, v5  }
0x35b: {  	v5 =	vperm.xlane v4, v1;
	_ =	sdelay $0x1  }
0x35c: {  	v5 =	vadd.s32 v2, v5;
	_ =	sdelay $0x1  }
0x35d: {  	v4 =	vperm.xlane v4, v3;
	_ =	sdelay $0x1  }
0x35e: {  	s9 =	simm.s32 $0x16900;
	v4 =	vadd.s32 v2, v4  }
0x35f: {  	[tilespmem:s9], [sflag:$0x2] =	stream.indirect_vreg.gather [hbm4b:s3+s2], $0x80, v5, vm1, $0xb8;
	[tilespmem:$0x18100] =	vst v63  }
0x360: {  	s9 =	simm.s32 $0x17100  }
0x361: {  	[tilespmem:s9], [sflag:$0x2] =	stream.indirect_vreg.gather [hbm4b:s4+s2], $0x80, v5, vm2, $0xb8;
	[tilespmem:$0x18100] =	vst v63  }
0x362: {  	s9 =	simm.s32 $0x17500  }
0x363: {  	[tilespmem:s9], [sflag:$0x2] =	stream.indirect_vreg.gather [hbm4b:s3+s2], $0x80, v4, vm1, $0xb8;
	[tilespmem:$0x18100] =	vst v63  }
0x364: {  	s9 =	simm.s32 $0x17D00  }
0x365: {  	[tilespmem:s9], [sflag:$0x2] =	stream.indirect_vreg.gather [hbm4b:s4+s2], $0x80, v4, vm2, $0xb8;
	[tilespmem:$0x18100] =	vst v63  }
0x366: {  	_ =	swait.ge [sflag:s23], $0xC000  }
0x367: {  	[sflag:s23] =	ssyncset.done $0x0  }
0x368: {  	s9 =	simm.s32 $0x100;
	s30 =	rddreg [dreg:$0xd];
	[sflag:s23] =	ssyncadd.s32 $0xFFFF4000  }
0x369: {  	[hbm4b:s30+s25] =	stream.strided.scatter [tilespmem:s9], [sflag:$0x3], $0xC000, s7, s25, $0x38;
	[tilespmem:$0x18100] =	vst v63  }
0x36a: {  	_ =	swait.ge [sflag:s26], $0xC000  }
0x36b: {  	[sflag:s26] =	ssyncset.done $0x0  }
0x36c: {  	s30 =	rddreg [dreg:$0xe];
	[sflag:s26] =	ssyncadd.s32 $0xFFFF4000  }
0x36d: {  	[tilespmem:s2], [sflag:$0x5] =	stream.linear.gather [hbm4b:s30+s2], $0x80, $0x38;
	[tilespmem:$0x18100] =	vst v63  }
0x36e: {  	_ =	swait.ge [sflag:s6], $0x80  }
0x36f: {  	[sflag:s6] =	ssyncset.done $0x0  }
0x370: {  	[sflag:s6] =	ssyncadd.s32 $0xFFFFFF80  }
0x371: {  	v4 =	vld [tilespmem:$0x0];
	_ =	sdelay $0x4  }
0x372: {  	v5 =	vadd.s32 v0, v4  }
0x373: {  	v4 =	vsel vm0, v5, v4  }
0x374: {  	v5 =	vshrl.u32 v4, $0x3  }
0x375: {  	v5 =	vmul.u32 $0x18, v5  }
0x376: {  	v58 =	vand.u32 $0x7, v4  }
0x377: {  	v59 =	vld [tilespmem:$0x40];
	v5 =	vor.u32 v58, v5  }
0x378: {  	v6 =	vperm.xlane v5, v1;
	_ =	sdelay $0x1  }
0x379: {  	v6 =	vadd.s32 v2, v6;
	_ =	sdelay $0x1  }
0x37a: {  	v60 =	vadd.s32 v0, v59;
	v5 =	vperm.xlane v5, v3  }
0x37b: {  	[tilespmem:$0x0] =	vst v4;
	v4 =	vsel vm0, v60, v59  }
0x37c: {  	[tilespmem:$0x40] =	vst v4;
	v4 =	vadd.s32 v2, v5  }
0x37d: {  	[tilespmem:s9], [sflag:$0x1] =	stream.indirect_vreg.gather [hbm4b:s3+s2], $0x80, v6, vm1, $0xb8;
	[tilespmem:$0x18100] =	vst v63  }
0x37e: {  	s24 =	simm.s32 $0x900  }
0x37f: {  	[tilespmem:s24], [sflag:$0x1] =	stream.indirect_vreg.gather [hbm4b:s4+s2], $0x80, v6, vm2, $0xb8;
	[tilespmem:$0x18100] =	vst v63  }
0x380: {  	s30 =	simm.s32 $0xD00  }
0x381: {  	[tilespmem:s30], [sflag:$0x1] =	stream.indirect_vreg.gather [hbm4b:s3+s2], $0x80, v4, vm1, $0xb8;
	[tilespmem:$0x18100] =	vst v63  }
0x382: {  	s30 =	simm.s32 $0x1500  }
0x383: {  	[tilespmem:s30], [sflag:$0x1] =	stream.indirect_vreg.gather [hbm4b:s4+s2], $0x80, v4, vm2, $0xb8;
	[tilespmem:$0x18100] =	vst v63  }
0x384: {  	v4 =	vld [tilespmem:$0x10];
	_ =	sdelay $0x4  }
0x385: {  	v5 =	vshrl.u32 v4, $0x3  }
0x386: {  	v5 =	vmul.u32 $0x18, v5  }
0x387: {  	v4 =	vand.u32 $0x7, v4  }
0x388: {  	v4 =	vor.u32 v4, v5  }
0x389: {  	v5 =	vperm.xlane v4, v1;
	_ =	sdelay $0x1  }
0x38a: {  	v5 =	vadd.s32 v2, v5;
	_ =	sdelay $0x1  }
0x38b: {  	v4 =	vperm.xlane v4, v3;
	_ =	sdelay $0x1  }
0x38c: {  	s15 =	simm.s32 $0x1900;
	v4 =	vadd.s32 v2, v4  }
0x38d: {  	[tilespmem:s15], [sflag:$0x1] =	stream.indirect_vreg.gather [hbm4b:s3+s2], $0x80, v5, vm1, $0xb8;
	[tilespmem:$0x18100] =	vst v63  }
0x38e: {  	s17 =	simm.s32 $0x2100  }
0x38f: {  	[tilespmem:s17], [sflag:$0x1] =	stream.indirect_vreg.gather [hbm4b:s4+s2], $0x80, v5, vm2, $0xb8;
	[tilespmem:$0x18100] =	vst v63  }
0x390: {  	s18 =	simm.s32 $0x2500  }
0x391: {  	[tilespmem:s18], [sflag:$0x1] =	stream.indirect_vreg.gather [hbm4b:s3+s2], $0x80, v4, vm1, $0xb8;
	[tilespmem:$0x18100] =	vst v63  }
0x392: {  	s18 =	simm.s32 $0x2D00  }
0x393: {  	[tilespmem:s18], [sflag:$0x1] =	stream.indirect_vreg.gather [hbm4b:s4+s2], $0x80, v4, vm2, $0xb8;
	[tilespmem:$0x18100] =	vst v63  }
0x394: {  	v4 =	vld [tilespmem:$0x20];
	_ =	sdelay $0x4  }
0x395: {  	v5 =	vshrl.u32 v4, $0x3  }
0x396: {  	v5 =	vmul.u32 $0x18, v5  }
0x397: {  	v4 =	vand.u32 $0x7, v4  }
0x398: {  	v4 =	vor.u32 v4, v5  }
0x399: {  	v5 =	vperm.xlane v4, v1;
	_ =	sdelay $0x1  }
0x39a: {  	v5 =	vadd.s32 v2, v5;
	_ =	sdelay $0x1  }
0x39b: {  	v4 =	vperm.xlane v4, v3;
	_ =	sdelay $0x1  }
0x39c: {  	s19 =	simm.s32 $0x3100;
	v4 =	vadd.s32 v2, v4  }
0x39d: {  	[tilespmem:s19], [sflag:$0x1] =	stream.indirect_vreg.gather [hbm4b:s3+s2], $0x80, v5, vm1, $0xb8;
	[tilespmem:$0x18100] =	vst v63  }
0x39e: {  	s20 =	simm.s32 $0x3900  }
0x39f: {  	[tilespmem:s20], [sflag:$0x1] =	stream.indirect_vreg.gather [hbm4b:s4+s2], $0x80, v5, vm2, $0xb8;
	[tilespmem:$0x18100] =	vst v63  }
0x3a0: {  	s21 =	simm.s32 $0x3D00  }
0x3a1: {  	[tilespmem:s21], [sflag:$0x1] =	stream.indirect_vreg.gather [hbm4b:s3+s2], $0x80, v4, vm1, $0xb8;
	[tilespmem:$0x18100] =	vst v63  }
0x3a2: {  	s21 =	simm.s32 $0x4500  }
0x3a3: {  	[tilespmem:s21], [sflag:$0x1] =	stream.indirect_vreg.gather [hbm4b:s4+s2], $0x80, v4, vm2, $0xb8;
	[tilespmem:$0x18100] =	vst v63  }
0x3a4: {  	v4 =	vld [tilespmem:$0x30];
	_ =	sdelay $0x4  }
0x3a5: {  	v5 =	vshrl.u32 v4, $0x3  }
0x3a6: {  	v5 =	vmul.u32 $0x18, v5  }
0x3a7: {  	v4 =	vand.u32 $0x7, v4  }
0x3a8: {  	v4 =	vor.u32 v4, v5  }
0x3a9: {  	v5 =	vperm.xlane v4, v1;
	_ =	sdelay $0x1  }
0x3aa: {  	v5 =	vadd.s32 v2, v5;
	_ =	sdelay $0x1  }
0x3ab: {  	v4 =	vperm.xlane v4, v3;
	_ =	sdelay $0x1  }
0x3ac: {  	s22 =	simm.s32 $0x4900;
	v4 =	vadd.s32 v2, v4  }
0x3ad: {  	[tilespmem:s22], [sflag:$0x1] =	stream.indirect_vreg.gather [hbm4b:s3+s2], $0x80, v5, vm1, $0xb8;
	[tilespmem:$0x18100] =	vst v63  }
0x3ae: {  	s22 =	simm.s32 $0x5100  }
0x3af: {  	[tilespmem:s22], [sflag:$0x1] =	stream.indirect_vreg.gather [hbm4b:s4+s2], $0x80, v5, vm2, $0xb8;
	[tilespmem:$0x18100] =	vst v63  }
0x3b0: {  	s24 =	simm.s32 $0x5500  }
0x3b1: {  	[tilespmem:s24], [sflag:$0x1] =	stream.indirect_vreg.gather [hbm4b:s3+s2], $0x80, v4, vm1, $0xb8;
	[tilespmem:$0x18100] =	vst v63  }
0x3b2: {  	s30 =	simm.s32 $0x5D00  }
0x3b3: {  	[tilespmem:s30], [sflag:$0x1] =	stream.indirect_vreg.gather [hbm4b:s4+s2], $0x80, v4, vm2, $0xb8;
	[tilespmem:$0x18100] =	vst v63  }
0x3b4: {  	v4 =	vld [tilespmem:$0x40];
	_ =	sdelay $0x4  }
0x3b5: {  	v5 =	vshrl.u32 v4, $0x3  }
0x3b6: {  	v5 =	vmul.u32 $0x18, v5  }
0x3b7: {  	v4 =	vand.u32 $0x7, v4  }
0x3b8: {  	v4 =	vor.u32 v4, v5  }
0x3b9: {  	v5 =	vperm.xlane v4, v1;
	_ =	sdelay $0x1  }
0x3ba: {  	v5 =	vadd.s32 v2, v5;
	_ =	sdelay $0x1  }
0x3bb: {  	v4 =	vperm.xlane v4, v3;
	_ =	sdelay $0x1  }
0x3bc: {  	s10 =	simm.s32 $0x6100;
	v4 =	vadd.s32 v2, v4  }
0x3bd: {  	[tilespmem:s10], [sflag:$0x1] =	stream.indirect_vreg.gather [hbm4b:s3+s2], $0x80, v5, vm1, $0xb8;
	[tilespmem:$0x18100] =	vst v63  }
0x3be: {  	s11 =	simm.s32 $0x6900  }
0x3bf: {  	[tilespmem:s11], [sflag:$0x1] =	stream.indirect_vreg.gather [hbm4b:s4+s2], $0x80, v5, vm2, $0xb8;
	[tilespmem:$0x18100] =	vst v63  }
0x3c0: {  	s12 =	simm.s32 $0x6D00  }
0x3c1: {  	[tilespmem:s12], [sflag:$0x1] =	stream.indirect_vreg.gather [hbm4b:s3+s2], $0x80, v4, vm1, $0xb8;
	[tilespmem:$0x18100] =	vst v63  }
0x3c2: {  	s12 =	simm.s32 $0x7500  }
0x3c3: {  	[tilespmem:s12], [sflag:$0x1] =	stream.indirect_vreg.gather [hbm4b:s4+s2], $0x80, v4, vm2, $0xb8;
	[tilespmem:$0x18100] =	vst v63  }
0x3c4: {  	v4 =	vld [tilespmem:$0x50];
	_ =	sdelay $0x4  }
0x3c5: {  	v5 =	vshrl.u32 v4, $0x3  }
0x3c6: {  	v5 =	vmul.u32 $0x18, v5  }
0x3c7: {  	v4 =	vand.u32 $0x7, v4  }
0x3c8: {  	v4 =	vor.u32 v4, v5  }
0x3c9: {  	v5 =	vperm.xlane v4, v1;
	_ =	sdelay $0x1  }
0x3ca: {  	v5 =	vadd.s32 v2, v5;
	_ =	sdelay $0x1  }
0x3cb: {  	v4 =	vperm.xlane v4, v3;
	_ =	sdelay $0x1  }
0x3cc: {  	s13 =	simm.s32 $0x7900;
	v4 =	vadd.s32 v2, v4  }
0x3cd: {  	[tilespmem:s13], [sflag:$0x1] =	stream.indirect_vreg.gather [hbm4b:s3+s2], $0x80, v5, vm1, $0xb8;
	[tilespmem:$0x18100] =	vst v63  }
0x3ce: {  	s14 =	simm.s32 $0x8100  }
0x3cf: {  	[tilespmem:s14], [sflag:$0x1] =	stream.indirect_vreg.gather [hbm4b:s4+s2], $0x80, v5, vm2, $0xb8;
	[tilespmem:$0x18100] =	vst v63  }
0x3d0: {  	s16 =	simm.s32 $0x8500  }
0x3d1: {  	[tilespmem:s16], [sflag:$0x1] =	stream.indirect_vreg.gather [hbm4b:s3+s2], $0x80, v4, vm1, $0xb8;
	[tilespmem:$0x18100] =	vst v63  }
0x3d2: {  	s14 =	simm.s32 $0x8D00  }
0x3d3: {  	[tilespmem:s14], [sflag:$0x1] =	stream.indirect_vreg.gather [hbm4b:s4+s2], $0x80, v4, vm2, $0xb8;
	[tilespmem:$0x18100] =	vst v63  }
0x3d4: {  	v4 =	vld [tilespmem:$0x60];
	_ =	sdelay $0x4  }
0x3d5: {  	v5 =	vshrl.u32 v4, $0x3  }
0x3d6: {  	v5 =	vmul.u32 $0x18, v5  }
0x3d7: {  	v4 =	vand.u32 $0x7, v4  }
0x3d8: {  	v4 =	vor.u32 v4, v5  }
0x3d9: {  	v5 =	vperm.xlane v4, v1;
	_ =	sdelay $0x1  }
0x3da: {  	v5 =	vadd.s32 v2, v5;
	_ =	sdelay $0x1  }
0x3db: {  	v4 =	vperm.xlane v4, v3;
	_ =	sdelay $0x1  }
0x3dc: {  	s15 =	simm.s32 $0x9100;
	v4 =	vadd.s32 v2, v4  }
0x3dd: {  	[tilespmem:s15], [sflag:$0x1] =	stream.indirect_vreg.gather [hbm4b:s3+s2], $0x80, v5, vm1, $0xb8;
	[tilespmem:$0x18100] =	vst v63  }
0x3de: {  	s16 =	simm.s32 $0x9900  }
0x3df: {  	[tilespmem:s16], [sflag:$0x1] =	stream.indirect_vreg.gather [hbm4b:s4+s2], $0x80, v5, vm2, $0xb8;
	[tilespmem:$0x18100] =	vst v63  }
0x3e0: {  	s17 =	simm.s32 $0x9D00  }
0x3e1: {  	[tilespmem:s17], [sflag:$0x1] =	stream.indirect_vreg.gather [hbm4b:s3+s2], $0x80, v4, vm1, $0xb8;
	[tilespmem:$0x18100] =	vst v63  }
0x3e2: {  	s18 =	simm.s32 $0xA500  }
0x3e3: {  	[tilespmem:s18], [sflag:$0x1] =	stream.indirect_vreg.gather [hbm4b:s4+s2], $0x80, v4, vm2, $0xb8;
	[tilespmem:$0x18100] =	vst v63  }
0x3e4: {  	v4 =	vld [tilespmem:$0x70];
	_ =	sdelay $0x4  }
0x3e5: {  	v5 =	vshrl.u32 v4, $0x3  }
0x3e6: {  	v5 =	vmul.u32 $0x18, v5  }
0x3e7: {  	v4 =	vand.u32 $0x7, v4  }
0x3e8: {  	v4 =	vor.u32 v4, v5  }
0x3e9: {  	v5 =	vperm.xlane v4, v1;
	_ =	sdelay $0x1  }
0x3ea: {  	v5 =	vadd.s32 v2, v5;
	_ =	sdelay $0x1  }
0x3eb: {  	v4 =	vperm.xlane v4, v3;
	_ =	sdelay $0x1  }
0x3ec: {  	s31 =	simm.s32 $0xA900;
	v4 =	vadd.s32 v2, v4  }
0x3ed: {  	[tilespmem:s31], [sflag:$0x1] =	stream.indirect_vreg.gather [hbm4b:s3+s2], $0x80, v5, vm1, $0xb8;
	[tilespmem:$0x18100] =	vst v63  }
0x3ee: {  	s19 =	simm.s32 $0xB100  }
0x3ef: {  	[tilespmem:s19], [sflag:$0x1] =	stream.indirect_vreg.gather [hbm4b:s4+s2], $0x80, v5, vm2, $0xb8;
	[tilespmem:$0x18100] =	vst v63  }
0x3f0: {  	s20 =	simm.s32 $0xB500  }
0x3f1: {  	[tilespmem:s20], [sflag:$0x1] =	stream.indirect_vreg.gather [hbm4b:s3+s2], $0x80, v4, vm1, $0xb8;
	[tilespmem:$0x18100] =	vst v63  }
0x3f2: {  	s21 =	simm.s32 $0xBD00  }
0x3f3: {  	[tilespmem:s21], [sflag:$0x1] =	stream.indirect_vreg.gather [hbm4b:s4+s2], $0x80, v4, vm2, $0xb8;
	[tilespmem:$0x18100] =	vst v63  }
0x3f4: {  	_ =	swait.ge [sflag:s28], $0xC000  }
0x3f5: {  	[sflag:s28] =	ssyncset.done $0x0  }
0x3f6: {  	s22 =	rddreg [dreg:$0xf];
	[sflag:s28] =	ssyncadd.s32 $0xFFFF4000  }
0x3f7: {  	[hbm4b:s22+s25] =	stream.strided.scatter [tilespmem:s0], [sflag:$0x4], $0xC000, s7, s25, $0x38;
	[tilespmem:$0x18100] =	vst v63  }
0x3f8: {  	_ =	swait.ge [sflag:s29], $0xC000  }
0x3f9: {  	[sflag:s29] =	ssyncset.done $0x0  }
0x3fa: {  	s31 =	simm.s32 $0x80;
	s24 =	rddreg [dreg:$0x10];
	[sflag:s29] =	ssyncadd.s32 $0xFFFF4000  }
0x3fb: {  	[tilespmem:s31], [sflag:$0x5] =	stream.linear.gather [hbm4b:s24+s2], $0x80, $0x38;
	[tilespmem:$0x18100] =	vst v63  }
0x3fc: {  	_ =	swait.ge [sflag:s6], $0x80  }
0x3fd: {  	[sflag:s6] =	ssyncset.done $0x0  }
0x3fe: {  	[sflag:s6] =	ssyncadd.s32 $0xFFFFFF80  }
0x3ff: {  	v4 =	vld [tilespmem:$0x80];
	_ =	sdelay $0x4  }
0x400: {  	v5 =	vadd.s32 v0, v4  }
0x401: {  	v4 =	vsel vm0, v5, v4  }
0x402: {  	v5 =	vshrl.u32 v4, $0x3  }
0x403: {  	v5 =	vmul.u32 $0x18, v5  }
0x404: {  	v61 =	vand.u32 $0x7, v4  }
0x405: {  	v62 =	vld [tilespmem:$0xC0];
	v5 =	vor.u32 v61, v5  }
0x406: {  	v6 =	vperm.xlane v5, v1;
	_ =	sdelay $0x1  }
0x407: {  	v6 =	vadd.s32 v2, v6;
	_ =	sdelay $0x1  }
0x408: {  	v63 =	vadd.s32 v0, v62;
	v5 =	vperm.xlane v5, v3  }
0x409: {  	[tilespmem:$0x80] =	vst v4;
	v4 =	vsel vm0, v63, v62  }
0x40a: {  	[tilespmem:$0xC0] =	vst v4;
	v4 =	vadd.s32 v2, v5  }
0x40b: {  	[tilespmem:s0], [sflag:$0x2] =	stream.indirect_vreg.gather [hbm4b:s3+s2], $0x80, v6, vm1, $0xb8;
	[tilespmem:$0x18100] =	vst v63  }
0x40c: {  	s11 =	simm.s32 $0xC900  }
0x40d: {  	[tilespmem:s11], [sflag:$0x2] =	stream.indirect_vreg.gather [hbm4b:s4+s2], $0x80, v6, vm2, $0xb8;
	[tilespmem:$0x18100] =	vst v63  }
0x40e: {  	s12 =	simm.s32 $0xCD00  }
0x40f: {  	[tilespmem:s12], [sflag:$0x2] =	stream.indirect_vreg.gather [hbm4b:s3+s2], $0x80, v4, vm1, $0xb8;
	[tilespmem:$0x18100] =	vst v63  }
0x410: {  	s13 =	simm.s32 $0xD500  }
0x411: {  	[tilespmem:s13], [sflag:$0x2] =	stream.indirect_vreg.gather [hbm4b:s4+s2], $0x80, v4, vm2, $0xb8;
	[tilespmem:$0x18100] =	vst v63  }
0x412: {  	v4 =	vld [tilespmem:$0x90];
	_ =	sdelay $0x4  }
0x413: {  	v5 =	vshrl.u32 v4, $0x3  }
0x414: {  	v5 =	vmul.u32 $0x18, v5  }
0x415: {  	v4 =	vand.u32 $0x7, v4  }
0x416: {  	v4 =	vor.u32 v4, v5  }
0x417: {  	v5 =	vperm.xlane v4, v1;
	_ =	sdelay $0x1  }
0x418: {  	v5 =	vadd.s32 v2, v5;
	_ =	sdelay $0x1  }
0x419: {  	v4 =	vperm.xlane v4, v3;
	_ =	sdelay $0x1  }
0x41a: {  	v4 =	vadd.s32 v2, v4  }
0x41b: {  	[tilespmem:s1], [sflag:$0x2] =	stream.indirect_vreg.gather [hbm4b:s3+s2], $0x80, v5, vm1, $0xb8;
	[tilespmem:$0x18100] =	vst v63  }
0x41c: {  	_ = 	snop  }
0x41d: {  	[tilespmem:s8], [sflag:$0x2] =	stream.indirect_vreg.gather [hbm4b:s4+s2], $0x80, v5, vm2, $0xb8;
	[tilespmem:$0x18100] =	vst v63  }
0x41e: {  	s14 =	simm.s32 $0xE500  }
0x41f: {  	[tilespmem:s14], [sflag:$0x2] =	stream.indirect_vreg.gather [hbm4b:s3+s2], $0x80, v4, vm1, $0xb8;
	[tilespmem:$0x18100] =	vst v63  }
0x420: {  	s15 =	simm.s32 $0xED00  }
0x421: {  	[tilespmem:s15], [sflag:$0x2] =	stream.indirect_vreg.gather [hbm4b:s4+s2], $0x80, v4, vm2, $0xb8;
	[tilespmem:$0x18100] =	vst v63  }
0x422: {  	v4 =	vld [tilespmem:$0xA0];
	_ =	sdelay $0x4  }
0x423: {  	v5 =	vshrl.u32 v4, $0x3  }
0x424: {  	v5 =	vmul.u32 $0x18, v5  }
0x425: {  	v4 =	vand.u32 $0x7, v4  }
0x426: {  	v4 =	vor.u32 v4, v5  }
0x427: {  	v5 =	vperm.xlane v4, v1;
	_ =	sdelay $0x1  }
0x428: {  	v5 =	vadd.s32 v2, v5;
	_ =	sdelay $0x1  }
0x429: {  	v4 =	vperm.xlane v4, v3;
	_ =	sdelay $0x1  }
0x42a: {  	s16 =	simm.s32 $0xF100;
	v4 =	vadd.s32 v2, v4  }
0x42b: {  	[tilespmem:s16], [sflag:$0x2] =	stream.indirect_vreg.gather [hbm4b:s3+s2], $0x80, v5, vm1, $0xb8;
	[tilespmem:$0x18100] =	vst v63  }
0x42c: {  	s17 =	simm.s32 $0xF900  }
0x42d: {  	[tilespmem:s17], [sflag:$0x2] =	stream.indirect_vreg.gather [hbm4b:s4+s2], $0x80, v5, vm2, $0xb8;
	[tilespmem:$0x18100] =	vst v63  }
0x42e: {  	s18 =	simm.s32 $0xFD00  }
0x42f: {  	[tilespmem:s18], [sflag:$0x2] =	stream.indirect_vreg.gather [hbm4b:s3+s2], $0x80, v4, vm1, $0xb8;
	[tilespmem:$0x18100] =	vst v63  }
0x430: {  	s19 =	simm.s32 $0x10500  }
0x431: {  	[tilespmem:s19], [sflag:$0x2] =	stream.indirect_vreg.gather [hbm4b:s4+s2], $0x80, v4, vm2, $0xb8;
	[tilespmem:$0x18100] =	vst v63  }
0x432: {  	v4 =	vld [tilespmem:$0xB0];
	_ =	sdelay $0x4  }
0x433: {  	v5 =	vshrl.u32 v4, $0x3  }
0x434: {  	v5 =	vmul.u32 $0x18, v5  }
0x435: {  	v4 =	vand.u32 $0x7, v4  }
0x436: {  	v4 =	vor.u32 v4, v5  }
0x437: {  	v5 =	vperm.xlane v4, v1;
	_ =	sdelay $0x1  }
0x438: {  	v5 =	vadd.s32 v2, v5;
	_ =	sdelay $0x1  }
0x439: {  	v4 =	vperm.xlane v4, v3;
	_ =	sdelay $0x1  }
0x43a: {  	s20 =	simm.s32 $0x10900;
	v4 =	vadd.s32 v2, v4  }
0x43b: {  	[tilespmem:s20], [sflag:$0x2] =	stream.indirect_vreg.gather [hbm4b:s3+s2], $0x80, v5, vm1, $0xb8;
	[tilespmem:$0x18100] =	vst v63  }
0x43c: {  	s21 =	simm.s32 $0x11100  }
0x43d: {  	[tilespmem:s21], [sflag:$0x2] =	stream.indirect_vreg.gather [hbm4b:s4+s2], $0x80, v5, vm2, $0xb8;
	[tilespmem:$0x18100] =	vst v63  }
0x43e: {  	s22 =	simm.s32 $0x11500  }
0x43f: {  	[tilespmem:s22], [sflag:$0x2] =	stream.indirect_vreg.gather [hbm4b:s3+s2], $0x80, v4, vm1, $0xb8;
	[tilespmem:$0x18100] =	vst v63  }
0x440: {  	s24 =	simm.s32 $0x11D00  }
0x441: {  	[tilespmem:s24], [sflag:$0x2] =	stream.indirect_vreg.gather [hbm4b:s4+s2], $0x80, v4, vm2, $0xb8;
	[tilespmem:$0x18100] =	vst v63  }
0x442: {  	v4 =	vld [tilespmem:$0xC0];
	_ =	sdelay $0x4  }
0x443: {  	v5 =	vshrl.u32 v4, $0x3  }
0x444: {  	v5 =	vmul.u32 $0x18, v5  }
0x445: {  	v4 =	vand.u32 $0x7, v4  }
0x446: {  	v4 =	vor.u32 v4, v5  }
0x447: {  	v5 =	vperm.xlane v4, v1;
	_ =	sdelay $0x1  }
0x448: {  	v5 =	vadd.s32 v2, v5;
	_ =	sdelay $0x1  }
0x449: {  	v4 =	vperm.xlane v4, v3;
	_ =	sdelay $0x1  }
0x44a: {  	s30 =	simm.s32 $0x12100;
	v4 =	vadd.s32 v2, v4  }
0x44b: {  	[tilespmem:s30], [sflag:$0x2] =	stream.indirect_vreg.gather [hbm4b:s3+s2], $0x80, v5, vm1, $0xb8;
	[tilespmem:$0x18100] =	vst v63  }
0x44c: {  	s31 =	simm.s32 $0x12900  }
0x44d: {  	[tilespmem:s31], [sflag:$0x2] =	stream.indirect_vreg.gather [hbm4b:s4+s2], $0x80, v5, vm2, $0xb8;
	[tilespmem:$0x18100] =	vst v63  }
0x44e: {  	s8 =	simm.s32 $0x12D00  }
0x44f: {  	[tilespmem:s8], [sflag:$0x2] =	stream.indirect_vreg.gather [hbm4b:s3+s2], $0x80, v4, vm1, $0xb8;
	[tilespmem:$0x18100] =	vst v63  }
0x450: {  	s10 =	simm.s32 $0x13500  }
0x451: {  	[tilespmem:s10], [sflag:$0x2] =	stream.indirect_vreg.gather [hbm4b:s4+s2], $0x80, v4, vm2, $0xb8;
	[tilespmem:$0x18100] =	vst v63  }
0x452: {  	v4 =	vld [tilespmem:$0xD0];
	_ =	sdelay $0x4  }
0x453: {  	v5 =	vshrl.u32 v4, $0x3  }
0x454: {  	v5 =	vmul.u32 $0x18, v5  }
0x455: {  	v4 =	vand.u32 $0x7, v4  }
0x456: {  	v4 =	vor.u32 v4, v5  }
0x457: {  	v5 =	vperm.xlane v4, v1;
	_ =	sdelay $0x1  }
0x458: {  	v5 =	vadd.s32 v2, v5;
	_ =	sdelay $0x1  }
0x459: {  	v4 =	vperm.xlane v4, v3;
	_ =	sdelay $0x1  }
0x45a: {  	s11 =	simm.s32 $0x13900;
	v4 =	vadd.s32 v2, v4  }
0x45b: {  	[tilespmem:s11], [sflag:$0x2] =	stream.indirect_vreg.gather [hbm4b:s3+s2], $0x80, v5, vm1, $0xb8;
	[tilespmem:$0x18100] =	vst v63  }
0x45c: {  	s12 =	simm.s32 $0x14100  }
0x45d: {  	[tilespmem:s12], [sflag:$0x2] =	stream.indirect_vreg.gather [hbm4b:s4+s2], $0x80, v5, vm2, $0xb8;
	[tilespmem:$0x18100] =	vst v63  }
0x45e: {  	s13 =	simm.s32 $0x14500  }
0x45f: {  	[tilespmem:s13], [sflag:$0x2] =	stream.indirect_vreg.gather [hbm4b:s3+s2], $0x80, v4, vm1, $0xb8;
	[tilespmem:$0x18100] =	vst v63  }
0x460: {  	s14 =	simm.s32 $0x14D00  }
0x461: {  	[tilespmem:s14], [sflag:$0x2] =	stream.indirect_vreg.gather [hbm4b:s4+s2], $0x80, v4, vm2, $0xb8;
	[tilespmem:$0x18100] =	vst v63  }
0x462: {  	v4 =	vld [tilespmem:$0xE0];
	_ =	sdelay $0x4  }
0x463: {  	v5 =	vshrl.u32 v4, $0x3  }
0x464: {  	v5 =	vmul.u32 $0x18, v5  }
0x465: {  	v4 =	vand.u32 $0x7, v4  }
0x466: {  	v4 =	vor.u32 v4, v5  }
0x467: {  	v5 =	vperm.xlane v4, v1;
	_ =	sdelay $0x1  }
0x468: {  	v5 =	vadd.s32 v2, v5;
	_ =	sdelay $0x1  }
0x469: {  	v4 =	vperm.xlane v4, v3;
	_ =	sdelay $0x1  }
0x46a: {  	s15 =	simm.s32 $0x15100;
	v4 =	vadd.s32 v2, v4  }
0x46b: {  	[tilespmem:s15], [sflag:$0x2] =	stream.indirect_vreg.gather [hbm4b:s3+s2], $0x80, v5, vm1, $0xb8;
	[tilespmem:$0x18100] =	vst v63  }
0x46c: {  	s16 =	simm.s32 $0x15900  }
0x46d: {  	[tilespmem:s16], [sflag:$0x2] =	stream.indirect_vreg.gather [hbm4b:s4+s2], $0x80, v5, vm2, $0xb8;
	[tilespmem:$0x18100] =	vst v63  }
0x46e: {  	s17 =	simm.s32 $0x15D00  }
0x46f: {  	[tilespmem:s17], [sflag:$0x2] =	stream.indirect_vreg.gather [hbm4b:s3+s2], $0x80, v4, vm1, $0xb8;
	[tilespmem:$0x18100] =	vst v63  }
0x470: {  	s18 =	simm.s32 $0x16500  }
0x471: {  	[tilespmem:s18], [sflag:$0x2] =	stream.indirect_vreg.gather [hbm4b:s4+s2], $0x80, v4, vm2, $0xb8;
	[tilespmem:$0x18100] =	vst v63  }
0x472: {  	v4 =	vld [tilespmem:$0xF0];
	_ =	sdelay $0x4  }
0x473: {  	v5 =	vshrl.u32 v4, $0x3  }
0x474: {  	v5 =	vmul.u32 $0x18, v5  }
0x475: {  	v4 =	vand.u32 $0x7, v4  }
0x476: {  	v4 =	vor.u32 v4, v5  }
0x477: {  	v5 =	vperm.xlane v4, v1;
	_ =	sdelay $0x1  }
0x478: {  	v5 =	vadd.s32 v2, v5;
	_ =	sdelay $0x1  }
0x479: {  	v4 =	vperm.xlane v4, v3;
	_ =	sdelay $0x1  }
0x47a: {  	s19 =	simm.s32 $0x16900;
	v4 =	vadd.s32 v2, v4  }
0x47b: {  	[tilespmem:s19], [sflag:$0x2] =	stream.indirect_vreg.gather [hbm4b:s3+s2], $0x80, v5, vm1, $0xb8;
	[tilespmem:$0x18100] =	vst v63  }
0x47c: {  	s20 =	simm.s32 $0x17100  }
0x47d: {  	[tilespmem:s20], [sflag:$0x2] =	stream.indirect_vreg.gather [hbm4b:s4+s2], $0x80, v5, vm2, $0xb8;
	[tilespmem:$0x18100] =	vst v63  }
0x47e: {  	s21 =	simm.s32 $0x17500  }
0x47f: {  	[tilespmem:s21], [sflag:$0x2] =	stream.indirect_vreg.gather [hbm4b:s3+s2], $0x80, v4, vm1, $0xb8;
	[tilespmem:$0x18100] =	vst v63  }
0x480: {  	s22 =	simm.s32 $0x17D00  }
0x481: {  	[tilespmem:s22], [sflag:$0x2] =	stream.indirect_vreg.gather [hbm4b:s4+s2], $0x80, v4, vm2, $0xb8;
	[tilespmem:$0x18100] =	vst v63  }
0x482: {  	_ =	swait.ge [sflag:s23], $0xC000  }
0x483: {  	[sflag:s23] =	ssyncset.done $0x0  }
0x484: {  	s9 =	simm.s32 $0x100;
	s24 =	rddreg [dreg:$0x11];
	[sflag:s23] =	ssyncadd.s32 $0xFFFF4000  }
0x485: {  	[hbm4b:s24+s25] =	stream.strided.scatter [tilespmem:s9], [sflag:$0x3], $0xC000, s7, s25, $0x38;
	[tilespmem:$0x18100] =	vst v63  }
0x486: {  	_ =	swait.ge [sflag:s28], $0xC000  }
0x487: {  	[sflag:s28] =	ssyncset.done $0x0  }
0x488: {  	s0 =	simm.s32 $0xC100;
	s31 =	rddreg [dreg:$0x12];
	[sflag:s28] =	ssyncadd.s32 $0xFFFF4000  }
0x489: {  	[hbm4b:s31+s25] =	stream.strided.scatter [tilespmem:s0], [sflag:$0x4], $0xC000, s7, s25, $0x38;
	[tilespmem:$0x18100] =	vst v63  }
0x48a: {  	p0 =	sne.s32 s5, $0x1;
	_ =	swait.ge [sflag:s26], $0xC000  }
.Ltmp0:
0x48b: {  	[sflag:s26] =	ssyncset.done $0x0;
	(pc) =	sbr.rel @p0 .LBB2_1-.Ltmp0, $4  }
0x48c: {  	[sflag:s26] =	ssyncadd.s32 $0xFFFF4000  }
0x48d: {  	_ =	swait.ge [sflag:s29], $0xC000  }
0x48e: {  	[sflag:s29] =	ssyncset.done $0x0  }
0x48f: {  	s5 =	sadd.s32 $0xFFFFFFFF, s5;
	[sflag:s29] =	ssyncadd.s32 $0xFFFF4000  }
0x490: {  	_ =	sfence.sel $0x180000  }
0x491: {  	[bflag:$0x0] =	sbarrier.arrive $0xFFFF  }
0x492: {  	_ =	strace $0x90000047  }
0x493: {  	s0 =	stileid.u32;
	[bflag:$0x2] =	sbarrier.arrive $0xFFFF  }
0x494: {  	p0 =	sne.s32 s0, $0x0;
	s0 =	rddreg [dreg:$0x2]  }
0x495: {  	s0 =	sadd.s32 @!p0 $0x100000, s0  }
0x496: {  	[sflag:s0] =	ssyncadd.tile.s32 @!p0 $0x1;
	_ =	shalt  }
.Lfunc_end2:
_tile_overlayer_lowered:
.L_overlay_start_2:
0x497: {  	(tag) =	ssettag $0x2  }
0x498: {  	s0 =	rddreg [dreg:$0x0];
	s2 =	stileid.u32  }
0x499: {  	s1 =	rddreg [dreg:$0x1];
	p0 =	sne.s32 s2, $0x0  }
0x49a: {  	s3 =	rddreg [dreg:$0x2];
	[bflag:$0x3] =	sbarrier.arrive $0xFFFF;
	s2 =	simm.s32 @!p0 $0x1C05  }
0x49b: {  	[timem:s3], [sflag:s2] =	dma.local @!p0 [hbm:s0], s1  }
0x49c: {  	s0 =	simm.s32 @!p0 $0x5  }
0x49d: {  	_ =	swait.ge @!p0 [sflag:s0], s1  }
0x49e: {  	s1 =	ssub.s32 @!p0 $0x0, s1;
	[sflag:s0] =	ssyncset.done @!p0 $0x0  }
0x49f: {  	[sflag:s0] =	ssyncadd.s32 @!p0 s1  }
0x4a0: {  	[bflag:$0x3] =	sbarrier.arrive $0xFFFF  }
0x4a1: {  	_ =	shalt  }

</sc_bundles>
